<compile_context>
chip_gen: v7x
topology: tpu7x:2x2x1
jax: 0.10.2.dev20260603
libtpu: 0.0.44.dev20260713+nightly
codegen_flags: <defaults>
</compile_context>

<pallas_src>
import functools

import jax
import jax.numpy as jnp
from jax import lax
from jax.experimental import pallas as pl
from jax.experimental.pallas import tpu as pltpu
from jax.experimental.pallas import tpu_sc as plsc

NC = 2
NS = 16
L = 16
NW = NC * NS

H = 768
HV = H // L
EPS = 1e-12
CHUNK = 32
WB = 3
PB = 2


def _lane_sum(v):
    lanes = lax.iota(jnp.int32, L)
    dnums = lax.GatherDimensionNumbers(
        offset_dims=(), collapsed_slice_dims=(0,), start_index_map=(0,))
    for sh in (8, 4, 2, 1):
        v = v + lax.gather(v, (lanes ^ sh)[:, None], dnums, slice_sizes=(1,),
                           mode=lax.GatherScatterMode.PROMISE_IN_BOUNDS)
    return v


def _rsqrt(x):
    i = lax.bitcast_convert_type(x, jnp.int32)
    y = lax.bitcast_convert_type(jnp.int32(0x5F3759DF) - (i >> 1),
                                 jnp.float32)
    for _ in range(2):
        y = y * (1.5 - 0.5 * x * y * y)
    return y


def kernel(input_ids, position_ids, token_type_ids, word_embeddings,
           position_table, ln_gamma, ln_beta):
    B, S = input_ids.shape
    n_tok = B * S
    tok_per_w = n_tok // NW
    n_chunks = tok_per_w // CHUNK

    ids = input_ids.reshape(-1)
    pos = position_ids.reshape(-1)

    mesh = plsc.VectorSubcoreMesh(
        core_axis_name="c", subcore_axis_name="s",
        num_cores=NC, num_subcores=NS)

    @functools.partial(
        pl.kernel,
        out_type=jax.ShapeDtypeStruct((n_tok, H), jnp.float32),
        mesh=mesh,
        scratch_types=[
            pltpu.VMEM((tok_per_w,), jnp.int32),
            pltpu.VMEM((tok_per_w,), jnp.int32),
            pltpu.VMEM((WB, CHUNK, H), jnp.float32),
            pltpu.VMEM((PB, CHUNK, H), jnp.float32),
            pltpu.VMEM((H,), jnp.float32),
            pltpu.VMEM((H,), jnp.float32),
            pltpu.SemaphoreType.DMA((WB,)),
            pltpu.SemaphoreType.DMA((PB,)),
            pltpu.SemaphoreType.DMA((WB,)),
        ],
    )
    def run(ids_hbm, pos_hbm, wtab_hbm, ptab_hbm, gamma_hbm, beta_hbm,
            out_hbm, widx_v, pidx_v, wrows_v, prows_v, gamma_v, beta_v,
            wsem, psem, osem):
        wid = lax.axis_index("s") * NC + lax.axis_index("c")
        base = wid * tok_per_w
        pltpu.sync_copy(gamma_hbm, gamma_v)
        pltpu.sync_copy(beta_hbm, beta_v)
        pltpu.sync_copy(ids_hbm.at[pl.ds(base, tok_per_w)], widx_v)
        pltpu.sync_copy(pos_hbm.at[pl.ds(base, tok_per_w)], pidx_v)
        zero = jnp.zeros((L,), jnp.float32)

        def fire_word(c):
            b = c % WB
            pltpu.async_copy(
                wtab_hbm.at[widx_v.at[pl.ds(c * CHUNK, CHUNK)]],
                wrows_v.at[b], wsem.at[b])

        def fire_pos(c):
            b = c % PB
            pltpu.async_copy(
                ptab_hbm.at[pidx_v.at[pl.ds(c * CHUNK, CHUNK)]],
                prows_v.at[b], psem.at[b])

        def fire_out(c):
            b = c % WB
            pltpu.async_copy(
                wrows_v.at[b],
                out_hbm.at[pl.ds(base + c * CHUNK, CHUNK)],
                osem.at[b])

        def wait_word(c):
            b = c % WB
            pltpu.make_async_copy(
                out_hbm.at[pl.ds(base, CHUNK)], wrows_v.at[b],
                wsem.at[b]).wait()

        def wait_pos(c):
            b = c % PB
            pltpu.make_async_copy(
                out_hbm.at[pl.ds(base, CHUNK)], prows_v.at[b],
                psem.at[b]).wait()

        def wait_out(c):
            b = c % WB
            pltpu.make_async_copy(
                wrows_v.at[b], out_hbm.at[pl.ds(base, CHUNK)],
                osem.at[b]).wait()

        def compute(c):
            b = c % WB
            pb = c % PB

            @plsc.parallel_loop(0, CHUNK, 1)
            def tok_body(t):
                acc = zero
                acc2 = zero
                for h in range(HV):
                    v = (wrows_v[b, t, pl.ds(h * L, L)]
                         + prows_v[pb, t, pl.ds(h * L, L)])
                    wrows_v[b, t, pl.ds(h * L, L)] = v
                    acc = acc + v
                    acc2 = acc2 + v * v
                meanv = _lane_sum(acc) * (1.0 / H)
                varv = _lane_sum(acc2) * (1.0 / H) - meanv * meanv
                inv = _rsqrt(varv + EPS)
                for h in range(HV):
                    v = (wrows_v[b, t, pl.ds(h * L, L)] - meanv) * inv
                    wrows_v[b, t, pl.ds(h * L, L)] = (
                        v * gamma_v[pl.ds(h * L, L)]
                        + beta_v[pl.ds(h * L, L)])

        fire_word(0)
        if n_chunks > 1:
            fire_word(1)
        fire_pos(0)

        def step(c, _):
            @pl.when(c + 1 < n_chunks)
            def _():
                fire_pos(c + 1)

            wait_word(c)
            wait_pos(c)
            compute(c)
            fire_out(c)

            @pl.when(c >= 1)
            def _():
                wait_out(c - 1)

            @pl.when(c + 2 < n_chunks)
            def _():
                fire_word(c + 2)

            return 0

        lax.fori_loop(0, n_chunks, step, 0)
        wait_out(n_chunks - 1)

    out = run(ids, pos, word_embeddings, position_table, ln_gamma, ln_beta)
    return out.reshape(B, S, H)

# --- scband reference (transcript-rebuilt; emitter-appended) ---
"""Pipeline reference for scband-tfbert-embeddings-simple-80178449482505 (READ-ONLY COPY).

The authoritative reference and input builder live on the scoring server;
editing this copy changes nothing except your own understanding.
"""

import jax, jax.numpy as jnp
import numpy as np

VOCAB = 30522
HIDDEN = 768
MAXPOS = 2048
EPS = 1e-12
B, S = 4, 2048


def setup_inputs(seed: int = 0) -> dict:
    key = jax.random.key(seed)
    k1, k2, k3, k4, k5 = jax.random.split(key, 5)
    input_ids = jax.random.randint(k1, (B, S), 0, VOCAB, dtype=jnp.int32)
    position_ids = jax.random.randint(k2, (B, S), 0, MAXPOS, dtype=jnp.int32)
    token_type_ids = jax.random.randint(k3, (B, S), 0, 2, dtype=jnp.int32)
    word_embeddings = jax.random.normal(k4, (VOCAB, HIDDEN), dtype=jnp.float32) * 0.02
    position_table = jax.random.normal(k5, (MAXPOS, HIDDEN), dtype=jnp.float32) * 0.02
    ln_gamma = jnp.ones((HIDDEN,), dtype=jnp.float32)
    ln_beta = jnp.zeros((HIDDEN,), dtype=jnp.float32)
    return {
        "input_ids": input_ids,
        "position_ids": position_ids,
        "token_type_ids": token_type_ids,
        "word_embeddings": word_embeddings,
        "position_table": position_table,
        "ln_gamma": ln_gamma,
        "ln_beta": ln_beta,
    }


def reference(input_ids, position_ids, token_type_ids, word_embeddings, position_table, ln_gamma, ln_beta):
    # inputs_embeds is None -> gather from word embedding table
    inputs_embeds = jnp.take(word_embeddings, input_ids, axis=0)
    position_embeddings = jnp.take(position_table, position_ids, axis=0)
    embeddings = inputs_embeds + position_embeddings
    # LayerNorm over last axis (token_type_ids unused in this simplified module)
    mean = jnp.mean(embeddings, axis=-1, keepdims=True)
    var = jnp.var(embeddings, axis=-1, keepdims=True)
    normed = (embeddings - mean) / jnp.sqrt(var + EPS)
    out = normed * ln_gamma + ln_beta
    # dropout is identity at inference (training=False)
    return out

if __name__ == "__main__":
    import jax
    _d = setup_inputs()
    print(jax.jit(kernel)(*tuple(_d.values())))

</pallas_src>

<mosaic_0001>
#map = affine_map<(d0, d1) -> (0)>
#map1 = affine_map<(d0, d1) -> (0, 0)>
module attributes {stable_mosaic.version = 14 : i64} {
  func.func @run(%arg0: i32, %arg1: i32, %arg2: memref<8192xi32, #tpu.memory_space<hbm>>, %arg3: memref<8192xi32, #tpu.memory_space<hbm>>, %arg4: memref<30522x768xf32, #tpu.memory_space<hbm>>, %arg5: memref<2048x768xf32, #tpu.memory_space<hbm>>, %arg6: memref<768xf32, #tpu.memory_space<hbm>>, %arg7: memref<768xf32, #tpu.memory_space<hbm>>, %arg8: memref<8192x768xf32, #tpu.memory_space<hbm>>, %arg9: memref<256xi32, #tpu.memory_space<vmem>>, %arg10: memref<256xi32, #tpu.memory_space<vmem>>, %arg11: memref<3x32x768xf32, #tpu.memory_space<vmem>>, %arg12: memref<2x32x768xf32, #tpu.memory_space<vmem>>, %arg13: memref<768xf32, #tpu.memory_space<vmem>>, %arg14: memref<768xf32, #tpu.memory_space<vmem>>, %arg15: memref<3x!tpu.dma_semaphore, #tpu.memory_space<semaphore_mem>>, %arg16: memref<2x!tpu.dma_semaphore, #tpu.memory_space<semaphore_mem>>, %arg17: memref<3x!tpu.dma_semaphore, #tpu.memory_space<semaphore_mem>>) attributes {dimension_semantics = [#tpu.dimension_semantics<core_parallel>, #tpu.dimension_semantics<subcore_parallel>], iteration_bounds = array<i64: 2, 16>, scalar_prefetch = 0 : i64, scratch_operands = 9 : i64, tpu.core_type = #tpu.core_type<sc_vector_subcore>, window_params = [{transform_indices = #map}, {transform_indices = #map}, {transform_indices = #map1}, {transform_indices = #map1}, {transform_indices = #map}, {transform_indices = #map}, {transform_indices = #map1}]} {
    %mul3A = arith.constant 2 : i32
    %mul3A_0 = arith.muli %arg1, %mul3A : i32
    %add3A = arith.addi %mul3A_0, %arg0 : i32
    %mul3A_1 = arith.constant 256 : i32
    %mul3A_2 = arith.muli %add3A, %mul3A_1 : i32
    "tpu.region"() ({
      %run_scoped3A = tpu.sem_alloc : memref<!tpu.dma_semaphore, #tpu.memory_space<semaphore_mem>>
      tpu.enqueue_dma source(%arg6 : memref<768xf32, #tpu.memory_space<hbm>>) target(%arg13 : memref<768xf32, #tpu.memory_space<vmem>>) target_semaphore(%run_scoped3A : memref<!tpu.dma_semaphore, #tpu.memory_space<semaphore_mem>>)
      tpu.wait_dma2 semaphore(%run_scoped3A : memref<!tpu.dma_semaphore, #tpu.memory_space<semaphore_mem>>) src(%arg6 : memref<768xf32, #tpu.memory_space<hbm>>) dst(%arg13 : memref<768xf32, #tpu.memory_space<vmem>>)
      tpu.yield
    }) : () -> ()
    "tpu.region"() ({
      %run_scoped3A = tpu.sem_alloc : memref<!tpu.dma_semaphore, #tpu.memory_space<semaphore_mem>>
      tpu.enqueue_dma source(%arg7 : memref<768xf32, #tpu.memory_space<hbm>>) target(%arg14 : memref<768xf32, #tpu.memory_space<vmem>>) target_semaphore(%run_scoped3A : memref<!tpu.dma_semaphore, #tpu.memory_space<semaphore_mem>>)
      tpu.wait_dma2 semaphore(%run_scoped3A : memref<!tpu.dma_semaphore, #tpu.memory_space<semaphore_mem>>) src(%arg7 : memref<768xf32, #tpu.memory_space<hbm>>) dst(%arg14 : memref<768xf32, #tpu.memory_space<vmem>>)
      tpu.yield
    }) : () -> ()
    "tpu.region"() ({
      %run_scoped3A = tpu.sem_alloc : memref<!tpu.dma_semaphore, #tpu.memory_space<semaphore_mem>>
      %dma_start3A_63 = tpu.memref_slice %arg2[%mul3A_2] : memref<8192xi32, #tpu.memory_space<hbm>> -> memref<256xi32, #tpu.memory_space<hbm>>
      %dma_start3A_64 = tpu.memref_slice %arg2[%mul3A_2] : memref<8192xi32, #tpu.memory_space<hbm>> -> memref<256xi32, #tpu.memory_space<hbm>>
      tpu.enqueue_dma source(%dma_start3A_64 : memref<256xi32, #tpu.memory_space<hbm>>) target(%arg9 : memref<256xi32, #tpu.memory_space<vmem>>) target_semaphore(%run_scoped3A : memref<!tpu.dma_semaphore, #tpu.memory_space<semaphore_mem>>)
      %dma_wait3A_65 = tpu.memref_slice %arg2[%mul3A_2] : memref<8192xi32, #tpu.memory_space<hbm>> -> memref<256xi32, #tpu.memory_space<hbm>>
      %dma_wait3A_66 = tpu.memref_slice %arg2[%mul3A_2] : memref<8192xi32, #tpu.memory_space<hbm>> -> memref<256xi32, #tpu.memory_space<hbm>>
      tpu.wait_dma2 semaphore(%run_scoped3A : memref<!tpu.dma_semaphore, #tpu.memory_space<semaphore_mem>>) src(%dma_wait3A_66 : memref<256xi32, #tpu.memory_space<hbm>>) dst(%arg9 : memref<256xi32, #tpu.memory_space<vmem>>)
      tpu.yield
    }) : () -> ()
    "tpu.region"() ({
      %run_scoped3A = tpu.sem_alloc : memref<!tpu.dma_semaphore, #tpu.memory_space<semaphore_mem>>
      %dma_start3A_63 = tpu.memref_slice %arg3[%mul3A_2] : memref<8192xi32, #tpu.memory_space<hbm>> -> memref<256xi32, #tpu.memory_space<hbm>>
      %dma_start3A_64 = tpu.memref_slice %arg3[%mul3A_2] : memref<8192xi32, #tpu.memory_space<hbm>> -> memref<256xi32, #tpu.memory_space<hbm>>
      tpu.enqueue_dma source(%dma_start3A_64 : memref<256xi32, #tpu.memory_space<hbm>>) target(%arg10 : memref<256xi32, #tpu.memory_space<vmem>>) target_semaphore(%run_scoped3A : memref<!tpu.dma_semaphore, #tpu.memory_space<semaphore_mem>>)
      %dma_wait3A_65 = tpu.memref_slice %arg3[%mul3A_2] : memref<8192xi32, #tpu.memory_space<hbm>> -> memref<256xi32, #tpu.memory_space<hbm>>
      %dma_wait3A_66 = tpu.memref_slice %arg3[%mul3A_2] : memref<8192xi32, #tpu.memory_space<hbm>> -> memref<256xi32, #tpu.memory_space<hbm>>
      tpu.wait_dma2 semaphore(%run_scoped3A : memref<!tpu.dma_semaphore, #tpu.memory_space<semaphore_mem>>) src(%dma_wait3A_66 : memref<256xi32, #tpu.memory_space<hbm>>) dst(%arg10 : memref<256xi32, #tpu.memory_space<vmem>>)
      tpu.yield
    }) : () -> ()
    %broadcast_in_dim3A = arith.constant 0.000000e+00 : f32
    %broadcast_in_dim3A_3 = vector.broadcast %broadcast_in_dim3A : f32 to vector<16xf32>
    %dma_start3A = arith.constant 0 : i32
    %dma_start3A_4 = arith.constant 0 : i32
    %dma_start3A_5 = arith.constant 0 : i32
    %dma_start3A_6 = arith.constant 0 : i32
    %dma_start3A_7 = tpu.memref_slice %arg11[%dma_start3A, %dma_start3A_5, %dma_start3A_6] : memref<3x32x768xf32, #tpu.memory_space<vmem>> -> memref<1x32x768xf32, #tpu.memory_space<vmem>>
    %dma_start3A_8 = tpu.memref_squeeze %dma_start3A_7 : memref<1x32x768xf32, #tpu.memory_space<vmem>> -> memref<32x768xf32, #tpu.memory_space<vmem>>
    %dma_start3A_9 = arith.constant 0 : i32
    %dma_start3A_10 = tpu.memref_slice %arg9[%dma_start3A_9] : memref<256xi32, #tpu.memory_space<vmem>> -> memref<32xi32, #tpu.memory_space<vmem>>
    %dma_start3A_11 = arith.constant 0 : i32
    %dma_start3A_12 = arith.constant 0 : i32
    %dma_start3A_13 = tpu.memref_slice %arg4[%dma_start3A_11, %dma_start3A_12] : memref<30522x768xf32, #tpu.memory_space<hbm>> -> memref<30522x768xf32, #tpu.memory_space<hbm>>
    %dma_start3A_14 = tpu.memref_slice %arg15[%dma_start3A_4] : memref<3x!tpu.dma_semaphore, #tpu.memory_space<semaphore_mem>> -> memref<1x!tpu.dma_semaphore, #tpu.memory_space<semaphore_mem>>
    %dma_start3A_15 = tpu.memref_squeeze %dma_start3A_14 : memref<1x!tpu.dma_semaphore, #tpu.memory_space<semaphore_mem>> -> memref<!tpu.dma_semaphore, #tpu.memory_space<semaphore_mem>>
    tpu.enqueue_indirect_dma source(%dma_start3A_13 : memref<30522x768xf32, #tpu.memory_space<hbm>>) target(%dma_start3A_8 : memref<32x768xf32, #tpu.memory_space<vmem>>) offsets(%dma_start3A_10 : memref<32xi32, #tpu.memory_space<vmem>>) semaphore(%dma_start3A_15 : memref<!tpu.dma_semaphore, #tpu.memory_space<semaphore_mem>>)
    %dma_start3A_16 = arith.constant 1 : i32
    %dma_start3A_17 = arith.constant 1 : i32
    %dma_start3A_18 = arith.constant 0 : i32
    %dma_start3A_19 = arith.constant 0 : i32
    %dma_start3A_20 = tpu.memref_slice %arg11[%dma_start3A_16, %dma_start3A_18, %dma_start3A_19] : memref<3x32x768xf32, #tpu.memory_space<vmem>> -> memref<1x32x768xf32, #tpu.memory_space<vmem>>
    %dma_start3A_21 = tpu.memref_squeeze %dma_start3A_20 : memref<1x32x768xf32, #tpu.memory_space<vmem>> -> memref<32x768xf32, #tpu.memory_space<vmem>>
    %dma_start3A_22 = arith.constant 32 : i32
    %dma_start3A_23 = tpu.memref_slice %arg9[%dma_start3A_22] : memref<256xi32, #tpu.memory_space<vmem>> -> memref<32xi32, #tpu.memory_space<vmem>>
    %dma_start3A_24 = arith.constant 0 : i32
    %dma_start3A_25 = arith.constant 0 : i32
    %dma_start3A_26 = tpu.memref_slice %arg4[%dma_start3A_24, %dma_start3A_25] : memref<30522x768xf32, #tpu.memory_space<hbm>> -> memref<30522x768xf32, #tpu.memory_space<hbm>>
    %dma_start3A_27 = tpu.memref_slice %arg15[%dma_start3A_17] : memref<3x!tpu.dma_semaphore, #tpu.memory_space<semaphore_mem>> -> memref<1x!tpu.dma_semaphore, #tpu.memory_space<semaphore_mem>>
    %dma_start3A_28 = tpu.memref_squeeze %dma_start3A_27 : memref<1x!tpu.dma_semaphore, #tpu.memory_space<semaphore_mem>> -> memref<!tpu.dma_semaphore, #tpu.memory_space<semaphore_mem>>
    tpu.enqueue_indirect_dma source(%dma_start3A_26 : memref<30522x768xf32, #tpu.memory_space<hbm>>) target(%dma_start3A_21 : memref<32x768xf32, #tpu.memory_space<vmem>>) offsets(%dma_start3A_23 : memref<32xi32, #tpu.memory_space<vmem>>) semaphore(%dma_start3A_28 : memref<!tpu.dma_semaphore, #tpu.memory_space<semaphore_mem>>)
    %dma_start3A_29 = arith.constant 0 : i32
    %dma_start3A_30 = arith.constant 0 : i32
    %dma_start3A_31 = arith.constant 0 : i32
    %dma_start3A_32 = arith.constant 0 : i32
    %dma_start3A_33 = tpu.memref_slice %arg12[%dma_start3A_29, %dma_start3A_31, %dma_start3A_32] : memref<2x32x768xf32, #tpu.memory_space<vmem>> -> memref<1x32x768xf32, #tpu.memory_space<vmem>>
    %dma_start3A_34 = tpu.memref_squeeze %dma_start3A_33 : memref<1x32x768xf32, #tpu.memory_space<vmem>> -> memref<32x768xf32, #tpu.memory_space<vmem>>
    %dma_start3A_35 = arith.constant 0 : i32
    %dma_start3A_36 = tpu.memref_slice %arg10[%dma_start3A_35] : memref<256xi32, #tpu.memory_space<vmem>> -> memref<32xi32, #tpu.memory_space<vmem>>
    %dma_start3A_37 = arith.constant 0 : i32
    %dma_start3A_38 = arith.constant 0 : i32
    %dma_start3A_39 = tpu.memref_slice %arg5[%dma_start3A_37, %dma_start3A_38] : memref<2048x768xf32, #tpu.memory_space<hbm>> -> memref<2048x768xf32, #tpu.memory_space<hbm>>
    %dma_start3A_40 = tpu.memref_slice %arg16[%dma_start3A_30] : memref<2x!tpu.dma_semaphore, #tpu.memory_space<semaphore_mem>> -> memref<1x!tpu.dma_semaphore, #tpu.memory_space<semaphore_mem>>
    %dma_start3A_41 = tpu.memref_squeeze %dma_start3A_40 : memref<1x!tpu.dma_semaphore, #tpu.memory_space<semaphore_mem>> -> memref<!tpu.dma_semaphore, #tpu.memory_space<semaphore_mem>>
    tpu.enqueue_indirect_dma source(%dma_start3A_39 : memref<2048x768xf32, #tpu.memory_space<hbm>>) target(%dma_start3A_34 : memref<32x768xf32, #tpu.memory_space<vmem>>) offsets(%dma_start3A_36 : memref<32xi32, #tpu.memory_space<vmem>>) semaphore(%dma_start3A_41 : memref<!tpu.dma_semaphore, #tpu.memory_space<semaphore_mem>>)
    %scan3A = arith.constant 0 : i32
    %scan3A_42 = arith.constant 0 : i32
    %scan3A_43 = arith.constant 8 : i32
    %scan3A_44 = arith.addi %scan3A_42, %scan3A_43 : i32
    %scan3A_45 = arith.constant 1 : i32
    %scan3A_46 = scf.for %scan3A_63 = %scan3A_42 to %scan3A_44 step %scan3A_45 iter_args(%scan3A_64 = %scan3A) -> (i32)  : i32 {
      %add3A_65 = arith.constant 1 : i32
      %add3A_66 = arith.addi %scan3A_63, %add3A_65 : i32
      %lt3A = arith.constant 8 : i32
      %lt3A_67 = arith.cmpi slt, %add3A_66, %lt3A : i32
      %convert_element_type3A = arith.extui %lt3A_67 : i1 to i32
      %cond3A = arith.constant 0 : i32
      %cond3A_68 = arith.cmpi ne, %convert_element_type3A, %cond3A : i32
      scf.if %cond3A_68 {
        %add3A_202 = arith.constant 1 : i32
        %add3A_203 = arith.addi %scan3A_63, %add3A_202 : i32
        %jit3A_204 = arith.constant 2 : i32
        %eq3A_205 = arith.constant 0 : i32
        %eq3A_206 = arith.cmpi eq, %jit3A_204, %eq3A_205 : i32
        %jit3A_207 = arith.constant 1 : i32
        %select_n3A_208 = arith.select %eq3A_206, %jit3A_207, %jit3A_204 : i32
        %rem3A_209 = arith.remsi %add3A_203, %select_n3A_208 : i32
        %ne3A_210 = arith.constant 0 : i32
        %ne3A_211 = arith.cmpi ne, %rem3A_209, %ne3A_210 : i32
        %lt3A_212 = arith.constant 0 : i32
        %lt3A_213 = arith.cmpi slt, %rem3A_209, %lt3A_212 : i32
        %lt3A_214 = arith.constant 0 : i32
        %lt3A_215 = arith.cmpi slt, %select_n3A_208, %lt3A_214 : i32
        %ne3A_216 = arith.xori %lt3A_213, %lt3A_215 : i1
        %and3A_217 = arith.andi %ne3A_216, %ne3A_211 : i1
        %add3A_218 = arith.addi %rem3A_209, %select_n3A_208 : i32
        %select_n3A_219 = arith.select %and3A_217, %add3A_218, %rem3A_209 : i32
        %mul3A_220 = arith.constant 32 : i32
        %mul3A_221 = arith.muli %add3A_203, %mul3A_220 : i32
        %dma_start3A_222 = arith.constant 0 : i32
        %dma_start3A_223 = arith.constant 0 : i32
        %dma_start3A_224 = tpu.memref_slice %arg12[%select_n3A_219, %dma_start3A_222, %dma_start3A_223] : memref<2x32x768xf32, #tpu.memory_space<vmem>> -> memref<1x32x768xf32, #tpu.memory_space<vmem>>
        %dma_start3A_225 = tpu.memref_squeeze %dma_start3A_224 : memref<1x32x768xf32, #tpu.memory_space<vmem>> -> memref<32x768xf32, #tpu.memory_space<vmem>>
        %dma_start3A_226 = tpu.memref_slice %arg10[%mul3A_221] : memref<256xi32, #tpu.memory_space<vmem>> -> memref<32xi32, #tpu.memory_space<vmem>>
        %dma_start3A_227 = arith.constant 0 : i32
        %dma_start3A_228 = arith.constant 0 : i32
        %dma_start3A_229 = tpu.memref_slice %arg5[%dma_start3A_227, %dma_start3A_228] : memref<2048x768xf32, #tpu.memory_space<hbm>> -> memref<2048x768xf32, #tpu.memory_space<hbm>>
        %dma_start3A_230 = tpu.memref_slice %arg16[%select_n3A_219] : memref<2x!tpu.dma_semaphore, #tpu.memory_space<semaphore_mem>> -> memref<1x!tpu.dma_semaphore, #tpu.memory_space<semaphore_mem>>
        %dma_start3A_231 = tpu.memref_squeeze %dma_start3A_230 : memref<1x!tpu.dma_semaphore, #tpu.memory_space<semaphore_mem>> -> memref<!tpu.dma_semaphore, #tpu.memory_space<semaphore_mem>>
        tpu.enqueue_indirect_dma source(%dma_start3A_229 : memref<2048x768xf32, #tpu.memory_space<hbm>>) target(%dma_start3A_225 : memref<32x768xf32, #tpu.memory_space<vmem>>) offsets(%dma_start3A_226 : memref<32xi32, #tpu.memory_space<vmem>>) semaphore(%dma_start3A_231 : memref<!tpu.dma_semaphore, #tpu.memory_space<semaphore_mem>>)
      } else {
      }
      %jit3A = arith.constant 3 : i32
      %eq3A = arith.constant 0 : i32
      %eq3A_69 = arith.cmpi eq, %jit3A, %eq3A : i32
      %jit3A_70 = arith.constant 1 : i32
      %select_n3A = arith.select %eq3A_69, %jit3A_70, %jit3A : i32
      %rem3A = arith.remsi %scan3A_63, %select_n3A : i32
      %ne3A = arith.constant 0 : i32
      %ne3A_71 = arith.cmpi ne, %rem3A, %ne3A : i32
      %lt3A_72 = arith.constant 0 : i32
      %lt3A_73 = arith.cmpi slt, %rem3A, %lt3A_72 : i32
      %lt3A_74 = arith.constant 0 : i32
      %lt3A_75 = arith.cmpi slt, %select_n3A, %lt3A_74 : i32
      %ne3A_76 = arith.xori %lt3A_73, %lt3A_75 : i1
      %and3A = arith.andi %ne3A_76, %ne3A_71 : i1
      %add3A_77 = arith.addi %rem3A, %select_n3A : i32
      %select_n3A_78 = arith.select %and3A, %add3A_77, %rem3A : i32
      %dma_wait3A_79 = arith.constant 0 : i32
      %dma_wait3A_80 = arith.constant 0 : i32
      %dma_wait3A_81 = tpu.memref_slice %arg11[%select_n3A_78, %dma_wait3A_79, %dma_wait3A_80] : memref<3x32x768xf32, #tpu.memory_space<vmem>> -> memref<1x32x768xf32, #tpu.memory_space<vmem>>
      %dma_wait3A_82 = tpu.memref_squeeze %dma_wait3A_81 : memref<1x32x768xf32, #tpu.memory_space<vmem>> -> memref<32x768xf32, #tpu.memory_space<vmem>>
      %dma_wait3A_83 = arith.constant 0 : i32
      %dma_wait3A_84 = tpu.memref_slice %arg8[%mul3A_2, %dma_wait3A_83] : memref<8192x768xf32, #tpu.memory_space<hbm>> -> memref<32x768xf32, #tpu.memory_space<hbm>>
      %dma_wait3A_85 = tpu.memref_slice %arg15[%select_n3A_78] : memref<3x!tpu.dma_semaphore, #tpu.memory_space<semaphore_mem>> -> memref<1x!tpu.dma_semaphore, #tpu.memory_space<semaphore_mem>>
      %dma_wait3A_86 = tpu.memref_squeeze %dma_wait3A_85 : memref<1x!tpu.dma_semaphore, #tpu.memory_space<semaphore_mem>> -> memref<!tpu.dma_semaphore, #tpu.memory_space<semaphore_mem>>
      %dma_wait3A_87 = arith.constant 0 : i32
      %dma_wait3A_88 = arith.constant 0 : i32
      %dma_wait3A_89 = tpu.memref_slice %arg11[%select_n3A_78, %dma_wait3A_87, %dma_wait3A_88] : memref<3x32x768xf32, #tpu.memory_space<vmem>> -> memref<1x32x768xf32, #tpu.memory_space<vmem>>
      %dma_wait3A_90 = tpu.memref_squeeze %dma_wait3A_89 : memref<1x32x768xf32, #tpu.memory_space<vmem>> -> memref<32x768xf32, #tpu.memory_space<vmem>>
      %dma_wait3A_91 = arith.constant 0 : i32
      %dma_wait3A_92 = tpu.memref_slice %arg8[%mul3A_2, %dma_wait3A_91] : memref<8192x768xf32, #tpu.memory_space<hbm>> -> memref<32x768xf32, #tpu.memory_space<hbm>>
      tpu.wait_dma2 semaphore(%dma_wait3A_86 : memref<!tpu.dma_semaphore, #tpu.memory_space<semaphore_mem>>) src(%dma_wait3A_92 : memref<32x768xf32, #tpu.memory_space<hbm>>) dst(%dma_wait3A_90 : memref<32x768xf32, #tpu.memory_space<vmem>>)
      %jit3A_93 = arith.constant 2 : i32
      %eq3A_94 = arith.constant 0 : i32
      %eq3A_95 = arith.cmpi eq, %jit3A_93, %eq3A_94 : i32
      %jit3A_96 = arith.constant 1 : i32
      %select_n3A_97 = arith.select %eq3A_95, %jit3A_96, %jit3A_93 : i32
      %rem3A_98 = arith.remsi %scan3A_63, %select_n3A_97 : i32
      %ne3A_99 = arith.constant 0 : i32
      %ne3A_100 = arith.cmpi ne, %rem3A_98, %ne3A_99 : i32
      %lt3A_101 = arith.constant 0 : i32
      %lt3A_102 = arith.cmpi slt, %rem3A_98, %lt3A_101 : i32
      %lt3A_103 = arith.constant 0 : i32
      %lt3A_104 = arith.cmpi slt, %select_n3A_97, %lt3A_103 : i32
      %ne3A_105 = arith.xori %lt3A_102, %lt3A_104 : i1
      %and3A_106 = arith.andi %ne3A_105, %ne3A_100 : i1
      %add3A_107 = arith.addi %rem3A_98, %select_n3A_97 : i32
      %select_n3A_108 = arith.select %and3A_106, %add3A_107, %rem3A_98 : i32
      %dma_wait3A_109 = arith.constant 0 : i32
      %dma_wait3A_110 = arith.constant 0 : i32
      %dma_wait3A_111 = tpu.memref_slice %arg12[%select_n3A_108, %dma_wait3A_109, %dma_wait3A_110] : memref<2x32x768xf32, #tpu.memory_space<vmem>> -> memref<1x32x768xf32, #tpu.memory_space<vmem>>
      %dma_wait3A_112 = tpu.memref_squeeze %dma_wait3A_111 : memref<1x32x768xf32, #tpu.memory_space<vmem>> -> memref<32x768xf32, #tpu.memory_space<vmem>>
      %dma_wait3A_113 = arith.constant 0 : i32
      %dma_wait3A_114 = tpu.memref_slice %arg8[%mul3A_2, %dma_wait3A_113] : memref<8192x768xf32, #tpu.memory_space<hbm>> -> memref<32x768xf32, #tpu.memory_space<hbm>>
      %dma_wait3A_115 = tpu.memref_slice %arg16[%select_n3A_108] : memref<2x!tpu.dma_semaphore, #tpu.memory_space<semaphore_mem>> -> memref<1x!tpu.dma_semaphore, #tpu.memory_space<semaphore_mem>>
      %dma_wait3A_116 = tpu.memref_squeeze %dma_wait3A_115 : memref<1x!tpu.dma_semaphore, #tpu.memory_space<semaphore_mem>> -> memref<!tpu.dma_semaphore, #tpu.memory_space<semaphore_mem>>
      %dma_wait3A_117 = arith.constant 0 : i32
      %dma_wait3A_118 = arith.constant 0 : i32
      %dma_wait3A_119 = tpu.memref_slice %arg12[%select_n3A_108, %dma_wait3A_117, %dma_wait3A_118] : memref<2x32x768xf32, #tpu.memory_space<vmem>> -> memref<1x32x768xf32, #tpu.memory_space<vmem>>
      %dma_wait3A_120 = tpu.memref_squeeze %dma_wait3A_119 : memref<1x32x768xf32, #tpu.memory_space<vmem>> -> memref<32x768xf32, #tpu.memory_space<vmem>>
      %dma_wait3A_121 = arith.constant 0 : i32
      %dma_wait3A_122 = tpu.memref_slice %arg8[%mul3A_2, %dma_wait3A_121] : memref<8192x768xf32, #tpu.memory_space<hbm>> -> memref<32x768xf32, #tpu.memory_space<hbm>>
      tpu.wait_dma2 semaphore(%dma_wait3A_116 : memref<!tpu.dma_semaphore, #tpu.memory_space<semaphore_mem>>) src(%dma_wait3A_122 : memref<32x768xf32, #tpu.memory_space<hbm>>) dst(%dma_wait3A_120 : memref<32x768xf32, #tpu.memory_space<vmem>>)
      %jit3A_123 = arith.constant 3 : i32
      %eq3A_124 = arith.constant 0 : i32
      %eq3A_125 = arith.cmpi eq, %jit3A_123, %eq3A_124 : i32
      %jit3A_126 = arith.constant 1 : i32
      %select_n3A_127 = arith.select %eq3A_125, %jit3A_126, %jit3A_123 : i32
      %rem3A_128 = arith.remsi %scan3A_63, %select_n3A_127 : i32
      %ne3A_129 = arith.constant 0 : i32
      %ne3A_130 = arith.cmpi ne, %rem3A_128, %ne3A_129 : i32
      %lt3A_131 = arith.constant 0 : i32
      %lt3A_132 = arith.cmpi slt, %rem3A_128, %lt3A_131 : i32
      %lt3A_133 = arith.constant 0 : i32
      %lt3A_134 = arith.cmpi slt, %select_n3A_127, %lt3A_133 : i32
      %ne3A_135 = arith.xori %lt3A_132, %lt3A_134 : i1
      %and3A_136 = arith.andi %ne3A_135, %ne3A_130 : i1
      %add3A_137 = arith.addi %rem3A_128, %select_n3A_127 : i32
      %select_n3A_138 = arith.select %and3A_136, %add3A_137, %rem3A_128 : i32
      %jit3A_139 = arith.constant 2 : i32
      %eq3A_140 = arith.constant 0 : i32
      %eq3A_141 = arith.cmpi eq, %jit3A_139, %eq3A_140 : i32
      %jit3A_142 = arith.constant 1 : i32
      %select_n3A_143 = arith.select %eq3A_141, %jit3A_142, %jit3A_139 : i32
      %rem3A_144 = arith.remsi %scan3A_63, %select_n3A_143 : i32
      %ne3A_145 = arith.constant 0 : i32
      %ne3A_146 = arith.cmpi ne, %rem3A_144, %ne3A_145 : i32
      %lt3A_147 = arith.constant 0 : i32
      %lt3A_148 = arith.cmpi slt, %rem3A_144, %lt3A_147 : i32
      %lt3A_149 = arith.constant 0 : i32
      %lt3A_150 = arith.cmpi slt, %select_n3A_143, %lt3A_149 : i32
      %ne3A_151 = arith.xori %lt3A_148, %lt3A_150 : i1
      %and3A_152 = arith.andi %ne3A_151, %ne3A_146 : i1
      %add3A_153 = arith.addi %rem3A_144, %select_n3A_143 : i32
      %select_n3A_154 = arith.select %and3A_152, %add3A_153, %rem3A_144 : i32
      %parallel_loop3A = arith.constant 0 : i32
      %parallel_loop3A_155 = arith.constant 32 : i32
      %parallel_loop3A_156 = arith.constant 1 : i32
      scf.for %parallel_loop3A_202 = %parallel_loop3A to %parallel_loop3A_155 step %parallel_loop3A_156  : i32 {
        %parallel_loop3A_203 = arith.index_cast %select_n3A_138 : i32 to index
        %parallel_loop3A_204 = arith.index_cast %parallel_loop3A_202 : i32 to index
        %parallel_loop3A_205 = arith.constant 0 : index
        %parallel_loop3A_206 = tpu.vector_load %arg11[%parallel_loop3A_203, %parallel_loop3A_204, %parallel_loop3A_205] {strides = array<i32>} : memref<3x32x768xf32, #tpu.memory_space<vmem>>, vector<1x1x16xf32>,
        %parallel_loop3A_207 = vector.shape_cast %parallel_loop3A_206 : vector<1x1x16xf32> to vector<16xf32>
        %parallel_loop3A_208 = arith.index_cast %select_n3A_154 : i32 to index
        %parallel_loop3A_209 = arith.index_cast %parallel_loop3A_202 : i32 to index
        %parallel_loop3A_210 = arith.constant 0 : index
        %parallel_loop3A_211 = tpu.vector_load %arg12[%parallel_loop3A_208, %parallel_loop3A_209, %parallel_loop3A_210] {strides = array<i32>} : memref<2x32x768xf32, #tpu.memory_space<vmem>>, vector<1x1x16xf32>,
        %parallel_loop3A_212 = vector.shape_cast %parallel_loop3A_211 : vector<1x1x16xf32> to vector<16xf32>
        %parallel_loop3A_213 = arith.addf %parallel_loop3A_207, %parallel_loop3A_212 : vector<16xf32>
        %parallel_loop3A_214 = arith.index_cast %select_n3A_138 : i32 to index
        %parallel_loop3A_215 = arith.index_cast %parallel_loop3A_202 : i32 to index
        %parallel_loop3A_216 = arith.constant 0 : index
        %parallel_loop3A_217 = tpu.vector_load %arg11[%parallel_loop3A_214, %parallel_loop3A_215, %parallel_loop3A_216] {strides = array<i32>} : memref<3x32x768xf32, #tpu.memory_space<vmem>>, vector<1x1x16xf32>,
        %parallel_loop3A_218 = vector.shape_cast %parallel_loop3A_217 : vector<1x1x16xf32> to vector<16xf32>
        %parallel_loop3A_219 = vector.shape_cast %parallel_loop3A_213 : vector<16xf32> to vector<1x1x16xf32>
        tpu.vector_store %arg11[%parallel_loop3A_214, %parallel_loop3A_215, %parallel_loop3A_216], %parallel_loop3A_219 {strides = array<i32>} : memref<3x32x768xf32, #tpu.memory_space<vmem>>, vector<1x1x16xf32>,
        %parallel_loop3A_220 = arith.addf %broadcast_in_dim3A_3, %parallel_loop3A_213 : vector<16xf32>
        %parallel_loop3A_221 = arith.mulf %parallel_loop3A_213, %parallel_loop3A_213 : vector<16xf32>
        %parallel_loop3A_222 = arith.addf %broadcast_in_dim3A_3, %parallel_loop3A_221 : vector<16xf32>
        %parallel_loop3A_223 = arith.index_cast %select_n3A_138 : i32 to index
        %parallel_loop3A_224 = arith.index_cast %parallel_loop3A_202 : i32 to index
        %parallel_loop3A_225 = arith.constant 16 : index
        %parallel_loop3A_226 = tpu.vector_load %arg11[%parallel_loop3A_223, %parallel_loop3A_224, %parallel_loop3A_225] {strides = array<i32>} : memref<3x32x768xf32, #tpu.memory_space<vmem>>, vector<1x1x16xf32>,
        %parallel_loop3A_227 = vector.shape_cast %parallel_loop3A_226 : vector<1x1x16xf32> to vector<16xf32>
        %parallel_loop3A_228 = arith.index_cast %select_n3A_154 : i32 to index
        %parallel_loop3A_229 = arith.index_cast %parallel_loop3A_202 : i32 to index
        %parallel_loop3A_230 = arith.constant 16 : index
        %parallel_loop3A_231 = tpu.vector_load %arg12[%parallel_loop3A_228, %parallel_loop3A_229, %parallel_loop3A_230] {strides = array<i32>} : memref<2x32x768xf32, #tpu.memory_space<vmem>>, vector<1x1x16xf32>,
        %parallel_loop3A_232 = vector.shape_cast %parallel_loop3A_231 : vector<1x1x16xf32> to vector<16xf32>
        %parallel_loop3A_233 = arith.addf %parallel_loop3A_227, %parallel_loop3A_232 : vector<16xf32>
        %parallel_loop3A_234 = arith.index_cast %select_n3A_138 : i32 to index
        %parallel_loop3A_235 = arith.index_cast %parallel_loop3A_202 : i32 to index
        %parallel_loop3A_236 = arith.constant 16 : index
        %parallel_loop3A_237 = tpu.vector_load %arg11[%parallel_loop3A_234, %parallel_loop3A_235, %parallel_loop3A_236] {strides = array<i32>} : memref<3x32x768xf32, #tpu.memory_space<vmem>>, vector<1x1x16xf32>,
        %parallel_loop3A_238 = vector.shape_cast %parallel_loop3A_237 : vector<1x1x16xf32> to vector<16xf32>
        %parallel_loop3A_239 = vector.shape_cast %parallel_loop3A_233 : vector<16xf32> to vector<1x1x16xf32>
        tpu.vector_store %arg11[%parallel_loop3A_234, %parallel_loop3A_235, %parallel_loop3A_236], %parallel_loop3A_239 {strides = array<i32>} : memref<3x32x768xf32, #tpu.memory_space<vmem>>, vector<1x1x16xf32>,
        %parallel_loop3A_240 = arith.addf %parallel_loop3A_220, %parallel_loop3A_233 : vector<16xf32>
        %parallel_loop3A_241 = arith.mulf %parallel_loop3A_233, %parallel_loop3A_233 : vector<16xf32>
        %parallel_loop3A_242 = arith.addf %parallel_loop3A_222, %parallel_loop3A_241 : vector<16xf32>
        %parallel_loop3A_243 = arith.index_cast %select_n3A_138 : i32 to index
        %parallel_loop3A_244 = arith.index_cast %parallel_loop3A_202 : i32 to index
        %parallel_loop3A_245 = arith.constant 32 : index
        %parallel_loop3A_246 = tpu.vector_load %arg11[%parallel_loop3A_243, %parallel_loop3A_244, %parallel_loop3A_245] {strides = array<i32>} : memref<3x32x768xf32, #tpu.memory_space<vmem>>, vector<1x1x16xf32>,
        %parallel_loop3A_247 = vector.shape_cast %parallel_loop3A_246 : vector<1x1x16xf32> to vector<16xf32>
        %parallel_loop3A_248 = arith.index_cast %select_n3A_154 : i32 to index
        %parallel_loop3A_249 = arith.index_cast %parallel_loop3A_202 : i32 to index
        %parallel_loop3A_250 = arith.constant 32 : index
        %parallel_loop3A_251 = tpu.vector_load %arg12[%parallel_loop3A_248, %parallel_loop3A_249, %parallel_loop3A_250] {strides = array<i32>} : memref<2x32x768xf32, #tpu.memory_space<vmem>>, vector<1x1x16xf32>,
        %parallel_loop3A_252 = vector.shape_cast %parallel_loop3A_251 : vector<1x1x16xf32> to vector<16xf32>
        %parallel_loop3A_253 = arith.addf %parallel_loop3A_247, %parallel_loop3A_252 : vector<16xf32>
        %parallel_loop3A_254 = arith.index_cast %select_n3A_138 : i32 to index
        %parallel_loop3A_255 = arith.index_cast %parallel_loop3A_202 : i32 to index
        %parallel_loop3A_256 = arith.constant 32 : index
        %parallel_loop3A_257 = tpu.vector_load %arg11[%parallel_loop3A_254, %parallel_loop3A_255, %parallel_loop3A_256] {strides = array<i32>} : memref<3x32x768xf32, #tpu.memory_space<vmem>>, vector<1x1x16xf32>,
        %parallel_loop3A_258 = vector.shape_cast %parallel_loop3A_257 : vector<1x1x16xf32> to vector<16xf32>
        %parallel_loop3A_259 = vector.shape_cast %parallel_loop3A_253 : vector<16xf32> to vector<1x1x16xf32>
        tpu.vector_store %arg11[%parallel_loop3A_254, %parallel_loop3A_255, %parallel_loop3A_256], %parallel_loop3A_259 {strides = array<i32>} : memref<3x32x768xf32, #tpu.memory_space<vmem>>, vector<1x1x16xf32>,
        %parallel_loop3A_260 = arith.addf %parallel_loop3A_240, %parallel_loop3A_253 : vector<16xf32>
        %parallel_loop3A_261 = arith.mulf %parallel_loop3A_253, %parallel_loop3A_253 : vector<16xf32>
        %parallel_loop3A_262 = arith.addf %parallel_loop3A_242, %parallel_loop3A_261 : vector<16xf32>
        %parallel_loop3A_263 = arith.index_cast %select_n3A_138 : i32 to index
        %parallel_loop3A_264 = arith.index_cast %parallel_loop3A_202 : i32 to index
        %parallel_loop3A_265 = arith.constant 48 : index
        %parallel_loop3A_266 = tpu.vector_load %arg11[%parallel_loop3A_263, %parallel_loop3A_264, %parallel_loop3A_265] {strides = array<i32>} : memref<3x32x768xf32, #tpu.memory_space<vmem>>, vector<1x1x16xf32>,
        %parallel_loop3A_267 = vector.shape_cast %parallel_loop3A_266 : vector<1x1x16xf32> to vector<16xf32>
        %parallel_loop3A_268 = arith.index_cast %select_n3A_154 : i32 to index
        %parallel_loop3A_269 = arith.index_cast %parallel_loop3A_202 : i32 to index
        %parallel_loop3A_270 = arith.constant 48 : index
        %parallel_loop3A_271 = tpu.vector_load %arg12[%parallel_loop3A_268, %parallel_loop3A_269, %parallel_loop3A_270] {strides = array<i32>} : memref<2x32x768xf32, #tpu.memory_space<vmem>>, vector<1x1x16xf32>,
        %parallel_loop3A_272 = vector.shape_cast %parallel_loop3A_271 : vector<1x1x16xf32> to vector<16xf32>
        %parallel_loop3A_273 = arith.addf %parallel_loop3A_267, %parallel_loop3A_272 : vector<16xf32>
        %parallel_loop3A_274 = arith.index_cast %select_n3A_138 : i32 to index
        %parallel_loop3A_275 = arith.index_cast %parallel_loop3A_202 : i32 to index
        %parallel_loop3A_276 = arith.constant 48 : index
        %parallel_loop3A_277 = tpu.vector_load %arg11[%parallel_loop3A_274, %parallel_loop3A_275, %parallel_loop3A_276] {strides = array<i32>} : memref<3x32x768xf32, #tpu.memory_space<vmem>>, vector<1x1x16xf32>,
        %parallel_loop3A_278 = vector.shape_cast %parallel_loop3A_277 : vector<1x1x16xf32> to vector<16xf32>
        %parallel_loop3A_279 = vector.shape_cast %parallel_loop3A_273 : vector<16xf32> to vector<1x1x16xf32>
        tpu.vector_store %arg11[%parallel_loop3A_274, %parallel_loop3A_275, %parallel_loop3A_276], %parallel_loop3A_279 {strides = array<i32>} : memref<3x32x768xf32, #tpu.memory_space<vmem>>, vector<1x1x16xf32>,
        %parallel_loop3A_280 = arith.addf %parallel_loop3A_260, %parallel_loop3A_273 : vector<16xf32>
        %parallel_loop3A_281 = arith.mulf %parallel_loop3A_273, %parallel_loop3A_273 : vector<16xf32>
        %parallel_loop3A_282 = arith.addf %parallel_loop3A_262, %parallel_loop3A_281 : vector<16xf32>
        %parallel_loop3A_283 = arith.index_cast %select_n3A_138 : i32 to index
        %parallel_loop3A_284 = arith.index_cast %parallel_loop3A_202 : i32 to index
        %parallel_loop3A_285 = arith.constant 64 : index
        %parallel_loop3A_286 = tpu.vector_load %arg11[%parallel_loop3A_283, %parallel_loop3A_284, %parallel_loop3A_285] {strides = array<i32>} : memref<3x32x768xf32, #tpu.memory_space<vmem>>, vector<1x1x16xf32>,
        %parallel_loop3A_287 = vector.shape_cast %parallel_loop3A_286 : vector<1x1x16xf32> to vector<16xf32>
        %parallel_loop3A_288 = arith.index_cast %select_n3A_154 : i32 to index
        %parallel_loop3A_289 = arith.index_cast %parallel_loop3A_202 : i32 to index
        %parallel_loop3A_290 = arith.constant 64 : index
        %parallel_loop3A_291 = tpu.vector_load %arg12[%parallel_loop3A_288, %parallel_loop3A_289, %parallel_loop3A_290] {strides = array<i32>} : memref<2x32x768xf32, #tpu.memory_space<vmem>>, vector<1x1x16xf32>,
        %parallel_loop3A_292 = vector.shape_cast %parallel_loop3A_291 : vector<1x1x16xf32> to vector<16xf32>
        %parallel_loop3A_293 = arith.addf %parallel_loop3A_287, %parallel_loop3A_292 : vector<16xf32>
        %parallel_loop3A_294 = arith.index_cast %select_n3A_138 : i32 to index
        %parallel_loop3A_295 = arith.index_cast %parallel_loop3A_202 : i32 to index
        %parallel_loop3A_296 = arith.constant 64 : index
        %parallel_loop3A_297 = tpu.vector_load %arg11[%parallel_loop3A_294, %parallel_loop3A_295, %parallel_loop3A_296] {strides = array<i32>} : memref<3x32x768xf32, #tpu.memory_space<vmem>>, vector<1x1x16xf32>,
        %parallel_loop3A_298 = vector.shape_cast %parallel_loop3A_297 : vector<1x1x16xf32> to vector<16xf32>
        %parallel_loop3A_299 = vector.shape_cast %parallel_loop3A_293 : vector<16xf32> to vector<1x1x16xf32>
        tpu.vector_store %arg11[%parallel_loop3A_294, %parallel_loop3A_295, %parallel_loop3A_296], %parallel_loop3A_299 {strides = array<i32>} : memref<3x32x768xf32, #tpu.memory_space<vmem>>, vector<1x1x16xf32>,
        %parallel_loop3A_300 = arith.addf %parallel_loop3A_280, %parallel_loop3A_293 : vector<16xf32>
        %parallel_loop3A_301 = arith.mulf %parallel_loop3A_293, %parallel_loop3A_293 : vector<16xf32>
        %parallel_loop3A_302 = arith.addf %parallel_loop3A_282, %parallel_loop3A_301 : vector<16xf32>
        %parallel_loop3A_303 = arith.index_cast %select_n3A_138 : i32 to index
        %parallel_loop3A_304 = arith.index_cast %parallel_loop3A_202 : i32 to index
        %parallel_loop3A_305 = arith.constant 80 : index
        %parallel_loop3A_306 = tpu.vector_load %arg11[%parallel_loop3A_303, %parallel_loop3A_304, %parallel_loop3A_305] {strides = array<i32>} : memref<3x32x768xf32, #tpu.memory_space<vmem>>, vector<1x1x16xf32>,
        %parallel_loop3A_307 = vector.shape_cast %parallel_loop3A_306 : vector<1x1x16xf32> to vector<16xf32>
        %parallel_loop3A_308 = arith.index_cast %select_n3A_154 : i32 to index
        %parallel_loop3A_309 = arith.index_cast %parallel_loop3A_202 : i32 to index
        %parallel_loop3A_310 = arith.constant 80 : index
        %parallel_loop3A_311 = tpu.vector_load %arg12[%parallel_loop3A_308, %parallel_loop3A_309, %parallel_loop3A_310] {strides = array<i32>} : memref<2x32x768xf32, #tpu.memory_space<vmem>>, vector<1x1x16xf32>,
        %parallel_loop3A_312 = vector.shape_cast %parallel_loop3A_311 : vector<1x1x16xf32> to vector<16xf32>
        %parallel_loop3A_313 = arith.addf %parallel_loop3A_307, %parallel_loop3A_312 : vector<16xf32>
        %parallel_loop3A_314 = arith.index_cast %select_n3A_138 : i32 to index
        %parallel_loop3A_315 = arith.index_cast %parallel_loop3A_202 : i32 to index
        %parallel_loop3A_316 = arith.constant 80 : index
        %parallel_loop3A_317 = tpu.vector_load %arg11[%parallel_loop3A_314, %parallel_loop3A_315, %parallel_loop3A_316] {strides = array<i32>} : memref<3x32x768xf32, #tpu.memory_space<vmem>>, vector<1x1x16xf32>,
        %parallel_loop3A_318 = vector.shape_cast %parallel_loop3A_317 : vector<1x1x16xf32> to vector<16xf32>
        %parallel_loop3A_319 = vector.shape_cast %parallel_loop3A_313 : vector<16xf32> to vector<1x1x16xf32>
        tpu.vector_store %arg11[%parallel_loop3A_314, %parallel_loop3A_315, %parallel_loop3A_316], %parallel_loop3A_319 {strides = array<i32>} : memref<3x32x768xf32, #tpu.memory_space<vmem>>, vector<1x1x16xf32>,
        %parallel_loop3A_320 = arith.addf %parallel_loop3A_300, %parallel_loop3A_313 : vector<16xf32>
        %parallel_loop3A_321 = arith.mulf %parallel_loop3A_313, %parallel_loop3A_313 : vector<16xf32>
        %parallel_loop3A_322 = arith.addf %parallel_loop3A_302, %parallel_loop3A_321 : vector<16xf32>
        %parallel_loop3A_323 = arith.index_cast %select_n3A_138 : i32 to index
        %parallel_loop3A_324 = arith.index_cast %parallel_loop3A_202 : i32 to index
        %parallel_loop3A_325 = arith.constant 96 : index
        %parallel_loop3A_326 = tpu.vector_load %arg11[%parallel_loop3A_323, %parallel_loop3A_324, %parallel_loop3A_325] {strides = array<i32>} : memref<3x32x768xf32, #tpu.memory_space<vmem>>, vector<1x1x16xf32>,
        %parallel_loop3A_327 = vector.shape_cast %parallel_loop3A_326 : vector<1x1x16xf32> to vector<16xf32>
        %parallel_loop3A_328 = arith.index_cast %select_n3A_154 : i32 to index
        %parallel_loop3A_329 = arith.index_cast %parallel_loop3A_202 : i32 to index
        %parallel_loop3A_330 = arith.constant 96 : index
        %parallel_loop3A_331 = tpu.vector_load %arg12[%parallel_loop3A_328, %parallel_loop3A_329, %parallel_loop3A_330] {strides = array<i32>} : memref<2x32x768xf32, #tpu.memory_space<vmem>>, vector<1x1x16xf32>,
        %parallel_loop3A_332 = vector.shape_cast %parallel_loop3A_331 : vector<1x1x16xf32> to vector<16xf32>
        %parallel_loop3A_333 = arith.addf %parallel_loop3A_327, %parallel_loop3A_332 : vector<16xf32>
        %parallel_loop3A_334 = arith.index_cast %select_n3A_138 : i32 to index
        %parallel_loop3A_335 = arith.index_cast %parallel_loop3A_202 : i32 to index
        %parallel_loop3A_336 = arith.constant 96 : index
        %parallel_loop3A_337 = tpu.vector_load %arg11[%parallel_loop3A_334, %parallel_loop3A_335, %parallel_loop3A_336] {strides = array<i32>} : memref<3x32x768xf32, #tpu.memory_space<vmem>>, vector<1x1x16xf32>,
        %parallel_loop3A_338 = vector.shape_cast %parallel_loop3A_337 : vector<1x1x16xf32> to vector<16xf32>
        %parallel_loop3A_339 = vector.shape_cast %parallel_loop3A_333 : vector<16xf32> to vector<1x1x16xf32>
        tpu.vector_store %arg11[%parallel_loop3A_334, %parallel_loop3A_335, %parallel_loop3A_336], %parallel_loop3A_339 {strides = array<i32>} : memref<3x32x768xf32, #tpu.memory_space<vmem>>, vector<1x1x16xf32>,
        %parallel_loop3A_340 = arith.addf %parallel_loop3A_320, %parallel_loop3A_333 : vector<16xf32>
        %parallel_loop3A_341 = arith.mulf %parallel_loop3A_333, %parallel_loop3A_333 : vector<16xf32>
        %parallel_loop3A_342 = arith.addf %parallel_loop3A_322, %parallel_loop3A_341 : vector<16xf32>
        %parallel_loop3A_343 = arith.index_cast %select_n3A_138 : i32 to index
        %parallel_loop3A_344 = arith.index_cast %parallel_loop3A_202 : i32 to index
        %parallel_loop3A_345 = arith.constant 112 : index
        %parallel_loop3A_346 = tpu.vector_load %arg11[%parallel_loop3A_343, %parallel_loop3A_344, %parallel_loop3A_345] {strides = array<i32>} : memref<3x32x768xf32, #tpu.memory_space<vmem>>, vector<1x1x16xf32>,
        %parallel_loop3A_347 = vector.shape_cast %parallel_loop3A_346 : vector<1x1x16xf32> to vector<16xf32>
        %parallel_loop3A_348 = arith.index_cast %select_n3A_154 : i32 to index
        %parallel_loop3A_349 = arith.index_cast %parallel_loop3A_202 : i32 to index
        %parallel_loop3A_350 = arith.constant 112 : index
        %parallel_loop3A_351 = tpu.vector_load %arg12[%parallel_loop3A_348, %parallel_loop3A_349, %parallel_loop3A_350] {strides = array<i32>} : memref<2x32x768xf32, #tpu.memory_space<vmem>>, vector<1x1x16xf32>,
        %parallel_loop3A_352 = vector.shape_cast %parallel_loop3A_351 : vector<1x1x16xf32> to vector<16xf32>
        %parallel_loop3A_353 = arith.addf %parallel_loop3A_347, %parallel_loop3A_352 : vector<16xf32>
        %parallel_loop3A_354 = arith.index_cast %select_n3A_138 : i32 to index
        %parallel_loop3A_355 = arith.index_cast %parallel_loop3A_202 : i32 to index
        %parallel_loop3A_356 = arith.constant 112 : index
        %parallel_loop3A_357 = tpu.vector_load %arg11[%parallel_loop3A_354, %parallel_loop3A_355, %parallel_loop3A_356] {strides = array<i32>} : memref<3x32x768xf32, #tpu.memory_space<vmem>>, vector<1x1x16xf32>,
        %parallel_loop3A_358 = vector.shape_cast %parallel_loop3A_357 : vector<1x1x16xf32> to vector<16xf32>
        %parallel_loop3A_359 = vector.shape_cast %parallel_loop3A_353 : vector<16xf32> to vector<1x1x16xf32>
        tpu.vector_store %arg11[%parallel_loop3A_354, %parallel_loop3A_355, %parallel_loop3A_356], %parallel_loop3A_359 {strides = array<i32>} : memref<3x32x768xf32, #tpu.memory_space<vmem>>, vector<1x1x16xf32>,
        %parallel_loop3A_360 = arith.addf %parallel_loop3A_340, %parallel_loop3A_353 : vector<16xf32>
        %parallel_loop3A_361 = arith.mulf %parallel_loop3A_353, %parallel_loop3A_353 : vector<16xf32>
        %parallel_loop3A_362 = arith.addf %parallel_loop3A_342, %parallel_loop3A_361 : vector<16xf32>
        %parallel_loop3A_363 = arith.index_cast %select_n3A_138 : i32 to index
        %parallel_loop3A_364 = arith.index_cast %parallel_loop3A_202 : i32 to index
        %parallel_loop3A_365 = arith.constant 128 : index
        %parallel_loop3A_366 = tpu.vector_load %arg11[%parallel_loop3A_363, %parallel_loop3A_364, %parallel_loop3A_365] {strides = array<i32>} : memref<3x32x768xf32, #tpu.memory_space<vmem>>, vector<1x1x16xf32>,
        %parallel_loop3A_367 = vector.shape_cast %parallel_loop3A_366 : vector<1x1x16xf32> to vector<16xf32>
        %parallel_loop3A_368 = arith.index_cast %select_n3A_154 : i32 to index
        %parallel_loop3A_369 = arith.index_cast %parallel_loop3A_202 : i32 to index
        %parallel_loop3A_370 = arith.constant 128 : index
        %parallel_loop3A_371 = tpu.vector_load %arg12[%parallel_loop3A_368, %parallel_loop3A_369, %parallel_loop3A_370] {strides = array<i32>} : memref<2x32x768xf32, #tpu.memory_space<vmem>>, vector<1x1x16xf32>,
        %parallel_loop3A_372 = vector.shape_cast %parallel_loop3A_371 : vector<1x1x16xf32> to vector<16xf32>
        %parallel_loop3A_373 = arith.addf %parallel_loop3A_367, %parallel_loop3A_372 : vector<16xf32>
        %parallel_loop3A_374 = arith.index_cast %select_n3A_138 : i32 to index
        %parallel_loop3A_375 = arith.index_cast %parallel_loop3A_202 : i32 to index
        %parallel_loop3A_376 = arith.constant 128 : index
        %parallel_loop3A_377 = tpu.vector_load %arg11[%parallel_loop3A_374, %parallel_loop3A_375, %parallel_loop3A_376] {strides = array<i32>} : memref<3x32x768xf32, #tpu.memory_space<vmem>>, vector<1x1x16xf32>,
        %parallel_loop3A_378 = vector.shape_cast %parallel_loop3A_377 : vector<1x1x16xf32> to vector<16xf32>
        %parallel_loop3A_379 = vector.shape_cast %parallel_loop3A_373 : vector<16xf32> to vector<1x1x16xf32>
        tpu.vector_store %arg11[%parallel_loop3A_374, %parallel_loop3A_375, %parallel_loop3A_376], %parallel_loop3A_379 {strides = array<i32>} : memref<3x32x768xf32, #tpu.memory_space<vmem>>, vector<1x1x16xf32>,
        %parallel_loop3A_380 = arith.addf %parallel_loop3A_360, %parallel_loop3A_373 : vector<16xf32>
        %parallel_loop3A_381 = arith.mulf %parallel_loop3A_373, %parallel_loop3A_373 : vector<16xf32>
        %parallel_loop3A_382 = arith.addf %parallel_loop3A_362, %parallel_loop3A_381 : vector<16xf32>
        %parallel_loop3A_383 = arith.index_cast %select_n3A_138 : i32 to index
        %parallel_loop3A_384 = arith.index_cast %parallel_loop3A_202 : i32 to index
        %parallel_loop3A_385 = arith.constant 144 : index
        %parallel_loop3A_386 = tpu.vector_load %arg11[%parallel_loop3A_383, %parallel_loop3A_384, %parallel_loop3A_385] {strides = array<i32>} : memref<3x32x768xf32, #tpu.memory_space<vmem>>, vector<1x1x16xf32>,
        %parallel_loop3A_387 = vector.shape_cast %parallel_loop3A_386 : vector<1x1x16xf32> to vector<16xf32>
        %parallel_loop3A_388 = arith.index_cast %select_n3A_154 : i32 to index
        %parallel_loop3A_389 = arith.index_cast %parallel_loop3A_202 : i32 to index
        %parallel_loop3A_390 = arith.constant 144 : index
        %parallel_loop3A_391 = tpu.vector_load %arg12[%parallel_loop3A_388, %parallel_loop3A_389, %parallel_loop3A_390] {strides = array<i32>} : memref<2x32x768xf32, #tpu.memory_space<vmem>>, vector<1x1x16xf32>,
        %parallel_loop3A_392 = vector.shape_cast %parallel_loop3A_391 : vector<1x1x16xf32> to vector<16xf32>
        %parallel_loop3A_393 = arith.addf %parallel_loop3A_387, %parallel_loop3A_392 : vector<16xf32>
        %parallel_loop3A_394 = arith.index_cast %select_n3A_138 : i32 to index
        %parallel_loop3A_395 = arith.index_cast %parallel_loop3A_202 : i32 to index
        %parallel_loop3A_396 = arith.constant 144 : index
        %parallel_loop3A_397 = tpu.vector_load %arg11[%parallel_loop3A_394, %parallel_loop3A_395, %parallel_loop3A_396] {strides = array<i32>} : memref<3x32x768xf32, #tpu.memory_space<vmem>>, vector<1x1x16xf32>,
        %parallel_loop3A_398 = vector.shape_cast %parallel_loop3A_397 : vector<1x1x16xf32> to vector<16xf32>
        %parallel_loop3A_399 = vector.shape_cast %parallel_loop3A_393 : vector<16xf32> to vector<1x1x16xf32>
        tpu.vector_store %arg11[%parallel_loop3A_394, %parallel_loop3A_395, %parallel_loop3A_396], %parallel_loop3A_399 {strides = array<i32>} : memref<3x32x768xf32, #tpu.memory_space<vmem>>, vector<1x1x16xf32>,
        %parallel_loop3A_400 = arith.addf %parallel_loop3A_380, %parallel_loop3A_393 : vector<16xf32>
        %parallel_loop3A_401 = arith.mulf %parallel_loop3A_393, %parallel_loop3A_393 : vector<16xf32>
        %parallel_loop3A_402 = arith.addf %parallel_loop3A_382, %parallel_loop3A_401 : vector<16xf32>
        %parallel_loop3A_403 = arith.index_cast %select_n3A_138 : i32 to index
        %parallel_loop3A_404 = arith.index_cast %parallel_loop3A_202 : i32 to index
        %parallel_loop3A_405 = arith.constant 160 : index
        %parallel_loop3A_406 = tpu.vector_load %arg11[%parallel_loop3A_403, %parallel_loop3A_404, %parallel_loop3A_405] {strides = array<i32>} : memref<3x32x768xf32, #tpu.memory_space<vmem>>, vector<1x1x16xf32>,
        %parallel_loop3A_407 = vector.shape_cast %parallel_loop3A_406 : vector<1x1x16xf32> to vector<16xf32>
        %parallel_loop3A_408 = arith.index_cast %select_n3A_154 : i32 to index
        %parallel_loop3A_409 = arith.index_cast %parallel_loop3A_202 : i32 to index
        %parallel_loop3A_410 = arith.constant 160 : index
        %parallel_loop3A_411 = tpu.vector_load %arg12[%parallel_loop3A_408, %parallel_loop3A_409, %parallel_loop3A_410] {strides = array<i32>} : memref<2x32x768xf32, #tpu.memory_space<vmem>>, vector<1x1x16xf32>,
        %parallel_loop3A_412 = vector.shape_cast %parallel_loop3A_411 : vector<1x1x16xf32> to vector<16xf32>
        %parallel_loop3A_413 = arith.addf %parallel_loop3A_407, %parallel_loop3A_412 : vector<16xf32>
        %parallel_loop3A_414 = arith.index_cast %select_n3A_138 : i32 to index
        %parallel_loop3A_415 = arith.index_cast %parallel_loop3A_202 : i32 to index
        %parallel_loop3A_416 = arith.constant 160 : index
        %parallel_loop3A_417 = tpu.vector_load %arg11[%parallel_loop3A_414, %parallel_loop3A_415, %parallel_loop3A_416] {strides = array<i32>} : memref<3x32x768xf32, #tpu.memory_space<vmem>>, vector<1x1x16xf32>,
        %parallel_loop3A_418 = vector.shape_cast %parallel_loop3A_417 : vector<1x1x16xf32> to vector<16xf32>
        %parallel_loop3A_419 = vector.shape_cast %parallel_loop3A_413 : vector<16xf32> to vector<1x1x16xf32>
        tpu.vector_store %arg11[%parallel_loop3A_414, %parallel_loop3A_415, %parallel_loop3A_416], %parallel_loop3A_419 {strides = array<i32>} : memref<3x32x768xf32, #tpu.memory_space<vmem>>, vector<1x1x16xf32>,
        %parallel_loop3A_420 = arith.addf %parallel_loop3A_400, %parallel_loop3A_413 : vector<16xf32>
        %parallel_loop3A_421 = arith.mulf %parallel_loop3A_413, %parallel_loop3A_413 : vector<16xf32>
        %parallel_loop3A_422 = arith.addf %parallel_loop3A_402, %parallel_loop3A_421 : vector<16xf32>
        %parallel_loop3A_423 = arith.index_cast %select_n3A_138 : i32 to index
        %parallel_loop3A_424 = arith.index_cast %parallel_loop3A_202 : i32 to index
        %parallel_loop3A_425 = arith.constant 176 : index
        %parallel_loop3A_426 = tpu.vector_load %arg11[%parallel_loop3A_423, %parallel_loop3A_424, %parallel_loop3A_425] {strides = array<i32>} : memref<3x32x768xf32, #tpu.memory_space<vmem>>, vector<1x1x16xf32>,
        %parallel_loop3A_427 = vector.shape_cast %parallel_loop3A_426 : vector<1x1x16xf32> to vector<16xf32>
        %parallel_loop3A_428 = arith.index_cast %select_n3A_154 : i32 to index
        %parallel_loop3A_429 = arith.index_cast %parallel_loop3A_202 : i32 to index
        %parallel_loop3A_430 = arith.constant 176 : index
        %parallel_loop3A_431 = tpu.vector_load %arg12[%parallel_loop3A_428, %parallel_loop3A_429, %parallel_loop3A_430] {strides = array<i32>} : memref<2x32x768xf32, #tpu.memory_space<vmem>>, vector<1x1x16xf32>,
        %parallel_loop3A_432 = vector.shape_cast %parallel_loop3A_431 : vector<1x1x16xf32> to vector<16xf32>
        %parallel_loop3A_433 = arith.addf %parallel_loop3A_427, %parallel_loop3A_432 : vector<16xf32>
        %parallel_loop3A_434 = arith.index_cast %select_n3A_138 : i32 to index
        %parallel_loop3A_435 = arith.index_cast %parallel_loop3A_202 : i32 to index
        %parallel_loop3A_436 = arith.constant 176 : index
        %parallel_loop3A_437 = tpu.vector_load %arg11[%parallel_loop3A_434, %parallel_loop3A_435, %parallel_loop3A_436] {strides = array<i32>} : memref<3x32x768xf32, #tpu.memory_space<vmem>>, vector<1x1x16xf32>,
        %parallel_loop3A_438 = vector.shape_cast %parallel_loop3A_437 : vector<1x1x16xf32> to vector<16xf32>
        %parallel_loop3A_439 = vector.shape_cast %parallel_loop3A_433 : vector<16xf32> to vector<1x1x16xf32>
        tpu.vector_store %arg11[%parallel_loop3A_434, %parallel_loop3A_435, %parallel_loop3A_436], %parallel_loop3A_439 {strides = array<i32>} : memref<3x32x768xf32, #tpu.memory_space<vmem>>, vector<1x1x16xf32>,
        %parallel_loop3A_440 = arith.addf %parallel_loop3A_420, %parallel_loop3A_433 : vector<16xf32>
        %parallel_loop3A_441 = arith.mulf %parallel_loop3A_433, %parallel_loop3A_433 : vector<16xf32>
        %parallel_loop3A_442 = arith.addf %parallel_loop3A_422, %parallel_loop3A_441 : vector<16xf32>
        %parallel_loop3A_443 = arith.index_cast %select_n3A_138 : i32 to index
        %parallel_loop3A_444 = arith.index_cast %parallel_loop3A_202 : i32 to index
        %parallel_loop3A_445 = arith.constant 192 : index
        %parallel_loop3A_446 = tpu.vector_load %arg11[%parallel_loop3A_443, %parallel_loop3A_444, %parallel_loop3A_445] {strides = array<i32>} : memref<3x32x768xf32, #tpu.memory_space<vmem>>, vector<1x1x16xf32>,
        %parallel_loop3A_447 = vector.shape_cast %parallel_loop3A_446 : vector<1x1x16xf32> to vector<16xf32>
        %parallel_loop3A_448 = arith.index_cast %select_n3A_154 : i32 to index
        %parallel_loop3A_449 = arith.index_cast %parallel_loop3A_202 : i32 to index
        %parallel_loop3A_450 = arith.constant 192 : index
        %parallel_loop3A_451 = tpu.vector_load %arg12[%parallel_loop3A_448, %parallel_loop3A_449, %parallel_loop3A_450] {strides = array<i32>} : memref<2x32x768xf32, #tpu.memory_space<vmem>>, vector<1x1x16xf32>,
        %parallel_loop3A_452 = vector.shape_cast %parallel_loop3A_451 : vector<1x1x16xf32> to vector<16xf32>
        %parallel_loop3A_453 = arith.addf %parallel_loop3A_447, %parallel_loop3A_452 : vector<16xf32>
        %parallel_loop3A_454 = arith.index_cast %select_n3A_138 : i32 to index
        %parallel_loop3A_455 = arith.index_cast %parallel_loop3A_202 : i32 to index
        %parallel_loop3A_456 = arith.constant 192 : index
        %parallel_loop3A_457 = tpu.vector_load %arg11[%parallel_loop3A_454, %parallel_loop3A_455, %parallel_loop3A_456] {strides = array<i32>} : memref<3x32x768xf32, #tpu.memory_space<vmem>>, vector<1x1x16xf32>,
        %parallel_loop3A_458 = vector.shape_cast %parallel_loop3A_457 : vector<1x1x16xf32> to vector<16xf32>
        %parallel_loop3A_459 = vector.shape_cast %parallel_loop3A_453 : vector<16xf32> to vector<1x1x16xf32>
        tpu.vector_store %arg11[%parallel_loop3A_454, %parallel_loop3A_455, %parallel_loop3A_456], %parallel_loop3A_459 {strides = array<i32>} : memref<3x32x768xf32, #tpu.memory_space<vmem>>, vector<1x1x16xf32>,
        %parallel_loop3A_460 = arith.addf %parallel_loop3A_440, %parallel_loop3A_453 : vector<16xf32>
        %parallel_loop3A_461 = arith.mulf %parallel_loop3A_453, %parallel_loop3A_453 : vector<16xf32>
        %parallel_loop3A_462 = arith.addf %parallel_loop3A_442, %parallel_loop3A_461 : vector<16xf32>
        %parallel_loop3A_463 = arith.index_cast %select_n3A_138 : i32 to index
        %parallel_loop3A_464 = arith.index_cast %parallel_loop3A_202 : i32 to index
        %parallel_loop3A_465 = arith.constant 208 : index
        %parallel_loop3A_466 = tpu.vector_load %arg11[%parallel_loop3A_463, %parallel_loop3A_464, %parallel_loop3A_465] {strides = array<i32>} : memref<3x32x768xf32, #tpu.memory_space<vmem>>, vector<1x1x16xf32>,
        %parallel_loop3A_467 = vector.shape_cast %parallel_loop3A_466 : vector<1x1x16xf32> to vector<16xf32>
        %parallel_loop3A_468 = arith.index_cast %select_n3A_154 : i32 to index
        %parallel_loop3A_469 = arith.index_cast %parallel_loop3A_202 : i32 to index
        %parallel_loop3A_470 = arith.constant 208 : index
        %parallel_loop3A_471 = tpu.vector_load %arg12[%parallel_loop3A_468, %parallel_loop3A_469, %parallel_loop3A_470] {strides = array<i32>} : memref<2x32x768xf32, #tpu.memory_space<vmem>>, vector<1x1x16xf32>,
        %parallel_loop3A_472 = vector.shape_cast %parallel_loop3A_471 : vector<1x1x16xf32> to vector<16xf32>
        %parallel_loop3A_473 = arith.addf %parallel_loop3A_467, %parallel_loop3A_472 : vector<16xf32>
        %parallel_loop3A_474 = arith.index_cast %select_n3A_138 : i32 to index
        %parallel_loop3A_475 = arith.index_cast %parallel_loop3A_202 : i32 to index
        %parallel_loop3A_476 = arith.constant 208 : index
        %parallel_loop3A_477 = tpu.vector_load %arg11[%parallel_loop3A_474, %parallel_loop3A_475, %parallel_loop3A_476] {strides = array<i32>} : memref<3x32x768xf32, #tpu.memory_space<vmem>>, vector<1x1x16xf32>,
        %parallel_loop3A_478 = vector.shape_cast %parallel_loop3A_477 : vector<1x1x16xf32> to vector<16xf32>
        %parallel_loop3A_479 = vector.shape_cast %parallel_loop3A_473 : vector<16xf32> to vector<1x1x16xf32>
        tpu.vector_store %arg11[%parallel_loop3A_474, %parallel_loop3A_475, %parallel_loop3A_476], %parallel_loop3A_479 {strides = array<i32>} : memref<3x32x768xf32, #tpu.memory_space<vmem>>, vector<1x1x16xf32>,
        %parallel_loop3A_480 = arith.addf %parallel_loop3A_460, %parallel_loop3A_473 : vector<16xf32>
        %parallel_loop3A_481 = arith.mulf %parallel_loop3A_473, %parallel_loop3A_473 : vector<16xf32>
        %parallel_loop3A_482 = arith.addf %parallel_loop3A_462, %parallel_loop3A_481 : vector<16xf32>
        %parallel_loop3A_483 = arith.index_cast %select_n3A_138 : i32 to index
        %parallel_loop3A_484 = arith.index_cast %parallel_loop3A_202 : i32 to index
        %parallel_loop3A_485 = arith.constant 224 : index
        %parallel_loop3A_486 = tpu.vector_load %arg11[%parallel_loop3A_483, %parallel_loop3A_484, %parallel_loop3A_485] {strides = array<i32>} : memref<3x32x768xf32, #tpu.memory_space<vmem>>, vector<1x1x16xf32>,
        %parallel_loop3A_487 = vector.shape_cast %parallel_loop3A_486 : vector<1x1x16xf32> to vector<16xf32>
        %parallel_loop3A_488 = arith.index_cast %select_n3A_154 : i32 to index
        %parallel_loop3A_489 = arith.index_cast %parallel_loop3A_202 : i32 to index
        %parallel_loop3A_490 = arith.constant 224 : index
        %parallel_loop3A_491 = tpu.vector_load %arg12[%parallel_loop3A_488, %parallel_loop3A_489, %parallel_loop3A_490] {strides = array<i32>} : memref<2x32x768xf32, #tpu.memory_space<vmem>>, vector<1x1x16xf32>,
        %parallel_loop3A_492 = vector.shape_cast %parallel_loop3A_491 : vector<1x1x16xf32> to vector<16xf32>
        %parallel_loop3A_493 = arith.addf %parallel_loop3A_487, %parallel_loop3A_492 : vector<16xf32>
        %parallel_loop3A_494 = arith.index_cast %select_n3A_138 : i32 to index
        %parallel_loop3A_495 = arith.index_cast %parallel_loop3A_202 : i32 to index
        %parallel_loop3A_496 = arith.constant 224 : index
        %parallel_loop3A_497 = tpu.vector_load %arg11[%parallel_loop3A_494, %parallel_loop3A_495, %parallel_loop3A_496] {strides = array<i32>} : memref<3x32x768xf32, #tpu.memory_space<vmem>>, vector<1x1x16xf32>,
        %parallel_loop3A_498 = vector.shape_cast %parallel_loop3A_497 : vector<1x1x16xf32> to vector<16xf32>
        %parallel_loop3A_499 = vector.shape_cast %parallel_loop3A_493 : vector<16xf32> to vector<1x1x16xf32>
        tpu.vector_store %arg11[%parallel_loop3A_494, %parallel_loop3A_495, %parallel_loop3A_496], %parallel_loop3A_499 {strides = array<i32>} : memref<3x32x768xf32, #tpu.memory_space<vmem>>, vector<1x1x16xf32>,
        %parallel_loop3A_500 = arith.addf %parallel_loop3A_480, %parallel_loop3A_493 : vector<16xf32>
        %parallel_loop3A_501 = arith.mulf %parallel_loop3A_493, %parallel_loop3A_493 : vector<16xf32>
        %parallel_loop3A_502 = arith.addf %parallel_loop3A_482, %parallel_loop3A_501 : vector<16xf32>
        %parallel_loop3A_503 = arith.index_cast %select_n3A_138 : i32 to index
        %parallel_loop3A_504 = arith.index_cast %parallel_loop3A_202 : i32 to index
        %parallel_loop3A_505 = arith.constant 240 : index
        %parallel_loop3A_506 = tpu.vector_load %arg11[%parallel_loop3A_503, %parallel_loop3A_504, %parallel_loop3A_505] {strides = array<i32>} : memref<3x32x768xf32, #tpu.memory_space<vmem>>, vector<1x1x16xf32>,
        %parallel_loop3A_507 = vector.shape_cast %parallel_loop3A_506 : vector<1x1x16xf32> to vector<16xf32>
        %parallel_loop3A_508 = arith.index_cast %select_n3A_154 : i32 to index
        %parallel_loop3A_509 = arith.index_cast %parallel_loop3A_202 : i32 to index
        %parallel_loop3A_510 = arith.constant 240 : index
        %parallel_loop3A_511 = tpu.vector_load %arg12[%parallel_loop3A_508, %parallel_loop3A_509, %parallel_loop3A_510] {strides = array<i32>} : memref<2x32x768xf32, #tpu.memory_space<vmem>>, vector<1x1x16xf32>,
        %parallel_loop3A_512 = vector.shape_cast %parallel_loop3A_511 : vector<1x1x16xf32> to vector<16xf32>
        %parallel_loop3A_513 = arith.addf %parallel_loop3A_507, %parallel_loop3A_512 : vector<16xf32>
        %parallel_loop3A_514 = arith.index_cast %select_n3A_138 : i32 to index
        %parallel_loop3A_515 = arith.index_cast %parallel_loop3A_202 : i32 to index
        %parallel_loop3A_516 = arith.constant 240 : index
        %parallel_loop3A_517 = tpu.vector_load %arg11[%parallel_loop3A_514, %parallel_loop3A_515, %parallel_loop3A_516] {strides = array<i32>} : memref<3x32x768xf32, #tpu.memory_space<vmem>>, vector<1x1x16xf32>,
        %parallel_loop3A_518 = vector.shape_cast %parallel_loop3A_517 : vector<1x1x16xf32> to vector<16xf32>
        %parallel_loop3A_519 = vector.shape_cast %parallel_loop3A_513 : vector<16xf32> to vector<1x1x16xf32>
        tpu.vector_store %arg11[%parallel_loop3A_514, %parallel_loop3A_515, %parallel_loop3A_516], %parallel_loop3A_519 {strides = array<i32>} : memref<3x32x768xf32, #tpu.memory_space<vmem>>, vector<1x1x16xf32>,
        %parallel_loop3A_520 = arith.addf %parallel_loop3A_500, %parallel_loop3A_513 : vector<16xf32>
        %parallel_loop3A_521 = arith.mulf %parallel_loop3A_513, %parallel_loop3A_513 : vector<16xf32>
        %parallel_loop3A_522 = arith.addf %parallel_loop3A_502, %parallel_loop3A_521 : vector<16xf32>
        %parallel_loop3A_523 = arith.index_cast %select_n3A_138 : i32 to index
        %parallel_loop3A_524 = arith.index_cast %parallel_loop3A_202 : i32 to index
        %parallel_loop3A_525 = arith.constant 256 : index
        %parallel_loop3A_526 = tpu.vector_load %arg11[%parallel_loop3A_523, %parallel_loop3A_524, %parallel_loop3A_525] {strides = array<i32>} : memref<3x32x768xf32, #tpu.memory_space<vmem>>, vector<1x1x16xf32>,
        %parallel_loop3A_527 = vector.shape_cast %parallel_loop3A_526 : vector<1x1x16xf32> to vector<16xf32>
        %parallel_loop3A_528 = arith.index_cast %select_n3A_154 : i32 to index
        %parallel_loop3A_529 = arith.index_cast %parallel_loop3A_202 : i32 to index
        %parallel_loop3A_530 = arith.constant 256 : index
        %parallel_loop3A_531 = tpu.vector_load %arg12[%parallel_loop3A_528, %parallel_loop3A_529, %parallel_loop3A_530] {strides = array<i32>} : memref<2x32x768xf32, #tpu.memory_space<vmem>>, vector<1x1x16xf32>,
        %parallel_loop3A_532 = vector.shape_cast %parallel_loop3A_531 : vector<1x1x16xf32> to vector<16xf32>
        %parallel_loop3A_533 = arith.addf %parallel_loop3A_527, %parallel_loop3A_532 : vector<16xf32>
        %parallel_loop3A_534 = arith.index_cast %select_n3A_138 : i32 to index
        %parallel_loop3A_535 = arith.index_cast %parallel_loop3A_202 : i32 to index
        %parallel_loop3A_536 = arith.constant 256 : index
        %parallel_loop3A_537 = tpu.vector_load %arg11[%parallel_loop3A_534, %parallel_loop3A_535, %parallel_loop3A_536] {strides = array<i32>} : memref<3x32x768xf32, #tpu.memory_space<vmem>>, vector<1x1x16xf32>,
        %parallel_loop3A_538 = vector.shape_cast %parallel_loop3A_537 : vector<1x1x16xf32> to vector<16xf32>
        %parallel_loop3A_539 = vector.shape_cast %parallel_loop3A_533 : vector<16xf32> to vector<1x1x16xf32>
        tpu.vector_store %arg11[%parallel_loop3A_534, %parallel_loop3A_535, %parallel_loop3A_536], %parallel_loop3A_539 {strides = array<i32>} : memref<3x32x768xf32, #tpu.memory_space<vmem>>, vector<1x1x16xf32>,
        %parallel_loop3A_540 = arith.addf %parallel_loop3A_520, %parallel_loop3A_533 : vector<16xf32>
        %parallel_loop3A_541 = arith.mulf %parallel_loop3A_533, %parallel_loop3A_533 : vector<16xf32>
        %parallel_loop3A_542 = arith.addf %parallel_loop3A_522, %parallel_loop3A_541 : vector<16xf32>
        %parallel_loop3A_543 = arith.index_cast %select_n3A_138 : i32 to index
        %parallel_loop3A_544 = arith.index_cast %parallel_loop3A_202 : i32 to index
        %parallel_loop3A_545 = arith.constant 272 : index
        %parallel_loop3A_546 = tpu.vector_load %arg11[%parallel_loop3A_543, %parallel_loop3A_544, %parallel_loop3A_545] {strides = array<i32>} : memref<3x32x768xf32, #tpu.memory_space<vmem>>, vector<1x1x16xf32>,
        %parallel_loop3A_547 = vector.shape_cast %parallel_loop3A_546 : vector<1x1x16xf32> to vector<16xf32>
        %parallel_loop3A_548 = arith.index_cast %select_n3A_154 : i32 to index
        %parallel_loop3A_549 = arith.index_cast %parallel_loop3A_202 : i32 to index
        %parallel_loop3A_550 = arith.constant 272 : index
        %parallel_loop3A_551 = tpu.vector_load %arg12[%parallel_loop3A_548, %parallel_loop3A_549, %parallel_loop3A_550] {strides = array<i32>} : memref<2x32x768xf32, #tpu.memory_space<vmem>>, vector<1x1x16xf32>,
        %parallel_loop3A_552 = vector.shape_cast %parallel_loop3A_551 : vector<1x1x16xf32> to vector<16xf32>
        %parallel_loop3A_553 = arith.addf %parallel_loop3A_547, %parallel_loop3A_552 : vector<16xf32>
        %parallel_loop3A_554 = arith.index_cast %select_n3A_138 : i32 to index
        %parallel_loop3A_555 = arith.index_cast %parallel_loop3A_202 : i32 to index
        %parallel_loop3A_556 = arith.constant 272 : index
        %parallel_loop3A_557 = tpu.vector_load %arg11[%parallel_loop3A_554, %parallel_loop3A_555, %parallel_loop3A_556] {strides = array<i32>} : memref<3x32x768xf32, #tpu.memory_space<vmem>>, vector<1x1x16xf32>,
        %parallel_loop3A_558 = vector.shape_cast %parallel_loop3A_557 : vector<1x1x16xf32> to vector<16xf32>
        %parallel_loop3A_559 = vector.shape_cast %parallel_loop3A_553 : vector<16xf32> to vector<1x1x16xf32>
        tpu.vector_store %arg11[%parallel_loop3A_554, %parallel_loop3A_555, %parallel_loop3A_556], %parallel_loop3A_559 {strides = array<i32>} : memref<3x32x768xf32, #tpu.memory_space<vmem>>, vector<1x1x16xf32>,
        %parallel_loop3A_560 = arith.addf %parallel_loop3A_540, %parallel_loop3A_553 : vector<16xf32>
        %parallel_loop3A_561 = arith.mulf %parallel_loop3A_553, %parallel_loop3A_553 : vector<16xf32>
        %parallel_loop3A_562 = arith.addf %parallel_loop3A_542, %parallel_loop3A_561 : vector<16xf32>
        %parallel_loop3A_563 = arith.index_cast %select_n3A_138 : i32 to index
        %parallel_loop3A_564 = arith.index_cast %parallel_loop3A_202 : i32 to index
        %parallel_loop3A_565 = arith.constant 288 : index
        %parallel_loop3A_566 = tpu.vector_load %arg11[%parallel_loop3A_563, %parallel_loop3A_564, %parallel_loop3A_565] {strides = array<i32>} : memref<3x32x768xf32, #tpu.memory_space<vmem>>, vector<1x1x16xf32>,
        %parallel_loop3A_567 = vector.shape_cast %parallel_loop3A_566 : vector<1x1x16xf32> to vector<16xf32>
        %parallel_loop3A_568 = arith.index_cast %select_n3A_154 : i32 to index
        %parallel_loop3A_569 = arith.index_cast %parallel_loop3A_202 : i32 to index
        %parallel_loop3A_570 = arith.constant 288 : index
        %parallel_loop3A_571 = tpu.vector_load %arg12[%parallel_loop3A_568, %parallel_loop3A_569, %parallel_loop3A_570] {strides = array<i32>} : memref<2x32x768xf32, #tpu.memory_space<vmem>>, vector<1x1x16xf32>,
        %parallel_loop3A_572 = vector.shape_cast %parallel_loop3A_571 : vector<1x1x16xf32> to vector<16xf32>
        %parallel_loop3A_573 = arith.addf %parallel_loop3A_567, %parallel_loop3A_572 : vector<16xf32>
        %parallel_loop3A_574 = arith.index_cast %select_n3A_138 : i32 to index
        %parallel_loop3A_575 = arith.index_cast %parallel_loop3A_202 : i32 to index
        %parallel_loop3A_576 = arith.constant 288 : index
        %parallel_loop3A_577 = tpu.vector_load %arg11[%parallel_loop3A_574, %parallel_loop3A_575, %parallel_loop3A_576] {strides = array<i32>} : memref<3x32x768xf32, #tpu.memory_space<vmem>>, vector<1x1x16xf32>,
        %parallel_loop3A_578 = vector.shape_cast %parallel_loop3A_577 : vector<1x1x16xf32> to vector<16xf32>
        %parallel_loop3A_579 = vector.shape_cast %parallel_loop3A_573 : vector<16xf32> to vector<1x1x16xf32>
        tpu.vector_store %arg11[%parallel_loop3A_574, %parallel_loop3A_575, %parallel_loop3A_576], %parallel_loop3A_579 {strides = array<i32>} : memref<3x32x768xf32, #tpu.memory_space<vmem>>, vector<1x1x16xf32>,
        %parallel_loop3A_580 = arith.addf %parallel_loop3A_560, %parallel_loop3A_573 : vector<16xf32>
        %parallel_loop3A_581 = arith.mulf %parallel_loop3A_573, %parallel_loop3A_573 : vector<16xf32>
        %parallel_loop3A_582 = arith.addf %parallel_loop3A_562, %parallel_loop3A_581 : vector<16xf32>
        %parallel_loop3A_583 = arith.index_cast %select_n3A_138 : i32 to index
        %parallel_loop3A_584 = arith.index_cast %parallel_loop3A_202 : i32 to index
        %parallel_loop3A_585 = arith.constant 304 : index
        %parallel_loop3A_586 = tpu.vector_load %arg11[%parallel_loop3A_583, %parallel_loop3A_584, %parallel_loop3A_585] {strides = array<i32>} : memref<3x32x768xf32, #tpu.memory_space<vmem>>, vector<1x1x16xf32>,
        %parallel_loop3A_587 = vector.shape_cast %parallel_loop3A_586 : vector<1x1x16xf32> to vector<16xf32>
        %parallel_loop3A_588 = arith.index_cast %select_n3A_154 : i32 to index
        %parallel_loop3A_589 = arith.index_cast %parallel_loop3A_202 : i32 to index
        %parallel_loop3A_590 = arith.constant 304 : index
        %parallel_loop3A_591 = tpu.vector_load %arg12[%parallel_loop3A_588, %parallel_loop3A_589, %parallel_loop3A_590] {strides = array<i32>} : memref<2x32x768xf32, #tpu.memory_space<vmem>>, vector<1x1x16xf32>,
        %parallel_loop3A_592 = vector.shape_cast %parallel_loop3A_591 : vector<1x1x16xf32> to vector<16xf32>
        %parallel_loop3A_593 = arith.addf %parallel_loop3A_587, %parallel_loop3A_592 : vector<16xf32>
        %parallel_loop3A_594 = arith.index_cast %select_n3A_138 : i32 to index
        %parallel_loop3A_595 = arith.index_cast %parallel_loop3A_202 : i32 to index
        %parallel_loop3A_596 = arith.constant 304 : index
        %parallel_loop3A_597 = tpu.vector_load %arg11[%parallel_loop3A_594, %parallel_loop3A_595, %parallel_loop3A_596] {strides = array<i32>} : memref<3x32x768xf32, #tpu.memory_space<vmem>>, vector<1x1x16xf32>,
        %parallel_loop3A_598 = vector.shape_cast %parallel_loop3A_597 : vector<1x1x16xf32> to vector<16xf32>
        %parallel_loop3A_599 = vector.shape_cast %parallel_loop3A_593 : vector<16xf32> to vector<1x1x16xf32>
        tpu.vector_store %arg11[%parallel_loop3A_594, %parallel_loop3A_595, %parallel_loop3A_596], %parallel_loop3A_599 {strides = array<i32>} : memref<3x32x768xf32, #tpu.memory_space<vmem>>, vector<1x1x16xf32>,
        %parallel_loop3A_600 = arith.addf %parallel_loop3A_580, %parallel_loop3A_593 : vector<16xf32>
        %parallel_loop3A_601 = arith.mulf %parallel_loop3A_593, %parallel_loop3A_593 : vector<16xf32>
        %parallel_loop3A_602 = arith.addf %parallel_loop3A_582, %parallel_loop3A_601 : vector<16xf32>
        %parallel_loop3A_603 = arith.index_cast %select_n3A_138 : i32 to index
        %parallel_loop3A_604 = arith.index_cast %parallel_loop3A_202 : i32 to index
        %parallel_loop3A_605 = arith.constant 320 : index
        %parallel_loop3A_606 = tpu.vector_load %arg11[%parallel_loop3A_603, %parallel_loop3A_604, %parallel_loop3A_605] {strides = array<i32>} : memref<3x32x768xf32, #tpu.memory_space<vmem>>, vector<1x1x16xf32>,
        %parallel_loop3A_607 = vector.shape_cast %parallel_loop3A_606 : vector<1x1x16xf32> to vector<16xf32>
        %parallel_loop3A_608 = arith.index_cast %select_n3A_154 : i32 to index
        %parallel_loop3A_609 = arith.index_cast %parallel_loop3A_202 : i32 to index
        %parallel_loop3A_610 = arith.constant 320 : index
        %parallel_loop3A_611 = tpu.vector_load %arg12[%parallel_loop3A_608, %parallel_loop3A_609, %parallel_loop3A_610] {strides = array<i32>} : memref<2x32x768xf32, #tpu.memory_space<vmem>>, vector<1x1x16xf32>,
        %parallel_loop3A_612 = vector.shape_cast %parallel_loop3A_611 : vector<1x1x16xf32> to vector<16xf32>
        %parallel_loop3A_613 = arith.addf %parallel_loop3A_607, %parallel_loop3A_612 : vector<16xf32>
        %parallel_loop3A_614 = arith.index_cast %select_n3A_138 : i32 to index
        %parallel_loop3A_615 = arith.index_cast %parallel_loop3A_202 : i32 to index
        %parallel_loop3A_616 = arith.constant 320 : index
        %parallel_loop3A_617 = tpu.vector_load %arg11[%parallel_loop3A_614, %parallel_loop3A_615, %parallel_loop3A_616] {strides = array<i32>} : memref<3x32x768xf32, #tpu.memory_space<vmem>>, vector<1x1x16xf32>,
        %parallel_loop3A_618 = vector.shape_cast %parallel_loop3A_617 : vector<1x1x16xf32> to vector<16xf32>
        %parallel_loop3A_619 = vector.shape_cast %parallel_loop3A_613 : vector<16xf32> to vector<1x1x16xf32>
        tpu.vector_store %arg11[%parallel_loop3A_614, %parallel_loop3A_615, %parallel_loop3A_616], %parallel_loop3A_619 {strides = array<i32>} : memref<3x32x768xf32, #tpu.memory_space<vmem>>, vector<1x1x16xf32>,
        %parallel_loop3A_620 = arith.addf %parallel_loop3A_600, %parallel_loop3A_613 : vector<16xf32>
        %parallel_loop3A_621 = arith.mulf %parallel_loop3A_613, %parallel_loop3A_613 : vector<16xf32>
        %parallel_loop3A_622 = arith.addf %parallel_loop3A_602, %parallel_loop3A_621 : vector<16xf32>
        %parallel_loop3A_623 = arith.index_cast %select_n3A_138 : i32 to index
        %parallel_loop3A_624 = arith.index_cast %parallel_loop3A_202 : i32 to index
        %parallel_loop3A_625 = arith.constant 336 : index
        %parallel_loop3A_626 = tpu.vector_load %arg11[%parallel_loop3A_623, %parallel_loop3A_624, %parallel_loop3A_625] {strides = array<i32>} : memref<3x32x768xf32, #tpu.memory_space<vmem>>, vector<1x1x16xf32>,
        %parallel_loop3A_627 = vector.shape_cast %parallel_loop3A_626 : vector<1x1x16xf32> to vector<16xf32>
        %parallel_loop3A_628 = arith.index_cast %select_n3A_154 : i32 to index
        %parallel_loop3A_629 = arith.index_cast %parallel_loop3A_202 : i32 to index
        %parallel_loop3A_630 = arith.constant 336 : index
        %parallel_loop3A_631 = tpu.vector_load %arg12[%parallel_loop3A_628, %parallel_loop3A_629, %parallel_loop3A_630] {strides = array<i32>} : memref<2x32x768xf32, #tpu.memory_space<vmem>>, vector<1x1x16xf32>,
        %parallel_loop3A_632 = vector.shape_cast %parallel_loop3A_631 : vector<1x1x16xf32> to vector<16xf32>
        %parallel_loop3A_633 = arith.addf %parallel_loop3A_627, %parallel_loop3A_632 : vector<16xf32>
        %parallel_loop3A_634 = arith.index_cast %select_n3A_138 : i32 to index
        %parallel_loop3A_635 = arith.index_cast %parallel_loop3A_202 : i32 to index
        %parallel_loop3A_636 = arith.constant 336 : index
        %parallel_loop3A_637 = tpu.vector_load %arg11[%parallel_loop3A_634, %parallel_loop3A_635, %parallel_loop3A_636] {strides = array<i32>} : memref<3x32x768xf32, #tpu.memory_space<vmem>>, vector<1x1x16xf32>,
        %parallel_loop3A_638 = vector.shape_cast %parallel_loop3A_637 : vector<1x1x16xf32> to vector<16xf32>
        %parallel_loop3A_639 = vector.shape_cast %parallel_loop3A_633 : vector<16xf32> to vector<1x1x16xf32>
        tpu.vector_store %arg11[%parallel_loop3A_634, %parallel_loop3A_635, %parallel_loop3A_636], %parallel_loop3A_639 {strides = array<i32>} : memref<3x32x768xf32, #tpu.memory_space<vmem>>, vector<1x1x16xf32>,
        %parallel_loop3A_640 = arith.addf %parallel_loop3A_620, %parallel_loop3A_633 : vector<16xf32>
        %parallel_loop3A_641 = arith.mulf %parallel_loop3A_633, %parallel_loop3A_633 : vector<16xf32>
        %parallel_loop3A_642 = arith.addf %parallel_loop3A_622, %parallel_loop3A_641 : vector<16xf32>
        %parallel_loop3A_643 = arith.index_cast %select_n3A_138 : i32 to index
        %parallel_loop3A_644 = arith.index_cast %parallel_loop3A_202 : i32 to index
        %parallel_loop3A_645 = arith.constant 352 : index
        %parallel_loop3A_646 = tpu.vector_load %arg11[%parallel_loop3A_643, %parallel_loop3A_644, %parallel_loop3A_645] {strides = array<i32>} : memref<3x32x768xf32, #tpu.memory_space<vmem>>, vector<1x1x16xf32>,
        %parallel_loop3A_647 = vector.shape_cast %parallel_loop3A_646 : vector<1x1x16xf32> to vector<16xf32>
        %parallel_loop3A_648 = arith.index_cast %select_n3A_154 : i32 to index
        %parallel_loop3A_649 = arith.index_cast %parallel_loop3A_202 : i32 to index
        %parallel_loop3A_650 = arith.constant 352 : index
        %parallel_loop3A_651 = tpu.vector_load %arg12[%parallel_loop3A_648, %parallel_loop3A_649, %parallel_loop3A_650] {strides = array<i32>} : memref<2x32x768xf32, #tpu.memory_space<vmem>>, vector<1x1x16xf32>,
        %parallel_loop3A_652 = vector.shape_cast %parallel_loop3A_651 : vector<1x1x16xf32> to vector<16xf32>
        %parallel_loop3A_653 = arith.addf %parallel_loop3A_647, %parallel_loop3A_652 : vector<16xf32>
        %parallel_loop3A_654 = arith.index_cast %select_n3A_138 : i32 to index
        %parallel_loop3A_655 = arith.index_cast %parallel_loop3A_202 : i32 to index
        %parallel_loop3A_656 = arith.constant 352 : index
        %parallel_loop3A_657 = tpu.vector_load %arg11[%parallel_loop3A_654, %parallel_loop3A_655, %parallel_loop3A_656] {strides = array<i32>} : memref<3x32x768xf32, #tpu.memory_space<vmem>>, vector<1x1x16xf32>,
        %parallel_loop3A_658 = vector.shape_cast %parallel_loop3A_657 : vector<1x1x16xf32> to vector<16xf32>
        %parallel_loop3A_659 = vector.shape_cast %parallel_loop3A_653 : vector<16xf32> to vector<1x1x16xf32>
        tpu.vector_store %arg11[%parallel_loop3A_654, %parallel_loop3A_655, %parallel_loop3A_656], %parallel_loop3A_659 {strides = array<i32>} : memref<3x32x768xf32, #tpu.memory_space<vmem>>, vector<1x1x16xf32>,
        %parallel_loop3A_660 = arith.addf %parallel_loop3A_640, %parallel_loop3A_653 : vector<16xf32>
        %parallel_loop3A_661 = arith.mulf %parallel_loop3A_653, %parallel_loop3A_653 : vector<16xf32>
        %parallel_loop3A_662 = arith.addf %parallel_loop3A_642, %parallel_loop3A_661 : vector<16xf32>
        %parallel_loop3A_663 = arith.index_cast %select_n3A_138 : i32 to index
        %parallel_loop3A_664 = arith.index_cast %parallel_loop3A_202 : i32 to index
        %parallel_loop3A_665 = arith.constant 368 : index
        %parallel_loop3A_666 = tpu.vector_load %arg11[%parallel_loop3A_663, %parallel_loop3A_664, %parallel_loop3A_665] {strides = array<i32>} : memref<3x32x768xf32, #tpu.memory_space<vmem>>, vector<1x1x16xf32>,
        %parallel_loop3A_667 = vector.shape_cast %parallel_loop3A_666 : vector<1x1x16xf32> to vector<16xf32>
        %parallel_loop3A_668 = arith.index_cast %select_n3A_154 : i32 to index
        %parallel_loop3A_669 = arith.index_cast %parallel_loop3A_202 : i32 to index
        %parallel_loop3A_670 = arith.constant 368 : index
        %parallel_loop3A_671 = tpu.vector_load %arg12[%parallel_loop3A_668, %parallel_loop3A_669, %parallel_loop3A_670] {strides = array<i32>} : memref<2x32x768xf32, #tpu.memory_space<vmem>>, vector<1x1x16xf32>,
        %parallel_loop3A_672 = vector.shape_cast %parallel_loop3A_671 : vector<1x1x16xf32> to vector<16xf32>
        %parallel_loop3A_673 = arith.addf %parallel_loop3A_667, %parallel_loop3A_672 : vector<16xf32>
        %parallel_loop3A_674 = arith.index_cast %select_n3A_138 : i32 to index
        %parallel_loop3A_675 = arith.index_cast %parallel_loop3A_202 : i32 to index
        %parallel_loop3A_676 = arith.constant 368 : index
        %parallel_loop3A_677 = tpu.vector_load %arg11[%parallel_loop3A_674, %parallel_loop3A_675, %parallel_loop3A_676] {strides = array<i32>} : memref<3x32x768xf32, #tpu.memory_space<vmem>>, vector<1x1x16xf32>,
        %parallel_loop3A_678 = vector.shape_cast %parallel_loop3A_677 : vector<1x1x16xf32> to vector<16xf32>
        %parallel_loop3A_679 = vector.shape_cast %parallel_loop3A_673 : vector<16xf32> to vector<1x1x16xf32>
        tpu.vector_store %arg11[%parallel_loop3A_674, %parallel_loop3A_675, %parallel_loop3A_676], %parallel_loop3A_679 {strides = array<i32>} : memref<3x32x768xf32, #tpu.memory_space<vmem>>, vector<1x1x16xf32>,
        %parallel_loop3A_680 = arith.addf %parallel_loop3A_660, %parallel_loop3A_673 : vector<16xf32>
        %parallel_loop3A_681 = arith.mulf %parallel_loop3A_673, %parallel_loop3A_673 : vector<16xf32>
        %parallel_loop3A_682 = arith.addf %parallel_loop3A_662, %parallel_loop3A_681 : vector<16xf32>
        %parallel_loop3A_683 = arith.index_cast %select_n3A_138 : i32 to index
        %parallel_loop3A_684 = arith.index_cast %parallel_loop3A_202 : i32 to index
        %parallel_loop3A_685 = arith.constant 384 : index
        %parallel_loop3A_686 = tpu.vector_load %arg11[%parallel_loop3A_683, %parallel_loop3A_684, %parallel_loop3A_685] {strides = array<i32>} : memref<3x32x768xf32, #tpu.memory_space<vmem>>, vector<1x1x16xf32>,
        %parallel_loop3A_687 = vector.shape_cast %parallel_loop3A_686 : vector<1x1x16xf32> to vector<16xf32>
        %parallel_loop3A_688 = arith.index_cast %select_n3A_154 : i32 to index
        %parallel_loop3A_689 = arith.index_cast %parallel_loop3A_202 : i32 to index
        %parallel_loop3A_690 = arith.constant 384 : index
        %parallel_loop3A_691 = tpu.vector_load %arg12[%parallel_loop3A_688, %parallel_loop3A_689, %parallel_loop3A_690] {strides = array<i32>} : memref<2x32x768xf32, #tpu.memory_space<vmem>>, vector<1x1x16xf32>,
        %parallel_loop3A_692 = vector.shape_cast %parallel_loop3A_691 : vector<1x1x16xf32> to vector<16xf32>
        %parallel_loop3A_693 = arith.addf %parallel_loop3A_687, %parallel_loop3A_692 : vector<16xf32>
        %parallel_loop3A_694 = arith.index_cast %select_n3A_138 : i32 to index
        %parallel_loop3A_695 = arith.index_cast %parallel_loop3A_202 : i32 to index
        %parallel_loop3A_696 = arith.constant 384 : index
        %parallel_loop3A_697 = tpu.vector_load %arg11[%parallel_loop3A_694, %parallel_loop3A_695, %parallel_loop3A_696] {strides = array<i32>} : memref<3x32x768xf32, #tpu.memory_space<vmem>>, vector<1x1x16xf32>,
        %parallel_loop3A_698 = vector.shape_cast %parallel_loop3A_697 : vector<1x1x16xf32> to vector<16xf32>
        %parallel_loop3A_699 = vector.shape_cast %parallel_loop3A_693 : vector<16xf32> to vector<1x1x16xf32>
        tpu.vector_store %arg11[%parallel_loop3A_694, %parallel_loop3A_695, %parallel_loop3A_696], %parallel_loop3A_699 {strides = array<i32>} : memref<3x32x768xf32, #tpu.memory_space<vmem>>, vector<1x1x16xf32>,
        %parallel_loop3A_700 = arith.addf %parallel_loop3A_680, %parallel_loop3A_693 : vector<16xf32>
        %parallel_loop3A_701 = arith.mulf %parallel_loop3A_693, %parallel_loop3A_693 : vector<16xf32>
        %parallel_loop3A_702 = arith.addf %parallel_loop3A_682, %parallel_loop3A_701 : vector<16xf32>
        %parallel_loop3A_703 = arith.index_cast %select_n3A_138 : i32 to index
        %parallel_loop3A_704 = arith.index_cast %parallel_loop3A_202 : i32 to index
        %parallel_loop3A_705 = arith.constant 400 : index
        %parallel_loop3A_706 = tpu.vector_load %arg11[%parallel_loop3A_703, %parallel_loop3A_704, %parallel_loop3A_705] {strides = array<i32>} : memref<3x32x768xf32, #tpu.memory_space<vmem>>, vector<1x1x16xf32>,
        %parallel_loop3A_707 = vector.shape_cast %parallel_loop3A_706 : vector<1x1x16xf32> to vector<16xf32>
        %parallel_loop3A_708 = arith.index_cast %select_n3A_154 : i32 to index
        %parallel_loop3A_709 = arith.index_cast %parallel_loop3A_202 : i32 to index
        %parallel_loop3A_710 = arith.constant 400 : index
        %parallel_loop3A_711 = tpu.vector_load %arg12[%parallel_loop3A_708, %parallel_loop3A_709, %parallel_loop3A_710] {strides = array<i32>} : memref<2x32x768xf32, #tpu.memory_space<vmem>>, vector<1x1x16xf32>,
        %parallel_loop3A_712 = vector.shape_cast %parallel_loop3A_711 : vector<1x1x16xf32> to vector<16xf32>
        %parallel_loop3A_713 = arith.addf %parallel_loop3A_707, %parallel_loop3A_712 : vector<16xf32>
        %parallel_loop3A_714 = arith.index_cast %select_n3A_138 : i32 to index
        %parallel_loop3A_715 = arith.index_cast %parallel_loop3A_202 : i32 to index
        %parallel_loop3A_716 = arith.constant 400 : index
        %parallel_loop3A_717 = tpu.vector_load %arg11[%parallel_loop3A_714, %parallel_loop3A_715, %parallel_loop3A_716] {strides = array<i32>} : memref<3x32x768xf32, #tpu.memory_space<vmem>>, vector<1x1x16xf32>,
        %parallel_loop3A_718 = vector.shape_cast %parallel_loop3A_717 : vector<1x1x16xf32> to vector<16xf32>
        %parallel_loop3A_719 = vector.shape_cast %parallel_loop3A_713 : vector<16xf32> to vector<1x1x16xf32>
        tpu.vector_store %arg11[%parallel_loop3A_714, %parallel_loop3A_715, %parallel_loop3A_716], %parallel_loop3A_719 {strides = array<i32>} : memref<3x32x768xf32, #tpu.memory_space<vmem>>, vector<1x1x16xf32>,
        %parallel_loop3A_720 = arith.addf %parallel_loop3A_700, %parallel_loop3A_713 : vector<16xf32>
        %parallel_loop3A_721 = arith.mulf %parallel_loop3A_713, %parallel_loop3A_713 : vector<16xf32>
        %parallel_loop3A_722 = arith.addf %parallel_loop3A_702, %parallel_loop3A_721 : vector<16xf32>
        %parallel_loop3A_723 = arith.index_cast %select_n3A_138 : i32 to index
        %parallel_loop3A_724 = arith.index_cast %parallel_loop3A_202 : i32 to index
        %parallel_loop3A_725 = arith.constant 416 : index
        %parallel_loop3A_726 = tpu.vector_load %arg11[%parallel_loop3A_723, %parallel_loop3A_724, %parallel_loop3A_725] {strides = array<i32>} : memref<3x32x768xf32, #tpu.memory_space<vmem>>, vector<1x1x16xf32>,
        %parallel_loop3A_727 = vector.shape_cast %parallel_loop3A_726 : vector<1x1x16xf32> to vector<16xf32>
        %parallel_loop3A_728 = arith.index_cast %select_n3A_154 : i32 to index
        %parallel_loop3A_729 = arith.index_cast %parallel_loop3A_202 : i32 to index
        %parallel_loop3A_730 = arith.constant 416 : index
        %parallel_loop3A_731 = tpu.vector_load %arg12[%parallel_loop3A_728, %parallel_loop3A_729, %parallel_loop3A_730] {strides = array<i32>} : memref<2x32x768xf32, #tpu.memory_space<vmem>>, vector<1x1x16xf32>,
        %parallel_loop3A_732 = vector.shape_cast %parallel_loop3A_731 : vector<1x1x16xf32> to vector<16xf32>
        %parallel_loop3A_733 = arith.addf %parallel_loop3A_727, %parallel_loop3A_732 : vector<16xf32>
        %parallel_loop3A_734 = arith.index_cast %select_n3A_138 : i32 to index
        %parallel_loop3A_735 = arith.index_cast %parallel_loop3A_202 : i32 to index
        %parallel_loop3A_736 = arith.constant 416 : index
        %parallel_loop3A_737 = tpu.vector_load %arg11[%parallel_loop3A_734, %parallel_loop3A_735, %parallel_loop3A_736] {strides = array<i32>} : memref<3x32x768xf32, #tpu.memory_space<vmem>>, vector<1x1x16xf32>,
        %parallel_loop3A_738 = vector.shape_cast %parallel_loop3A_737 : vector<1x1x16xf32> to vector<16xf32>
        %parallel_loop3A_739 = vector.shape_cast %parallel_loop3A_733 : vector<16xf32> to vector<1x1x16xf32>
        tpu.vector_store %arg11[%parallel_loop3A_734, %parallel_loop3A_735, %parallel_loop3A_736], %parallel_loop3A_739 {strides = array<i32>} : memref<3x32x768xf32, #tpu.memory_space<vmem>>, vector<1x1x16xf32>,
        %parallel_loop3A_740 = arith.addf %parallel_loop3A_720, %parallel_loop3A_733 : vector<16xf32>
        %parallel_loop3A_741 = arith.mulf %parallel_loop3A_733, %parallel_loop3A_733 : vector<16xf32>
        %parallel_loop3A_742 = arith.addf %parallel_loop3A_722, %parallel_loop3A_741 : vector<16xf32>
        %parallel_loop3A_743 = arith.index_cast %select_n3A_138 : i32 to index
        %parallel_loop3A_744 = arith.index_cast %parallel_loop3A_202 : i32 to index
        %parallel_loop3A_745 = arith.constant 432 : index
        %parallel_loop3A_746 = tpu.vector_load %arg11[%parallel_loop3A_743, %parallel_loop3A_744, %parallel_loop3A_745] {strides = array<i32>} : memref<3x32x768xf32, #tpu.memory_space<vmem>>, vector<1x1x16xf32>,
        %parallel_loop3A_747 = vector.shape_cast %parallel_loop3A_746 : vector<1x1x16xf32> to vector<16xf32>
        %parallel_loop3A_748 = arith.index_cast %select_n3A_154 : i32 to index
        %parallel_loop3A_749 = arith.index_cast %parallel_loop3A_202 : i32 to index
        %parallel_loop3A_750 = arith.constant 432 : index
        %parallel_loop3A_751 = tpu.vector_load %arg12[%parallel_loop3A_748, %parallel_loop3A_749, %parallel_loop3A_750] {strides = array<i32>} : memref<2x32x768xf32, #tpu.memory_space<vmem>>, vector<1x1x16xf32>,
        %parallel_loop3A_752 = vector.shape_cast %parallel_loop3A_751 : vector<1x1x16xf32> to vector<16xf32>
        %parallel_loop3A_753 = arith.addf %parallel_loop3A_747, %parallel_loop3A_752 : vector<16xf32>
        %parallel_loop3A_754 = arith.index_cast %select_n3A_138 : i32 to index
        %parallel_loop3A_755 = arith.index_cast %parallel_loop3A_202 : i32 to index
        %parallel_loop3A_756 = arith.constant 432 : index
        %parallel_loop3A_757 = tpu.vector_load %arg11[%parallel_loop3A_754, %parallel_loop3A_755, %parallel_loop3A_756] {strides = array<i32>} : memref<3x32x768xf32, #tpu.memory_space<vmem>>, vector<1x1x16xf32>,
        %parallel_loop3A_758 = vector.shape_cast %parallel_loop3A_757 : vector<1x1x16xf32> to vector<16xf32>
        %parallel_loop3A_759 = vector.shape_cast %parallel_loop3A_753 : vector<16xf32> to vector<1x1x16xf32>
        tpu.vector_store %arg11[%parallel_loop3A_754, %parallel_loop3A_755, %parallel_loop3A_756], %parallel_loop3A_759 {strides = array<i32>} : memref<3x32x768xf32, #tpu.memory_space<vmem>>, vector<1x1x16xf32>,
        %parallel_loop3A_760 = arith.addf %parallel_loop3A_740, %parallel_loop3A_753 : vector<16xf32>
        %parallel_loop3A_761 = arith.mulf %parallel_loop3A_753, %parallel_loop3A_753 : vector<16xf32>
        %parallel_loop3A_762 = arith.addf %parallel_loop3A_742, %parallel_loop3A_761 : vector<16xf32>
        %parallel_loop3A_763 = arith.index_cast %select_n3A_138 : i32 to index
        %parallel_loop3A_764 = arith.index_cast %parallel_loop3A_202 : i32 to index
        %parallel_loop3A_765 = arith.constant 448 : index
        %parallel_loop3A_766 = tpu.vector_load %arg11[%parallel_loop3A_763, %parallel_loop3A_764, %parallel_loop3A_765] {strides = array<i32>} : memref<3x32x768xf32, #tpu.memory_space<vmem>>, vector<1x1x16xf32>,
        %parallel_loop3A_767 = vector.shape_cast %parallel_loop3A_766 : vector<1x1x16xf32> to vector<16xf32>
        %parallel_loop3A_768 = arith.index_cast %select_n3A_154 : i32 to index
        %parallel_loop3A_769 = arith.index_cast %parallel_loop3A_202 : i32 to index
        %parallel_loop3A_770 = arith.constant 448 : index
        %parallel_loop3A_771 = tpu.vector_load %arg12[%parallel_loop3A_768, %parallel_loop3A_769, %parallel_loop3A_770] {strides = array<i32>} : memref<2x32x768xf32, #tpu.memory_space<vmem>>, vector<1x1x16xf32>,
        %parallel_loop3A_772 = vector.shape_cast %parallel_loop3A_771 : vector<1x1x16xf32> to vector<16xf32>
        %parallel_loop3A_773 = arith.addf %parallel_loop3A_767, %parallel_loop3A_772 : vector<16xf32>
        %parallel_loop3A_774 = arith.index_cast %select_n3A_138 : i32 to index
        %parallel_loop3A_775 = arith.index_cast %parallel_loop3A_202 : i32 to index
        %parallel_loop3A_776 = arith.constant 448 : index
        %parallel_loop3A_777 = tpu.vector_load %arg11[%parallel_loop3A_774, %parallel_loop3A_775, %parallel_loop3A_776] {strides = array<i32>} : memref<3x32x768xf32, #tpu.memory_space<vmem>>, vector<1x1x16xf32>,
        %parallel_loop3A_778 = vector.shape_cast %parallel_loop3A_777 : vector<1x1x16xf32> to vector<16xf32>
        %parallel_loop3A_779 = vector.shape_cast %parallel_loop3A_773 : vector<16xf32> to vector<1x1x16xf32>
        tpu.vector_store %arg11[%parallel_loop3A_774, %parallel_loop3A_775, %parallel_loop3A_776], %parallel_loop3A_779 {strides = array<i32>} : memref<3x32x768xf32, #tpu.memory_space<vmem>>, vector<1x1x16xf32>,
        %parallel_loop3A_780 = arith.addf %parallel_loop3A_760, %parallel_loop3A_773 : vector<16xf32>
        %parallel_loop3A_781 = arith.mulf %parallel_loop3A_773, %parallel_loop3A_773 : vector<16xf32>
        %parallel_loop3A_782 = arith.addf %parallel_loop3A_762, %parallel_loop3A_781 : vector<16xf32>
        %parallel_loop3A_783 = arith.index_cast %select_n3A_138 : i32 to index
        %parallel_loop3A_784 = arith.index_cast %parallel_loop3A_202 : i32 to index
        %parallel_loop3A_785 = arith.constant 464 : index
        %parallel_loop3A_786 = tpu.vector_load %arg11[%parallel_loop3A_783, %parallel_loop3A_784, %parallel_loop3A_785] {strides = array<i32>} : memref<3x32x768xf32, #tpu.memory_space<vmem>>, vector<1x1x16xf32>,
        %parallel_loop3A_787 = vector.shape_cast %parallel_loop3A_786 : vector<1x1x16xf32> to vector<16xf32>
        %parallel_loop3A_788 = arith.index_cast %select_n3A_154 : i32 to index
        %parallel_loop3A_789 = arith.index_cast %parallel_loop3A_202 : i32 to index
        %parallel_loop3A_790 = arith.constant 464 : index
        %parallel_loop3A_791 = tpu.vector_load %arg12[%parallel_loop3A_788, %parallel_loop3A_789, %parallel_loop3A_790] {strides = array<i32>} : memref<2x32x768xf32, #tpu.memory_space<vmem>>, vector<1x1x16xf32>,
        %parallel_loop3A_792 = vector.shape_cast %parallel_loop3A_791 : vector<1x1x16xf32> to vector<16xf32>
        %parallel_loop3A_793 = arith.addf %parallel_loop3A_787, %parallel_loop3A_792 : vector<16xf32>
        %parallel_loop3A_794 = arith.index_cast %select_n3A_138 : i32 to index
        %parallel_loop3A_795 = arith.index_cast %parallel_loop3A_202 : i32 to index
        %parallel_loop3A_796 = arith.constant 464 : index
        %parallel_loop3A_797 = tpu.vector_load %arg11[%parallel_loop3A_794, %parallel_loop3A_795, %parallel_loop3A_796] {strides = array<i32>} : memref<3x32x768xf32, #tpu.memory_space<vmem>>, vector<1x1x16xf32>,
        %parallel_loop3A_798 = vector.shape_cast %parallel_loop3A_797 : vector<1x1x16xf32> to vector<16xf32>
        %parallel_loop3A_799 = vector.shape_cast %parallel_loop3A_793 : vector<16xf32> to vector<1x1x16xf32>
        tpu.vector_store %arg11[%parallel_loop3A_794, %parallel_loop3A_795, %parallel_loop3A_796], %parallel_loop3A_799 {strides = array<i32>} : memref<3x32x768xf32, #tpu.memory_space<vmem>>, vector<1x1x16xf32>,
        %parallel_loop3A_800 = arith.addf %parallel_loop3A_780, %parallel_loop3A_793 : vector<16xf32>
        %parallel_loop3A_801 = arith.mulf %parallel_loop3A_793, %parallel_loop3A_793 : vector<16xf32>
        %parallel_loop3A_802 = arith.addf %parallel_loop3A_782, %parallel_loop3A_801 : vector<16xf32>
        %parallel_loop3A_803 = arith.index_cast %select_n3A_138 : i32 to index
        %parallel_loop3A_804 = arith.index_cast %parallel_loop3A_202 : i32 to index
        %parallel_loop3A_805 = arith.constant 480 : index
        %parallel_loop3A_806 = tpu.vector_load %arg11[%parallel_loop3A_803, %parallel_loop3A_804, %parallel_loop3A_805] {strides = array<i32>} : memref<3x32x768xf32, #tpu.memory_space<vmem>>, vector<1x1x16xf32>,
        %parallel_loop3A_807 = vector.shape_cast %parallel_loop3A_806 : vector<1x1x16xf32> to vector<16xf32>
        %parallel_loop3A_808 = arith.index_cast %select_n3A_154 : i32 to index
        %parallel_loop3A_809 = arith.index_cast %parallel_loop3A_202 : i32 to index
        %parallel_loop3A_810 = arith.constant 480 : index
        %parallel_loop3A_811 = tpu.vector_load %arg12[%parallel_loop3A_808, %parallel_loop3A_809, %parallel_loop3A_810] {strides = array<i32>} : memref<2x32x768xf32, #tpu.memory_space<vmem>>, vector<1x1x16xf32>,
        %parallel_loop3A_812 = vector.shape_cast %parallel_loop3A_811 : vector<1x1x16xf32> to vector<16xf32>
        %parallel_loop3A_813 = arith.addf %parallel_loop3A_807, %parallel_loop3A_812 : vector<16xf32>
        %parallel_loop3A_814 = arith.index_cast %select_n3A_138 : i32 to index
        %parallel_loop3A_815 = arith.index_cast %parallel_loop3A_202 : i32 to index
        %parallel_loop3A_816 = arith.constant 480 : index
        %parallel_loop3A_817 = tpu.vector_load %arg11[%parallel_loop3A_814, %parallel_loop3A_815, %parallel_loop3A_816] {strides = array<i32>} : memref<3x32x768xf32, #tpu.memory_space<vmem>>, vector<1x1x16xf32>,
        %parallel_loop3A_818 = vector.shape_cast %parallel_loop3A_817 : vector<1x1x16xf32> to vector<16xf32>
        %parallel_loop3A_819 = vector.shape_cast %parallel_loop3A_813 : vector<16xf32> to vector<1x1x16xf32>
        tpu.vector_store %arg11[%parallel_loop3A_814, %parallel_loop3A_815, %parallel_loop3A_816], %parallel_loop3A_819 {strides = array<i32>} : memref<3x32x768xf32, #tpu.memory_space<vmem>>, vector<1x1x16xf32>,
        %parallel_loop3A_820 = arith.addf %parallel_loop3A_800, %parallel_loop3A_813 : vector<16xf32>
        %parallel_loop3A_821 = arith.mulf %parallel_loop3A_813, %parallel_loop3A_813 : vector<16xf32>
        %parallel_loop3A_822 = arith.addf %parallel_loop3A_802, %parallel_loop3A_821 : vector<16xf32>
        %parallel_loop3A_823 = arith.index_cast %select_n3A_138 : i32 to index
        %parallel_loop3A_824 = arith.index_cast %parallel_loop3A_202 : i32 to index
        %parallel_loop3A_825 = arith.constant 496 : index
        %parallel_loop3A_826 = tpu.vector_load %arg11[%parallel_loop3A_823, %parallel_loop3A_824, %parallel_loop3A_825] {strides = array<i32>} : memref<3x32x768xf32, #tpu.memory_space<vmem>>, vector<1x1x16xf32>,
        %parallel_loop3A_827 = vector.shape_cast %parallel_loop3A_826 : vector<1x1x16xf32> to vector<16xf32>
        %parallel_loop3A_828 = arith.index_cast %select_n3A_154 : i32 to index
        %parallel_loop3A_829 = arith.index_cast %parallel_loop3A_202 : i32 to index
        %parallel_loop3A_830 = arith.constant 496 : index
        %parallel_loop3A_831 = tpu.vector_load %arg12[%parallel_loop3A_828, %parallel_loop3A_829, %parallel_loop3A_830] {strides = array<i32>} : memref<2x32x768xf32, #tpu.memory_space<vmem>>, vector<1x1x16xf32>,
        %parallel_loop3A_832 = vector.shape_cast %parallel_loop3A_831 : vector<1x1x16xf32> to vector<16xf32>
        %parallel_loop3A_833 = arith.addf %parallel_loop3A_827, %parallel_loop3A_832 : vector<16xf32>
        %parallel_loop3A_834 = arith.index_cast %select_n3A_138 : i32 to index
        %parallel_loop3A_835 = arith.index_cast %parallel_loop3A_202 : i32 to index
        %parallel_loop3A_836 = arith.constant 496 : index
        %parallel_loop3A_837 = tpu.vector_load %arg11[%parallel_loop3A_834, %parallel_loop3A_835, %parallel_loop3A_836] {strides = array<i32>} : memref<3x32x768xf32, #tpu.memory_space<vmem>>, vector<1x1x16xf32>,
        %parallel_loop3A_838 = vector.shape_cast %parallel_loop3A_837 : vector<1x1x16xf32> to vector<16xf32>
        %parallel_loop3A_839 = vector.shape_cast %parallel_loop3A_833 : vector<16xf32> to vector<1x1x16xf32>
        tpu.vector_store %arg11[%parallel_loop3A_834, %parallel_loop3A_835, %parallel_loop3A_836], %parallel_loop3A_839 {strides = array<i32>} : memref<3x32x768xf32, #tpu.memory_space<vmem>>, vector<1x1x16xf32>,
        %parallel_loop3A_840 = arith.addf %parallel_loop3A_820, %parallel_loop3A_833 : vector<16xf32>
        %parallel_loop3A_841 = arith.mulf %parallel_loop3A_833, %parallel_loop3A_833 : vector<16xf32>
        %parallel_loop3A_842 = arith.addf %parallel_loop3A_822, %parallel_loop3A_841 : vector<16xf32>
        %parallel_loop3A_843 = arith.index_cast %select_n3A_138 : i32 to index
        %parallel_loop3A_844 = arith.index_cast %parallel_loop3A_202 : i32 to index
        %parallel_loop3A_845 = arith.constant 512 : index
        %parallel_loop3A_846 = tpu.vector_load %arg11[%parallel_loop3A_843, %parallel_loop3A_844, %parallel_loop3A_845] {strides = array<i32>} : memref<3x32x768xf32, #tpu.memory_space<vmem>>, vector<1x1x16xf32>,
        %parallel_loop3A_847 = vector.shape_cast %parallel_loop3A_846 : vector<1x1x16xf32> to vector<16xf32>
        %parallel_loop3A_848 = arith.index_cast %select_n3A_154 : i32 to index
        %parallel_loop3A_849 = arith.index_cast %parallel_loop3A_202 : i32 to index
        %parallel_loop3A_850 = arith.constant 512 : index
        %parallel_loop3A_851 = tpu.vector_load %arg12[%parallel_loop3A_848, %parallel_loop3A_849, %parallel_loop3A_850] {strides = array<i32>} : memref<2x32x768xf32, #tpu.memory_space<vmem>>, vector<1x1x16xf32>,
        %parallel_loop3A_852 = vector.shape_cast %parallel_loop3A_851 : vector<1x1x16xf32> to vector<16xf32>
        %parallel_loop3A_853 = arith.addf %parallel_loop3A_847, %parallel_loop3A_852 : vector<16xf32>
        %parallel_loop3A_854 = arith.index_cast %select_n3A_138 : i32 to index
        %parallel_loop3A_855 = arith.index_cast %parallel_loop3A_202 : i32 to index
        %parallel_loop3A_856 = arith.constant 512 : index
        %parallel_loop3A_857 = tpu.vector_load %arg11[%parallel_loop3A_854, %parallel_loop3A_855, %parallel_loop3A_856] {strides = array<i32>} : memref<3x32x768xf32, #tpu.memory_space<vmem>>, vector<1x1x16xf32>,
        %parallel_loop3A_858 = vector.shape_cast %parallel_loop3A_857 : vector<1x1x16xf32> to vector<16xf32>
        %parallel_loop3A_859 = vector.shape_cast %parallel_loop3A_853 : vector<16xf32> to vector<1x1x16xf32>
        tpu.vector_store %arg11[%parallel_loop3A_854, %parallel_loop3A_855, %parallel_loop3A_856], %parallel_loop3A_859 {strides = array<i32>} : memref<3x32x768xf32, #tpu.memory_space<vmem>>, vector<1x1x16xf32>,
        %parallel_loop3A_860 = arith.addf %parallel_loop3A_840, %parallel_loop3A_853 : vector<16xf32>
        %parallel_loop3A_861 = arith.mulf %parallel_loop3A_853, %parallel_loop3A_853 : vector<16xf32>
        %parallel_loop3A_862 = arith.addf %parallel_loop3A_842, %parallel_loop3A_861 : vector<16xf32>
        %parallel_loop3A_863 = arith.index_cast %select_n3A_138 : i32 to index
        %parallel_loop3A_864 = arith.index_cast %parallel_loop3A_202 : i32 to index
        %parallel_loop3A_865 = arith.constant 528 : index
        %parallel_loop3A_866 = tpu.vector_load %arg11[%parallel_loop3A_863, %parallel_loop3A_864, %parallel_loop3A_865] {strides = array<i32>} : memref<3x32x768xf32, #tpu.memory_space<vmem>>, vector<1x1x16xf32>,
        %parallel_loop3A_867 = vector.shape_cast %parallel_loop3A_866 : vector<1x1x16xf32> to vector<16xf32>
        %parallel_loop3A_868 = arith.index_cast %select_n3A_154 : i32 to index
        %parallel_loop3A_869 = arith.index_cast %parallel_loop3A_202 : i32 to index
        %parallel_loop3A_870 = arith.constant 528 : index
        %parallel_loop3A_871 = tpu.vector_load %arg12[%parallel_loop3A_868, %parallel_loop3A_869, %parallel_loop3A_870] {strides = array<i32>} : memref<2x32x768xf32, #tpu.memory_space<vmem>>, vector<1x1x16xf32>,
        %parallel_loop3A_872 = vector.shape_cast %parallel_loop3A_871 : vector<1x1x16xf32> to vector<16xf32>
        %parallel_loop3A_873 = arith.addf %parallel_loop3A_867, %parallel_loop3A_872 : vector<16xf32>
        %parallel_loop3A_874 = arith.index_cast %select_n3A_138 : i32 to index
        %parallel_loop3A_875 = arith.index_cast %parallel_loop3A_202 : i32 to index
        %parallel_loop3A_876 = arith.constant 528 : index
        %parallel_loop3A_877 = tpu.vector_load %arg11[%parallel_loop3A_874, %parallel_loop3A_875, %parallel_loop3A_876] {strides = array<i32>} : memref<3x32x768xf32, #tpu.memory_space<vmem>>, vector<1x1x16xf32>,
        %parallel_loop3A_878 = vector.shape_cast %parallel_loop3A_877 : vector<1x1x16xf32> to vector<16xf32>
        %parallel_loop3A_879 = vector.shape_cast %parallel_loop3A_873 : vector<16xf32> to vector<1x1x16xf32>
        tpu.vector_store %arg11[%parallel_loop3A_874, %parallel_loop3A_875, %parallel_loop3A_876], %parallel_loop3A_879 {strides = array<i32>} : memref<3x32x768xf32, #tpu.memory_space<vmem>>, vector<1x1x16xf32>,
        %parallel_loop3A_880 = arith.addf %parallel_loop3A_860, %parallel_loop3A_873 : vector<16xf32>
        %parallel_loop3A_881 = arith.mulf %parallel_loop3A_873, %parallel_loop3A_873 : vector<16xf32>
        %parallel_loop3A_882 = arith.addf %parallel_loop3A_862, %parallel_loop3A_881 : vector<16xf32>
        %parallel_loop3A_883 = arith.index_cast %select_n3A_138 : i32 to index
        %parallel_loop3A_884 = arith.index_cast %parallel_loop3A_202 : i32 to index
        %parallel_loop3A_885 = arith.constant 544 : index
        %parallel_loop3A_886 = tpu.vector_load %arg11[%parallel_loop3A_883, %parallel_loop3A_884, %parallel_loop3A_885] {strides = array<i32>} : memref<3x32x768xf32, #tpu.memory_space<vmem>>, vector<1x1x16xf32>,
        %parallel_loop3A_887 = vector.shape_cast %parallel_loop3A_886 : vector<1x1x16xf32> to vector<16xf32>
        %parallel_loop3A_888 = arith.index_cast %select_n3A_154 : i32 to index
        %parallel_loop3A_889 = arith.index_cast %parallel_loop3A_202 : i32 to index
        %parallel_loop3A_890 = arith.constant 544 : index
        %parallel_loop3A_891 = tpu.vector_load %arg12[%parallel_loop3A_888, %parallel_loop3A_889, %parallel_loop3A_890] {strides = array<i32>} : memref<2x32x768xf32, #tpu.memory_space<vmem>>, vector<1x1x16xf32>,
        %parallel_loop3A_892 = vector.shape_cast %parallel_loop3A_891 : vector<1x1x16xf32> to vector<16xf32>
        %parallel_loop3A_893 = arith.addf %parallel_loop3A_887, %parallel_loop3A_892 : vector<16xf32>
        %parallel_loop3A_894 = arith.index_cast %select_n3A_138 : i32 to index
        %parallel_loop3A_895 = arith.index_cast %parallel_loop3A_202 : i32 to index
        %parallel_loop3A_896 = arith.constant 544 : index
        %parallel_loop3A_897 = tpu.vector_load %arg11[%parallel_loop3A_894, %parallel_loop3A_895, %parallel_loop3A_896] {strides = array<i32>} : memref<3x32x768xf32, #tpu.memory_space<vmem>>, vector<1x1x16xf32>,
        %parallel_loop3A_898 = vector.shape_cast %parallel_loop3A_897 : vector<1x1x16xf32> to vector<16xf32>
        %parallel_loop3A_899 = vector.shape_cast %parallel_loop3A_893 : vector<16xf32> to vector<1x1x16xf32>
        tpu.vector_store %arg11[%parallel_loop3A_894, %parallel_loop3A_895, %parallel_loop3A_896], %parallel_loop3A_899 {strides = array<i32>} : memref<3x32x768xf32, #tpu.memory_space<vmem>>, vector<1x1x16xf32>,
        %parallel_loop3A_900 = arith.addf %parallel_loop3A_880, %parallel_loop3A_893 : vector<16xf32>
        %parallel_loop3A_901 = arith.mulf %parallel_loop3A_893, %parallel_loop3A_893 : vector<16xf32>
        %parallel_loop3A_902 = arith.addf %parallel_loop3A_882, %parallel_loop3A_901 : vector<16xf32>
        %parallel_loop3A_903 = arith.index_cast %select_n3A_138 : i32 to index
        %parallel_loop3A_904 = arith.index_cast %parallel_loop3A_202 : i32 to index
        %parallel_loop3A_905 = arith.constant 560 : index
        %parallel_loop3A_906 = tpu.vector_load %arg11[%parallel_loop3A_903, %parallel_loop3A_904, %parallel_loop3A_905] {strides = array<i32>} : memref<3x32x768xf32, #tpu.memory_space<vmem>>, vector<1x1x16xf32>,
        %parallel_loop3A_907 = vector.shape_cast %parallel_loop3A_906 : vector<1x1x16xf32> to vector<16xf32>
        %parallel_loop3A_908 = arith.index_cast %select_n3A_154 : i32 to index
        %parallel_loop3A_909 = arith.index_cast %parallel_loop3A_202 : i32 to index
        %parallel_loop3A_910 = arith.constant 560 : index
        %parallel_loop3A_911 = tpu.vector_load %arg12[%parallel_loop3A_908, %parallel_loop3A_909, %parallel_loop3A_910] {strides = array<i32>} : memref<2x32x768xf32, #tpu.memory_space<vmem>>, vector<1x1x16xf32>,
        %parallel_loop3A_912 = vector.shape_cast %parallel_loop3A_911 : vector<1x1x16xf32> to vector<16xf32>
        %parallel_loop3A_913 = arith.addf %parallel_loop3A_907, %parallel_loop3A_912 : vector<16xf32>
        %parallel_loop3A_914 = arith.index_cast %select_n3A_138 : i32 to index
        %parallel_loop3A_915 = arith.index_cast %parallel_loop3A_202 : i32 to index
        %parallel_loop3A_916 = arith.constant 560 : index
        %parallel_loop3A_917 = tpu.vector_load %arg11[%parallel_loop3A_914, %parallel_loop3A_915, %parallel_loop3A_916] {strides = array<i32>} : memref<3x32x768xf32, #tpu.memory_space<vmem>>, vector<1x1x16xf32>,
        %parallel_loop3A_918 = vector.shape_cast %parallel_loop3A_917 : vector<1x1x16xf32> to vector<16xf32>
        %parallel_loop3A_919 = vector.shape_cast %parallel_loop3A_913 : vector<16xf32> to vector<1x1x16xf32>
        tpu.vector_store %arg11[%parallel_loop3A_914, %parallel_loop3A_915, %parallel_loop3A_916], %parallel_loop3A_919 {strides = array<i32>} : memref<3x32x768xf32, #tpu.memory_space<vmem>>, vector<1x1x16xf32>,
        %parallel_loop3A_920 = arith.addf %parallel_loop3A_900, %parallel_loop3A_913 : vector<16xf32>
        %parallel_loop3A_921 = arith.mulf %parallel_loop3A_913, %parallel_loop3A_913 : vector<16xf32>
        %parallel_loop3A_922 = arith.addf %parallel_loop3A_902, %parallel_loop3A_921 : vector<16xf32>
        %parallel_loop3A_923 = arith.index_cast %select_n3A_138 : i32 to index
        %parallel_loop3A_924 = arith.index_cast %parallel_loop3A_202 : i32 to index
        %parallel_loop3A_925 = arith.constant 576 : index
        %parallel_loop3A_926 = tpu.vector_load %arg11[%parallel_loop3A_923, %parallel_loop3A_924, %parallel_loop3A_925] {strides = array<i32>} : memref<3x32x768xf32, #tpu.memory_space<vmem>>, vector<1x1x16xf32>,
        %parallel_loop3A_927 = vector.shape_cast %parallel_loop3A_926 : vector<1x1x16xf32> to vector<16xf32>
        %parallel_loop3A_928 = arith.index_cast %select_n3A_154 : i32 to index
        %parallel_loop3A_929 = arith.index_cast %parallel_loop3A_202 : i32 to index
        %parallel_loop3A_930 = arith.constant 576 : index
        %parallel_loop3A_931 = tpu.vector_load %arg12[%parallel_loop3A_928, %parallel_loop3A_929, %parallel_loop3A_930] {strides = array<i32>} : memref<2x32x768xf32, #tpu.memory_space<vmem>>, vector<1x1x16xf32>,
        %parallel_loop3A_932 = vector.shape_cast %parallel_loop3A_931 : vector<1x1x16xf32> to vector<16xf32>
        %parallel_loop3A_933 = arith.addf %parallel_loop3A_927, %parallel_loop3A_932 : vector<16xf32>
        %parallel_loop3A_934 = arith.index_cast %select_n3A_138 : i32 to index
        %parallel_loop3A_935 = arith.index_cast %parallel_loop3A_202 : i32 to index
        %parallel_loop3A_936 = arith.constant 576 : index
        %parallel_loop3A_937 = tpu.vector_load %arg11[%parallel_loop3A_934, %parallel_loop3A_935, %parallel_loop3A_936] {strides = array<i32>} : memref<3x32x768xf32, #tpu.memory_space<vmem>>, vector<1x1x16xf32>,
        %parallel_loop3A_938 = vector.shape_cast %parallel_loop3A_937 : vector<1x1x16xf32> to vector<16xf32>
        %parallel_loop3A_939 = vector.shape_cast %parallel_loop3A_933 : vector<16xf32> to vector<1x1x16xf32>
        tpu.vector_store %arg11[%parallel_loop3A_934, %parallel_loop3A_935, %parallel_loop3A_936], %parallel_loop3A_939 {strides = array<i32>} : memref<3x32x768xf32, #tpu.memory_space<vmem>>, vector<1x1x16xf32>,
        %parallel_loop3A_940 = arith.addf %parallel_loop3A_920, %parallel_loop3A_933 : vector<16xf32>
        %parallel_loop3A_941 = arith.mulf %parallel_loop3A_933, %parallel_loop3A_933 : vector<16xf32>
        %parallel_loop3A_942 = arith.addf %parallel_loop3A_922, %parallel_loop3A_941 : vector<16xf32>
        %parallel_loop3A_943 = arith.index_cast %select_n3A_138 : i32 to index
        %parallel_loop3A_944 = arith.index_cast %parallel_loop3A_202 : i32 to index
        %parallel_loop3A_945 = arith.constant 592 : index
        %parallel_loop3A_946 = tpu.vector_load %arg11[%parallel_loop3A_943, %parallel_loop3A_944, %parallel_loop3A_945] {strides = array<i32>} : memref<3x32x768xf32, #tpu.memory_space<vmem>>, vector<1x1x16xf32>,
        %parallel_loop3A_947 = vector.shape_cast %parallel_loop3A_946 : vector<1x1x16xf32> to vector<16xf32>
        %parallel_loop3A_948 = arith.index_cast %select_n3A_154 : i32 to index
        %parallel_loop3A_949 = arith.index_cast %parallel_loop3A_202 : i32 to index
        %parallel_loop3A_950 = arith.constant 592 : index
        %parallel_loop3A_951 = tpu.vector_load %arg12[%parallel_loop3A_948, %parallel_loop3A_949, %parallel_loop3A_950] {strides = array<i32>} : memref<2x32x768xf32, #tpu.memory_space<vmem>>, vector<1x1x16xf32>,
        %parallel_loop3A_952 = vector.shape_cast %parallel_loop3A_951 : vector<1x1x16xf32> to vector<16xf32>
        %parallel_loop3A_953 = arith.addf %parallel_loop3A_947, %parallel_loop3A_952 : vector<16xf32>
        %parallel_loop3A_954 = arith.index_cast %select_n3A_138 : i32 to index
        %parallel_loop3A_955 = arith.index_cast %parallel_loop3A_202 : i32 to index
        %parallel_loop3A_956 = arith.constant 592 : index
        %parallel_loop3A_957 = tpu.vector_load %arg11[%parallel_loop3A_954, %parallel_loop3A_955, %parallel_loop3A_956] {strides = array<i32>} : memref<3x32x768xf32, #tpu.memory_space<vmem>>, vector<1x1x16xf32>,
        %parallel_loop3A_958 = vector.shape_cast %parallel_loop3A_957 : vector<1x1x16xf32> to vector<16xf32>
        %parallel_loop3A_959 = vector.shape_cast %parallel_loop3A_953 : vector<16xf32> to vector<1x1x16xf32>
        tpu.vector_store %arg11[%parallel_loop3A_954, %parallel_loop3A_955, %parallel_loop3A_956], %parallel_loop3A_959 {strides = array<i32>} : memref<3x32x768xf32, #tpu.memory_space<vmem>>, vector<1x1x16xf32>,
        %parallel_loop3A_960 = arith.addf %parallel_loop3A_940, %parallel_loop3A_953 : vector<16xf32>
        %parallel_loop3A_961 = arith.mulf %parallel_loop3A_953, %parallel_loop3A_953 : vector<16xf32>
        %parallel_loop3A_962 = arith.addf %parallel_loop3A_942, %parallel_loop3A_961 : vector<16xf32>
        %parallel_loop3A_963 = arith.index_cast %select_n3A_138 : i32 to index
        %parallel_loop3A_964 = arith.index_cast %parallel_loop3A_202 : i32 to index
        %parallel_loop3A_965 = arith.constant 608 : index
        %parallel_loop3A_966 = tpu.vector_load %arg11[%parallel_loop3A_963, %parallel_loop3A_964, %parallel_loop3A_965] {strides = array<i32>} : memref<3x32x768xf32, #tpu.memory_space<vmem>>, vector<1x1x16xf32>,
        %parallel_loop3A_967 = vector.shape_cast %parallel_loop3A_966 : vector<1x1x16xf32> to vector<16xf32>
        %parallel_loop3A_968 = arith.index_cast %select_n3A_154 : i32 to index
        %parallel_loop3A_969 = arith.index_cast %parallel_loop3A_202 : i32 to index
        %parallel_loop3A_970 = arith.constant 608 : index
        %parallel_loop3A_971 = tpu.vector_load %arg12[%parallel_loop3A_968, %parallel_loop3A_969, %parallel_loop3A_970] {strides = array<i32>} : memref<2x32x768xf32, #tpu.memory_space<vmem>>, vector<1x1x16xf32>,
        %parallel_loop3A_972 = vector.shape_cast %parallel_loop3A_971 : vector<1x1x16xf32> to vector<16xf32>
        %parallel_loop3A_973 = arith.addf %parallel_loop3A_967, %parallel_loop3A_972 : vector<16xf32>
        %parallel_loop3A_974 = arith.index_cast %select_n3A_138 : i32 to index
        %parallel_loop3A_975 = arith.index_cast %parallel_loop3A_202 : i32 to index
        %parallel_loop3A_976 = arith.constant 608 : index
        %parallel_loop3A_977 = tpu.vector_load %arg11[%parallel_loop3A_974, %parallel_loop3A_975, %parallel_loop3A_976] {strides = array<i32>} : memref<3x32x768xf32, #tpu.memory_space<vmem>>, vector<1x1x16xf32>,
        %parallel_loop3A_978 = vector.shape_cast %parallel_loop3A_977 : vector<1x1x16xf32> to vector<16xf32>
        %parallel_loop3A_979 = vector.shape_cast %parallel_loop3A_973 : vector<16xf32> to vector<1x1x16xf32>
        tpu.vector_store %arg11[%parallel_loop3A_974, %parallel_loop3A_975, %parallel_loop3A_976], %parallel_loop3A_979 {strides = array<i32>} : memref<3x32x768xf32, #tpu.memory_space<vmem>>, vector<1x1x16xf32>,
        %parallel_loop3A_980 = arith.addf %parallel_loop3A_960, %parallel_loop3A_973 : vector<16xf32>
        %parallel_loop3A_981 = arith.mulf %parallel_loop3A_973, %parallel_loop3A_973 : vector<16xf32>
        %parallel_loop3A_982 = arith.addf %parallel_loop3A_962, %parallel_loop3A_981 : vector<16xf32>
        %parallel_loop3A_983 = arith.index_cast %select_n3A_138 : i32 to index
        %parallel_loop3A_984 = arith.index_cast %parallel_loop3A_202 : i32 to index
        %parallel_loop3A_985 = arith.constant 624 : index
        %parallel_loop3A_986 = tpu.vector_load %arg11[%parallel_loop3A_983, %parallel_loop3A_984, %parallel_loop3A_985] {strides = array<i32>} : memref<3x32x768xf32, #tpu.memory_space<vmem>>, vector<1x1x16xf32>,
        %parallel_loop3A_987 = vector.shape_cast %parallel_loop3A_986 : vector<1x1x16xf32> to vector<16xf32>
        %parallel_loop3A_988 = arith.index_cast %select_n3A_154 : i32 to index
        %parallel_loop3A_989 = arith.index_cast %parallel_loop3A_202 : i32 to index
        %parallel_loop3A_990 = arith.constant 624 : index
        %parallel_loop3A_991 = tpu.vector_load %arg12[%parallel_loop3A_988, %parallel_loop3A_989, %parallel_loop3A_990] {strides = array<i32>} : memref<2x32x768xf32, #tpu.memory_space<vmem>>, vector<1x1x16xf32>,
        %parallel_loop3A_992 = vector.shape_cast %parallel_loop3A_991 : vector<1x1x16xf32> to vector<16xf32>
        %parallel_loop3A_993 = arith.addf %parallel_loop3A_987, %parallel_loop3A_992 : vector<16xf32>
        %parallel_loop3A_994 = arith.index_cast %select_n3A_138 : i32 to index
        %parallel_loop3A_995 = arith.index_cast %parallel_loop3A_202 : i32 to index
        %parallel_loop3A_996 = arith.constant 624 : index
        %parallel_loop3A_997 = tpu.vector_load %arg11[%parallel_loop3A_994, %parallel_loop3A_995, %parallel_loop3A_996] {strides = array<i32>} : memref<3x32x768xf32, #tpu.memory_space<vmem>>, vector<1x1x16xf32>,
        %parallel_loop3A_998 = vector.shape_cast %parallel_loop3A_997 : vector<1x1x16xf32> to vector<16xf32>
        %parallel_loop3A_999 = vector.shape_cast %parallel_loop3A_993 : vector<16xf32> to vector<1x1x16xf32>
        tpu.vector_store %arg11[%parallel_loop3A_994, %parallel_loop3A_995, %parallel_loop3A_996], %parallel_loop3A_999 {strides = array<i32>} : memref<3x32x768xf32, #tpu.memory_space<vmem>>, vector<1x1x16xf32>,
        %parallel_loop3A_1000 = arith.addf %parallel_loop3A_980, %parallel_loop3A_993 : vector<16xf32>
        %parallel_loop3A_1001 = arith.mulf %parallel_loop3A_993, %parallel_loop3A_993 : vector<16xf32>
        %parallel_loop3A_1002 = arith.addf %parallel_loop3A_982, %parallel_loop3A_1001 : vector<16xf32>
        %parallel_loop3A_1003 = arith.index_cast %select_n3A_138 : i32 to index
        %parallel_loop3A_1004 = arith.index_cast %parallel_loop3A_202 : i32 to index
        %parallel_loop3A_1005 = arith.constant 640 : index
        %parallel_loop3A_1006 = tpu.vector_load %arg11[%parallel_loop3A_1003, %parallel_loop3A_1004, %parallel_loop3A_1005] {strides = array<i32>} : memref<3x32x768xf32, #tpu.memory_space<vmem>>, vector<1x1x16xf32>,
        %parallel_loop3A_1007 = vector.shape_cast %parallel_loop3A_1006 : vector<1x1x16xf32> to vector<16xf32>
        %parallel_loop3A_1008 = arith.index_cast %select_n3A_154 : i32 to index
        %parallel_loop3A_1009 = arith.index_cast %parallel_loop3A_202 : i32 to index
        %parallel_loop3A_1010 = arith.constant 640 : index
        %parallel_loop3A_1011 = tpu.vector_load %arg12[%parallel_loop3A_1008, %parallel_loop3A_1009, %parallel_loop3A_1010] {strides = array<i32>} : memref<2x32x768xf32, #tpu.memory_space<vmem>>, vector<1x1x16xf32>,
        %parallel_loop3A_1012 = vector.shape_cast %parallel_loop3A_1011 : vector<1x1x16xf32> to vector<16xf32>
        %parallel_loop3A_1013 = arith.addf %parallel_loop3A_1007, %parallel_loop3A_1012 : vector<16xf32>
        %parallel_loop3A_1014 = arith.index_cast %select_n3A_138 : i32 to index
        %parallel_loop3A_1015 = arith.index_cast %parallel_loop3A_202 : i32 to index
        %parallel_loop3A_1016 = arith.constant 640 : index
        %parallel_loop3A_1017 = tpu.vector_load %arg11[%parallel_loop3A_1014, %parallel_loop3A_1015, %parallel_loop3A_1016] {strides = array<i32>} : memref<3x32x768xf32, #tpu.memory_space<vmem>>, vector<1x1x16xf32>,
        %parallel_loop3A_1018 = vector.shape_cast %parallel_loop3A_1017 : vector<1x1x16xf32> to vector<16xf32>
        %parallel_loop3A_1019 = vector.shape_cast %parallel_loop3A_1013 : vector<16xf32> to vector<1x1x16xf32>
        tpu.vector_store %arg11[%parallel_loop3A_1014, %parallel_loop3A_1015, %parallel_loop3A_1016], %parallel_loop3A_1019 {strides = array<i32>} : memref<3x32x768xf32, #tpu.memory_space<vmem>>, vector<1x1x16xf32>,
        %parallel_loop3A_1020 = arith.addf %parallel_loop3A_1000, %parallel_loop3A_1013 : vector<16xf32>
        %parallel_loop3A_1021 = arith.mulf %parallel_loop3A_1013, %parallel_loop3A_1013 : vector<16xf32>
        %parallel_loop3A_1022 = arith.addf %parallel_loop3A_1002, %parallel_loop3A_1021 : vector<16xf32>
        %parallel_loop3A_1023 = arith.index_cast %select_n3A_138 : i32 to index
        %parallel_loop3A_1024 = arith.index_cast %parallel_loop3A_202 : i32 to index
        %parallel_loop3A_1025 = arith.constant 656 : index
        %parallel_loop3A_1026 = tpu.vector_load %arg11[%parallel_loop3A_1023, %parallel_loop3A_1024, %parallel_loop3A_1025] {strides = array<i32>} : memref<3x32x768xf32, #tpu.memory_space<vmem>>, vector<1x1x16xf32>,
        %parallel_loop3A_1027 = vector.shape_cast %parallel_loop3A_1026 : vector<1x1x16xf32> to vector<16xf32>
        %parallel_loop3A_1028 = arith.index_cast %select_n3A_154 : i32 to index
        %parallel_loop3A_1029 = arith.index_cast %parallel_loop3A_202 : i32 to index
        %parallel_loop3A_1030 = arith.constant 656 : index
        %parallel_loop3A_1031 = tpu.vector_load %arg12[%parallel_loop3A_1028, %parallel_loop3A_1029, %parallel_loop3A_1030] {strides = array<i32>} : memref<2x32x768xf32, #tpu.memory_space<vmem>>, vector<1x1x16xf32>,
        %parallel_loop3A_1032 = vector.shape_cast %parallel_loop3A_1031 : vector<1x1x16xf32> to vector<16xf32>
        %parallel_loop3A_1033 = arith.addf %parallel_loop3A_1027, %parallel_loop3A_1032 : vector<16xf32>
        %parallel_loop3A_1034 = arith.index_cast %select_n3A_138 : i32 to index
        %parallel_loop3A_1035 = arith.index_cast %parallel_loop3A_202 : i32 to index
        %parallel_loop3A_1036 = arith.constant 656 : index
        %parallel_loop3A_1037 = tpu.vector_load %arg11[%parallel_loop3A_1034, %parallel_loop3A_1035, %parallel_loop3A_1036] {strides = array<i32>} : memref<3x32x768xf32, #tpu.memory_space<vmem>>, vector<1x1x16xf32>,
        %parallel_loop3A_1038 = vector.shape_cast %parallel_loop3A_1037 : vector<1x1x16xf32> to vector<16xf32>
        %parallel_loop3A_1039 = vector.shape_cast %parallel_loop3A_1033 : vector<16xf32> to vector<1x1x16xf32>
        tpu.vector_store %arg11[%parallel_loop3A_1034, %parallel_loop3A_1035, %parallel_loop3A_1036], %parallel_loop3A_1039 {strides = array<i32>} : memref<3x32x768xf32, #tpu.memory_space<vmem>>, vector<1x1x16xf32>,
        %parallel_loop3A_1040 = arith.addf %parallel_loop3A_1020, %parallel_loop3A_1033 : vector<16xf32>
        %parallel_loop3A_1041 = arith.mulf %parallel_loop3A_1033, %parallel_loop3A_1033 : vector<16xf32>
        %parallel_loop3A_1042 = arith.addf %parallel_loop3A_1022, %parallel_loop3A_1041 : vector<16xf32>
        %parallel_loop3A_1043 = arith.index_cast %select_n3A_138 : i32 to index
        %parallel_loop3A_1044 = arith.index_cast %parallel_loop3A_202 : i32 to index
        %parallel_loop3A_1045 = arith.constant 672 : index
        %parallel_loop3A_1046 = tpu.vector_load %arg11[%parallel_loop3A_1043, %parallel_loop3A_1044, %parallel_loop3A_1045] {strides = array<i32>} : memref<3x32x768xf32, #tpu.memory_space<vmem>>, vector<1x1x16xf32>,
        %parallel_loop3A_1047 = vector.shape_cast %parallel_loop3A_1046 : vector<1x1x16xf32> to vector<16xf32>
        %parallel_loop3A_1048 = arith.index_cast %select_n3A_154 : i32 to index
        %parallel_loop3A_1049 = arith.index_cast %parallel_loop3A_202 : i32 to index
        %parallel_loop3A_1050 = arith.constant 672 : index
        %parallel_loop3A_1051 = tpu.vector_load %arg12[%parallel_loop3A_1048, %parallel_loop3A_1049, %parallel_loop3A_1050] {strides = array<i32>} : memref<2x32x768xf32, #tpu.memory_space<vmem>>, vector<1x1x16xf32>,
        %parallel_loop3A_1052 = vector.shape_cast %parallel_loop3A_1051 : vector<1x1x16xf32> to vector<16xf32>
        %parallel_loop3A_1053 = arith.addf %parallel_loop3A_1047, %parallel_loop3A_1052 : vector<16xf32>
        %parallel_loop3A_1054 = arith.index_cast %select_n3A_138 : i32 to index
        %parallel_loop3A_1055 = arith.index_cast %parallel_loop3A_202 : i32 to index
        %parallel_loop3A_1056 = arith.constant 672 : index
        %parallel_loop3A_1057 = tpu.vector_load %arg11[%parallel_loop3A_1054, %parallel_loop3A_1055, %parallel_loop3A_1056] {strides = array<i32>} : memref<3x32x768xf32, #tpu.memory_space<vmem>>, vector<1x1x16xf32>,
        %parallel_loop3A_1058 = vector.shape_cast %parallel_loop3A_1057 : vector<1x1x16xf32> to vector<16xf32>
        %parallel_loop3A_1059 = vector.shape_cast %parallel_loop3A_1053 : vector<16xf32> to vector<1x1x16xf32>
        tpu.vector_store %arg11[%parallel_loop3A_1054, %parallel_loop3A_1055, %parallel_loop3A_1056], %parallel_loop3A_1059 {strides = array<i32>} : memref<3x32x768xf32, #tpu.memory_space<vmem>>, vector<1x1x16xf32>,
        %parallel_loop3A_1060 = arith.addf %parallel_loop3A_1040, %parallel_loop3A_1053 : vector<16xf32>
        %parallel_loop3A_1061 = arith.mulf %parallel_loop3A_1053, %parallel_loop3A_1053 : vector<16xf32>
        %parallel_loop3A_1062 = arith.addf %parallel_loop3A_1042, %parallel_loop3A_1061 : vector<16xf32>
        %parallel_loop3A_1063 = arith.index_cast %select_n3A_138 : i32 to index
        %parallel_loop3A_1064 = arith.index_cast %parallel_loop3A_202 : i32 to index
        %parallel_loop3A_1065 = arith.constant 688 : index
        %parallel_loop3A_1066 = tpu.vector_load %arg11[%parallel_loop3A_1063, %parallel_loop3A_1064, %parallel_loop3A_1065] {strides = array<i32>} : memref<3x32x768xf32, #tpu.memory_space<vmem>>, vector<1x1x16xf32>,
        %parallel_loop3A_1067 = vector.shape_cast %parallel_loop3A_1066 : vector<1x1x16xf32> to vector<16xf32>
        %parallel_loop3A_1068 = arith.index_cast %select_n3A_154 : i32 to index
        %parallel_loop3A_1069 = arith.index_cast %parallel_loop3A_202 : i32 to index
        %parallel_loop3A_1070 = arith.constant 688 : index
        %parallel_loop3A_1071 = tpu.vector_load %arg12[%parallel_loop3A_1068, %parallel_loop3A_1069, %parallel_loop3A_1070] {strides = array<i32>} : memref<2x32x768xf32, #tpu.memory_space<vmem>>, vector<1x1x16xf32>,
        %parallel_loop3A_1072 = vector.shape_cast %parallel_loop3A_1071 : vector<1x1x16xf32> to vector<16xf32>
        %parallel_loop3A_1073 = arith.addf %parallel_loop3A_1067, %parallel_loop3A_1072 : vector<16xf32>
        %parallel_loop3A_1074 = arith.index_cast %select_n3A_138 : i32 to index
        %parallel_loop3A_1075 = arith.index_cast %parallel_loop3A_202 : i32 to index
        %parallel_loop3A_1076 = arith.constant 688 : index
        %parallel_loop3A_1077 = tpu.vector_load %arg11[%parallel_loop3A_1074, %parallel_loop3A_1075, %parallel_loop3A_1076] {strides = array<i32>} : memref<3x32x768xf32, #tpu.memory_space<vmem>>, vector<1x1x16xf32>,
        %parallel_loop3A_1078 = vector.shape_cast %parallel_loop3A_1077 : vector<1x1x16xf32> to vector<16xf32>
        %parallel_loop3A_1079 = vector.shape_cast %parallel_loop3A_1073 : vector<16xf32> to vector<1x1x16xf32>
        tpu.vector_store %arg11[%parallel_loop3A_1074, %parallel_loop3A_1075, %parallel_loop3A_1076], %parallel_loop3A_1079 {strides = array<i32>} : memref<3x32x768xf32, #tpu.memory_space<vmem>>, vector<1x1x16xf32>,
        %parallel_loop3A_1080 = arith.addf %parallel_loop3A_1060, %parallel_loop3A_1073 : vector<16xf32>
        %parallel_loop3A_1081 = arith.mulf %parallel_loop3A_1073, %parallel_loop3A_1073 : vector<16xf32>
        %parallel_loop3A_1082 = arith.addf %parallel_loop3A_1062, %parallel_loop3A_1081 : vector<16xf32>
        %parallel_loop3A_1083 = arith.index_cast %select_n3A_138 : i32 to index
        %parallel_loop3A_1084 = arith.index_cast %parallel_loop3A_202 : i32 to index
        %parallel_loop3A_1085 = arith.constant 704 : index
        %parallel_loop3A_1086 = tpu.vector_load %arg11[%parallel_loop3A_1083, %parallel_loop3A_1084, %parallel_loop3A_1085] {strides = array<i32>} : memref<3x32x768xf32, #tpu.memory_space<vmem>>, vector<1x1x16xf32>,
        %parallel_loop3A_1087 = vector.shape_cast %parallel_loop3A_1086 : vector<1x1x16xf32> to vector<16xf32>
        %parallel_loop3A_1088 = arith.index_cast %select_n3A_154 : i32 to index
        %parallel_loop3A_1089 = arith.index_cast %parallel_loop3A_202 : i32 to index
        %parallel_loop3A_1090 = arith.constant 704 : index
        %parallel_loop3A_1091 = tpu.vector_load %arg12[%parallel_loop3A_1088, %parallel_loop3A_1089, %parallel_loop3A_1090] {strides = array<i32>} : memref<2x32x768xf32, #tpu.memory_space<vmem>>, vector<1x1x16xf32>,
        %parallel_loop3A_1092 = vector.shape_cast %parallel_loop3A_1091 : vector<1x1x16xf32> to vector<16xf32>
        %parallel_loop3A_1093 = arith.addf %parallel_loop3A_1087, %parallel_loop3A_1092 : vector<16xf32>
        %parallel_loop3A_1094 = arith.index_cast %select_n3A_138 : i32 to index
        %parallel_loop3A_1095 = arith.index_cast %parallel_loop3A_202 : i32 to index
        %parallel_loop3A_1096 = arith.constant 704 : index
        %parallel_loop3A_1097 = tpu.vector_load %arg11[%parallel_loop3A_1094, %parallel_loop3A_1095, %parallel_loop3A_1096] {strides = array<i32>} : memref<3x32x768xf32, #tpu.memory_space<vmem>>, vector<1x1x16xf32>,
        %parallel_loop3A_1098 = vector.shape_cast %parallel_loop3A_1097 : vector<1x1x16xf32> to vector<16xf32>
        %parallel_loop3A_1099 = vector.shape_cast %parallel_loop3A_1093 : vector<16xf32> to vector<1x1x16xf32>
        tpu.vector_store %arg11[%parallel_loop3A_1094, %parallel_loop3A_1095, %parallel_loop3A_1096], %parallel_loop3A_1099 {strides = array<i32>} : memref<3x32x768xf32, #tpu.memory_space<vmem>>, vector<1x1x16xf32>,
        %parallel_loop3A_1100 = arith.addf %parallel_loop3A_1080, %parallel_loop3A_1093 : vector<16xf32>
        %parallel_loop3A_1101 = arith.mulf %parallel_loop3A_1093, %parallel_loop3A_1093 : vector<16xf32>
        %parallel_loop3A_1102 = arith.addf %parallel_loop3A_1082, %parallel_loop3A_1101 : vector<16xf32>
        %parallel_loop3A_1103 = arith.index_cast %select_n3A_138 : i32 to index
        %parallel_loop3A_1104 = arith.index_cast %parallel_loop3A_202 : i32 to index
        %parallel_loop3A_1105 = arith.constant 720 : index
        %parallel_loop3A_1106 = tpu.vector_load %arg11[%parallel_loop3A_1103, %parallel_loop3A_1104, %parallel_loop3A_1105] {strides = array<i32>} : memref<3x32x768xf32, #tpu.memory_space<vmem>>, vector<1x1x16xf32>,
        %parallel_loop3A_1107 = vector.shape_cast %parallel_loop3A_1106 : vector<1x1x16xf32> to vector<16xf32>
        %parallel_loop3A_1108 = arith.index_cast %select_n3A_154 : i32 to index
        %parallel_loop3A_1109 = arith.index_cast %parallel_loop3A_202 : i32 to index
        %parallel_loop3A_1110 = arith.constant 720 : index
        %parallel_loop3A_1111 = tpu.vector_load %arg12[%parallel_loop3A_1108, %parallel_loop3A_1109, %parallel_loop3A_1110] {strides = array<i32>} : memref<2x32x768xf32, #tpu.memory_space<vmem>>, vector<1x1x16xf32>,
        %parallel_loop3A_1112 = vector.shape_cast %parallel_loop3A_1111 : vector<1x1x16xf32> to vector<16xf32>
        %parallel_loop3A_1113 = arith.addf %parallel_loop3A_1107, %parallel_loop3A_1112 : vector<16xf32>
        %parallel_loop3A_1114 = arith.index_cast %select_n3A_138 : i32 to index
        %parallel_loop3A_1115 = arith.index_cast %parallel_loop3A_202 : i32 to index
        %parallel_loop3A_1116 = arith.constant 720 : index
        %parallel_loop3A_1117 = tpu.vector_load %arg11[%parallel_loop3A_1114, %parallel_loop3A_1115, %parallel_loop3A_1116] {strides = array<i32>} : memref<3x32x768xf32, #tpu.memory_space<vmem>>, vector<1x1x16xf32>,
        %parallel_loop3A_1118 = vector.shape_cast %parallel_loop3A_1117 : vector<1x1x16xf32> to vector<16xf32>
        %parallel_loop3A_1119 = vector.shape_cast %parallel_loop3A_1113 : vector<16xf32> to vector<1x1x16xf32>
        tpu.vector_store %arg11[%parallel_loop3A_1114, %parallel_loop3A_1115, %parallel_loop3A_1116], %parallel_loop3A_1119 {strides = array<i32>} : memref<3x32x768xf32, #tpu.memory_space<vmem>>, vector<1x1x16xf32>,
        %parallel_loop3A_1120 = arith.addf %parallel_loop3A_1100, %parallel_loop3A_1113 : vector<16xf32>
        %parallel_loop3A_1121 = arith.mulf %parallel_loop3A_1113, %parallel_loop3A_1113 : vector<16xf32>
        %parallel_loop3A_1122 = arith.addf %parallel_loop3A_1102, %parallel_loop3A_1121 : vector<16xf32>
        %parallel_loop3A_1123 = arith.index_cast %select_n3A_138 : i32 to index
        %parallel_loop3A_1124 = arith.index_cast %parallel_loop3A_202 : i32 to index
        %parallel_loop3A_1125 = arith.constant 736 : index
        %parallel_loop3A_1126 = tpu.vector_load %arg11[%parallel_loop3A_1123, %parallel_loop3A_1124, %parallel_loop3A_1125] {strides = array<i32>} : memref<3x32x768xf32, #tpu.memory_space<vmem>>, vector<1x1x16xf32>,
        %parallel_loop3A_1127 = vector.shape_cast %parallel_loop3A_1126 : vector<1x1x16xf32> to vector<16xf32>
        %parallel_loop3A_1128 = arith.index_cast %select_n3A_154 : i32 to index
        %parallel_loop3A_1129 = arith.index_cast %parallel_loop3A_202 : i32 to index
        %parallel_loop3A_1130 = arith.constant 736 : index
        %parallel_loop3A_1131 = tpu.vector_load %arg12[%parallel_loop3A_1128, %parallel_loop3A_1129, %parallel_loop3A_1130] {strides = array<i32>} : memref<2x32x768xf32, #tpu.memory_space<vmem>>, vector<1x1x16xf32>,
        %parallel_loop3A_1132 = vector.shape_cast %parallel_loop3A_1131 : vector<1x1x16xf32> to vector<16xf32>
        %parallel_loop3A_1133 = arith.addf %parallel_loop3A_1127, %parallel_loop3A_1132 : vector<16xf32>
        %parallel_loop3A_1134 = arith.index_cast %select_n3A_138 : i32 to index
        %parallel_loop3A_1135 = arith.index_cast %parallel_loop3A_202 : i32 to index
        %parallel_loop3A_1136 = arith.constant 736 : index
        %parallel_loop3A_1137 = tpu.vector_load %arg11[%parallel_loop3A_1134, %parallel_loop3A_1135, %parallel_loop3A_1136] {strides = array<i32>} : memref<3x32x768xf32, #tpu.memory_space<vmem>>, vector<1x1x16xf32>,
        %parallel_loop3A_1138 = vector.shape_cast %parallel_loop3A_1137 : vector<1x1x16xf32> to vector<16xf32>
        %parallel_loop3A_1139 = vector.shape_cast %parallel_loop3A_1133 : vector<16xf32> to vector<1x1x16xf32>
        tpu.vector_store %arg11[%parallel_loop3A_1134, %parallel_loop3A_1135, %parallel_loop3A_1136], %parallel_loop3A_1139 {strides = array<i32>} : memref<3x32x768xf32, #tpu.memory_space<vmem>>, vector<1x1x16xf32>,
        %parallel_loop3A_1140 = arith.addf %parallel_loop3A_1120, %parallel_loop3A_1133 : vector<16xf32>
        %parallel_loop3A_1141 = arith.mulf %parallel_loop3A_1133, %parallel_loop3A_1133 : vector<16xf32>
        %parallel_loop3A_1142 = arith.addf %parallel_loop3A_1122, %parallel_loop3A_1141 : vector<16xf32>
        %parallel_loop3A_1143 = arith.index_cast %select_n3A_138 : i32 to index
        %parallel_loop3A_1144 = arith.index_cast %parallel_loop3A_202 : i32 to index
        %parallel_loop3A_1145 = arith.constant 752 : index
        %parallel_loop3A_1146 = tpu.vector_load %arg11[%parallel_loop3A_1143, %parallel_loop3A_1144, %parallel_loop3A_1145] {strides = array<i32>} : memref<3x32x768xf32, #tpu.memory_space<vmem>>, vector<1x1x16xf32>,
        %parallel_loop3A_1147 = vector.shape_cast %parallel_loop3A_1146 : vector<1x1x16xf32> to vector<16xf32>
        %parallel_loop3A_1148 = arith.index_cast %select_n3A_154 : i32 to index
        %parallel_loop3A_1149 = arith.index_cast %parallel_loop3A_202 : i32 to index
        %parallel_loop3A_1150 = arith.constant 752 : index
        %parallel_loop3A_1151 = tpu.vector_load %arg12[%parallel_loop3A_1148, %parallel_loop3A_1149, %parallel_loop3A_1150] {strides = array<i32>} : memref<2x32x768xf32, #tpu.memory_space<vmem>>, vector<1x1x16xf32>,
        %parallel_loop3A_1152 = vector.shape_cast %parallel_loop3A_1151 : vector<1x1x16xf32> to vector<16xf32>
        %parallel_loop3A_1153 = arith.addf %parallel_loop3A_1147, %parallel_loop3A_1152 : vector<16xf32>
        %parallel_loop3A_1154 = arith.index_cast %select_n3A_138 : i32 to index
        %parallel_loop3A_1155 = arith.index_cast %parallel_loop3A_202 : i32 to index
        %parallel_loop3A_1156 = arith.constant 752 : index
        %parallel_loop3A_1157 = tpu.vector_load %arg11[%parallel_loop3A_1154, %parallel_loop3A_1155, %parallel_loop3A_1156] {strides = array<i32>} : memref<3x32x768xf32, #tpu.memory_space<vmem>>, vector<1x1x16xf32>,
        %parallel_loop3A_1158 = vector.shape_cast %parallel_loop3A_1157 : vector<1x1x16xf32> to vector<16xf32>
        %parallel_loop3A_1159 = vector.shape_cast %parallel_loop3A_1153 : vector<16xf32> to vector<1x1x16xf32>
        tpu.vector_store %arg11[%parallel_loop3A_1154, %parallel_loop3A_1155, %parallel_loop3A_1156], %parallel_loop3A_1159 {strides = array<i32>} : memref<3x32x768xf32, #tpu.memory_space<vmem>>, vector<1x1x16xf32>,
        %parallel_loop3A_1160 = arith.addf %parallel_loop3A_1140, %parallel_loop3A_1153 : vector<16xf32>
        %parallel_loop3A_1161 = arith.mulf %parallel_loop3A_1153, %parallel_loop3A_1153 : vector<16xf32>
        %parallel_loop3A_1162 = arith.addf %parallel_loop3A_1142, %parallel_loop3A_1161 : vector<16xf32>
        %parallel_loop3A_1163 = tpu.iota {dimensions = array<i32: 0>} : vector<16xi32>
        %parallel_loop3A_1164 = arith.constant 8 : i32
        %parallel_loop3A_1165 = vector.broadcast %parallel_loop3A_1164 : i32 to vector<16xi32>
        %parallel_loop3A_1166 = arith.xori %parallel_loop3A_1163, %parallel_loop3A_1165 : vector<16xi32>
        %parallel_loop3A_1167 = vector.shape_cast %parallel_loop3A_1166 : vector<16xi32> to vector<16x1xi32>
        %parallel_loop3A_1168 = vector.shape_cast %parallel_loop3A_1167 : vector<16x1xi32> to vector<16xi32>
        %parallel_loop3A_1169 = tpu.dynamic_gather %parallel_loop3A_1160[%parallel_loop3A_1168] in [0] : vector<16xf32>, vector<16xi32> -> vector<16xf32>
        %parallel_loop3A_1170 = arith.addf %parallel_loop3A_1160, %parallel_loop3A_1169 : vector<16xf32>
        %parallel_loop3A_1171 = arith.constant 4 : i32
        %parallel_loop3A_1172 = vector.broadcast %parallel_loop3A_1171 : i32 to vector<16xi32>
        %parallel_loop3A_1173 = arith.xori %parallel_loop3A_1163, %parallel_loop3A_1172 : vector<16xi32>
        %parallel_loop3A_1174 = vector.shape_cast %parallel_loop3A_1173 : vector<16xi32> to vector<16x1xi32>
        %parallel_loop3A_1175 = vector.shape_cast %parallel_loop3A_1174 : vector<16x1xi32> to vector<16xi32>
        %parallel_loop3A_1176 = tpu.dynamic_gather %parallel_loop3A_1170[%parallel_loop3A_1175] in [0] : vector<16xf32>, vector<16xi32> -> vector<16xf32>
        %parallel_loop3A_1177 = arith.addf %parallel_loop3A_1170, %parallel_loop3A_1176 : vector<16xf32>
        %parallel_loop3A_1178 = arith.constant 2 : i32
        %parallel_loop3A_1179 = vector.broadcast %parallel_loop3A_1178 : i32 to vector<16xi32>
        %parallel_loop3A_1180 = arith.xori %parallel_loop3A_1163, %parallel_loop3A_1179 : vector<16xi32>
        %parallel_loop3A_1181 = vector.shape_cast %parallel_loop3A_1180 : vector<16xi32> to vector<16x1xi32>
        %parallel_loop3A_1182 = vector.shape_cast %parallel_loop3A_1181 : vector<16x1xi32> to vector<16xi32>
        %parallel_loop3A_1183 = tpu.dynamic_gather %parallel_loop3A_1177[%parallel_loop3A_1182] in [0] : vector<16xf32>, vector<16xi32> -> vector<16xf32>
        %parallel_loop3A_1184 = arith.addf %parallel_loop3A_1177, %parallel_loop3A_1183 : vector<16xf32>
        %parallel_loop3A_1185 = arith.constant 1 : i32
        %parallel_loop3A_1186 = vector.broadcast %parallel_loop3A_1185 : i32 to vector<16xi32>
        %parallel_loop3A_1187 = arith.xori %parallel_loop3A_1163, %parallel_loop3A_1186 : vector<16xi32>
        %parallel_loop3A_1188 = vector.shape_cast %parallel_loop3A_1187 : vector<16xi32> to vector<16x1xi32>
        %parallel_loop3A_1189 = vector.shape_cast %parallel_loop3A_1188 : vector<16x1xi32> to vector<16xi32>
        %parallel_loop3A_1190 = tpu.dynamic_gather %parallel_loop3A_1184[%parallel_loop3A_1189] in [0] : vector<16xf32>, vector<16xi32> -> vector<16xf32>
        %parallel_loop3A_1191 = arith.addf %parallel_loop3A_1184, %parallel_loop3A_1190 : vector<16xf32>
        %parallel_loop3A_1192 = arith.constant 0.00130208337 : f32
        %parallel_loop3A_1193 = vector.broadcast %parallel_loop3A_1192 : f32 to vector<16xf32>
        %parallel_loop3A_1194 = arith.mulf %parallel_loop3A_1191, %parallel_loop3A_1193 : vector<16xf32>
        %parallel_loop3A_1195 = tpu.iota {dimensions = array<i32: 0>} : vector<16xi32>
        %parallel_loop3A_1196 = arith.constant 8 : i32
        %parallel_loop3A_1197 = vector.broadcast %parallel_loop3A_1196 : i32 to vector<16xi32>
        %parallel_loop3A_1198 = arith.xori %parallel_loop3A_1195, %parallel_loop3A_1197 : vector<16xi32>
        %parallel_loop3A_1199 = vector.shape_cast %parallel_loop3A_1198 : vector<16xi32> to vector<16x1xi32>
        %parallel_loop3A_1200 = vector.shape_cast %parallel_loop3A_1199 : vector<16x1xi32> to vector<16xi32>
        %parallel_loop3A_1201 = tpu.dynamic_gather %parallel_loop3A_1162[%parallel_loop3A_1200] in [0] : vector<16xf32>, vector<16xi32> -> vector<16xf32>
        %parallel_loop3A_1202 = arith.addf %parallel_loop3A_1162, %parallel_loop3A_1201 : vector<16xf32>
        %parallel_loop3A_1203 = arith.constant 4 : i32
        %parallel_loop3A_1204 = vector.broadcast %parallel_loop3A_1203 : i32 to vector<16xi32>
        %parallel_loop3A_1205 = arith.xori %parallel_loop3A_1195, %parallel_loop3A_1204 : vector<16xi32>
        %parallel_loop3A_1206 = vector.shape_cast %parallel_loop3A_1205 : vector<16xi32> to vector<16x1xi32>
        %parallel_loop3A_1207 = vector.shape_cast %parallel_loop3A_1206 : vector<16x1xi32> to vector<16xi32>
        %parallel_loop3A_1208 = tpu.dynamic_gather %parallel_loop3A_1202[%parallel_loop3A_1207] in [0] : vector<16xf32>, vector<16xi32> -> vector<16xf32>
        %parallel_loop3A_1209 = arith.addf %parallel_loop3A_1202, %parallel_loop3A_1208 : vector<16xf32>
        %parallel_loop3A_1210 = arith.constant 2 : i32
        %parallel_loop3A_1211 = vector.broadcast %parallel_loop3A_1210 : i32 to vector<16xi32>
        %parallel_loop3A_1212 = arith.xori %parallel_loop3A_1195, %parallel_loop3A_1211 : vector<16xi32>
        %parallel_loop3A_1213 = vector.shape_cast %parallel_loop3A_1212 : vector<16xi32> to vector<16x1xi32>
        %parallel_loop3A_1214 = vector.shape_cast %parallel_loop3A_1213 : vector<16x1xi32> to vector<16xi32>
        %parallel_loop3A_1215 = tpu.dynamic_gather %parallel_loop3A_1209[%parallel_loop3A_1214] in [0] : vector<16xf32>, vector<16xi32> -> vector<16xf32>
        %parallel_loop3A_1216 = arith.addf %parallel_loop3A_1209, %parallel_loop3A_1215 : vector<16xf32>
        %parallel_loop3A_1217 = arith.constant 1 : i32
        %parallel_loop3A_1218 = vector.broadcast %parallel_loop3A_1217 : i32 to vector<16xi32>
        %parallel_loop3A_1219 = arith.xori %parallel_loop3A_1195, %parallel_loop3A_1218 : vector<16xi32>
        %parallel_loop3A_1220 = vector.shape_cast %parallel_loop3A_1219 : vector<16xi32> to vector<16x1xi32>
        %parallel_loop3A_1221 = vector.shape_cast %parallel_loop3A_1220 : vector<16x1xi32> to vector<16xi32>
        %parallel_loop3A_1222 = tpu.dynamic_gather %parallel_loop3A_1216[%parallel_loop3A_1221] in [0] : vector<16xf32>, vector<16xi32> -> vector<16xf32>
        %parallel_loop3A_1223 = arith.addf %parallel_loop3A_1216, %parallel_loop3A_1222 : vector<16xf32>
        %parallel_loop3A_1224 = arith.constant 0.00130208337 : f32
        %parallel_loop3A_1225 = vector.broadcast %parallel_loop3A_1224 : f32 to vector<16xf32>
        %parallel_loop3A_1226 = arith.mulf %parallel_loop3A_1223, %parallel_loop3A_1225 : vector<16xf32>
        %parallel_loop3A_1227 = arith.mulf %parallel_loop3A_1194, %parallel_loop3A_1194 : vector<16xf32>
        %parallel_loop3A_1228 = arith.subf %parallel_loop3A_1226, %parallel_loop3A_1227 : vector<16xf32>
        %parallel_loop3A_1229 = arith.constant 9.99999996E-13 : f32
        %parallel_loop3A_1230 = vector.broadcast %parallel_loop3A_1229 : f32 to vector<16xf32>
        %parallel_loop3A_1231 = arith.addf %parallel_loop3A_1228, %parallel_loop3A_1230 : vector<16xf32>
        %parallel_loop3A_1232 = tpu.bitcast %parallel_loop3A_1231 : vector<16xf32> -> vector<16xi32>
        %parallel_loop3A_1233 = arith.constant 1 : i32
        %parallel_loop3A_1234 = vector.broadcast %parallel_loop3A_1233 : i32 to vector<16xi32>
        %parallel_loop3A_1235 = arith.shrsi %parallel_loop3A_1232, %parallel_loop3A_1234 : vector<16xi32>
        %parallel_loop3A_1236 = arith.constant 1597463007 : i32
        %parallel_loop3A_1237 = vector.broadcast %parallel_loop3A_1236 : i32 to vector<16xi32>
        %parallel_loop3A_1238 = arith.subi %parallel_loop3A_1237, %parallel_loop3A_1235 : vector<16xi32>
        %parallel_loop3A_1239 = tpu.bitcast %parallel_loop3A_1238 : vector<16xi32> -> vector<16xf32>
        %parallel_loop3A_1240 = arith.constant 5.000000e-01 : f32
        %parallel_loop3A_1241 = vector.broadcast %parallel_loop3A_1240 : f32 to vector<16xf32>
        %parallel_loop3A_1242 = arith.mulf %parallel_loop3A_1241, %parallel_loop3A_1231 : vector<16xf32>
        %parallel_loop3A_1243 = arith.mulf %parallel_loop3A_1242, %parallel_loop3A_1239 : vector<16xf32>
        %parallel_loop3A_1244 = arith.mulf %parallel_loop3A_1243, %parallel_loop3A_1239 : vector<16xf32>
        %parallel_loop3A_1245 = arith.constant 1.500000e+00 : f32
        %parallel_loop3A_1246 = vector.broadcast %parallel_loop3A_1245 : f32 to vector<16xf32>
        %parallel_loop3A_1247 = arith.subf %parallel_loop3A_1246, %parallel_loop3A_1244 : vector<16xf32>
        %parallel_loop3A_1248 = arith.mulf %parallel_loop3A_1239, %parallel_loop3A_1247 : vector<16xf32>
        %parallel_loop3A_1249 = arith.constant 5.000000e-01 : f32
        %parallel_loop3A_1250 = vector.broadcast %parallel_loop3A_1249 : f32 to vector<16xf32>
        %parallel_loop3A_1251 = arith.mulf %parallel_loop3A_1250, %parallel_loop3A_1231 : vector<16xf32>
        %parallel_loop3A_1252 = arith.mulf %parallel_loop3A_1251, %parallel_loop3A_1248 : vector<16xf32>
        %parallel_loop3A_1253 = arith.mulf %parallel_loop3A_1252, %parallel_loop3A_1248 : vector<16xf32>
        %parallel_loop3A_1254 = arith.constant 1.500000e+00 : f32
        %parallel_loop3A_1255 = vector.broadcast %parallel_loop3A_1254 : f32 to vector<16xf32>
        %parallel_loop3A_1256 = arith.subf %parallel_loop3A_1255, %parallel_loop3A_1253 : vector<16xf32>
        %parallel_loop3A_1257 = arith.mulf %parallel_loop3A_1248, %parallel_loop3A_1256 : vector<16xf32>
        %parallel_loop3A_1258 = arith.index_cast %select_n3A_138 : i32 to index
        %parallel_loop3A_1259 = arith.index_cast %parallel_loop3A_202 : i32 to index
        %parallel_loop3A_1260 = arith.constant 0 : index
        %parallel_loop3A_1261 = tpu.vector_load %arg11[%parallel_loop3A_1258, %parallel_loop3A_1259, %parallel_loop3A_1260] {strides = array<i32>} : memref<3x32x768xf32, #tpu.memory_space<vmem>>, vector<1x1x16xf32>,
        %parallel_loop3A_1262 = vector.shape_cast %parallel_loop3A_1261 : vector<1x1x16xf32> to vector<16xf32>
        %parallel_loop3A_1263 = arith.subf %parallel_loop3A_1262, %parallel_loop3A_1194 : vector<16xf32>
        %parallel_loop3A_1264 = arith.mulf %parallel_loop3A_1263, %parallel_loop3A_1257 : vector<16xf32>
        %parallel_loop3A_1265 = arith.constant 0 : index
        %parallel_loop3A_1266 = tpu.vector_load %arg13[%parallel_loop3A_1265] {strides = array<i32>} : memref<768xf32, #tpu.memory_space<vmem>>, vector<16xf32>,
        %parallel_loop3A_1267 = vector.shape_cast %parallel_loop3A_1266 : vector<16xf32> to vector<16xf32>
        %parallel_loop3A_1268 = arith.mulf %parallel_loop3A_1264, %parallel_loop3A_1267 : vector<16xf32>
        %parallel_loop3A_1269 = arith.constant 0 : index
        %parallel_loop3A_1270 = tpu.vector_load %arg14[%parallel_loop3A_1269] {strides = array<i32>} : memref<768xf32, #tpu.memory_space<vmem>>, vector<16xf32>,
        %parallel_loop3A_1271 = vector.shape_cast %parallel_loop3A_1270 : vector<16xf32> to vector<16xf32>
        %parallel_loop3A_1272 = arith.addf %parallel_loop3A_1268, %parallel_loop3A_1271 : vector<16xf32>
        %parallel_loop3A_1273 = arith.index_cast %select_n3A_138 : i32 to index
        %parallel_loop3A_1274 = arith.index_cast %parallel_loop3A_202 : i32 to index
        %parallel_loop3A_1275 = arith.constant 0 : index
        %parallel_loop3A_1276 = tpu.vector_load %arg11[%parallel_loop3A_1273, %parallel_loop3A_1274, %parallel_loop3A_1275] {strides = array<i32>} : memref<3x32x768xf32, #tpu.memory_space<vmem>>, vector<1x1x16xf32>,
        %parallel_loop3A_1277 = vector.shape_cast %parallel_loop3A_1276 : vector<1x1x16xf32> to vector<16xf32>
        %parallel_loop3A_1278 = vector.shape_cast %parallel_loop3A_1272 : vector<16xf32> to vector<1x1x16xf32>
        tpu.vector_store %arg11[%parallel_loop3A_1273, %parallel_loop3A_1274, %parallel_loop3A_1275], %parallel_loop3A_1278 {strides = array<i32>} : memref<3x32x768xf32, #tpu.memory_space<vmem>>, vector<1x1x16xf32>,
        %parallel_loop3A_1279 = arith.index_cast %select_n3A_138 : i32 to index
        %parallel_loop3A_1280 = arith.index_cast %parallel_loop3A_202 : i32 to index
        %parallel_loop3A_1281 = arith.constant 16 : index
        %parallel_loop3A_1282 = tpu.vector_load %arg11[%parallel_loop3A_1279, %parallel_loop3A_1280, %parallel_loop3A_1281] {strides = array<i32>} : memref<3x32x768xf32, #tpu.memory_space<vmem>>, vector<1x1x16xf32>,
        %parallel_loop3A_1283 = vector.shape_cast %parallel_loop3A_1282 : vector<1x1x16xf32> to vector<16xf32>
        %parallel_loop3A_1284 = arith.subf %parallel_loop3A_1283, %parallel_loop3A_1194 : vector<16xf32>
        %parallel_loop3A_1285 = arith.mulf %parallel_loop3A_1284, %parallel_loop3A_1257 : vector<16xf32>
        %parallel_loop3A_1286 = arith.constant 16 : index
        %parallel_loop3A_1287 = tpu.vector_load %arg13[%parallel_loop3A_1286] {strides = array<i32>} : memref<768xf32, #tpu.memory_space<vmem>>, vector<16xf32>,
        %parallel_loop3A_1288 = vector.shape_cast %parallel_loop3A_1287 : vector<16xf32> to vector<16xf32>
        %parallel_loop3A_1289 = arith.mulf %parallel_loop3A_1285, %parallel_loop3A_1288 : vector<16xf32>
        %parallel_loop3A_1290 = arith.constant 16 : index
        %parallel_loop3A_1291 = tpu.vector_load %arg14[%parallel_loop3A_1290] {strides = array<i32>} : memref<768xf32, #tpu.memory_space<vmem>>, vector<16xf32>,
        %parallel_loop3A_1292 = vector.shape_cast %parallel_loop3A_1291 : vector<16xf32> to vector<16xf32>
        %parallel_loop3A_1293 = arith.addf %parallel_loop3A_1289, %parallel_loop3A_1292 : vector<16xf32>
        %parallel_loop3A_1294 = arith.index_cast %select_n3A_138 : i32 to index
        %parallel_loop3A_1295 = arith.index_cast %parallel_loop3A_202 : i32 to index
        %parallel_loop3A_1296 = arith.constant 16 : index
        %parallel_loop3A_1297 = tpu.vector_load %arg11[%parallel_loop3A_1294, %parallel_loop3A_1295, %parallel_loop3A_1296] {strides = array<i32>} : memref<3x32x768xf32, #tpu.memory_space<vmem>>, vector<1x1x16xf32>,
        %parallel_loop3A_1298 = vector.shape_cast %parallel_loop3A_1297 : vector<1x1x16xf32> to vector<16xf32>
        %parallel_loop3A_1299 = vector.shape_cast %parallel_loop3A_1293 : vector<16xf32> to vector<1x1x16xf32>
        tpu.vector_store %arg11[%parallel_loop3A_1294, %parallel_loop3A_1295, %parallel_loop3A_1296], %parallel_loop3A_1299 {strides = array<i32>} : memref<3x32x768xf32, #tpu.memory_space<vmem>>, vector<1x1x16xf32>,
        %parallel_loop3A_1300 = arith.index_cast %select_n3A_138 : i32 to index
        %parallel_loop3A_1301 = arith.index_cast %parallel_loop3A_202 : i32 to index
        %parallel_loop3A_1302 = arith.constant 32 : index
        %parallel_loop3A_1303 = tpu.vector_load %arg11[%parallel_loop3A_1300, %parallel_loop3A_1301, %parallel_loop3A_1302] {strides = array<i32>} : memref<3x32x768xf32, #tpu.memory_space<vmem>>, vector<1x1x16xf32>,
        %parallel_loop3A_1304 = vector.shape_cast %parallel_loop3A_1303 : vector<1x1x16xf32> to vector<16xf32>
        %parallel_loop3A_1305 = arith.subf %parallel_loop3A_1304, %parallel_loop3A_1194 : vector<16xf32>
        %parallel_loop3A_1306 = arith.mulf %parallel_loop3A_1305, %parallel_loop3A_1257 : vector<16xf32>
        %parallel_loop3A_1307 = arith.constant 32 : index
        %parallel_loop3A_1308 = tpu.vector_load %arg13[%parallel_loop3A_1307] {strides = array<i32>} : memref<768xf32, #tpu.memory_space<vmem>>, vector<16xf32>,
        %parallel_loop3A_1309 = vector.shape_cast %parallel_loop3A_1308 : vector<16xf32> to vector<16xf32>
        %parallel_loop3A_1310 = arith.mulf %parallel_loop3A_1306, %parallel_loop3A_1309 : vector<16xf32>
        %parallel_loop3A_1311 = arith.constant 32 : index
        %parallel_loop3A_1312 = tpu.vector_load %arg14[%parallel_loop3A_1311] {strides = array<i32>} : memref<768xf32, #tpu.memory_space<vmem>>, vector<16xf32>,
        %parallel_loop3A_1313 = vector.shape_cast %parallel_loop3A_1312 : vector<16xf32> to vector<16xf32>
        %parallel_loop3A_1314 = arith.addf %parallel_loop3A_1310, %parallel_loop3A_1313 : vector<16xf32>
        %parallel_loop3A_1315 = arith.index_cast %select_n3A_138 : i32 to index
        %parallel_loop3A_1316 = arith.index_cast %parallel_loop3A_202 : i32 to index
        %parallel_loop3A_1317 = arith.constant 32 : index
        %parallel_loop3A_1318 = tpu.vector_load %arg11[%parallel_loop3A_1315, %parallel_loop3A_1316, %parallel_loop3A_1317] {strides = array<i32>} : memref<3x32x768xf32, #tpu.memory_space<vmem>>, vector<1x1x16xf32>,
        %parallel_loop3A_1319 = vector.shape_cast %parallel_loop3A_1318 : vector<1x1x16xf32> to vector<16xf32>
        %parallel_loop3A_1320 = vector.shape_cast %parallel_loop3A_1314 : vector<16xf32> to vector<1x1x16xf32>
        tpu.vector_store %arg11[%parallel_loop3A_1315, %parallel_loop3A_1316, %parallel_loop3A_1317], %parallel_loop3A_1320 {strides = array<i32>} : memref<3x32x768xf32, #tpu.memory_space<vmem>>, vector<1x1x16xf32>,
        %parallel_loop3A_1321 = arith.index_cast %select_n3A_138 : i32 to index
        %parallel_loop3A_1322 = arith.index_cast %parallel_loop3A_202 : i32 to index
        %parallel_loop3A_1323 = arith.constant 48 : index
        %parallel_loop3A_1324 = tpu.vector_load %arg11[%parallel_loop3A_1321, %parallel_loop3A_1322, %parallel_loop3A_1323] {strides = array<i32>} : memref<3x32x768xf32, #tpu.memory_space<vmem>>, vector<1x1x16xf32>,
        %parallel_loop3A_1325 = vector.shape_cast %parallel_loop3A_1324 : vector<1x1x16xf32> to vector<16xf32>
        %parallel_loop3A_1326 = arith.subf %parallel_loop3A_1325, %parallel_loop3A_1194 : vector<16xf32>
        %parallel_loop3A_1327 = arith.mulf %parallel_loop3A_1326, %parallel_loop3A_1257 : vector<16xf32>
        %parallel_loop3A_1328 = arith.constant 48 : index
        %parallel_loop3A_1329 = tpu.vector_load %arg13[%parallel_loop3A_1328] {strides = array<i32>} : memref<768xf32, #tpu.memory_space<vmem>>, vector<16xf32>,
        %parallel_loop3A_1330 = vector.shape_cast %parallel_loop3A_1329 : vector<16xf32> to vector<16xf32>
        %parallel_loop3A_1331 = arith.mulf %parallel_loop3A_1327, %parallel_loop3A_1330 : vector<16xf32>
        %parallel_loop3A_1332 = arith.constant 48 : index
        %parallel_loop3A_1333 = tpu.vector_load %arg14[%parallel_loop3A_1332] {strides = array<i32>} : memref<768xf32, #tpu.memory_space<vmem>>, vector<16xf32>,
        %parallel_loop3A_1334 = vector.shape_cast %parallel_loop3A_1333 : vector<16xf32> to vector<16xf32>
        %parallel_loop3A_1335 = arith.addf %parallel_loop3A_1331, %parallel_loop3A_1334 : vector<16xf32>
        %parallel_loop3A_1336 = arith.index_cast %select_n3A_138 : i32 to index
        %parallel_loop3A_1337 = arith.index_cast %parallel_loop3A_202 : i32 to index
        %parallel_loop3A_1338 = arith.constant 48 : index
        %parallel_loop3A_1339 = tpu.vector_load %arg11[%parallel_loop3A_1336, %parallel_loop3A_1337, %parallel_loop3A_1338] {strides = array<i32>} : memref<3x32x768xf32, #tpu.memory_space<vmem>>, vector<1x1x16xf32>,
        %parallel_loop3A_1340 = vector.shape_cast %parallel_loop3A_1339 : vector<1x1x16xf32> to vector<16xf32>
        %parallel_loop3A_1341 = vector.shape_cast %parallel_loop3A_1335 : vector<16xf32> to vector<1x1x16xf32>
        tpu.vector_store %arg11[%parallel_loop3A_1336, %parallel_loop3A_1337, %parallel_loop3A_1338], %parallel_loop3A_1341 {strides = array<i32>} : memref<3x32x768xf32, #tpu.memory_space<vmem>>, vector<1x1x16xf32>,
        %parallel_loop3A_1342 = arith.index_cast %select_n3A_138 : i32 to index
        %parallel_loop3A_1343 = arith.index_cast %parallel_loop3A_202 : i32 to index
        %parallel_loop3A_1344 = arith.constant 64 : index
        %parallel_loop3A_1345 = tpu.vector_load %arg11[%parallel_loop3A_1342, %parallel_loop3A_1343, %parallel_loop3A_1344] {strides = array<i32>} : memref<3x32x768xf32, #tpu.memory_space<vmem>>, vector<1x1x16xf32>,
        %parallel_loop3A_1346 = vector.shape_cast %parallel_loop3A_1345 : vector<1x1x16xf32> to vector<16xf32>
        %parallel_loop3A_1347 = arith.subf %parallel_loop3A_1346, %parallel_loop3A_1194 : vector<16xf32>
        %parallel_loop3A_1348 = arith.mulf %parallel_loop3A_1347, %parallel_loop3A_1257 : vector<16xf32>
        %parallel_loop3A_1349 = arith.constant 64 : index
        %parallel_loop3A_1350 = tpu.vector_load %arg13[%parallel_loop3A_1349] {strides = array<i32>} : memref<768xf32, #tpu.memory_space<vmem>>, vector<16xf32>,
        %parallel_loop3A_1351 = vector.shape_cast %parallel_loop3A_1350 : vector<16xf32> to vector<16xf32>
        %parallel_loop3A_1352 = arith.mulf %parallel_loop3A_1348, %parallel_loop3A_1351 : vector<16xf32>
        %parallel_loop3A_1353 = arith.constant 64 : index
        %parallel_loop3A_1354 = tpu.vector_load %arg14[%parallel_loop3A_1353] {strides = array<i32>} : memref<768xf32, #tpu.memory_space<vmem>>, vector<16xf32>,
        %parallel_loop3A_1355 = vector.shape_cast %parallel_loop3A_1354 : vector<16xf32> to vector<16xf32>
        %parallel_loop3A_1356 = arith.addf %parallel_loop3A_1352, %parallel_loop3A_1355 : vector<16xf32>
        %parallel_loop3A_1357 = arith.index_cast %select_n3A_138 : i32 to index
        %parallel_loop3A_1358 = arith.index_cast %parallel_loop3A_202 : i32 to index
        %parallel_loop3A_1359 = arith.constant 64 : index
        %parallel_loop3A_1360 = tpu.vector_load %arg11[%parallel_loop3A_1357, %parallel_loop3A_1358, %parallel_loop3A_1359] {strides = array<i32>} : memref<3x32x768xf32, #tpu.memory_space<vmem>>, vector<1x1x16xf32>,
        %parallel_loop3A_1361 = vector.shape_cast %parallel_loop3A_1360 : vector<1x1x16xf32> to vector<16xf32>
        %parallel_loop3A_1362 = vector.shape_cast %parallel_loop3A_1356 : vector<16xf32> to vector<1x1x16xf32>
        tpu.vector_store %arg11[%parallel_loop3A_1357, %parallel_loop3A_1358, %parallel_loop3A_1359], %parallel_loop3A_1362 {strides = array<i32>} : memref<3x32x768xf32, #tpu.memory_space<vmem>>, vector<1x1x16xf32>,
        %parallel_loop3A_1363 = arith.index_cast %select_n3A_138 : i32 to index
        %parallel_loop3A_1364 = arith.index_cast %parallel_loop3A_202 : i32 to index
        %parallel_loop3A_1365 = arith.constant 80 : index
        %parallel_loop3A_1366 = tpu.vector_load %arg11[%parallel_loop3A_1363, %parallel_loop3A_1364, %parallel_loop3A_1365] {strides = array<i32>} : memref<3x32x768xf32, #tpu.memory_space<vmem>>, vector<1x1x16xf32>,
        %parallel_loop3A_1367 = vector.shape_cast %parallel_loop3A_1366 : vector<1x1x16xf32> to vector<16xf32>
        %parallel_loop3A_1368 = arith.subf %parallel_loop3A_1367, %parallel_loop3A_1194 : vector<16xf32>
        %parallel_loop3A_1369 = arith.mulf %parallel_loop3A_1368, %parallel_loop3A_1257 : vector<16xf32>
        %parallel_loop3A_1370 = arith.constant 80 : index
        %parallel_loop3A_1371 = tpu.vector_load %arg13[%parallel_loop3A_1370] {strides = array<i32>} : memref<768xf32, #tpu.memory_space<vmem>>, vector<16xf32>,
        %parallel_loop3A_1372 = vector.shape_cast %parallel_loop3A_1371 : vector<16xf32> to vector<16xf32>
        %parallel_loop3A_1373 = arith.mulf %parallel_loop3A_1369, %parallel_loop3A_1372 : vector<16xf32>
        %parallel_loop3A_1374 = arith.constant 80 : index
        %parallel_loop3A_1375 = tpu.vector_load %arg14[%parallel_loop3A_1374] {strides = array<i32>} : memref<768xf32, #tpu.memory_space<vmem>>, vector<16xf32>,
        %parallel_loop3A_1376 = vector.shape_cast %parallel_loop3A_1375 : vector<16xf32> to vector<16xf32>
        %parallel_loop3A_1377 = arith.addf %parallel_loop3A_1373, %parallel_loop3A_1376 : vector<16xf32>
        %parallel_loop3A_1378 = arith.index_cast %select_n3A_138 : i32 to index
        %parallel_loop3A_1379 = arith.index_cast %parallel_loop3A_202 : i32 to index
        %parallel_loop3A_1380 = arith.constant 80 : index
        %parallel_loop3A_1381 = tpu.vector_load %arg11[%parallel_loop3A_1378, %parallel_loop3A_1379, %parallel_loop3A_1380] {strides = array<i32>} : memref<3x32x768xf32, #tpu.memory_space<vmem>>, vector<1x1x16xf32>,
        %parallel_loop3A_1382 = vector.shape_cast %parallel_loop3A_1381 : vector<1x1x16xf32> to vector<16xf32>
        %parallel_loop3A_1383 = vector.shape_cast %parallel_loop3A_1377 : vector<16xf32> to vector<1x1x16xf32>
        tpu.vector_store %arg11[%parallel_loop3A_1378, %parallel_loop3A_1379, %parallel_loop3A_1380], %parallel_loop3A_1383 {strides = array<i32>} : memref<3x32x768xf32, #tpu.memory_space<vmem>>, vector<1x1x16xf32>,
        %parallel_loop3A_1384 = arith.index_cast %select_n3A_138 : i32 to index
        %parallel_loop3A_1385 = arith.index_cast %parallel_loop3A_202 : i32 to index
        %parallel_loop3A_1386 = arith.constant 96 : index
        %parallel_loop3A_1387 = tpu.vector_load %arg11[%parallel_loop3A_1384, %parallel_loop3A_1385, %parallel_loop3A_1386] {strides = array<i32>} : memref<3x32x768xf32, #tpu.memory_space<vmem>>, vector<1x1x16xf32>,
        %parallel_loop3A_1388 = vector.shape_cast %parallel_loop3A_1387 : vector<1x1x16xf32> to vector<16xf32>
        %parallel_loop3A_1389 = arith.subf %parallel_loop3A_1388, %parallel_loop3A_1194 : vector<16xf32>
        %parallel_loop3A_1390 = arith.mulf %parallel_loop3A_1389, %parallel_loop3A_1257 : vector<16xf32>
        %parallel_loop3A_1391 = arith.constant 96 : index
        %parallel_loop3A_1392 = tpu.vector_load %arg13[%parallel_loop3A_1391] {strides = array<i32>} : memref<768xf32, #tpu.memory_space<vmem>>, vector<16xf32>,
        %parallel_loop3A_1393 = vector.shape_cast %parallel_loop3A_1392 : vector<16xf32> to vector<16xf32>
        %parallel_loop3A_1394 = arith.mulf %parallel_loop3A_1390, %parallel_loop3A_1393 : vector<16xf32>
        %parallel_loop3A_1395 = arith.constant 96 : index
        %parallel_loop3A_1396 = tpu.vector_load %arg14[%parallel_loop3A_1395] {strides = array<i32>} : memref<768xf32, #tpu.memory_space<vmem>>, vector<16xf32>,
        %parallel_loop3A_1397 = vector.shape_cast %parallel_loop3A_1396 : vector<16xf32> to vector<16xf32>
        %parallel_loop3A_1398 = arith.addf %parallel_loop3A_1394, %parallel_loop3A_1397 : vector<16xf32>
        %parallel_loop3A_1399 = arith.index_cast %select_n3A_138 : i32 to index
        %parallel_loop3A_1400 = arith.index_cast %parallel_loop3A_202 : i32 to index
        %parallel_loop3A_1401 = arith.constant 96 : index
        %parallel_loop3A_1402 = tpu.vector_load %arg11[%parallel_loop3A_1399, %parallel_loop3A_1400, %parallel_loop3A_1401] {strides = array<i32>} : memref<3x32x768xf32, #tpu.memory_space<vmem>>, vector<1x1x16xf32>,
        %parallel_loop3A_1403 = vector.shape_cast %parallel_loop3A_1402 : vector<1x1x16xf32> to vector<16xf32>
        %parallel_loop3A_1404 = vector.shape_cast %parallel_loop3A_1398 : vector<16xf32> to vector<1x1x16xf32>
        tpu.vector_store %arg11[%parallel_loop3A_1399, %parallel_loop3A_1400, %parallel_loop3A_1401], %parallel_loop3A_1404 {strides = array<i32>} : memref<3x32x768xf32, #tpu.memory_space<vmem>>, vector<1x1x16xf32>,
        %parallel_loop3A_1405 = arith.index_cast %select_n3A_138 : i32 to index
        %parallel_loop3A_1406 = arith.index_cast %parallel_loop3A_202 : i32 to index
        %parallel_loop3A_1407 = arith.constant 112 : index
        %parallel_loop3A_1408 = tpu.vector_load %arg11[%parallel_loop3A_1405, %parallel_loop3A_1406, %parallel_loop3A_1407] {strides = array<i32>} : memref<3x32x768xf32, #tpu.memory_space<vmem>>, vector<1x1x16xf32>,
        %parallel_loop3A_1409 = vector.shape_cast %parallel_loop3A_1408 : vector<1x1x16xf32> to vector<16xf32>
        %parallel_loop3A_1410 = arith.subf %parallel_loop3A_1409, %parallel_loop3A_1194 : vector<16xf32>
        %parallel_loop3A_1411 = arith.mulf %parallel_loop3A_1410, %parallel_loop3A_1257 : vector<16xf32>
        %parallel_loop3A_1412 = arith.constant 112 : index
        %parallel_loop3A_1413 = tpu.vector_load %arg13[%parallel_loop3A_1412] {strides = array<i32>} : memref<768xf32, #tpu.memory_space<vmem>>, vector<16xf32>,
        %parallel_loop3A_1414 = vector.shape_cast %parallel_loop3A_1413 : vector<16xf32> to vector<16xf32>
        %parallel_loop3A_1415 = arith.mulf %parallel_loop3A_1411, %parallel_loop3A_1414 : vector<16xf32>
        %parallel_loop3A_1416 = arith.constant 112 : index
        %parallel_loop3A_1417 = tpu.vector_load %arg14[%parallel_loop3A_1416] {strides = array<i32>} : memref<768xf32, #tpu.memory_space<vmem>>, vector<16xf32>,
        %parallel_loop3A_1418 = vector.shape_cast %parallel_loop3A_1417 : vector<16xf32> to vector<16xf32>
        %parallel_loop3A_1419 = arith.addf %parallel_loop3A_1415, %parallel_loop3A_1418 : vector<16xf32>
        %parallel_loop3A_1420 = arith.index_cast %select_n3A_138 : i32 to index
        %parallel_loop3A_1421 = arith.index_cast %parallel_loop3A_202 : i32 to index
        %parallel_loop3A_1422 = arith.constant 112 : index
        %parallel_loop3A_1423 = tpu.vector_load %arg11[%parallel_loop3A_1420, %parallel_loop3A_1421, %parallel_loop3A_1422] {strides = array<i32>} : memref<3x32x768xf32, #tpu.memory_space<vmem>>, vector<1x1x16xf32>,
        %parallel_loop3A_1424 = vector.shape_cast %parallel_loop3A_1423 : vector<1x1x16xf32> to vector<16xf32>
        %parallel_loop3A_1425 = vector.shape_cast %parallel_loop3A_1419 : vector<16xf32> to vector<1x1x16xf32>
        tpu.vector_store %arg11[%parallel_loop3A_1420, %parallel_loop3A_1421, %parallel_loop3A_1422], %parallel_loop3A_1425 {strides = array<i32>} : memref<3x32x768xf32, #tpu.memory_space<vmem>>, vector<1x1x16xf32>,
        %parallel_loop3A_1426 = arith.index_cast %select_n3A_138 : i32 to index
        %parallel_loop3A_1427 = arith.index_cast %parallel_loop3A_202 : i32 to index
        %parallel_loop3A_1428 = arith.constant 128 : index
        %parallel_loop3A_1429 = tpu.vector_load %arg11[%parallel_loop3A_1426, %parallel_loop3A_1427, %parallel_loop3A_1428] {strides = array<i32>} : memref<3x32x768xf32, #tpu.memory_space<vmem>>, vector<1x1x16xf32>,
        %parallel_loop3A_1430 = vector.shape_cast %parallel_loop3A_1429 : vector<1x1x16xf32> to vector<16xf32>
        %parallel_loop3A_1431 = arith.subf %parallel_loop3A_1430, %parallel_loop3A_1194 : vector<16xf32>
        %parallel_loop3A_1432 = arith.mulf %parallel_loop3A_1431, %parallel_loop3A_1257 : vector<16xf32>
        %parallel_loop3A_1433 = arith.constant 128 : index
        %parallel_loop3A_1434 = tpu.vector_load %arg13[%parallel_loop3A_1433] {strides = array<i32>} : memref<768xf32, #tpu.memory_space<vmem>>, vector<16xf32>,
        %parallel_loop3A_1435 = vector.shape_cast %parallel_loop3A_1434 : vector<16xf32> to vector<16xf32>
        %parallel_loop3A_1436 = arith.mulf %parallel_loop3A_1432, %parallel_loop3A_1435 : vector<16xf32>
        %parallel_loop3A_1437 = arith.constant 128 : index
        %parallel_loop3A_1438 = tpu.vector_load %arg14[%parallel_loop3A_1437] {strides = array<i32>} : memref<768xf32, #tpu.memory_space<vmem>>, vector<16xf32>,
        %parallel_loop3A_1439 = vector.shape_cast %parallel_loop3A_1438 : vector<16xf32> to vector<16xf32>
        %parallel_loop3A_1440 = arith.addf %parallel_loop3A_1436, %parallel_loop3A_1439 : vector<16xf32>
        %parallel_loop3A_1441 = arith.index_cast %select_n3A_138 : i32 to index
        %parallel_loop3A_1442 = arith.index_cast %parallel_loop3A_202 : i32 to index
        %parallel_loop3A_1443 = arith.constant 128 : index
        %parallel_loop3A_1444 = tpu.vector_load %arg11[%parallel_loop3A_1441, %parallel_loop3A_1442, %parallel_loop3A_1443] {strides = array<i32>} : memref<3x32x768xf32, #tpu.memory_space<vmem>>, vector<1x1x16xf32>,
        %parallel_loop3A_1445 = vector.shape_cast %parallel_loop3A_1444 : vector<1x1x16xf32> to vector<16xf32>
        %parallel_loop3A_1446 = vector.shape_cast %parallel_loop3A_1440 : vector<16xf32> to vector<1x1x16xf32>
        tpu.vector_store %arg11[%parallel_loop3A_1441, %parallel_loop3A_1442, %parallel_loop3A_1443], %parallel_loop3A_1446 {strides = array<i32>} : memref<3x32x768xf32, #tpu.memory_space<vmem>>, vector<1x1x16xf32>,
        %parallel_loop3A_1447 = arith.index_cast %select_n3A_138 : i32 to index
        %parallel_loop3A_1448 = arith.index_cast %parallel_loop3A_202 : i32 to index
        %parallel_loop3A_1449 = arith.constant 144 : index
        %parallel_loop3A_1450 = tpu.vector_load %arg11[%parallel_loop3A_1447, %parallel_loop3A_1448, %parallel_loop3A_1449] {strides = array<i32>} : memref<3x32x768xf32, #tpu.memory_space<vmem>>, vector<1x1x16xf32>,
        %parallel_loop3A_1451 = vector.shape_cast %parallel_loop3A_1450 : vector<1x1x16xf32> to vector<16xf32>
        %parallel_loop3A_1452 = arith.subf %parallel_loop3A_1451, %parallel_loop3A_1194 : vector<16xf32>
        %parallel_loop3A_1453 = arith.mulf %parallel_loop3A_1452, %parallel_loop3A_1257 : vector<16xf32>
        %parallel_loop3A_1454 = arith.constant 144 : index
        %parallel_loop3A_1455 = tpu.vector_load %arg13[%parallel_loop3A_1454] {strides = array<i32>} : memref<768xf32, #tpu.memory_space<vmem>>, vector<16xf32>,
        %parallel_loop3A_1456 = vector.shape_cast %parallel_loop3A_1455 : vector<16xf32> to vector<16xf32>
        %parallel_loop3A_1457 = arith.mulf %parallel_loop3A_1453, %parallel_loop3A_1456 : vector<16xf32>
        %parallel_loop3A_1458 = arith.constant 144 : index
        %parallel_loop3A_1459 = tpu.vector_load %arg14[%parallel_loop3A_1458] {strides = array<i32>} : memref<768xf32, #tpu.memory_space<vmem>>, vector<16xf32>,
        %parallel_loop3A_1460 = vector.shape_cast %parallel_loop3A_1459 : vector<16xf32> to vector<16xf32>
        %parallel_loop3A_1461 = arith.addf %parallel_loop3A_1457, %parallel_loop3A_1460 : vector<16xf32>
        %parallel_loop3A_1462 = arith.index_cast %select_n3A_138 : i32 to index
        %parallel_loop3A_1463 = arith.index_cast %parallel_loop3A_202 : i32 to index
        %parallel_loop3A_1464 = arith.constant 144 : index
        %parallel_loop3A_1465 = tpu.vector_load %arg11[%parallel_loop3A_1462, %parallel_loop3A_1463, %parallel_loop3A_1464] {strides = array<i32>} : memref<3x32x768xf32, #tpu.memory_space<vmem>>, vector<1x1x16xf32>,
        %parallel_loop3A_1466 = vector.shape_cast %parallel_loop3A_1465 : vector<1x1x16xf32> to vector<16xf32>
        %parallel_loop3A_1467 = vector.shape_cast %parallel_loop3A_1461 : vector<16xf32> to vector<1x1x16xf32>
        tpu.vector_store %arg11[%parallel_loop3A_1462, %parallel_loop3A_1463, %parallel_loop3A_1464], %parallel_loop3A_1467 {strides = array<i32>} : memref<3x32x768xf32, #tpu.memory_space<vmem>>, vector<1x1x16xf32>,
        %parallel_loop3A_1468 = arith.index_cast %select_n3A_138 : i32 to index
        %parallel_loop3A_1469 = arith.index_cast %parallel_loop3A_202 : i32 to index
        %parallel_loop3A_1470 = arith.constant 160 : index
        %parallel_loop3A_1471 = tpu.vector_load %arg11[%parallel_loop3A_1468, %parallel_loop3A_1469, %parallel_loop3A_1470] {strides = array<i32>} : memref<3x32x768xf32, #tpu.memory_space<vmem>>, vector<1x1x16xf32>,
        %parallel_loop3A_1472 = vector.shape_cast %parallel_loop3A_1471 : vector<1x1x16xf32> to vector<16xf32>
        %parallel_loop3A_1473 = arith.subf %parallel_loop3A_1472, %parallel_loop3A_1194 : vector<16xf32>
        %parallel_loop3A_1474 = arith.mulf %parallel_loop3A_1473, %parallel_loop3A_1257 : vector<16xf32>
        %parallel_loop3A_1475 = arith.constant 160 : index
        %parallel_loop3A_1476 = tpu.vector_load %arg13[%parallel_loop3A_1475] {strides = array<i32>} : memref<768xf32, #tpu.memory_space<vmem>>, vector<16xf32>,
        %parallel_loop3A_1477 = vector.shape_cast %parallel_loop3A_1476 : vector<16xf32> to vector<16xf32>
        %parallel_loop3A_1478 = arith.mulf %parallel_loop3A_1474, %parallel_loop3A_1477 : vector<16xf32>
        %parallel_loop3A_1479 = arith.constant 160 : index
        %parallel_loop3A_1480 = tpu.vector_load %arg14[%parallel_loop3A_1479] {strides = array<i32>} : memref<768xf32, #tpu.memory_space<vmem>>, vector<16xf32>,
        %parallel_loop3A_1481 = vector.shape_cast %parallel_loop3A_1480 : vector<16xf32> to vector<16xf32>
        %parallel_loop3A_1482 = arith.addf %parallel_loop3A_1478, %parallel_loop3A_1481 : vector<16xf32>
        %parallel_loop3A_1483 = arith.index_cast %select_n3A_138 : i32 to index
        %parallel_loop3A_1484 = arith.index_cast %parallel_loop3A_202 : i32 to index
        %parallel_loop3A_1485 = arith.constant 160 : index
        %parallel_loop3A_1486 = tpu.vector_load %arg11[%parallel_loop3A_1483, %parallel_loop3A_1484, %parallel_loop3A_1485] {strides = array<i32>} : memref<3x32x768xf32, #tpu.memory_space<vmem>>, vector<1x1x16xf32>,
        %parallel_loop3A_1487 = vector.shape_cast %parallel_loop3A_1486 : vector<1x1x16xf32> to vector<16xf32>
        %parallel_loop3A_1488 = vector.shape_cast %parallel_loop3A_1482 : vector<16xf32> to vector<1x1x16xf32>
        tpu.vector_store %arg11[%parallel_loop3A_1483, %parallel_loop3A_1484, %parallel_loop3A_1485], %parallel_loop3A_1488 {strides = array<i32>} : memref<3x32x768xf32, #tpu.memory_space<vmem>>, vector<1x1x16xf32>,
        %parallel_loop3A_1489 = arith.index_cast %select_n3A_138 : i32 to index
        %parallel_loop3A_1490 = arith.index_cast %parallel_loop3A_202 : i32 to index
        %parallel_loop3A_1491 = arith.constant 176 : index
        %parallel_loop3A_1492 = tpu.vector_load %arg11[%parallel_loop3A_1489, %parallel_loop3A_1490, %parallel_loop3A_1491] {strides = array<i32>} : memref<3x32x768xf32, #tpu.memory_space<vmem>>, vector<1x1x16xf32>,
        %parallel_loop3A_1493 = vector.shape_cast %parallel_loop3A_1492 : vector<1x1x16xf32> to vector<16xf32>
        %parallel_loop3A_1494 = arith.subf %parallel_loop3A_1493, %parallel_loop3A_1194 : vector<16xf32>
        %parallel_loop3A_1495 = arith.mulf %parallel_loop3A_1494, %parallel_loop3A_1257 : vector<16xf32>
        %parallel_loop3A_1496 = arith.constant 176 : index
        %parallel_loop3A_1497 = tpu.vector_load %arg13[%parallel_loop3A_1496] {strides = array<i32>} : memref<768xf32, #tpu.memory_space<vmem>>, vector<16xf32>,
        %parallel_loop3A_1498 = vector.shape_cast %parallel_loop3A_1497 : vector<16xf32> to vector<16xf32>
        %parallel_loop3A_1499 = arith.mulf %parallel_loop3A_1495, %parallel_loop3A_1498 : vector<16xf32>
        %parallel_loop3A_1500 = arith.constant 176 : index
        %parallel_loop3A_1501 = tpu.vector_load %arg14[%parallel_loop3A_1500] {strides = array<i32>} : memref<768xf32, #tpu.memory_space<vmem>>, vector<16xf32>,
        %parallel_loop3A_1502 = vector.shape_cast %parallel_loop3A_1501 : vector<16xf32> to vector<16xf32>
        %parallel_loop3A_1503 = arith.addf %parallel_loop3A_1499, %parallel_loop3A_1502 : vector<16xf32>
        %parallel_loop3A_1504 = arith.index_cast %select_n3A_138 : i32 to index
        %parallel_loop3A_1505 = arith.index_cast %parallel_loop3A_202 : i32 to index
        %parallel_loop3A_1506 = arith.constant 176 : index
        %parallel_loop3A_1507 = tpu.vector_load %arg11[%parallel_loop3A_1504, %parallel_loop3A_1505, %parallel_loop3A_1506] {strides = array<i32>} : memref<3x32x768xf32, #tpu.memory_space<vmem>>, vector<1x1x16xf32>,
        %parallel_loop3A_1508 = vector.shape_cast %parallel_loop3A_1507 : vector<1x1x16xf32> to vector<16xf32>
        %parallel_loop3A_1509 = vector.shape_cast %parallel_loop3A_1503 : vector<16xf32> to vector<1x1x16xf32>
        tpu.vector_store %arg11[%parallel_loop3A_1504, %parallel_loop3A_1505, %parallel_loop3A_1506], %parallel_loop3A_1509 {strides = array<i32>} : memref<3x32x768xf32, #tpu.memory_space<vmem>>, vector<1x1x16xf32>,
        %parallel_loop3A_1510 = arith.index_cast %select_n3A_138 : i32 to index
        %parallel_loop3A_1511 = arith.index_cast %parallel_loop3A_202 : i32 to index
        %parallel_loop3A_1512 = arith.constant 192 : index
        %parallel_loop3A_1513 = tpu.vector_load %arg11[%parallel_loop3A_1510, %parallel_loop3A_1511, %parallel_loop3A_1512] {strides = array<i32>} : memref<3x32x768xf32, #tpu.memory_space<vmem>>, vector<1x1x16xf32>,
        %parallel_loop3A_1514 = vector.shape_cast %parallel_loop3A_1513 : vector<1x1x16xf32> to vector<16xf32>
        %parallel_loop3A_1515 = arith.subf %parallel_loop3A_1514, %parallel_loop3A_1194 : vector<16xf32>
        %parallel_loop3A_1516 = arith.mulf %parallel_loop3A_1515, %parallel_loop3A_1257 : vector<16xf32>
        %parallel_loop3A_1517 = arith.constant 192 : index
        %parallel_loop3A_1518 = tpu.vector_load %arg13[%parallel_loop3A_1517] {strides = array<i32>} : memref<768xf32, #tpu.memory_space<vmem>>, vector<16xf32>,
        %parallel_loop3A_1519 = vector.shape_cast %parallel_loop3A_1518 : vector<16xf32> to vector<16xf32>
        %parallel_loop3A_1520 = arith.mulf %parallel_loop3A_1516, %parallel_loop3A_1519 : vector<16xf32>
        %parallel_loop3A_1521 = arith.constant 192 : index
        %parallel_loop3A_1522 = tpu.vector_load %arg14[%parallel_loop3A_1521] {strides = array<i32>} : memref<768xf32, #tpu.memory_space<vmem>>, vector<16xf32>,
        %parallel_loop3A_1523 = vector.shape_cast %parallel_loop3A_1522 : vector<16xf32> to vector<16xf32>
        %parallel_loop3A_1524 = arith.addf %parallel_loop3A_1520, %parallel_loop3A_1523 : vector<16xf32>
        %parallel_loop3A_1525 = arith.index_cast %select_n3A_138 : i32 to index
        %parallel_loop3A_1526 = arith.index_cast %parallel_loop3A_202 : i32 to index
        %parallel_loop3A_1527 = arith.constant 192 : index
        %parallel_loop3A_1528 = tpu.vector_load %arg11[%parallel_loop3A_1525, %parallel_loop3A_1526, %parallel_loop3A_1527] {strides = array<i32>} : memref<3x32x768xf32, #tpu.memory_space<vmem>>, vector<1x1x16xf32>,
        %parallel_loop3A_1529 = vector.shape_cast %parallel_loop3A_1528 : vector<1x1x16xf32> to vector<16xf32>
        %parallel_loop3A_1530 = vector.shape_cast %parallel_loop3A_1524 : vector<16xf32> to vector<1x1x16xf32>
        tpu.vector_store %arg11[%parallel_loop3A_1525, %parallel_loop3A_1526, %parallel_loop3A_1527], %parallel_loop3A_1530 {strides = array<i32>} : memref<3x32x768xf32, #tpu.memory_space<vmem>>, vector<1x1x16xf32>,
        %parallel_loop3A_1531 = arith.index_cast %select_n3A_138 : i32 to index
        %parallel_loop3A_1532 = arith.index_cast %parallel_loop3A_202 : i32 to index
        %parallel_loop3A_1533 = arith.constant 208 : index
        %parallel_loop3A_1534 = tpu.vector_load %arg11[%parallel_loop3A_1531, %parallel_loop3A_1532, %parallel_loop3A_1533] {strides = array<i32>} : memref<3x32x768xf32, #tpu.memory_space<vmem>>, vector<1x1x16xf32>,
        %parallel_loop3A_1535 = vector.shape_cast %parallel_loop3A_1534 : vector<1x1x16xf32> to vector<16xf32>
        %parallel_loop3A_1536 = arith.subf %parallel_loop3A_1535, %parallel_loop3A_1194 : vector<16xf32>
        %parallel_loop3A_1537 = arith.mulf %parallel_loop3A_1536, %parallel_loop3A_1257 : vector<16xf32>
        %parallel_loop3A_1538 = arith.constant 208 : index
        %parallel_loop3A_1539 = tpu.vector_load %arg13[%parallel_loop3A_1538] {strides = array<i32>} : memref<768xf32, #tpu.memory_space<vmem>>, vector<16xf32>,
        %parallel_loop3A_1540 = vector.shape_cast %parallel_loop3A_1539 : vector<16xf32> to vector<16xf32>
        %parallel_loop3A_1541 = arith.mulf %parallel_loop3A_1537, %parallel_loop3A_1540 : vector<16xf32>
        %parallel_loop3A_1542 = arith.constant 208 : index
        %parallel_loop3A_1543 = tpu.vector_load %arg14[%parallel_loop3A_1542] {strides = array<i32>} : memref<768xf32, #tpu.memory_space<vmem>>, vector<16xf32>,
        %parallel_loop3A_1544 = vector.shape_cast %parallel_loop3A_1543 : vector<16xf32> to vector<16xf32>
        %parallel_loop3A_1545 = arith.addf %parallel_loop3A_1541, %parallel_loop3A_1544 : vector<16xf32>
        %parallel_loop3A_1546 = arith.index_cast %select_n3A_138 : i32 to index
        %parallel_loop3A_1547 = arith.index_cast %parallel_loop3A_202 : i32 to index
        %parallel_loop3A_1548 = arith.constant 208 : index
        %parallel_loop3A_1549 = tpu.vector_load %arg11[%parallel_loop3A_1546, %parallel_loop3A_1547, %parallel_loop3A_1548] {strides = array<i32>} : memref<3x32x768xf32, #tpu.memory_space<vmem>>, vector<1x1x16xf32>,
        %parallel_loop3A_1550 = vector.shape_cast %parallel_loop3A_1549 : vector<1x1x16xf32> to vector<16xf32>
        %parallel_loop3A_1551 = vector.shape_cast %parallel_loop3A_1545 : vector<16xf32> to vector<1x1x16xf32>
        tpu.vector_store %arg11[%parallel_loop3A_1546, %parallel_loop3A_1547, %parallel_loop3A_1548], %parallel_loop3A_1551 {strides = array<i32>} : memref<3x32x768xf32, #tpu.memory_space<vmem>>, vector<1x1x16xf32>,
        %parallel_loop3A_1552 = arith.index_cast %select_n3A_138 : i32 to index
        %parallel_loop3A_1553 = arith.index_cast %parallel_loop3A_202 : i32 to index
        %parallel_loop3A_1554 = arith.constant 224 : index
        %parallel_loop3A_1555 = tpu.vector_load %arg11[%parallel_loop3A_1552, %parallel_loop3A_1553, %parallel_loop3A_1554] {strides = array<i32>} : memref<3x32x768xf32, #tpu.memory_space<vmem>>, vector<1x1x16xf32>,
        %parallel_loop3A_1556 = vector.shape_cast %parallel_loop3A_1555 : vector<1x1x16xf32> to vector<16xf32>
        %parallel_loop3A_1557 = arith.subf %parallel_loop3A_1556, %parallel_loop3A_1194 : vector<16xf32>
        %parallel_loop3A_1558 = arith.mulf %parallel_loop3A_1557, %parallel_loop3A_1257 : vector<16xf32>
        %parallel_loop3A_1559 = arith.constant 224 : index
        %parallel_loop3A_1560 = tpu.vector_load %arg13[%parallel_loop3A_1559] {strides = array<i32>} : memref<768xf32, #tpu.memory_space<vmem>>, vector<16xf32>,
        %parallel_loop3A_1561 = vector.shape_cast %parallel_loop3A_1560 : vector<16xf32> to vector<16xf32>
        %parallel_loop3A_1562 = arith.mulf %parallel_loop3A_1558, %parallel_loop3A_1561 : vector<16xf32>
        %parallel_loop3A_1563 = arith.constant 224 : index
        %parallel_loop3A_1564 = tpu.vector_load %arg14[%parallel_loop3A_1563] {strides = array<i32>} : memref<768xf32, #tpu.memory_space<vmem>>, vector<16xf32>,
        %parallel_loop3A_1565 = vector.shape_cast %parallel_loop3A_1564 : vector<16xf32> to vector<16xf32>
        %parallel_loop3A_1566 = arith.addf %parallel_loop3A_1562, %parallel_loop3A_1565 : vector<16xf32>
        %parallel_loop3A_1567 = arith.index_cast %select_n3A_138 : i32 to index
        %parallel_loop3A_1568 = arith.index_cast %parallel_loop3A_202 : i32 to index
        %parallel_loop3A_1569 = arith.constant 224 : index
        %parallel_loop3A_1570 = tpu.vector_load %arg11[%parallel_loop3A_1567, %parallel_loop3A_1568, %parallel_loop3A_1569] {strides = array<i32>} : memref<3x32x768xf32, #tpu.memory_space<vmem>>, vector<1x1x16xf32>,
        %parallel_loop3A_1571 = vector.shape_cast %parallel_loop3A_1570 : vector<1x1x16xf32> to vector<16xf32>
        %parallel_loop3A_1572 = vector.shape_cast %parallel_loop3A_1566 : vector<16xf32> to vector<1x1x16xf32>
        tpu.vector_store %arg11[%parallel_loop3A_1567, %parallel_loop3A_1568, %parallel_loop3A_1569], %parallel_loop3A_1572 {strides = array<i32>} : memref<3x32x768xf32, #tpu.memory_space<vmem>>, vector<1x1x16xf32>,
        %parallel_loop3A_1573 = arith.index_cast %select_n3A_138 : i32 to index
        %parallel_loop3A_1574 = arith.index_cast %parallel_loop3A_202 : i32 to index
        %parallel_loop3A_1575 = arith.constant 240 : index
        %parallel_loop3A_1576 = tpu.vector_load %arg11[%parallel_loop3A_1573, %parallel_loop3A_1574, %parallel_loop3A_1575] {strides = array<i32>} : memref<3x32x768xf32, #tpu.memory_space<vmem>>, vector<1x1x16xf32>,
        %parallel_loop3A_1577 = vector.shape_cast %parallel_loop3A_1576 : vector<1x1x16xf32> to vector<16xf32>
        %parallel_loop3A_1578 = arith.subf %parallel_loop3A_1577, %parallel_loop3A_1194 : vector<16xf32>
        %parallel_loop3A_1579 = arith.mulf %parallel_loop3A_1578, %parallel_loop3A_1257 : vector<16xf32>
        %parallel_loop3A_1580 = arith.constant 240 : index
        %parallel_loop3A_1581 = tpu.vector_load %arg13[%parallel_loop3A_1580] {strides = array<i32>} : memref<768xf32, #tpu.memory_space<vmem>>, vector<16xf32>,
        %parallel_loop3A_1582 = vector.shape_cast %parallel_loop3A_1581 : vector<16xf32> to vector<16xf32>
        %parallel_loop3A_1583 = arith.mulf %parallel_loop3A_1579, %parallel_loop3A_1582 : vector<16xf32>
        %parallel_loop3A_1584 = arith.constant 240 : index
        %parallel_loop3A_1585 = tpu.vector_load %arg14[%parallel_loop3A_1584] {strides = array<i32>} : memref<768xf32, #tpu.memory_space<vmem>>, vector<16xf32>,
        %parallel_loop3A_1586 = vector.shape_cast %parallel_loop3A_1585 : vector<16xf32> to vector<16xf32>
        %parallel_loop3A_1587 = arith.addf %parallel_loop3A_1583, %parallel_loop3A_1586 : vector<16xf32>
        %parallel_loop3A_1588 = arith.index_cast %select_n3A_138 : i32 to index
        %parallel_loop3A_1589 = arith.index_cast %parallel_loop3A_202 : i32 to index
        %parallel_loop3A_1590 = arith.constant 240 : index
        %parallel_loop3A_1591 = tpu.vector_load %arg11[%parallel_loop3A_1588, %parallel_loop3A_1589, %parallel_loop3A_1590] {strides = array<i32>} : memref<3x32x768xf32, #tpu.memory_space<vmem>>, vector<1x1x16xf32>,
        %parallel_loop3A_1592 = vector.shape_cast %parallel_loop3A_1591 : vector<1x1x16xf32> to vector<16xf32>
        %parallel_loop3A_1593 = vector.shape_cast %parallel_loop3A_1587 : vector<16xf32> to vector<1x1x16xf32>
        tpu.vector_store %arg11[%parallel_loop3A_1588, %parallel_loop3A_1589, %parallel_loop3A_1590], %parallel_loop3A_1593 {strides = array<i32>} : memref<3x32x768xf32, #tpu.memory_space<vmem>>, vector<1x1x16xf32>,
        %parallel_loop3A_1594 = arith.index_cast %select_n3A_138 : i32 to index
        %parallel_loop3A_1595 = arith.index_cast %parallel_loop3A_202 : i32 to index
        %parallel_loop3A_1596 = arith.constant 256 : index
        %parallel_loop3A_1597 = tpu.vector_load %arg11[%parallel_loop3A_1594, %parallel_loop3A_1595, %parallel_loop3A_1596] {strides = array<i32>} : memref<3x32x768xf32, #tpu.memory_space<vmem>>, vector<1x1x16xf32>,
        %parallel_loop3A_1598 = vector.shape_cast %parallel_loop3A_1597 : vector<1x1x16xf32> to vector<16xf32>
        %parallel_loop3A_1599 = arith.subf %parallel_loop3A_1598, %parallel_loop3A_1194 : vector<16xf32>
        %parallel_loop3A_1600 = arith.mulf %parallel_loop3A_1599, %parallel_loop3A_1257 : vector<16xf32>
        %parallel_loop3A_1601 = arith.constant 256 : index
        %parallel_loop3A_1602 = tpu.vector_load %arg13[%parallel_loop3A_1601] {strides = array<i32>} : memref<768xf32, #tpu.memory_space<vmem>>, vector<16xf32>,
        %parallel_loop3A_1603 = vector.shape_cast %parallel_loop3A_1602 : vector<16xf32> to vector<16xf32>
        %parallel_loop3A_1604 = arith.mulf %parallel_loop3A_1600, %parallel_loop3A_1603 : vector<16xf32>
        %parallel_loop3A_1605 = arith.constant 256 : index
        %parallel_loop3A_1606 = tpu.vector_load %arg14[%parallel_loop3A_1605] {strides = array<i32>} : memref<768xf32, #tpu.memory_space<vmem>>, vector<16xf32>,
        %parallel_loop3A_1607 = vector.shape_cast %parallel_loop3A_1606 : vector<16xf32> to vector<16xf32>
        %parallel_loop3A_1608 = arith.addf %parallel_loop3A_1604, %parallel_loop3A_1607 : vector<16xf32>
        %parallel_loop3A_1609 = arith.index_cast %select_n3A_138 : i32 to index
        %parallel_loop3A_1610 = arith.index_cast %parallel_loop3A_202 : i32 to index
        %parallel_loop3A_1611 = arith.constant 256 : index
        %parallel_loop3A_1612 = tpu.vector_load %arg11[%parallel_loop3A_1609, %parallel_loop3A_1610, %parallel_loop3A_1611] {strides = array<i32>} : memref<3x32x768xf32, #tpu.memory_space<vmem>>, vector<1x1x16xf32>,
        %parallel_loop3A_1613 = vector.shape_cast %parallel_loop3A_1612 : vector<1x1x16xf32> to vector<16xf32>
        %parallel_loop3A_1614 = vector.shape_cast %parallel_loop3A_1608 : vector<16xf32> to vector<1x1x16xf32>
        tpu.vector_store %arg11[%parallel_loop3A_1609, %parallel_loop3A_1610, %parallel_loop3A_1611], %parallel_loop3A_1614 {strides = array<i32>} : memref<3x32x768xf32, #tpu.memory_space<vmem>>, vector<1x1x16xf32>,
        %parallel_loop3A_1615 = arith.index_cast %select_n3A_138 : i32 to index
        %parallel_loop3A_1616 = arith.index_cast %parallel_loop3A_202 : i32 to index
        %parallel_loop3A_1617 = arith.constant 272 : index
        %parallel_loop3A_1618 = tpu.vector_load %arg11[%parallel_loop3A_1615, %parallel_loop3A_1616, %parallel_loop3A_1617] {strides = array<i32>} : memref<3x32x768xf32, #tpu.memory_space<vmem>>, vector<1x1x16xf32>,
        %parallel_loop3A_1619 = vector.shape_cast %parallel_loop3A_1618 : vector<1x1x16xf32> to vector<16xf32>
        %parallel_loop3A_1620 = arith.subf %parallel_loop3A_1619, %parallel_loop3A_1194 : vector<16xf32>
        %parallel_loop3A_1621 = arith.mulf %parallel_loop3A_1620, %parallel_loop3A_1257 : vector<16xf32>
        %parallel_loop3A_1622 = arith.constant 272 : index
        %parallel_loop3A_1623 = tpu.vector_load %arg13[%parallel_loop3A_1622] {strides = array<i32>} : memref<768xf32, #tpu.memory_space<vmem>>, vector<16xf32>,
        %parallel_loop3A_1624 = vector.shape_cast %parallel_loop3A_1623 : vector<16xf32> to vector<16xf32>
        %parallel_loop3A_1625 = arith.mulf %parallel_loop3A_1621, %parallel_loop3A_1624 : vector<16xf32>
        %parallel_loop3A_1626 = arith.constant 272 : index
        %parallel_loop3A_1627 = tpu.vector_load %arg14[%parallel_loop3A_1626] {strides = array<i32>} : memref<768xf32, #tpu.memory_space<vmem>>, vector<16xf32>,
        %parallel_loop3A_1628 = vector.shape_cast %parallel_loop3A_1627 : vector<16xf32> to vector<16xf32>
        %parallel_loop3A_1629 = arith.addf %parallel_loop3A_1625, %parallel_loop3A_1628 : vector<16xf32>
        %parallel_loop3A_1630 = arith.index_cast %select_n3A_138 : i32 to index
        %parallel_loop3A_1631 = arith.index_cast %parallel_loop3A_202 : i32 to index
        %parallel_loop3A_1632 = arith.constant 272 : index
        %parallel_loop3A_1633 = tpu.vector_load %arg11[%parallel_loop3A_1630, %parallel_loop3A_1631, %parallel_loop3A_1632] {strides = array<i32>} : memref<3x32x768xf32, #tpu.memory_space<vmem>>, vector<1x1x16xf32>,
        %parallel_loop3A_1634 = vector.shape_cast %parallel_loop3A_1633 : vector<1x1x16xf32> to vector<16xf32>
        %parallel_loop3A_1635 = vector.shape_cast %parallel_loop3A_1629 : vector<16xf32> to vector<1x1x16xf32>
        tpu.vector_store %arg11[%parallel_loop3A_1630, %parallel_loop3A_1631, %parallel_loop3A_1632], %parallel_loop3A_1635 {strides = array<i32>} : memref<3x32x768xf32, #tpu.memory_space<vmem>>, vector<1x1x16xf32>,
        %parallel_loop3A_1636 = arith.index_cast %select_n3A_138 : i32 to index
        %parallel_loop3A_1637 = arith.index_cast %parallel_loop3A_202 : i32 to index
        %parallel_loop3A_1638 = arith.constant 288 : index
        %parallel_loop3A_1639 = tpu.vector_load %arg11[%parallel_loop3A_1636, %parallel_loop3A_1637, %parallel_loop3A_1638] {strides = array<i32>} : memref<3x32x768xf32, #tpu.memory_space<vmem>>, vector<1x1x16xf32>,
        %parallel_loop3A_1640 = vector.shape_cast %parallel_loop3A_1639 : vector<1x1x16xf32> to vector<16xf32>
        %parallel_loop3A_1641 = arith.subf %parallel_loop3A_1640, %parallel_loop3A_1194 : vector<16xf32>
        %parallel_loop3A_1642 = arith.mulf %parallel_loop3A_1641, %parallel_loop3A_1257 : vector<16xf32>
        %parallel_loop3A_1643 = arith.constant 288 : index
        %parallel_loop3A_1644 = tpu.vector_load %arg13[%parallel_loop3A_1643] {strides = array<i32>} : memref<768xf32, #tpu.memory_space<vmem>>, vector<16xf32>,
        %parallel_loop3A_1645 = vector.shape_cast %parallel_loop3A_1644 : vector<16xf32> to vector<16xf32>
        %parallel_loop3A_1646 = arith.mulf %parallel_loop3A_1642, %parallel_loop3A_1645 : vector<16xf32>
        %parallel_loop3A_1647 = arith.constant 288 : index
        %parallel_loop3A_1648 = tpu.vector_load %arg14[%parallel_loop3A_1647] {strides = array<i32>} : memref<768xf32, #tpu.memory_space<vmem>>, vector<16xf32>,
        %parallel_loop3A_1649 = vector.shape_cast %parallel_loop3A_1648 : vector<16xf32> to vector<16xf32>
        %parallel_loop3A_1650 = arith.addf %parallel_loop3A_1646, %parallel_loop3A_1649 : vector<16xf32>
        %parallel_loop3A_1651 = arith.index_cast %select_n3A_138 : i32 to index
        %parallel_loop3A_1652 = arith.index_cast %parallel_loop3A_202 : i32 to index
        %parallel_loop3A_1653 = arith.constant 288 : index
        %parallel_loop3A_1654 = tpu.vector_load %arg11[%parallel_loop3A_1651, %parallel_loop3A_1652, %parallel_loop3A_1653] {strides = array<i32>} : memref<3x32x768xf32, #tpu.memory_space<vmem>>, vector<1x1x16xf32>,
        %parallel_loop3A_1655 = vector.shape_cast %parallel_loop3A_1654 : vector<1x1x16xf32> to vector<16xf32>
        %parallel_loop3A_1656 = vector.shape_cast %parallel_loop3A_1650 : vector<16xf32> to vector<1x1x16xf32>
        tpu.vector_store %arg11[%parallel_loop3A_1651, %parallel_loop3A_1652, %parallel_loop3A_1653], %parallel_loop3A_1656 {strides = array<i32>} : memref<3x32x768xf32, #tpu.memory_space<vmem>>, vector<1x1x16xf32>,
        %parallel_loop3A_1657 = arith.index_cast %select_n3A_138 : i32 to index
        %parallel_loop3A_1658 = arith.index_cast %parallel_loop3A_202 : i32 to index
        %parallel_loop3A_1659 = arith.constant 304 : index
        %parallel_loop3A_1660 = tpu.vector_load %arg11[%parallel_loop3A_1657, %parallel_loop3A_1658, %parallel_loop3A_1659] {strides = array<i32>} : memref<3x32x768xf32, #tpu.memory_space<vmem>>, vector<1x1x16xf32>,
        %parallel_loop3A_1661 = vector.shape_cast %parallel_loop3A_1660 : vector<1x1x16xf32> to vector<16xf32>
        %parallel_loop3A_1662 = arith.subf %parallel_loop3A_1661, %parallel_loop3A_1194 : vector<16xf32>
        %parallel_loop3A_1663 = arith.mulf %parallel_loop3A_1662, %parallel_loop3A_1257 : vector<16xf32>
        %parallel_loop3A_1664 = arith.constant 304 : index
        %parallel_loop3A_1665 = tpu.vector_load %arg13[%parallel_loop3A_1664] {strides = array<i32>} : memref<768xf32, #tpu.memory_space<vmem>>, vector<16xf32>,
        %parallel_loop3A_1666 = vector.shape_cast %parallel_loop3A_1665 : vector<16xf32> to vector<16xf32>
        %parallel_loop3A_1667 = arith.mulf %parallel_loop3A_1663, %parallel_loop3A_1666 : vector<16xf32>
        %parallel_loop3A_1668 = arith.constant 304 : index
        %parallel_loop3A_1669 = tpu.vector_load %arg14[%parallel_loop3A_1668] {strides = array<i32>} : memref<768xf32, #tpu.memory_space<vmem>>, vector<16xf32>,
        %parallel_loop3A_1670 = vector.shape_cast %parallel_loop3A_1669 : vector<16xf32> to vector<16xf32>
        %parallel_loop3A_1671 = arith.addf %parallel_loop3A_1667, %parallel_loop3A_1670 : vector<16xf32>
        %parallel_loop3A_1672 = arith.index_cast %select_n3A_138 : i32 to index
        %parallel_loop3A_1673 = arith.index_cast %parallel_loop3A_202 : i32 to index
        %parallel_loop3A_1674 = arith.constant 304 : index
        %parallel_loop3A_1675 = tpu.vector_load %arg11[%parallel_loop3A_1672, %parallel_loop3A_1673, %parallel_loop3A_1674] {strides = array<i32>} : memref<3x32x768xf32, #tpu.memory_space<vmem>>, vector<1x1x16xf32>,
        %parallel_loop3A_1676 = vector.shape_cast %parallel_loop3A_1675 : vector<1x1x16xf32> to vector<16xf32>
        %parallel_loop3A_1677 = vector.shape_cast %parallel_loop3A_1671 : vector<16xf32> to vector<1x1x16xf32>
        tpu.vector_store %arg11[%parallel_loop3A_1672, %parallel_loop3A_1673, %parallel_loop3A_1674], %parallel_loop3A_1677 {strides = array<i32>} : memref<3x32x768xf32, #tpu.memory_space<vmem>>, vector<1x1x16xf32>,
        %parallel_loop3A_1678 = arith.index_cast %select_n3A_138 : i32 to index
        %parallel_loop3A_1679 = arith.index_cast %parallel_loop3A_202 : i32 to index
        %parallel_loop3A_1680 = arith.constant 320 : index
        %parallel_loop3A_1681 = tpu.vector_load %arg11[%parallel_loop3A_1678, %parallel_loop3A_1679, %parallel_loop3A_1680] {strides = array<i32>} : memref<3x32x768xf32, #tpu.memory_space<vmem>>, vector<1x1x16xf32>,
        %parallel_loop3A_1682 = vector.shape_cast %parallel_loop3A_1681 : vector<1x1x16xf32> to vector<16xf32>
        %parallel_loop3A_1683 = arith.subf %parallel_loop3A_1682, %parallel_loop3A_1194 : vector<16xf32>
        %parallel_loop3A_1684 = arith.mulf %parallel_loop3A_1683, %parallel_loop3A_1257 : vector<16xf32>
        %parallel_loop3A_1685 = arith.constant 320 : index
        %parallel_loop3A_1686 = tpu.vector_load %arg13[%parallel_loop3A_1685] {strides = array<i32>} : memref<768xf32, #tpu.memory_space<vmem>>, vector<16xf32>,
        %parallel_loop3A_1687 = vector.shape_cast %parallel_loop3A_1686 : vector<16xf32> to vector<16xf32>
        %parallel_loop3A_1688 = arith.mulf %parallel_loop3A_1684, %parallel_loop3A_1687 : vector<16xf32>
        %parallel_loop3A_1689 = arith.constant 320 : index
        %parallel_loop3A_1690 = tpu.vector_load %arg14[%parallel_loop3A_1689] {strides = array<i32>} : memref<768xf32, #tpu.memory_space<vmem>>, vector<16xf32>,
        %parallel_loop3A_1691 = vector.shape_cast %parallel_loop3A_1690 : vector<16xf32> to vector<16xf32>
        %parallel_loop3A_1692 = arith.addf %parallel_loop3A_1688, %parallel_loop3A_1691 : vector<16xf32>
        %parallel_loop3A_1693 = arith.index_cast %select_n3A_138 : i32 to index
        %parallel_loop3A_1694 = arith.index_cast %parallel_loop3A_202 : i32 to index
        %parallel_loop3A_1695 = arith.constant 320 : index
        %parallel_loop3A_1696 = tpu.vector_load %arg11[%parallel_loop3A_1693, %parallel_loop3A_1694, %parallel_loop3A_1695] {strides = array<i32>} : memref<3x32x768xf32, #tpu.memory_space<vmem>>, vector<1x1x16xf32>,
        %parallel_loop3A_1697 = vector.shape_cast %parallel_loop3A_1696 : vector<1x1x16xf32> to vector<16xf32>
        %parallel_loop3A_1698 = vector.shape_cast %parallel_loop3A_1692 : vector<16xf32> to vector<1x1x16xf32>
        tpu.vector_store %arg11[%parallel_loop3A_1693, %parallel_loop3A_1694, %parallel_loop3A_1695], %parallel_loop3A_1698 {strides = array<i32>} : memref<3x32x768xf32, #tpu.memory_space<vmem>>, vector<1x1x16xf32>,
        %parallel_loop3A_1699 = arith.index_cast %select_n3A_138 : i32 to index
        %parallel_loop3A_1700 = arith.index_cast %parallel_loop3A_202 : i32 to index
        %parallel_loop3A_1701 = arith.constant 336 : index
        %parallel_loop3A_1702 = tpu.vector_load %arg11[%parallel_loop3A_1699, %parallel_loop3A_1700, %parallel_loop3A_1701] {strides = array<i32>} : memref<3x32x768xf32, #tpu.memory_space<vmem>>, vector<1x1x16xf32>,
        %parallel_loop3A_1703 = vector.shape_cast %parallel_loop3A_1702 : vector<1x1x16xf32> to vector<16xf32>
        %parallel_loop3A_1704 = arith.subf %parallel_loop3A_1703, %parallel_loop3A_1194 : vector<16xf32>
        %parallel_loop3A_1705 = arith.mulf %parallel_loop3A_1704, %parallel_loop3A_1257 : vector<16xf32>
        %parallel_loop3A_1706 = arith.constant 336 : index
        %parallel_loop3A_1707 = tpu.vector_load %arg13[%parallel_loop3A_1706] {strides = array<i32>} : memref<768xf32, #tpu.memory_space<vmem>>, vector<16xf32>,
        %parallel_loop3A_1708 = vector.shape_cast %parallel_loop3A_1707 : vector<16xf32> to vector<16xf32>
        %parallel_loop3A_1709 = arith.mulf %parallel_loop3A_1705, %parallel_loop3A_1708 : vector<16xf32>
        %parallel_loop3A_1710 = arith.constant 336 : index
        %parallel_loop3A_1711 = tpu.vector_load %arg14[%parallel_loop3A_1710] {strides = array<i32>} : memref<768xf32, #tpu.memory_space<vmem>>, vector<16xf32>,
        %parallel_loop3A_1712 = vector.shape_cast %parallel_loop3A_1711 : vector<16xf32> to vector<16xf32>
        %parallel_loop3A_1713 = arith.addf %parallel_loop3A_1709, %parallel_loop3A_1712 : vector<16xf32>
        %parallel_loop3A_1714 = arith.index_cast %select_n3A_138 : i32 to index
        %parallel_loop3A_1715 = arith.index_cast %parallel_loop3A_202 : i32 to index
        %parallel_loop3A_1716 = arith.constant 336 : index
        %parallel_loop3A_1717 = tpu.vector_load %arg11[%parallel_loop3A_1714, %parallel_loop3A_1715, %parallel_loop3A_1716] {strides = array<i32>} : memref<3x32x768xf32, #tpu.memory_space<vmem>>, vector<1x1x16xf32>,
        %parallel_loop3A_1718 = vector.shape_cast %parallel_loop3A_1717 : vector<1x1x16xf32> to vector<16xf32>
        %parallel_loop3A_1719 = vector.shape_cast %parallel_loop3A_1713 : vector<16xf32> to vector<1x1x16xf32>
        tpu.vector_store %arg11[%parallel_loop3A_1714, %parallel_loop3A_1715, %parallel_loop3A_1716], %parallel_loop3A_1719 {strides = array<i32>} : memref<3x32x768xf32, #tpu.memory_space<vmem>>, vector<1x1x16xf32>,
        %parallel_loop3A_1720 = arith.index_cast %select_n3A_138 : i32 to index
        %parallel_loop3A_1721 = arith.index_cast %parallel_loop3A_202 : i32 to index
        %parallel_loop3A_1722 = arith.constant 352 : index
        %parallel_loop3A_1723 = tpu.vector_load %arg11[%parallel_loop3A_1720, %parallel_loop3A_1721, %parallel_loop3A_1722] {strides = array<i32>} : memref<3x32x768xf32, #tpu.memory_space<vmem>>, vector<1x1x16xf32>,
        %parallel_loop3A_1724 = vector.shape_cast %parallel_loop3A_1723 : vector<1x1x16xf32> to vector<16xf32>
        %parallel_loop3A_1725 = arith.subf %parallel_loop3A_1724, %parallel_loop3A_1194 : vector<16xf32>
        %parallel_loop3A_1726 = arith.mulf %parallel_loop3A_1725, %parallel_loop3A_1257 : vector<16xf32>
        %parallel_loop3A_1727 = arith.constant 352 : index
        %parallel_loop3A_1728 = tpu.vector_load %arg13[%parallel_loop3A_1727] {strides = array<i32>} : memref<768xf32, #tpu.memory_space<vmem>>, vector<16xf32>,
        %parallel_loop3A_1729 = vector.shape_cast %parallel_loop3A_1728 : vector<16xf32> to vector<16xf32>
        %parallel_loop3A_1730 = arith.mulf %parallel_loop3A_1726, %parallel_loop3A_1729 : vector<16xf32>
        %parallel_loop3A_1731 = arith.constant 352 : index
        %parallel_loop3A_1732 = tpu.vector_load %arg14[%parallel_loop3A_1731] {strides = array<i32>} : memref<768xf32, #tpu.memory_space<vmem>>, vector<16xf32>,
        %parallel_loop3A_1733 = vector.shape_cast %parallel_loop3A_1732 : vector<16xf32> to vector<16xf32>
        %parallel_loop3A_1734 = arith.addf %parallel_loop3A_1730, %parallel_loop3A_1733 : vector<16xf32>
        %parallel_loop3A_1735 = arith.index_cast %select_n3A_138 : i32 to index
        %parallel_loop3A_1736 = arith.index_cast %parallel_loop3A_202 : i32 to index
        %parallel_loop3A_1737 = arith.constant 352 : index
        %parallel_loop3A_1738 = tpu.vector_load %arg11[%parallel_loop3A_1735, %parallel_loop3A_1736, %parallel_loop3A_1737] {strides = array<i32>} : memref<3x32x768xf32, #tpu.memory_space<vmem>>, vector<1x1x16xf32>,
        %parallel_loop3A_1739 = vector.shape_cast %parallel_loop3A_1738 : vector<1x1x16xf32> to vector<16xf32>
        %parallel_loop3A_1740 = vector.shape_cast %parallel_loop3A_1734 : vector<16xf32> to vector<1x1x16xf32>
        tpu.vector_store %arg11[%parallel_loop3A_1735, %parallel_loop3A_1736, %parallel_loop3A_1737], %parallel_loop3A_1740 {strides = array<i32>} : memref<3x32x768xf32, #tpu.memory_space<vmem>>, vector<1x1x16xf32>,
        %parallel_loop3A_1741 = arith.index_cast %select_n3A_138 : i32 to index
        %parallel_loop3A_1742 = arith.index_cast %parallel_loop3A_202 : i32 to index
        %parallel_loop3A_1743 = arith.constant 368 : index
        %parallel_loop3A_1744 = tpu.vector_load %arg11[%parallel_loop3A_1741, %parallel_loop3A_1742, %parallel_loop3A_1743] {strides = array<i32>} : memref<3x32x768xf32, #tpu.memory_space<vmem>>, vector<1x1x16xf32>,
        %parallel_loop3A_1745 = vector.shape_cast %parallel_loop3A_1744 : vector<1x1x16xf32> to vector<16xf32>
        %parallel_loop3A_1746 = arith.subf %parallel_loop3A_1745, %parallel_loop3A_1194 : vector<16xf32>
        %parallel_loop3A_1747 = arith.mulf %parallel_loop3A_1746, %parallel_loop3A_1257 : vector<16xf32>
        %parallel_loop3A_1748 = arith.constant 368 : index
        %parallel_loop3A_1749 = tpu.vector_load %arg13[%parallel_loop3A_1748] {strides = array<i32>} : memref<768xf32, #tpu.memory_space<vmem>>, vector<16xf32>,
        %parallel_loop3A_1750 = vector.shape_cast %parallel_loop3A_1749 : vector<16xf32> to vector<16xf32>
        %parallel_loop3A_1751 = arith.mulf %parallel_loop3A_1747, %parallel_loop3A_1750 : vector<16xf32>
        %parallel_loop3A_1752 = arith.constant 368 : index
        %parallel_loop3A_1753 = tpu.vector_load %arg14[%parallel_loop3A_1752] {strides = array<i32>} : memref<768xf32, #tpu.memory_space<vmem>>, vector<16xf32>,
        %parallel_loop3A_1754 = vector.shape_cast %parallel_loop3A_1753 : vector<16xf32> to vector<16xf32>
        %parallel_loop3A_1755 = arith.addf %parallel_loop3A_1751, %parallel_loop3A_1754 : vector<16xf32>
        %parallel_loop3A_1756 = arith.index_cast %select_n3A_138 : i32 to index
        %parallel_loop3A_1757 = arith.index_cast %parallel_loop3A_202 : i32 to index
        %parallel_loop3A_1758 = arith.constant 368 : index
        %parallel_loop3A_1759 = tpu.vector_load %arg11[%parallel_loop3A_1756, %parallel_loop3A_1757, %parallel_loop3A_1758] {strides = array<i32>} : memref<3x32x768xf32, #tpu.memory_space<vmem>>, vector<1x1x16xf32>,
        %parallel_loop3A_1760 = vector.shape_cast %parallel_loop3A_1759 : vector<1x1x16xf32> to vector<16xf32>
        %parallel_loop3A_1761 = vector.shape_cast %parallel_loop3A_1755 : vector<16xf32> to vector<1x1x16xf32>
        tpu.vector_store %arg11[%parallel_loop3A_1756, %parallel_loop3A_1757, %parallel_loop3A_1758], %parallel_loop3A_1761 {strides = array<i32>} : memref<3x32x768xf32, #tpu.memory_space<vmem>>, vector<1x1x16xf32>,
        %parallel_loop3A_1762 = arith.index_cast %select_n3A_138 : i32 to index
        %parallel_loop3A_1763 = arith.index_cast %parallel_loop3A_202 : i32 to index
        %parallel_loop3A_1764 = arith.constant 384 : index
        %parallel_loop3A_1765 = tpu.vector_load %arg11[%parallel_loop3A_1762, %parallel_loop3A_1763, %parallel_loop3A_1764] {strides = array<i32>} : memref<3x32x768xf32, #tpu.memory_space<vmem>>, vector<1x1x16xf32>,
        %parallel_loop3A_1766 = vector.shape_cast %parallel_loop3A_1765 : vector<1x1x16xf32> to vector<16xf32>
        %parallel_loop3A_1767 = arith.subf %parallel_loop3A_1766, %parallel_loop3A_1194 : vector<16xf32>
        %parallel_loop3A_1768 = arith.mulf %parallel_loop3A_1767, %parallel_loop3A_1257 : vector<16xf32>
        %parallel_loop3A_1769 = arith.constant 384 : index
        %parallel_loop3A_1770 = tpu.vector_load %arg13[%parallel_loop3A_1769] {strides = array<i32>} : memref<768xf32, #tpu.memory_space<vmem>>, vector<16xf32>,
        %parallel_loop3A_1771 = vector.shape_cast %parallel_loop3A_1770 : vector<16xf32> to vector<16xf32>
        %parallel_loop3A_1772 = arith.mulf %parallel_loop3A_1768, %parallel_loop3A_1771 : vector<16xf32>
        %parallel_loop3A_1773 = arith.constant 384 : index
        %parallel_loop3A_1774 = tpu.vector_load %arg14[%parallel_loop3A_1773] {strides = array<i32>} : memref<768xf32, #tpu.memory_space<vmem>>, vector<16xf32>,
        %parallel_loop3A_1775 = vector.shape_cast %parallel_loop3A_1774 : vector<16xf32> to vector<16xf32>
        %parallel_loop3A_1776 = arith.addf %parallel_loop3A_1772, %parallel_loop3A_1775 : vector<16xf32>
        %parallel_loop3A_1777 = arith.index_cast %select_n3A_138 : i32 to index
        %parallel_loop3A_1778 = arith.index_cast %parallel_loop3A_202 : i32 to index
        %parallel_loop3A_1779 = arith.constant 384 : index
        %parallel_loop3A_1780 = tpu.vector_load %arg11[%parallel_loop3A_1777, %parallel_loop3A_1778, %parallel_loop3A_1779] {strides = array<i32>} : memref<3x32x768xf32, #tpu.memory_space<vmem>>, vector<1x1x16xf32>,
        %parallel_loop3A_1781 = vector.shape_cast %parallel_loop3A_1780 : vector<1x1x16xf32> to vector<16xf32>
        %parallel_loop3A_1782 = vector.shape_cast %parallel_loop3A_1776 : vector<16xf32> to vector<1x1x16xf32>
        tpu.vector_store %arg11[%parallel_loop3A_1777, %parallel_loop3A_1778, %parallel_loop3A_1779], %parallel_loop3A_1782 {strides = array<i32>} : memref<3x32x768xf32, #tpu.memory_space<vmem>>, vector<1x1x16xf32>,
        %parallel_loop3A_1783 = arith.index_cast %select_n3A_138 : i32 to index
        %parallel_loop3A_1784 = arith.index_cast %parallel_loop3A_202 : i32 to index
        %parallel_loop3A_1785 = arith.constant 400 : index
        %parallel_loop3A_1786 = tpu.vector_load %arg11[%parallel_loop3A_1783, %parallel_loop3A_1784, %parallel_loop3A_1785] {strides = array<i32>} : memref<3x32x768xf32, #tpu.memory_space<vmem>>, vector<1x1x16xf32>,
        %parallel_loop3A_1787 = vector.shape_cast %parallel_loop3A_1786 : vector<1x1x16xf32> to vector<16xf32>
        %parallel_loop3A_1788 = arith.subf %parallel_loop3A_1787, %parallel_loop3A_1194 : vector<16xf32>
        %parallel_loop3A_1789 = arith.mulf %parallel_loop3A_1788, %parallel_loop3A_1257 : vector<16xf32>
        %parallel_loop3A_1790 = arith.constant 400 : index
        %parallel_loop3A_1791 = tpu.vector_load %arg13[%parallel_loop3A_1790] {strides = array<i32>} : memref<768xf32, #tpu.memory_space<vmem>>, vector<16xf32>,
        %parallel_loop3A_1792 = vector.shape_cast %parallel_loop3A_1791 : vector<16xf32> to vector<16xf32>
        %parallel_loop3A_1793 = arith.mulf %parallel_loop3A_1789, %parallel_loop3A_1792 : vector<16xf32>
        %parallel_loop3A_1794 = arith.constant 400 : index
        %parallel_loop3A_1795 = tpu.vector_load %arg14[%parallel_loop3A_1794] {strides = array<i32>} : memref<768xf32, #tpu.memory_space<vmem>>, vector<16xf32>,
        %parallel_loop3A_1796 = vector.shape_cast %parallel_loop3A_1795 : vector<16xf32> to vector<16xf32>
        %parallel_loop3A_1797 = arith.addf %parallel_loop3A_1793, %parallel_loop3A_1796 : vector<16xf32>
        %parallel_loop3A_1798 = arith.index_cast %select_n3A_138 : i32 to index
        %parallel_loop3A_1799 = arith.index_cast %parallel_loop3A_202 : i32 to index
        %parallel_loop3A_1800 = arith.constant 400 : index
        %parallel_loop3A_1801 = tpu.vector_load %arg11[%parallel_loop3A_1798, %parallel_loop3A_1799, %parallel_loop3A_1800] {strides = array<i32>} : memref<3x32x768xf32, #tpu.memory_space<vmem>>, vector<1x1x16xf32>,
        %parallel_loop3A_1802 = vector.shape_cast %parallel_loop3A_1801 : vector<1x1x16xf32> to vector<16xf32>
        %parallel_loop3A_1803 = vector.shape_cast %parallel_loop3A_1797 : vector<16xf32> to vector<1x1x16xf32>
        tpu.vector_store %arg11[%parallel_loop3A_1798, %parallel_loop3A_1799, %parallel_loop3A_1800], %parallel_loop3A_1803 {strides = array<i32>} : memref<3x32x768xf32, #tpu.memory_space<vmem>>, vector<1x1x16xf32>,
        %parallel_loop3A_1804 = arith.index_cast %select_n3A_138 : i32 to index
        %parallel_loop3A_1805 = arith.index_cast %parallel_loop3A_202 : i32 to index
        %parallel_loop3A_1806 = arith.constant 416 : index
        %parallel_loop3A_1807 = tpu.vector_load %arg11[%parallel_loop3A_1804, %parallel_loop3A_1805, %parallel_loop3A_1806] {strides = array<i32>} : memref<3x32x768xf32, #tpu.memory_space<vmem>>, vector<1x1x16xf32>,
        %parallel_loop3A_1808 = vector.shape_cast %parallel_loop3A_1807 : vector<1x1x16xf32> to vector<16xf32>
        %parallel_loop3A_1809 = arith.subf %parallel_loop3A_1808, %parallel_loop3A_1194 : vector<16xf32>
        %parallel_loop3A_1810 = arith.mulf %parallel_loop3A_1809, %parallel_loop3A_1257 : vector<16xf32>
        %parallel_loop3A_1811 = arith.constant 416 : index
        %parallel_loop3A_1812 = tpu.vector_load %arg13[%parallel_loop3A_1811] {strides = array<i32>} : memref<768xf32, #tpu.memory_space<vmem>>, vector<16xf32>,
        %parallel_loop3A_1813 = vector.shape_cast %parallel_loop3A_1812 : vector<16xf32> to vector<16xf32>
        %parallel_loop3A_1814 = arith.mulf %parallel_loop3A_1810, %parallel_loop3A_1813 : vector<16xf32>
        %parallel_loop3A_1815 = arith.constant 416 : index
        %parallel_loop3A_1816 = tpu.vector_load %arg14[%parallel_loop3A_1815] {strides = array<i32>} : memref<768xf32, #tpu.memory_space<vmem>>, vector<16xf32>,
        %parallel_loop3A_1817 = vector.shape_cast %parallel_loop3A_1816 : vector<16xf32> to vector<16xf32>
        %parallel_loop3A_1818 = arith.addf %parallel_loop3A_1814, %parallel_loop3A_1817 : vector<16xf32>
        %parallel_loop3A_1819 = arith.index_cast %select_n3A_138 : i32 to index
        %parallel_loop3A_1820 = arith.index_cast %parallel_loop3A_202 : i32 to index
        %parallel_loop3A_1821 = arith.constant 416 : index
        %parallel_loop3A_1822 = tpu.vector_load %arg11[%parallel_loop3A_1819, %parallel_loop3A_1820, %parallel_loop3A_1821] {strides = array<i32>} : memref<3x32x768xf32, #tpu.memory_space<vmem>>, vector<1x1x16xf32>,
        %parallel_loop3A_1823 = vector.shape_cast %parallel_loop3A_1822 : vector<1x1x16xf32> to vector<16xf32>
        %parallel_loop3A_1824 = vector.shape_cast %parallel_loop3A_1818 : vector<16xf32> to vector<1x1x16xf32>
        tpu.vector_store %arg11[%parallel_loop3A_1819, %parallel_loop3A_1820, %parallel_loop3A_1821], %parallel_loop3A_1824 {strides = array<i32>} : memref<3x32x768xf32, #tpu.memory_space<vmem>>, vector<1x1x16xf32>,
        %parallel_loop3A_1825 = arith.index_cast %select_n3A_138 : i32 to index
        %parallel_loop3A_1826 = arith.index_cast %parallel_loop3A_202 : i32 to index
        %parallel_loop3A_1827 = arith.constant 432 : index
        %parallel_loop3A_1828 = tpu.vector_load %arg11[%parallel_loop3A_1825, %parallel_loop3A_1826, %parallel_loop3A_1827] {strides = array<i32>} : memref<3x32x768xf32, #tpu.memory_space<vmem>>, vector<1x1x16xf32>,
        %parallel_loop3A_1829 = vector.shape_cast %parallel_loop3A_1828 : vector<1x1x16xf32> to vector<16xf32>
        %parallel_loop3A_1830 = arith.subf %parallel_loop3A_1829, %parallel_loop3A_1194 : vector<16xf32>
        %parallel_loop3A_1831 = arith.mulf %parallel_loop3A_1830, %parallel_loop3A_1257 : vector<16xf32>
        %parallel_loop3A_1832 = arith.constant 432 : index
        %parallel_loop3A_1833 = tpu.vector_load %arg13[%parallel_loop3A_1832] {strides = array<i32>} : memref<768xf32, #tpu.memory_space<vmem>>, vector<16xf32>,
        %parallel_loop3A_1834 = vector.shape_cast %parallel_loop3A_1833 : vector<16xf32> to vector<16xf32>
        %parallel_loop3A_1835 = arith.mulf %parallel_loop3A_1831, %parallel_loop3A_1834 : vector<16xf32>
        %parallel_loop3A_1836 = arith.constant 432 : index
        %parallel_loop3A_1837 = tpu.vector_load %arg14[%parallel_loop3A_1836] {strides = array<i32>} : memref<768xf32, #tpu.memory_space<vmem>>, vector<16xf32>,
        %parallel_loop3A_1838 = vector.shape_cast %parallel_loop3A_1837 : vector<16xf32> to vector<16xf32>
        %parallel_loop3A_1839 = arith.addf %parallel_loop3A_1835, %parallel_loop3A_1838 : vector<16xf32>
        %parallel_loop3A_1840 = arith.index_cast %select_n3A_138 : i32 to index
        %parallel_loop3A_1841 = arith.index_cast %parallel_loop3A_202 : i32 to index
        %parallel_loop3A_1842 = arith.constant 432 : index
        %parallel_loop3A_1843 = tpu.vector_load %arg11[%parallel_loop3A_1840, %parallel_loop3A_1841, %parallel_loop3A_1842] {strides = array<i32>} : memref<3x32x768xf32, #tpu.memory_space<vmem>>, vector<1x1x16xf32>,
        %parallel_loop3A_1844 = vector.shape_cast %parallel_loop3A_1843 : vector<1x1x16xf32> to vector<16xf32>
        %parallel_loop3A_1845 = vector.shape_cast %parallel_loop3A_1839 : vector<16xf32> to vector<1x1x16xf32>
        tpu.vector_store %arg11[%parallel_loop3A_1840, %parallel_loop3A_1841, %parallel_loop3A_1842], %parallel_loop3A_1845 {strides = array<i32>} : memref<3x32x768xf32, #tpu.memory_space<vmem>>, vector<1x1x16xf32>,
        %parallel_loop3A_1846 = arith.index_cast %select_n3A_138 : i32 to index
        %parallel_loop3A_1847 = arith.index_cast %parallel_loop3A_202 : i32 to index
        %parallel_loop3A_1848 = arith.constant 448 : index
        %parallel_loop3A_1849 = tpu.vector_load %arg11[%parallel_loop3A_1846, %parallel_loop3A_1847, %parallel_loop3A_1848] {strides = array<i32>} : memref<3x32x768xf32, #tpu.memory_space<vmem>>, vector<1x1x16xf32>,
        %parallel_loop3A_1850 = vector.shape_cast %parallel_loop3A_1849 : vector<1x1x16xf32> to vector<16xf32>
        %parallel_loop3A_1851 = arith.subf %parallel_loop3A_1850, %parallel_loop3A_1194 : vector<16xf32>
        %parallel_loop3A_1852 = arith.mulf %parallel_loop3A_1851, %parallel_loop3A_1257 : vector<16xf32>
        %parallel_loop3A_1853 = arith.constant 448 : index
        %parallel_loop3A_1854 = tpu.vector_load %arg13[%parallel_loop3A_1853] {strides = array<i32>} : memref<768xf32, #tpu.memory_space<vmem>>, vector<16xf32>,
        %parallel_loop3A_1855 = vector.shape_cast %parallel_loop3A_1854 : vector<16xf32> to vector<16xf32>
        %parallel_loop3A_1856 = arith.mulf %parallel_loop3A_1852, %parallel_loop3A_1855 : vector<16xf32>
        %parallel_loop3A_1857 = arith.constant 448 : index
        %parallel_loop3A_1858 = tpu.vector_load %arg14[%parallel_loop3A_1857] {strides = array<i32>} : memref<768xf32, #tpu.memory_space<vmem>>, vector<16xf32>,
        %parallel_loop3A_1859 = vector.shape_cast %parallel_loop3A_1858 : vector<16xf32> to vector<16xf32>
        %parallel_loop3A_1860 = arith.addf %parallel_loop3A_1856, %parallel_loop3A_1859 : vector<16xf32>
        %parallel_loop3A_1861 = arith.index_cast %select_n3A_138 : i32 to index
        %parallel_loop3A_1862 = arith.index_cast %parallel_loop3A_202 : i32 to index
        %parallel_loop3A_1863 = arith.constant 448 : index
        %parallel_loop3A_1864 = tpu.vector_load %arg11[%parallel_loop3A_1861, %parallel_loop3A_1862, %parallel_loop3A_1863] {strides = array<i32>} : memref<3x32x768xf32, #tpu.memory_space<vmem>>, vector<1x1x16xf32>,
        %parallel_loop3A_1865 = vector.shape_cast %parallel_loop3A_1864 : vector<1x1x16xf32> to vector<16xf32>
        %parallel_loop3A_1866 = vector.shape_cast %parallel_loop3A_1860 : vector<16xf32> to vector<1x1x16xf32>
        tpu.vector_store %arg11[%parallel_loop3A_1861, %parallel_loop3A_1862, %parallel_loop3A_1863], %parallel_loop3A_1866 {strides = array<i32>} : memref<3x32x768xf32, #tpu.memory_space<vmem>>, vector<1x1x16xf32>,
        %parallel_loop3A_1867 = arith.index_cast %select_n3A_138 : i32 to index
        %parallel_loop3A_1868 = arith.index_cast %parallel_loop3A_202 : i32 to index
        %parallel_loop3A_1869 = arith.constant 464 : index
        %parallel_loop3A_1870 = tpu.vector_load %arg11[%parallel_loop3A_1867, %parallel_loop3A_1868, %parallel_loop3A_1869] {strides = array<i32>} : memref<3x32x768xf32, #tpu.memory_space<vmem>>, vector<1x1x16xf32>,
        %parallel_loop3A_1871 = vector.shape_cast %parallel_loop3A_1870 : vector<1x1x16xf32> to vector<16xf32>
        %parallel_loop3A_1872 = arith.subf %parallel_loop3A_1871, %parallel_loop3A_1194 : vector<16xf32>
        %parallel_loop3A_1873 = arith.mulf %parallel_loop3A_1872, %parallel_loop3A_1257 : vector<16xf32>
        %parallel_loop3A_1874 = arith.constant 464 : index
        %parallel_loop3A_1875 = tpu.vector_load %arg13[%parallel_loop3A_1874] {strides = array<i32>} : memref<768xf32, #tpu.memory_space<vmem>>, vector<16xf32>,
        %parallel_loop3A_1876 = vector.shape_cast %parallel_loop3A_1875 : vector<16xf32> to vector<16xf32>
        %parallel_loop3A_1877 = arith.mulf %parallel_loop3A_1873, %parallel_loop3A_1876 : vector<16xf32>
        %parallel_loop3A_1878 = arith.constant 464 : index
        %parallel_loop3A_1879 = tpu.vector_load %arg14[%parallel_loop3A_1878] {strides = array<i32>} : memref<768xf32, #tpu.memory_space<vmem>>, vector<16xf32>,
        %parallel_loop3A_1880 = vector.shape_cast %parallel_loop3A_1879 : vector<16xf32> to vector<16xf32>
        %parallel_loop3A_1881 = arith.addf %parallel_loop3A_1877, %parallel_loop3A_1880 : vector<16xf32>
        %parallel_loop3A_1882 = arith.index_cast %select_n3A_138 : i32 to index
        %parallel_loop3A_1883 = arith.index_cast %parallel_loop3A_202 : i32 to index
        %parallel_loop3A_1884 = arith.constant 464 : index
        %parallel_loop3A_1885 = tpu.vector_load %arg11[%parallel_loop3A_1882, %parallel_loop3A_1883, %parallel_loop3A_1884] {strides = array<i32>} : memref<3x32x768xf32, #tpu.memory_space<vmem>>, vector<1x1x16xf32>,
        %parallel_loop3A_1886 = vector.shape_cast %parallel_loop3A_1885 : vector<1x1x16xf32> to vector<16xf32>
        %parallel_loop3A_1887 = vector.shape_cast %parallel_loop3A_1881 : vector<16xf32> to vector<1x1x16xf32>
        tpu.vector_store %arg11[%parallel_loop3A_1882, %parallel_loop3A_1883, %parallel_loop3A_1884], %parallel_loop3A_1887 {strides = array<i32>} : memref<3x32x768xf32, #tpu.memory_space<vmem>>, vector<1x1x16xf32>,
        %parallel_loop3A_1888 = arith.index_cast %select_n3A_138 : i32 to index
        %parallel_loop3A_1889 = arith.index_cast %parallel_loop3A_202 : i32 to index
        %parallel_loop3A_1890 = arith.constant 480 : index
        %parallel_loop3A_1891 = tpu.vector_load %arg11[%parallel_loop3A_1888, %parallel_loop3A_1889, %parallel_loop3A_1890] {strides = array<i32>} : memref<3x32x768xf32, #tpu.memory_space<vmem>>, vector<1x1x16xf32>,
        %parallel_loop3A_1892 = vector.shape_cast %parallel_loop3A_1891 : vector<1x1x16xf32> to vector<16xf32>
        %parallel_loop3A_1893 = arith.subf %parallel_loop3A_1892, %parallel_loop3A_1194 : vector<16xf32>
        %parallel_loop3A_1894 = arith.mulf %parallel_loop3A_1893, %parallel_loop3A_1257 : vector<16xf32>
        %parallel_loop3A_1895 = arith.constant 480 : index
        %parallel_loop3A_1896 = tpu.vector_load %arg13[%parallel_loop3A_1895] {strides = array<i32>} : memref<768xf32, #tpu.memory_space<vmem>>, vector<16xf32>,
        %parallel_loop3A_1897 = vector.shape_cast %parallel_loop3A_1896 : vector<16xf32> to vector<16xf32>
        %parallel_loop3A_1898 = arith.mulf %parallel_loop3A_1894, %parallel_loop3A_1897 : vector<16xf32>
        %parallel_loop3A_1899 = arith.constant 480 : index
        %parallel_loop3A_1900 = tpu.vector_load %arg14[%parallel_loop3A_1899] {strides = array<i32>} : memref<768xf32, #tpu.memory_space<vmem>>, vector<16xf32>,
        %parallel_loop3A_1901 = vector.shape_cast %parallel_loop3A_1900 : vector<16xf32> to vector<16xf32>
        %parallel_loop3A_1902 = arith.addf %parallel_loop3A_1898, %parallel_loop3A_1901 : vector<16xf32>
        %parallel_loop3A_1903 = arith.index_cast %select_n3A_138 : i32 to index
        %parallel_loop3A_1904 = arith.index_cast %parallel_loop3A_202 : i32 to index
        %parallel_loop3A_1905 = arith.constant 480 : index
        %parallel_loop3A_1906 = tpu.vector_load %arg11[%parallel_loop3A_1903, %parallel_loop3A_1904, %parallel_loop3A_1905] {strides = array<i32>} : memref<3x32x768xf32, #tpu.memory_space<vmem>>, vector<1x1x16xf32>,
        %parallel_loop3A_1907 = vector.shape_cast %parallel_loop3A_1906 : vector<1x1x16xf32> to vector<16xf32>
        %parallel_loop3A_1908 = vector.shape_cast %parallel_loop3A_1902 : vector<16xf32> to vector<1x1x16xf32>
        tpu.vector_store %arg11[%parallel_loop3A_1903, %parallel_loop3A_1904, %parallel_loop3A_1905], %parallel_loop3A_1908 {strides = array<i32>} : memref<3x32x768xf32, #tpu.memory_space<vmem>>, vector<1x1x16xf32>,
        %parallel_loop3A_1909 = arith.index_cast %select_n3A_138 : i32 to index
        %parallel_loop3A_1910 = arith.index_cast %parallel_loop3A_202 : i32 to index
        %parallel_loop3A_1911 = arith.constant 496 : index
        %parallel_loop3A_1912 = tpu.vector_load %arg11[%parallel_loop3A_1909, %parallel_loop3A_1910, %parallel_loop3A_1911] {strides = array<i32>} : memref<3x32x768xf32, #tpu.memory_space<vmem>>, vector<1x1x16xf32>,
        %parallel_loop3A_1913 = vector.shape_cast %parallel_loop3A_1912 : vector<1x1x16xf32> to vector<16xf32>
        %parallel_loop3A_1914 = arith.subf %parallel_loop3A_1913, %parallel_loop3A_1194 : vector<16xf32>
        %parallel_loop3A_1915 = arith.mulf %parallel_loop3A_1914, %parallel_loop3A_1257 : vector<16xf32>
        %parallel_loop3A_1916 = arith.constant 496 : index
        %parallel_loop3A_1917 = tpu.vector_load %arg13[%parallel_loop3A_1916] {strides = array<i32>} : memref<768xf32, #tpu.memory_space<vmem>>, vector<16xf32>,
        %parallel_loop3A_1918 = vector.shape_cast %parallel_loop3A_1917 : vector<16xf32> to vector<16xf32>
        %parallel_loop3A_1919 = arith.mulf %parallel_loop3A_1915, %parallel_loop3A_1918 : vector<16xf32>
        %parallel_loop3A_1920 = arith.constant 496 : index
        %parallel_loop3A_1921 = tpu.vector_load %arg14[%parallel_loop3A_1920] {strides = array<i32>} : memref<768xf32, #tpu.memory_space<vmem>>, vector<16xf32>,
        %parallel_loop3A_1922 = vector.shape_cast %parallel_loop3A_1921 : vector<16xf32> to vector<16xf32>
        %parallel_loop3A_1923 = arith.addf %parallel_loop3A_1919, %parallel_loop3A_1922 : vector<16xf32>
        %parallel_loop3A_1924 = arith.index_cast %select_n3A_138 : i32 to index
        %parallel_loop3A_1925 = arith.index_cast %parallel_loop3A_202 : i32 to index
        %parallel_loop3A_1926 = arith.constant 496 : index
        %parallel_loop3A_1927 = tpu.vector_load %arg11[%parallel_loop3A_1924, %parallel_loop3A_1925, %parallel_loop3A_1926] {strides = array<i32>} : memref<3x32x768xf32, #tpu.memory_space<vmem>>, vector<1x1x16xf32>,
        %parallel_loop3A_1928 = vector.shape_cast %parallel_loop3A_1927 : vector<1x1x16xf32> to vector<16xf32>
        %parallel_loop3A_1929 = vector.shape_cast %parallel_loop3A_1923 : vector<16xf32> to vector<1x1x16xf32>
        tpu.vector_store %arg11[%parallel_loop3A_1924, %parallel_loop3A_1925, %parallel_loop3A_1926], %parallel_loop3A_1929 {strides = array<i32>} : memref<3x32x768xf32, #tpu.memory_space<vmem>>, vector<1x1x16xf32>,
        %parallel_loop3A_1930 = arith.index_cast %select_n3A_138 : i32 to index
        %parallel_loop3A_1931 = arith.index_cast %parallel_loop3A_202 : i32 to index
        %parallel_loop3A_1932 = arith.constant 512 : index
        %parallel_loop3A_1933 = tpu.vector_load %arg11[%parallel_loop3A_1930, %parallel_loop3A_1931, %parallel_loop3A_1932] {strides = array<i32>} : memref<3x32x768xf32, #tpu.memory_space<vmem>>, vector<1x1x16xf32>,
        %parallel_loop3A_1934 = vector.shape_cast %parallel_loop3A_1933 : vector<1x1x16xf32> to vector<16xf32>
        %parallel_loop3A_1935 = arith.subf %parallel_loop3A_1934, %parallel_loop3A_1194 : vector<16xf32>
        %parallel_loop3A_1936 = arith.mulf %parallel_loop3A_1935, %parallel_loop3A_1257 : vector<16xf32>
        %parallel_loop3A_1937 = arith.constant 512 : index
        %parallel_loop3A_1938 = tpu.vector_load %arg13[%parallel_loop3A_1937] {strides = array<i32>} : memref<768xf32, #tpu.memory_space<vmem>>, vector<16xf32>,
        %parallel_loop3A_1939 = vector.shape_cast %parallel_loop3A_1938 : vector<16xf32> to vector<16xf32>
        %parallel_loop3A_1940 = arith.mulf %parallel_loop3A_1936, %parallel_loop3A_1939 : vector<16xf32>
        %parallel_loop3A_1941 = arith.constant 512 : index
        %parallel_loop3A_1942 = tpu.vector_load %arg14[%parallel_loop3A_1941] {strides = array<i32>} : memref<768xf32, #tpu.memory_space<vmem>>, vector<16xf32>,
        %parallel_loop3A_1943 = vector.shape_cast %parallel_loop3A_1942 : vector<16xf32> to vector<16xf32>
        %parallel_loop3A_1944 = arith.addf %parallel_loop3A_1940, %parallel_loop3A_1943 : vector<16xf32>
        %parallel_loop3A_1945 = arith.index_cast %select_n3A_138 : i32 to index
        %parallel_loop3A_1946 = arith.index_cast %parallel_loop3A_202 : i32 to index
        %parallel_loop3A_1947 = arith.constant 512 : index
        %parallel_loop3A_1948 = tpu.vector_load %arg11[%parallel_loop3A_1945, %parallel_loop3A_1946, %parallel_loop3A_1947] {strides = array<i32>} : memref<3x32x768xf32, #tpu.memory_space<vmem>>, vector<1x1x16xf32>,
        %parallel_loop3A_1949 = vector.shape_cast %parallel_loop3A_1948 : vector<1x1x16xf32> to vector<16xf32>
        %parallel_loop3A_1950 = vector.shape_cast %parallel_loop3A_1944 : vector<16xf32> to vector<1x1x16xf32>
        tpu.vector_store %arg11[%parallel_loop3A_1945, %parallel_loop3A_1946, %parallel_loop3A_1947], %parallel_loop3A_1950 {strides = array<i32>} : memref<3x32x768xf32, #tpu.memory_space<vmem>>, vector<1x1x16xf32>,
        %parallel_loop3A_1951 = arith.index_cast %select_n3A_138 : i32 to index
        %parallel_loop3A_1952 = arith.index_cast %parallel_loop3A_202 : i32 to index
        %parallel_loop3A_1953 = arith.constant 528 : index
        %parallel_loop3A_1954 = tpu.vector_load %arg11[%parallel_loop3A_1951, %parallel_loop3A_1952, %parallel_loop3A_1953] {strides = array<i32>} : memref<3x32x768xf32, #tpu.memory_space<vmem>>, vector<1x1x16xf32>,
        %parallel_loop3A_1955 = vector.shape_cast %parallel_loop3A_1954 : vector<1x1x16xf32> to vector<16xf32>
        %parallel_loop3A_1956 = arith.subf %parallel_loop3A_1955, %parallel_loop3A_1194 : vector<16xf32>
        %parallel_loop3A_1957 = arith.mulf %parallel_loop3A_1956, %parallel_loop3A_1257 : vector<16xf32>
        %parallel_loop3A_1958 = arith.constant 528 : index
        %parallel_loop3A_1959 = tpu.vector_load %arg13[%parallel_loop3A_1958] {strides = array<i32>} : memref<768xf32, #tpu.memory_space<vmem>>, vector<16xf32>,
        %parallel_loop3A_1960 = vector.shape_cast %parallel_loop3A_1959 : vector<16xf32> to vector<16xf32>
        %parallel_loop3A_1961 = arith.mulf %parallel_loop3A_1957, %parallel_loop3A_1960 : vector<16xf32>
        %parallel_loop3A_1962 = arith.constant 528 : index
        %parallel_loop3A_1963 = tpu.vector_load %arg14[%parallel_loop3A_1962] {strides = array<i32>} : memref<768xf32, #tpu.memory_space<vmem>>, vector<16xf32>,
        %parallel_loop3A_1964 = vector.shape_cast %parallel_loop3A_1963 : vector<16xf32> to vector<16xf32>
        %parallel_loop3A_1965 = arith.addf %parallel_loop3A_1961, %parallel_loop3A_1964 : vector<16xf32>
        %parallel_loop3A_1966 = arith.index_cast %select_n3A_138 : i32 to index
        %parallel_loop3A_1967 = arith.index_cast %parallel_loop3A_202 : i32 to index
        %parallel_loop3A_1968 = arith.constant 528 : index
        %parallel_loop3A_1969 = tpu.vector_load %arg11[%parallel_loop3A_1966, %parallel_loop3A_1967, %parallel_loop3A_1968] {strides = array<i32>} : memref<3x32x768xf32, #tpu.memory_space<vmem>>, vector<1x1x16xf32>,
        %parallel_loop3A_1970 = vector.shape_cast %parallel_loop3A_1969 : vector<1x1x16xf32> to vector<16xf32>
        %parallel_loop3A_1971 = vector.shape_cast %parallel_loop3A_1965 : vector<16xf32> to vector<1x1x16xf32>
        tpu.vector_store %arg11[%parallel_loop3A_1966, %parallel_loop3A_1967, %parallel_loop3A_1968], %parallel_loop3A_1971 {strides = array<i32>} : memref<3x32x768xf32, #tpu.memory_space<vmem>>, vector<1x1x16xf32>,
        %parallel_loop3A_1972 = arith.index_cast %select_n3A_138 : i32 to index
        %parallel_loop3A_1973 = arith.index_cast %parallel_loop3A_202 : i32 to index
        %parallel_loop3A_1974 = arith.constant 544 : index
        %parallel_loop3A_1975 = tpu.vector_load %arg11[%parallel_loop3A_1972, %parallel_loop3A_1973, %parallel_loop3A_1974] {strides = array<i32>} : memref<3x32x768xf32, #tpu.memory_space<vmem>>, vector<1x1x16xf32>,
        %parallel_loop3A_1976 = vector.shape_cast %parallel_loop3A_1975 : vector<1x1x16xf32> to vector<16xf32>
        %parallel_loop3A_1977 = arith.subf %parallel_loop3A_1976, %parallel_loop3A_1194 : vector<16xf32>
        %parallel_loop3A_1978 = arith.mulf %parallel_loop3A_1977, %parallel_loop3A_1257 : vector<16xf32>
        %parallel_loop3A_1979 = arith.constant 544 : index
        %parallel_loop3A_1980 = tpu.vector_load %arg13[%parallel_loop3A_1979] {strides = array<i32>} : memref<768xf32, #tpu.memory_space<vmem>>, vector<16xf32>,
        %parallel_loop3A_1981 = vector.shape_cast %parallel_loop3A_1980 : vector<16xf32> to vector<16xf32>
        %parallel_loop3A_1982 = arith.mulf %parallel_loop3A_1978, %parallel_loop3A_1981 : vector<16xf32>
        %parallel_loop3A_1983 = arith.constant 544 : index
        %parallel_loop3A_1984 = tpu.vector_load %arg14[%parallel_loop3A_1983] {strides = array<i32>} : memref<768xf32, #tpu.memory_space<vmem>>, vector<16xf32>,
        %parallel_loop3A_1985 = vector.shape_cast %parallel_loop3A_1984 : vector<16xf32> to vector<16xf32>
        %parallel_loop3A_1986 = arith.addf %parallel_loop3A_1982, %parallel_loop3A_1985 : vector<16xf32>
        %parallel_loop3A_1987 = arith.index_cast %select_n3A_138 : i32 to index
        %parallel_loop3A_1988 = arith.index_cast %parallel_loop3A_202 : i32 to index
        %parallel_loop3A_1989 = arith.constant 544 : index
        %parallel_loop3A_1990 = tpu.vector_load %arg11[%parallel_loop3A_1987, %parallel_loop3A_1988, %parallel_loop3A_1989] {strides = array<i32>} : memref<3x32x768xf32, #tpu.memory_space<vmem>>, vector<1x1x16xf32>,
        %parallel_loop3A_1991 = vector.shape_cast %parallel_loop3A_1990 : vector<1x1x16xf32> to vector<16xf32>
        %parallel_loop3A_1992 = vector.shape_cast %parallel_loop3A_1986 : vector<16xf32> to vector<1x1x16xf32>
        tpu.vector_store %arg11[%parallel_loop3A_1987, %parallel_loop3A_1988, %parallel_loop3A_1989], %parallel_loop3A_1992 {strides = array<i32>} : memref<3x32x768xf32, #tpu.memory_space<vmem>>, vector<1x1x16xf32>,
        %parallel_loop3A_1993 = arith.index_cast %select_n3A_138 : i32 to index
        %parallel_loop3A_1994 = arith.index_cast %parallel_loop3A_202 : i32 to index
        %parallel_loop3A_1995 = arith.constant 560 : index
        %parallel_loop3A_1996 = tpu.vector_load %arg11[%parallel_loop3A_1993, %parallel_loop3A_1994, %parallel_loop3A_1995] {strides = array<i32>} : memref<3x32x768xf32, #tpu.memory_space<vmem>>, vector<1x1x16xf32>,
        %parallel_loop3A_1997 = vector.shape_cast %parallel_loop3A_1996 : vector<1x1x16xf32> to vector<16xf32>
        %parallel_loop3A_1998 = arith.subf %parallel_loop3A_1997, %parallel_loop3A_1194 : vector<16xf32>
        %parallel_loop3A_1999 = arith.mulf %parallel_loop3A_1998, %parallel_loop3A_1257 : vector<16xf32>
        %parallel_loop3A_2000 = arith.constant 560 : index
        %parallel_loop3A_2001 = tpu.vector_load %arg13[%parallel_loop3A_2000] {strides = array<i32>} : memref<768xf32, #tpu.memory_space<vmem>>, vector<16xf32>,
        %parallel_loop3A_2002 = vector.shape_cast %parallel_loop3A_2001 : vector<16xf32> to vector<16xf32>
        %parallel_loop3A_2003 = arith.mulf %parallel_loop3A_1999, %parallel_loop3A_2002 : vector<16xf32>
        %parallel_loop3A_2004 = arith.constant 560 : index
        %parallel_loop3A_2005 = tpu.vector_load %arg14[%parallel_loop3A_2004] {strides = array<i32>} : memref<768xf32, #tpu.memory_space<vmem>>, vector<16xf32>,
        %parallel_loop3A_2006 = vector.shape_cast %parallel_loop3A_2005 : vector<16xf32> to vector<16xf32>
        %parallel_loop3A_2007 = arith.addf %parallel_loop3A_2003, %parallel_loop3A_2006 : vector<16xf32>
        %parallel_loop3A_2008 = arith.index_cast %select_n3A_138 : i32 to index
        %parallel_loop3A_2009 = arith.index_cast %parallel_loop3A_202 : i32 to index
        %parallel_loop3A_2010 = arith.constant 560 : index
        %parallel_loop3A_2011 = tpu.vector_load %arg11[%parallel_loop3A_2008, %parallel_loop3A_2009, %parallel_loop3A_2010] {strides = array<i32>} : memref<3x32x768xf32, #tpu.memory_space<vmem>>, vector<1x1x16xf32>,
        %parallel_loop3A_2012 = vector.shape_cast %parallel_loop3A_2011 : vector<1x1x16xf32> to vector<16xf32>
        %parallel_loop3A_2013 = vector.shape_cast %parallel_loop3A_2007 : vector<16xf32> to vector<1x1x16xf32>
        tpu.vector_store %arg11[%parallel_loop3A_2008, %parallel_loop3A_2009, %parallel_loop3A_2010], %parallel_loop3A_2013 {strides = array<i32>} : memref<3x32x768xf32, #tpu.memory_space<vmem>>, vector<1x1x16xf32>,
        %parallel_loop3A_2014 = arith.index_cast %select_n3A_138 : i32 to index
        %parallel_loop3A_2015 = arith.index_cast %parallel_loop3A_202 : i32 to index
        %parallel_loop3A_2016 = arith.constant 576 : index
        %parallel_loop3A_2017 = tpu.vector_load %arg11[%parallel_loop3A_2014, %parallel_loop3A_2015, %parallel_loop3A_2016] {strides = array<i32>} : memref<3x32x768xf32, #tpu.memory_space<vmem>>, vector<1x1x16xf32>,
        %parallel_loop3A_2018 = vector.shape_cast %parallel_loop3A_2017 : vector<1x1x16xf32> to vector<16xf32>
        %parallel_loop3A_2019 = arith.subf %parallel_loop3A_2018, %parallel_loop3A_1194 : vector<16xf32>
        %parallel_loop3A_2020 = arith.mulf %parallel_loop3A_2019, %parallel_loop3A_1257 : vector<16xf32>
        %parallel_loop3A_2021 = arith.constant 576 : index
        %parallel_loop3A_2022 = tpu.vector_load %arg13[%parallel_loop3A_2021] {strides = array<i32>} : memref<768xf32, #tpu.memory_space<vmem>>, vector<16xf32>,
        %parallel_loop3A_2023 = vector.shape_cast %parallel_loop3A_2022 : vector<16xf32> to vector<16xf32>
        %parallel_loop3A_2024 = arith.mulf %parallel_loop3A_2020, %parallel_loop3A_2023 : vector<16xf32>
        %parallel_loop3A_2025 = arith.constant 576 : index
        %parallel_loop3A_2026 = tpu.vector_load %arg14[%parallel_loop3A_2025] {strides = array<i32>} : memref<768xf32, #tpu.memory_space<vmem>>, vector<16xf32>,
        %parallel_loop3A_2027 = vector.shape_cast %parallel_loop3A_2026 : vector<16xf32> to vector<16xf32>
        %parallel_loop3A_2028 = arith.addf %parallel_loop3A_2024, %parallel_loop3A_2027 : vector<16xf32>
        %parallel_loop3A_2029 = arith.index_cast %select_n3A_138 : i32 to index
        %parallel_loop3A_2030 = arith.index_cast %parallel_loop3A_202 : i32 to index
        %parallel_loop3A_2031 = arith.constant 576 : index
        %parallel_loop3A_2032 = tpu.vector_load %arg11[%parallel_loop3A_2029, %parallel_loop3A_2030, %parallel_loop3A_2031] {strides = array<i32>} : memref<3x32x768xf32, #tpu.memory_space<vmem>>, vector<1x1x16xf32>,
        %parallel_loop3A_2033 = vector.shape_cast %parallel_loop3A_2032 : vector<1x1x16xf32> to vector<16xf32>
        %parallel_loop3A_2034 = vector.shape_cast %parallel_loop3A_2028 : vector<16xf32> to vector<1x1x16xf32>
        tpu.vector_store %arg11[%parallel_loop3A_2029, %parallel_loop3A_2030, %parallel_loop3A_2031], %parallel_loop3A_2034 {strides = array<i32>} : memref<3x32x768xf32, #tpu.memory_space<vmem>>, vector<1x1x16xf32>,
        %parallel_loop3A_2035 = arith.index_cast %select_n3A_138 : i32 to index
        %parallel_loop3A_2036 = arith.index_cast %parallel_loop3A_202 : i32 to index
        %parallel_loop3A_2037 = arith.constant 592 : index
        %parallel_loop3A_2038 = tpu.vector_load %arg11[%parallel_loop3A_2035, %parallel_loop3A_2036, %parallel_loop3A_2037] {strides = array<i32>} : memref<3x32x768xf32, #tpu.memory_space<vmem>>, vector<1x1x16xf32>,
        %parallel_loop3A_2039 = vector.shape_cast %parallel_loop3A_2038 : vector<1x1x16xf32> to vector<16xf32>
        %parallel_loop3A_2040 = arith.subf %parallel_loop3A_2039, %parallel_loop3A_1194 : vector<16xf32>
        %parallel_loop3A_2041 = arith.mulf %parallel_loop3A_2040, %parallel_loop3A_1257 : vector<16xf32>
        %parallel_loop3A_2042 = arith.constant 592 : index
        %parallel_loop3A_2043 = tpu.vector_load %arg13[%parallel_loop3A_2042] {strides = array<i32>} : memref<768xf32, #tpu.memory_space<vmem>>, vector<16xf32>,
        %parallel_loop3A_2044 = vector.shape_cast %parallel_loop3A_2043 : vector<16xf32> to vector<16xf32>
        %parallel_loop3A_2045 = arith.mulf %parallel_loop3A_2041, %parallel_loop3A_2044 : vector<16xf32>
        %parallel_loop3A_2046 = arith.constant 592 : index
        %parallel_loop3A_2047 = tpu.vector_load %arg14[%parallel_loop3A_2046] {strides = array<i32>} : memref<768xf32, #tpu.memory_space<vmem>>, vector<16xf32>,
        %parallel_loop3A_2048 = vector.shape_cast %parallel_loop3A_2047 : vector<16xf32> to vector<16xf32>
        %parallel_loop3A_2049 = arith.addf %parallel_loop3A_2045, %parallel_loop3A_2048 : vector<16xf32>
        %parallel_loop3A_2050 = arith.index_cast %select_n3A_138 : i32 to index
        %parallel_loop3A_2051 = arith.index_cast %parallel_loop3A_202 : i32 to index
        %parallel_loop3A_2052 = arith.constant 592 : index
        %parallel_loop3A_2053 = tpu.vector_load %arg11[%parallel_loop3A_2050, %parallel_loop3A_2051, %parallel_loop3A_2052] {strides = array<i32>} : memref<3x32x768xf32, #tpu.memory_space<vmem>>, vector<1x1x16xf32>,
        %parallel_loop3A_2054 = vector.shape_cast %parallel_loop3A_2053 : vector<1x1x16xf32> to vector<16xf32>
        %parallel_loop3A_2055 = vector.shape_cast %parallel_loop3A_2049 : vector<16xf32> to vector<1x1x16xf32>
        tpu.vector_store %arg11[%parallel_loop3A_2050, %parallel_loop3A_2051, %parallel_loop3A_2052], %parallel_loop3A_2055 {strides = array<i32>} : memref<3x32x768xf32, #tpu.memory_space<vmem>>, vector<1x1x16xf32>,
        %parallel_loop3A_2056 = arith.index_cast %select_n3A_138 : i32 to index
        %parallel_loop3A_2057 = arith.index_cast %parallel_loop3A_202 : i32 to index
        %parallel_loop3A_2058 = arith.constant 608 : index
        %parallel_loop3A_2059 = tpu.vector_load %arg11[%parallel_loop3A_2056, %parallel_loop3A_2057, %parallel_loop3A_2058] {strides = array<i32>} : memref<3x32x768xf32, #tpu.memory_space<vmem>>, vector<1x1x16xf32>,
        %parallel_loop3A_2060 = vector.shape_cast %parallel_loop3A_2059 : vector<1x1x16xf32> to vector<16xf32>
        %parallel_loop3A_2061 = arith.subf %parallel_loop3A_2060, %parallel_loop3A_1194 : vector<16xf32>
        %parallel_loop3A_2062 = arith.mulf %parallel_loop3A_2061, %parallel_loop3A_1257 : vector<16xf32>
        %parallel_loop3A_2063 = arith.constant 608 : index
        %parallel_loop3A_2064 = tpu.vector_load %arg13[%parallel_loop3A_2063] {strides = array<i32>} : memref<768xf32, #tpu.memory_space<vmem>>, vector<16xf32>,
        %parallel_loop3A_2065 = vector.shape_cast %parallel_loop3A_2064 : vector<16xf32> to vector<16xf32>
        %parallel_loop3A_2066 = arith.mulf %parallel_loop3A_2062, %parallel_loop3A_2065 : vector<16xf32>
        %parallel_loop3A_2067 = arith.constant 608 : index
        %parallel_loop3A_2068 = tpu.vector_load %arg14[%parallel_loop3A_2067] {strides = array<i32>} : memref<768xf32, #tpu.memory_space<vmem>>, vector<16xf32>,
        %parallel_loop3A_2069 = vector.shape_cast %parallel_loop3A_2068 : vector<16xf32> to vector<16xf32>
        %parallel_loop3A_2070 = arith.addf %parallel_loop3A_2066, %parallel_loop3A_2069 : vector<16xf32>
        %parallel_loop3A_2071 = arith.index_cast %select_n3A_138 : i32 to index
        %parallel_loop3A_2072 = arith.index_cast %parallel_loop3A_202 : i32 to index
        %parallel_loop3A_2073 = arith.constant 608 : index
        %parallel_loop3A_2074 = tpu.vector_load %arg11[%parallel_loop3A_2071, %parallel_loop3A_2072, %parallel_loop3A_2073] {strides = array<i32>} : memref<3x32x768xf32, #tpu.memory_space<vmem>>, vector<1x1x16xf32>,
        %parallel_loop3A_2075 = vector.shape_cast %parallel_loop3A_2074 : vector<1x1x16xf32> to vector<16xf32>
        %parallel_loop3A_2076 = vector.shape_cast %parallel_loop3A_2070 : vector<16xf32> to vector<1x1x16xf32>
        tpu.vector_store %arg11[%parallel_loop3A_2071, %parallel_loop3A_2072, %parallel_loop3A_2073], %parallel_loop3A_2076 {strides = array<i32>} : memref<3x32x768xf32, #tpu.memory_space<vmem>>, vector<1x1x16xf32>,
        %parallel_loop3A_2077 = arith.index_cast %select_n3A_138 : i32 to index
        %parallel_loop3A_2078 = arith.index_cast %parallel_loop3A_202 : i32 to index
        %parallel_loop3A_2079 = arith.constant 624 : index
        %parallel_loop3A_2080 = tpu.vector_load %arg11[%parallel_loop3A_2077, %parallel_loop3A_2078, %parallel_loop3A_2079] {strides = array<i32>} : memref<3x32x768xf32, #tpu.memory_space<vmem>>, vector<1x1x16xf32>,
        %parallel_loop3A_2081 = vector.shape_cast %parallel_loop3A_2080 : vector<1x1x16xf32> to vector<16xf32>
        %parallel_loop3A_2082 = arith.subf %parallel_loop3A_2081, %parallel_loop3A_1194 : vector<16xf32>
        %parallel_loop3A_2083 = arith.mulf %parallel_loop3A_2082, %parallel_loop3A_1257 : vector<16xf32>
        %parallel_loop3A_2084 = arith.constant 624 : index
        %parallel_loop3A_2085 = tpu.vector_load %arg13[%parallel_loop3A_2084] {strides = array<i32>} : memref<768xf32, #tpu.memory_space<vmem>>, vector<16xf32>,
        %parallel_loop3A_2086 = vector.shape_cast %parallel_loop3A_2085 : vector<16xf32> to vector<16xf32>
        %parallel_loop3A_2087 = arith.mulf %parallel_loop3A_2083, %parallel_loop3A_2086 : vector<16xf32>
        %parallel_loop3A_2088 = arith.constant 624 : index
        %parallel_loop3A_2089 = tpu.vector_load %arg14[%parallel_loop3A_2088] {strides = array<i32>} : memref<768xf32, #tpu.memory_space<vmem>>, vector<16xf32>,
        %parallel_loop3A_2090 = vector.shape_cast %parallel_loop3A_2089 : vector<16xf32> to vector<16xf32>
        %parallel_loop3A_2091 = arith.addf %parallel_loop3A_2087, %parallel_loop3A_2090 : vector<16xf32>
        %parallel_loop3A_2092 = arith.index_cast %select_n3A_138 : i32 to index
        %parallel_loop3A_2093 = arith.index_cast %parallel_loop3A_202 : i32 to index
        %parallel_loop3A_2094 = arith.constant 624 : index
        %parallel_loop3A_2095 = tpu.vector_load %arg11[%parallel_loop3A_2092, %parallel_loop3A_2093, %parallel_loop3A_2094] {strides = array<i32>} : memref<3x32x768xf32, #tpu.memory_space<vmem>>, vector<1x1x16xf32>,
        %parallel_loop3A_2096 = vector.shape_cast %parallel_loop3A_2095 : vector<1x1x16xf32> to vector<16xf32>
        %parallel_loop3A_2097 = vector.shape_cast %parallel_loop3A_2091 : vector<16xf32> to vector<1x1x16xf32>
        tpu.vector_store %arg11[%parallel_loop3A_2092, %parallel_loop3A_2093, %parallel_loop3A_2094], %parallel_loop3A_2097 {strides = array<i32>} : memref<3x32x768xf32, #tpu.memory_space<vmem>>, vector<1x1x16xf32>,
        %parallel_loop3A_2098 = arith.index_cast %select_n3A_138 : i32 to index
        %parallel_loop3A_2099 = arith.index_cast %parallel_loop3A_202 : i32 to index
        %parallel_loop3A_2100 = arith.constant 640 : index
        %parallel_loop3A_2101 = tpu.vector_load %arg11[%parallel_loop3A_2098, %parallel_loop3A_2099, %parallel_loop3A_2100] {strides = array<i32>} : memref<3x32x768xf32, #tpu.memory_space<vmem>>, vector<1x1x16xf32>,
        %parallel_loop3A_2102 = vector.shape_cast %parallel_loop3A_2101 : vector<1x1x16xf32> to vector<16xf32>
        %parallel_loop3A_2103 = arith.subf %parallel_loop3A_2102, %parallel_loop3A_1194 : vector<16xf32>
        %parallel_loop3A_2104 = arith.mulf %parallel_loop3A_2103, %parallel_loop3A_1257 : vector<16xf32>
        %parallel_loop3A_2105 = arith.constant 640 : index
        %parallel_loop3A_2106 = tpu.vector_load %arg13[%parallel_loop3A_2105] {strides = array<i32>} : memref<768xf32, #tpu.memory_space<vmem>>, vector<16xf32>,
        %parallel_loop3A_2107 = vector.shape_cast %parallel_loop3A_2106 : vector<16xf32> to vector<16xf32>
        %parallel_loop3A_2108 = arith.mulf %parallel_loop3A_2104, %parallel_loop3A_2107 : vector<16xf32>
        %parallel_loop3A_2109 = arith.constant 640 : index
        %parallel_loop3A_2110 = tpu.vector_load %arg14[%parallel_loop3A_2109] {strides = array<i32>} : memref<768xf32, #tpu.memory_space<vmem>>, vector<16xf32>,
        %parallel_loop3A_2111 = vector.shape_cast %parallel_loop3A_2110 : vector<16xf32> to vector<16xf32>
        %parallel_loop3A_2112 = arith.addf %parallel_loop3A_2108, %parallel_loop3A_2111 : vector<16xf32>
        %parallel_loop3A_2113 = arith.index_cast %select_n3A_138 : i32 to index
        %parallel_loop3A_2114 = arith.index_cast %parallel_loop3A_202 : i32 to index
        %parallel_loop3A_2115 = arith.constant 640 : index
        %parallel_loop3A_2116 = tpu.vector_load %arg11[%parallel_loop3A_2113, %parallel_loop3A_2114, %parallel_loop3A_2115] {strides = array<i32>} : memref<3x32x768xf32, #tpu.memory_space<vmem>>, vector<1x1x16xf32>,
        %parallel_loop3A_2117 = vector.shape_cast %parallel_loop3A_2116 : vector<1x1x16xf32> to vector<16xf32>
        %parallel_loop3A_2118 = vector.shape_cast %parallel_loop3A_2112 : vector<16xf32> to vector<1x1x16xf32>
        tpu.vector_store %arg11[%parallel_loop3A_2113, %parallel_loop3A_2114, %parallel_loop3A_2115], %parallel_loop3A_2118 {strides = array<i32>} : memref<3x32x768xf32, #tpu.memory_space<vmem>>, vector<1x1x16xf32>,
        %parallel_loop3A_2119 = arith.index_cast %select_n3A_138 : i32 to index
        %parallel_loop3A_2120 = arith.index_cast %parallel_loop3A_202 : i32 to index
        %parallel_loop3A_2121 = arith.constant 656 : index
        %parallel_loop3A_2122 = tpu.vector_load %arg11[%parallel_loop3A_2119, %parallel_loop3A_2120, %parallel_loop3A_2121] {strides = array<i32>} : memref<3x32x768xf32, #tpu.memory_space<vmem>>, vector<1x1x16xf32>,
        %parallel_loop3A_2123 = vector.shape_cast %parallel_loop3A_2122 : vector<1x1x16xf32> to vector<16xf32>
        %parallel_loop3A_2124 = arith.subf %parallel_loop3A_2123, %parallel_loop3A_1194 : vector<16xf32>
        %parallel_loop3A_2125 = arith.mulf %parallel_loop3A_2124, %parallel_loop3A_1257 : vector<16xf32>
        %parallel_loop3A_2126 = arith.constant 656 : index
        %parallel_loop3A_2127 = tpu.vector_load %arg13[%parallel_loop3A_2126] {strides = array<i32>} : memref<768xf32, #tpu.memory_space<vmem>>, vector<16xf32>,
        %parallel_loop3A_2128 = vector.shape_cast %parallel_loop3A_2127 : vector<16xf32> to vector<16xf32>
        %parallel_loop3A_2129 = arith.mulf %parallel_loop3A_2125, %parallel_loop3A_2128 : vector<16xf32>
        %parallel_loop3A_2130 = arith.constant 656 : index
        %parallel_loop3A_2131 = tpu.vector_load %arg14[%parallel_loop3A_2130] {strides = array<i32>} : memref<768xf32, #tpu.memory_space<vmem>>, vector<16xf32>,
        %parallel_loop3A_2132 = vector.shape_cast %parallel_loop3A_2131 : vector<16xf32> to vector<16xf32>
        %parallel_loop3A_2133 = arith.addf %parallel_loop3A_2129, %parallel_loop3A_2132 : vector<16xf32>
        %parallel_loop3A_2134 = arith.index_cast %select_n3A_138 : i32 to index
        %parallel_loop3A_2135 = arith.index_cast %parallel_loop3A_202 : i32 to index
        %parallel_loop3A_2136 = arith.constant 656 : index
        %parallel_loop3A_2137 = tpu.vector_load %arg11[%parallel_loop3A_2134, %parallel_loop3A_2135, %parallel_loop3A_2136] {strides = array<i32>} : memref<3x32x768xf32, #tpu.memory_space<vmem>>, vector<1x1x16xf32>,
        %parallel_loop3A_2138 = vector.shape_cast %parallel_loop3A_2137 : vector<1x1x16xf32> to vector<16xf32>
        %parallel_loop3A_2139 = vector.shape_cast %parallel_loop3A_2133 : vector<16xf32> to vector<1x1x16xf32>
        tpu.vector_store %arg11[%parallel_loop3A_2134, %parallel_loop3A_2135, %parallel_loop3A_2136], %parallel_loop3A_2139 {strides = array<i32>} : memref<3x32x768xf32, #tpu.memory_space<vmem>>, vector<1x1x16xf32>,
        %parallel_loop3A_2140 = arith.index_cast %select_n3A_138 : i32 to index
        %parallel_loop3A_2141 = arith.index_cast %parallel_loop3A_202 : i32 to index
        %parallel_loop3A_2142 = arith.constant 672 : index
        %parallel_loop3A_2143 = tpu.vector_load %arg11[%parallel_loop3A_2140, %parallel_loop3A_2141, %parallel_loop3A_2142] {strides = array<i32>} : memref<3x32x768xf32, #tpu.memory_space<vmem>>, vector<1x1x16xf32>,
        %parallel_loop3A_2144 = vector.shape_cast %parallel_loop3A_2143 : vector<1x1x16xf32> to vector<16xf32>
        %parallel_loop3A_2145 = arith.subf %parallel_loop3A_2144, %parallel_loop3A_1194 : vector<16xf32>
        %parallel_loop3A_2146 = arith.mulf %parallel_loop3A_2145, %parallel_loop3A_1257 : vector<16xf32>
        %parallel_loop3A_2147 = arith.constant 672 : index
        %parallel_loop3A_2148 = tpu.vector_load %arg13[%parallel_loop3A_2147] {strides = array<i32>} : memref<768xf32, #tpu.memory_space<vmem>>, vector<16xf32>,
        %parallel_loop3A_2149 = vector.shape_cast %parallel_loop3A_2148 : vector<16xf32> to vector<16xf32>
        %parallel_loop3A_2150 = arith.mulf %parallel_loop3A_2146, %parallel_loop3A_2149 : vector<16xf32>
        %parallel_loop3A_2151 = arith.constant 672 : index
        %parallel_loop3A_2152 = tpu.vector_load %arg14[%parallel_loop3A_2151] {strides = array<i32>} : memref<768xf32, #tpu.memory_space<vmem>>, vector<16xf32>,
        %parallel_loop3A_2153 = vector.shape_cast %parallel_loop3A_2152 : vector<16xf32> to vector<16xf32>
        %parallel_loop3A_2154 = arith.addf %parallel_loop3A_2150, %parallel_loop3A_2153 : vector<16xf32>
        %parallel_loop3A_2155 = arith.index_cast %select_n3A_138 : i32 to index
        %parallel_loop3A_2156 = arith.index_cast %parallel_loop3A_202 : i32 to index
        %parallel_loop3A_2157 = arith.constant 672 : index
        %parallel_loop3A_2158 = tpu.vector_load %arg11[%parallel_loop3A_2155, %parallel_loop3A_2156, %parallel_loop3A_2157] {strides = array<i32>} : memref<3x32x768xf32, #tpu.memory_space<vmem>>, vector<1x1x16xf32>,
        %parallel_loop3A_2159 = vector.shape_cast %parallel_loop3A_2158 : vector<1x1x16xf32> to vector<16xf32>
        %parallel_loop3A_2160 = vector.shape_cast %parallel_loop3A_2154 : vector<16xf32> to vector<1x1x16xf32>
        tpu.vector_store %arg11[%parallel_loop3A_2155, %parallel_loop3A_2156, %parallel_loop3A_2157], %parallel_loop3A_2160 {strides = array<i32>} : memref<3x32x768xf32, #tpu.memory_space<vmem>>, vector<1x1x16xf32>,
        %parallel_loop3A_2161 = arith.index_cast %select_n3A_138 : i32 to index
        %parallel_loop3A_2162 = arith.index_cast %parallel_loop3A_202 : i32 to index
        %parallel_loop3A_2163 = arith.constant 688 : index
        %parallel_loop3A_2164 = tpu.vector_load %arg11[%parallel_loop3A_2161, %parallel_loop3A_2162, %parallel_loop3A_2163] {strides = array<i32>} : memref<3x32x768xf32, #tpu.memory_space<vmem>>, vector<1x1x16xf32>,
        %parallel_loop3A_2165 = vector.shape_cast %parallel_loop3A_2164 : vector<1x1x16xf32> to vector<16xf32>
        %parallel_loop3A_2166 = arith.subf %parallel_loop3A_2165, %parallel_loop3A_1194 : vector<16xf32>
        %parallel_loop3A_2167 = arith.mulf %parallel_loop3A_2166, %parallel_loop3A_1257 : vector<16xf32>
        %parallel_loop3A_2168 = arith.constant 688 : index
        %parallel_loop3A_2169 = tpu.vector_load %arg13[%parallel_loop3A_2168] {strides = array<i32>} : memref<768xf32, #tpu.memory_space<vmem>>, vector<16xf32>,
        %parallel_loop3A_2170 = vector.shape_cast %parallel_loop3A_2169 : vector<16xf32> to vector<16xf32>
        %parallel_loop3A_2171 = arith.mulf %parallel_loop3A_2167, %parallel_loop3A_2170 : vector<16xf32>
        %parallel_loop3A_2172 = arith.constant 688 : index
        %parallel_loop3A_2173 = tpu.vector_load %arg14[%parallel_loop3A_2172] {strides = array<i32>} : memref<768xf32, #tpu.memory_space<vmem>>, vector<16xf32>,
        %parallel_loop3A_2174 = vector.shape_cast %parallel_loop3A_2173 : vector<16xf32> to vector<16xf32>
        %parallel_loop3A_2175 = arith.addf %parallel_loop3A_2171, %parallel_loop3A_2174 : vector<16xf32>
        %parallel_loop3A_2176 = arith.index_cast %select_n3A_138 : i32 to index
        %parallel_loop3A_2177 = arith.index_cast %parallel_loop3A_202 : i32 to index
        %parallel_loop3A_2178 = arith.constant 688 : index
        %parallel_loop3A_2179 = tpu.vector_load %arg11[%parallel_loop3A_2176, %parallel_loop3A_2177, %parallel_loop3A_2178] {strides = array<i32>} : memref<3x32x768xf32, #tpu.memory_space<vmem>>, vector<1x1x16xf32>,
        %parallel_loop3A_2180 = vector.shape_cast %parallel_loop3A_2179 : vector<1x1x16xf32> to vector<16xf32>
        %parallel_loop3A_2181 = vector.shape_cast %parallel_loop3A_2175 : vector<16xf32> to vector<1x1x16xf32>
        tpu.vector_store %arg11[%parallel_loop3A_2176, %parallel_loop3A_2177, %parallel_loop3A_2178], %parallel_loop3A_2181 {strides = array<i32>} : memref<3x32x768xf32, #tpu.memory_space<vmem>>, vector<1x1x16xf32>,
        %parallel_loop3A_2182 = arith.index_cast %select_n3A_138 : i32 to index
        %parallel_loop3A_2183 = arith.index_cast %parallel_loop3A_202 : i32 to index
        %parallel_loop3A_2184 = arith.constant 704 : index
        %parallel_loop3A_2185 = tpu.vector_load %arg11[%parallel_loop3A_2182, %parallel_loop3A_2183, %parallel_loop3A_2184] {strides = array<i32>} : memref<3x32x768xf32, #tpu.memory_space<vmem>>, vector<1x1x16xf32>,
        %parallel_loop3A_2186 = vector.shape_cast %parallel_loop3A_2185 : vector<1x1x16xf32> to vector<16xf32>
        %parallel_loop3A_2187 = arith.subf %parallel_loop3A_2186, %parallel_loop3A_1194 : vector<16xf32>
        %parallel_loop3A_2188 = arith.mulf %parallel_loop3A_2187, %parallel_loop3A_1257 : vector<16xf32>
        %parallel_loop3A_2189 = arith.constant 704 : index
        %parallel_loop3A_2190 = tpu.vector_load %arg13[%parallel_loop3A_2189] {strides = array<i32>} : memref<768xf32, #tpu.memory_space<vmem>>, vector<16xf32>,
        %parallel_loop3A_2191 = vector.shape_cast %parallel_loop3A_2190 : vector<16xf32> to vector<16xf32>
        %parallel_loop3A_2192 = arith.mulf %parallel_loop3A_2188, %parallel_loop3A_2191 : vector<16xf32>
        %parallel_loop3A_2193 = arith.constant 704 : index
        %parallel_loop3A_2194 = tpu.vector_load %arg14[%parallel_loop3A_2193] {strides = array<i32>} : memref<768xf32, #tpu.memory_space<vmem>>, vector<16xf32>,
        %parallel_loop3A_2195 = vector.shape_cast %parallel_loop3A_2194 : vector<16xf32> to vector<16xf32>
        %parallel_loop3A_2196 = arith.addf %parallel_loop3A_2192, %parallel_loop3A_2195 : vector<16xf32>
        %parallel_loop3A_2197 = arith.index_cast %select_n3A_138 : i32 to index
        %parallel_loop3A_2198 = arith.index_cast %parallel_loop3A_202 : i32 to index
        %parallel_loop3A_2199 = arith.constant 704 : index
        %parallel_loop3A_2200 = tpu.vector_load %arg11[%parallel_loop3A_2197, %parallel_loop3A_2198, %parallel_loop3A_2199] {strides = array<i32>} : memref<3x32x768xf32, #tpu.memory_space<vmem>>, vector<1x1x16xf32>,
        %parallel_loop3A_2201 = vector.shape_cast %parallel_loop3A_2200 : vector<1x1x16xf32> to vector<16xf32>
        %parallel_loop3A_2202 = vector.shape_cast %parallel_loop3A_2196 : vector<16xf32> to vector<1x1x16xf32>
        tpu.vector_store %arg11[%parallel_loop3A_2197, %parallel_loop3A_2198, %parallel_loop3A_2199], %parallel_loop3A_2202 {strides = array<i32>} : memref<3x32x768xf32, #tpu.memory_space<vmem>>, vector<1x1x16xf32>,
        %parallel_loop3A_2203 = arith.index_cast %select_n3A_138 : i32 to index
        %parallel_loop3A_2204 = arith.index_cast %parallel_loop3A_202 : i32 to index
        %parallel_loop3A_2205 = arith.constant 720 : index
        %parallel_loop3A_2206 = tpu.vector_load %arg11[%parallel_loop3A_2203, %parallel_loop3A_2204, %parallel_loop3A_2205] {strides = array<i32>} : memref<3x32x768xf32, #tpu.memory_space<vmem>>, vector<1x1x16xf32>,
        %parallel_loop3A_2207 = vector.shape_cast %parallel_loop3A_2206 : vector<1x1x16xf32> to vector<16xf32>
        %parallel_loop3A_2208 = arith.subf %parallel_loop3A_2207, %parallel_loop3A_1194 : vector<16xf32>
        %parallel_loop3A_2209 = arith.mulf %parallel_loop3A_2208, %parallel_loop3A_1257 : vector<16xf32>
        %parallel_loop3A_2210 = arith.constant 720 : index
        %parallel_loop3A_2211 = tpu.vector_load %arg13[%parallel_loop3A_2210] {strides = array<i32>} : memref<768xf32, #tpu.memory_space<vmem>>, vector<16xf32>,
        %parallel_loop3A_2212 = vector.shape_cast %parallel_loop3A_2211 : vector<16xf32> to vector<16xf32>
        %parallel_loop3A_2213 = arith.mulf %parallel_loop3A_2209, %parallel_loop3A_2212 : vector<16xf32>
        %parallel_loop3A_2214 = arith.constant 720 : index
        %parallel_loop3A_2215 = tpu.vector_load %arg14[%parallel_loop3A_2214] {strides = array<i32>} : memref<768xf32, #tpu.memory_space<vmem>>, vector<16xf32>,
        %parallel_loop3A_2216 = vector.shape_cast %parallel_loop3A_2215 : vector<16xf32> to vector<16xf32>
        %parallel_loop3A_2217 = arith.addf %parallel_loop3A_2213, %parallel_loop3A_2216 : vector<16xf32>
        %parallel_loop3A_2218 = arith.index_cast %select_n3A_138 : i32 to index
        %parallel_loop3A_2219 = arith.index_cast %parallel_loop3A_202 : i32 to index
        %parallel_loop3A_2220 = arith.constant 720 : index
        %parallel_loop3A_2221 = tpu.vector_load %arg11[%parallel_loop3A_2218, %parallel_loop3A_2219, %parallel_loop3A_2220] {strides = array<i32>} : memref<3x32x768xf32, #tpu.memory_space<vmem>>, vector<1x1x16xf32>,
        %parallel_loop3A_2222 = vector.shape_cast %parallel_loop3A_2221 : vector<1x1x16xf32> to vector<16xf32>
        %parallel_loop3A_2223 = vector.shape_cast %parallel_loop3A_2217 : vector<16xf32> to vector<1x1x16xf32>
        tpu.vector_store %arg11[%parallel_loop3A_2218, %parallel_loop3A_2219, %parallel_loop3A_2220], %parallel_loop3A_2223 {strides = array<i32>} : memref<3x32x768xf32, #tpu.memory_space<vmem>>, vector<1x1x16xf32>,
        %parallel_loop3A_2224 = arith.index_cast %select_n3A_138 : i32 to index
        %parallel_loop3A_2225 = arith.index_cast %parallel_loop3A_202 : i32 to index
        %parallel_loop3A_2226 = arith.constant 736 : index
        %parallel_loop3A_2227 = tpu.vector_load %arg11[%parallel_loop3A_2224, %parallel_loop3A_2225, %parallel_loop3A_2226] {strides = array<i32>} : memref<3x32x768xf32, #tpu.memory_space<vmem>>, vector<1x1x16xf32>,
        %parallel_loop3A_2228 = vector.shape_cast %parallel_loop3A_2227 : vector<1x1x16xf32> to vector<16xf32>
        %parallel_loop3A_2229 = arith.subf %parallel_loop3A_2228, %parallel_loop3A_1194 : vector<16xf32>
        %parallel_loop3A_2230 = arith.mulf %parallel_loop3A_2229, %parallel_loop3A_1257 : vector<16xf32>
        %parallel_loop3A_2231 = arith.constant 736 : index
        %parallel_loop3A_2232 = tpu.vector_load %arg13[%parallel_loop3A_2231] {strides = array<i32>} : memref<768xf32, #tpu.memory_space<vmem>>, vector<16xf32>,
        %parallel_loop3A_2233 = vector.shape_cast %parallel_loop3A_2232 : vector<16xf32> to vector<16xf32>
        %parallel_loop3A_2234 = arith.mulf %parallel_loop3A_2230, %parallel_loop3A_2233 : vector<16xf32>
        %parallel_loop3A_2235 = arith.constant 736 : index
        %parallel_loop3A_2236 = tpu.vector_load %arg14[%parallel_loop3A_2235] {strides = array<i32>} : memref<768xf32, #tpu.memory_space<vmem>>, vector<16xf32>,
        %parallel_loop3A_2237 = vector.shape_cast %parallel_loop3A_2236 : vector<16xf32> to vector<16xf32>
        %parallel_loop3A_2238 = arith.addf %parallel_loop3A_2234, %parallel_loop3A_2237 : vector<16xf32>
        %parallel_loop3A_2239 = arith.index_cast %select_n3A_138 : i32 to index
        %parallel_loop3A_2240 = arith.index_cast %parallel_loop3A_202 : i32 to index
        %parallel_loop3A_2241 = arith.constant 736 : index
        %parallel_loop3A_2242 = tpu.vector_load %arg11[%parallel_loop3A_2239, %parallel_loop3A_2240, %parallel_loop3A_2241] {strides = array<i32>} : memref<3x32x768xf32, #tpu.memory_space<vmem>>, vector<1x1x16xf32>,
        %parallel_loop3A_2243 = vector.shape_cast %parallel_loop3A_2242 : vector<1x1x16xf32> to vector<16xf32>
        %parallel_loop3A_2244 = vector.shape_cast %parallel_loop3A_2238 : vector<16xf32> to vector<1x1x16xf32>
        tpu.vector_store %arg11[%parallel_loop3A_2239, %parallel_loop3A_2240, %parallel_loop3A_2241], %parallel_loop3A_2244 {strides = array<i32>} : memref<3x32x768xf32, #tpu.memory_space<vmem>>, vector<1x1x16xf32>,
        %parallel_loop3A_2245 = arith.index_cast %select_n3A_138 : i32 to index
        %parallel_loop3A_2246 = arith.index_cast %parallel_loop3A_202 : i32 to index
        %parallel_loop3A_2247 = arith.constant 752 : index
        %parallel_loop3A_2248 = tpu.vector_load %arg11[%parallel_loop3A_2245, %parallel_loop3A_2246, %parallel_loop3A_2247] {strides = array<i32>} : memref<3x32x768xf32, #tpu.memory_space<vmem>>, vector<1x1x16xf32>,
        %parallel_loop3A_2249 = vector.shape_cast %parallel_loop3A_2248 : vector<1x1x16xf32> to vector<16xf32>
        %parallel_loop3A_2250 = arith.subf %parallel_loop3A_2249, %parallel_loop3A_1194 : vector<16xf32>
        %parallel_loop3A_2251 = arith.mulf %parallel_loop3A_2250, %parallel_loop3A_1257 : vector<16xf32>
        %parallel_loop3A_2252 = arith.constant 752 : index
        %parallel_loop3A_2253 = tpu.vector_load %arg13[%parallel_loop3A_2252] {strides = array<i32>} : memref<768xf32, #tpu.memory_space<vmem>>, vector<16xf32>,
        %parallel_loop3A_2254 = vector.shape_cast %parallel_loop3A_2253 : vector<16xf32> to vector<16xf32>
        %parallel_loop3A_2255 = arith.mulf %parallel_loop3A_2251, %parallel_loop3A_2254 : vector<16xf32>
        %parallel_loop3A_2256 = arith.constant 752 : index
        %parallel_loop3A_2257 = tpu.vector_load %arg14[%parallel_loop3A_2256] {strides = array<i32>} : memref<768xf32, #tpu.memory_space<vmem>>, vector<16xf32>,
        %parallel_loop3A_2258 = vector.shape_cast %parallel_loop3A_2257 : vector<16xf32> to vector<16xf32>
        %parallel_loop3A_2259 = arith.addf %parallel_loop3A_2255, %parallel_loop3A_2258 : vector<16xf32>
        %parallel_loop3A_2260 = arith.index_cast %select_n3A_138 : i32 to index
        %parallel_loop3A_2261 = arith.index_cast %parallel_loop3A_202 : i32 to index
        %parallel_loop3A_2262 = arith.constant 752 : index
        %parallel_loop3A_2263 = tpu.vector_load %arg11[%parallel_loop3A_2260, %parallel_loop3A_2261, %parallel_loop3A_2262] {strides = array<i32>} : memref<3x32x768xf32, #tpu.memory_space<vmem>>, vector<1x1x16xf32>,
        %parallel_loop3A_2264 = vector.shape_cast %parallel_loop3A_2263 : vector<1x1x16xf32> to vector<16xf32>
        %parallel_loop3A_2265 = vector.shape_cast %parallel_loop3A_2259 : vector<16xf32> to vector<1x1x16xf32>
        tpu.vector_store %arg11[%parallel_loop3A_2260, %parallel_loop3A_2261, %parallel_loop3A_2262], %parallel_loop3A_2265 {strides = array<i32>} : memref<3x32x768xf32, #tpu.memory_space<vmem>>, vector<1x1x16xf32>,
      } {sc.loop_unroll_factor = 1 : i64, sc.parallel_access}
      %jit3A_157 = arith.constant 3 : i32
      %eq3A_158 = arith.constant 0 : i32
      %eq3A_159 = arith.cmpi eq, %jit3A_157, %eq3A_158 : i32
      %jit3A_160 = arith.constant 1 : i32
      %select_n3A_161 = arith.select %eq3A_159, %jit3A_160, %jit3A_157 : i32
      %rem3A_162 = arith.remsi %scan3A_63, %select_n3A_161 : i32
      %ne3A_163 = arith.constant 0 : i32
      %ne3A_164 = arith.cmpi ne, %rem3A_162, %ne3A_163 : i32
      %lt3A_165 = arith.constant 0 : i32
      %lt3A_166 = arith.cmpi slt, %rem3A_162, %lt3A_165 : i32
      %lt3A_167 = arith.constant 0 : i32
      %lt3A_168 = arith.cmpi slt, %select_n3A_161, %lt3A_167 : i32
      %ne3A_169 = arith.xori %lt3A_166, %lt3A_168 : i1
      %and3A_170 = arith.andi %ne3A_169, %ne3A_164 : i1
      %add3A_171 = arith.addi %rem3A_162, %select_n3A_161 : i32
      %select_n3A_172 = arith.select %and3A_170, %add3A_171, %rem3A_162 : i32
      %mul3A_173 = arith.constant 32 : i32
      %mul3A_174 = arith.muli %scan3A_63, %mul3A_173 : i32
      %add3A_175 = arith.addi %mul3A_2, %mul3A_174 : i32
      %dma_start3A_176 = arith.constant 0 : i32
      %dma_start3A_177 = arith.constant 0 : i32
      %dma_start3A_178 = tpu.memref_slice %arg11[%select_n3A_172, %dma_start3A_176, %dma_start3A_177] : memref<3x32x768xf32, #tpu.memory_space<vmem>> -> memref<1x32x768xf32, #tpu.memory_space<vmem>>
      %dma_start3A_179 = tpu.memref_squeeze %dma_start3A_178 : memref<1x32x768xf32, #tpu.memory_space<vmem>> -> memref<32x768xf32, #tpu.memory_space<vmem>>
      %dma_start3A_180 = arith.constant 0 : i32
      %dma_start3A_181 = tpu.memref_slice %arg8[%add3A_175, %dma_start3A_180] : memref<8192x768xf32, #tpu.memory_space<hbm>> -> memref<32x768xf32, #tpu.memory_space<hbm>>
      %dma_start3A_182 = tpu.memref_slice %arg17[%select_n3A_172] : memref<3x!tpu.dma_semaphore, #tpu.memory_space<semaphore_mem>> -> memref<1x!tpu.dma_semaphore, #tpu.memory_space<semaphore_mem>>
      %dma_start3A_183 = tpu.memref_squeeze %dma_start3A_182 : memref<1x!tpu.dma_semaphore, #tpu.memory_space<semaphore_mem>> -> memref<!tpu.dma_semaphore, #tpu.memory_space<semaphore_mem>>
      %dma_start3A_184 = arith.constant 0 : i32
      %dma_start3A_185 = tpu.memref_slice %arg8[%add3A_175, %dma_start3A_184] : memref<8192x768xf32, #tpu.memory_space<hbm>> -> memref<32x768xf32, #tpu.memory_space<hbm>>
      %dma_start3A_186 = arith.constant 0 : i32
      %dma_start3A_187 = arith.constant 0 : i32
      %dma_start3A_188 = tpu.memref_slice %arg11[%select_n3A_172, %dma_start3A_186, %dma_start3A_187] : memref<3x32x768xf32, #tpu.memory_space<vmem>> -> memref<1x32x768xf32, #tpu.memory_space<vmem>>
      %dma_start3A_189 = tpu.memref_squeeze %dma_start3A_188 : memref<1x32x768xf32, #tpu.memory_space<vmem>> -> memref<32x768xf32, #tpu.memory_space<vmem>>
      tpu.enqueue_dma source(%dma_start3A_189 : memref<32x768xf32, #tpu.memory_space<vmem>>) target(%dma_start3A_185 : memref<32x768xf32, #tpu.memory_space<hbm>>) target_semaphore(%dma_start3A_183 : memref<!tpu.dma_semaphore, #tpu.memory_space<semaphore_mem>>)
      %ge3A = arith.constant 1 : i32
      %ge3A_190 = arith.cmpi sge, %scan3A_63, %ge3A : i32
      %convert_element_type3A_191 = arith.extui %ge3A_190 : i1 to i32
      %cond3A_192 = arith.constant 0 : i32
      %cond3A_193 = arith.cmpi ne, %convert_element_type3A_191, %cond3A_192 : i32
      scf.if %cond3A_193 {
        %sub3A = arith.constant 1 : i32
        %sub3A_202 = arith.subi %scan3A_63, %sub3A : i32
        %jit3A_203 = arith.constant 3 : i32
        %eq3A_204 = arith.constant 0 : i32
        %eq3A_205 = arith.cmpi eq, %jit3A_203, %eq3A_204 : i32
        %jit3A_206 = arith.constant 1 : i32
        %select_n3A_207 = arith.select %eq3A_205, %jit3A_206, %jit3A_203 : i32
        %rem3A_208 = arith.remsi %sub3A_202, %select_n3A_207 : i32
        %ne3A_209 = arith.constant 0 : i32
        %ne3A_210 = arith.cmpi ne, %rem3A_208, %ne3A_209 : i32
        %lt3A_211 = arith.constant 0 : i32
        %lt3A_212 = arith.cmpi slt, %rem3A_208, %lt3A_211 : i32
        %lt3A_213 = arith.constant 0 : i32
        %lt3A_214 = arith.cmpi slt, %select_n3A_207, %lt3A_213 : i32
        %ne3A_215 = arith.xori %lt3A_212, %lt3A_214 : i1
        %and3A_216 = arith.andi %ne3A_215, %ne3A_210 : i1
        %add3A_217 = arith.addi %rem3A_208, %select_n3A_207 : i32
        %select_n3A_218 = arith.select %and3A_216, %add3A_217, %rem3A_208 : i32
        %dma_wait3A_219 = arith.constant 0 : i32
        %dma_wait3A_220 = arith.constant 0 : i32
        %dma_wait3A_221 = tpu.memref_slice %arg11[%select_n3A_218, %dma_wait3A_219, %dma_wait3A_220] : memref<3x32x768xf32, #tpu.memory_space<vmem>> -> memref<1x32x768xf32, #tpu.memory_space<vmem>>
        %dma_wait3A_222 = tpu.memref_squeeze %dma_wait3A_221 : memref<1x32x768xf32, #tpu.memory_space<vmem>> -> memref<32x768xf32, #tpu.memory_space<vmem>>
        %dma_wait3A_223 = arith.constant 0 : i32
        %dma_wait3A_224 = tpu.memref_slice %arg8[%mul3A_2, %dma_wait3A_223] : memref<8192x768xf32, #tpu.memory_space<hbm>> -> memref<32x768xf32, #tpu.memory_space<hbm>>
        %dma_wait3A_225 = tpu.memref_slice %arg17[%select_n3A_218] : memref<3x!tpu.dma_semaphore, #tpu.memory_space<semaphore_mem>> -> memref<1x!tpu.dma_semaphore, #tpu.memory_space<semaphore_mem>>
        %dma_wait3A_226 = tpu.memref_squeeze %dma_wait3A_225 : memref<1x!tpu.dma_semaphore, #tpu.memory_space<semaphore_mem>> -> memref<!tpu.dma_semaphore, #tpu.memory_space<semaphore_mem>>
        %dma_wait3A_227 = arith.constant 0 : i32
        %dma_wait3A_228 = tpu.memref_slice %arg8[%mul3A_2, %dma_wait3A_227] : memref<8192x768xf32, #tpu.memory_space<hbm>> -> memref<32x768xf32, #tpu.memory_space<hbm>>
        %dma_wait3A_229 = arith.constant 0 : i32
        %dma_wait3A_230 = arith.constant 0 : i32
        %dma_wait3A_231 = tpu.memref_slice %arg11[%select_n3A_218, %dma_wait3A_229, %dma_wait3A_230] : memref<3x32x768xf32, #tpu.memory_space<vmem>> -> memref<1x32x768xf32, #tpu.memory_space<vmem>>
        %dma_wait3A_232 = tpu.memref_squeeze %dma_wait3A_231 : memref<1x32x768xf32, #tpu.memory_space<vmem>> -> memref<32x768xf32, #tpu.memory_space<vmem>>
        tpu.wait_dma2 semaphore(%dma_wait3A_226 : memref<!tpu.dma_semaphore, #tpu.memory_space<semaphore_mem>>) src(%dma_wait3A_232 : memref<32x768xf32, #tpu.memory_space<vmem>>) dst(%dma_wait3A_228 : memref<32x768xf32, #tpu.memory_space<hbm>>)
      } else {
      }
      %add3A_194 = arith.constant 2 : i32
      %add3A_195 = arith.addi %scan3A_63, %add3A_194 : i32
      %lt3A_196 = arith.constant 8 : i32
      %lt3A_197 = arith.cmpi slt, %add3A_195, %lt3A_196 : i32
      %convert_element_type3A_198 = arith.extui %lt3A_197 : i1 to i32
      %cond3A_199 = arith.constant 0 : i32
      %cond3A_200 = arith.cmpi ne, %convert_element_type3A_198, %cond3A_199 : i32
      scf.if %cond3A_200 {
        %add3A_202 = arith.constant 2 : i32
        %add3A_203 = arith.addi %scan3A_63, %add3A_202 : i32
        %jit3A_204 = arith.constant 3 : i32
        %eq3A_205 = arith.constant 0 : i32
        %eq3A_206 = arith.cmpi eq, %jit3A_204, %eq3A_205 : i32
        %jit3A_207 = arith.constant 1 : i32
        %select_n3A_208 = arith.select %eq3A_206, %jit3A_207, %jit3A_204 : i32
        %rem3A_209 = arith.remsi %add3A_203, %select_n3A_208 : i32
        %ne3A_210 = arith.constant 0 : i32
        %ne3A_211 = arith.cmpi ne, %rem3A_209, %ne3A_210 : i32
        %lt3A_212 = arith.constant 0 : i32
        %lt3A_213 = arith.cmpi slt, %rem3A_209, %lt3A_212 : i32
        %lt3A_214 = arith.constant 0 : i32
        %lt3A_215 = arith.cmpi slt, %select_n3A_208, %lt3A_214 : i32
        %ne3A_216 = arith.xori %lt3A_213, %lt3A_215 : i1
        %and3A_217 = arith.andi %ne3A_216, %ne3A_211 : i1
        %add3A_218 = arith.addi %rem3A_209, %select_n3A_208 : i32
        %select_n3A_219 = arith.select %and3A_217, %add3A_218, %rem3A_209 : i32
        %mul3A_220 = arith.constant 32 : i32
        %mul3A_221 = arith.muli %add3A_203, %mul3A_220 : i32
        %dma_start3A_222 = arith.constant 0 : i32
        %dma_start3A_223 = arith.constant 0 : i32
        %dma_start3A_224 = tpu.memref_slice %arg11[%select_n3A_219, %dma_start3A_222, %dma_start3A_223] : memref<3x32x768xf32, #tpu.memory_space<vmem>> -> memref<1x32x768xf32, #tpu.memory_space<vmem>>
        %dma_start3A_225 = tpu.memref_squeeze %dma_start3A_224 : memref<1x32x768xf32, #tpu.memory_space<vmem>> -> memref<32x768xf32, #tpu.memory_space<vmem>>
        %dma_start3A_226 = tpu.memref_slice %arg9[%mul3A_221] : memref<256xi32, #tpu.memory_space<vmem>> -> memref<32xi32, #tpu.memory_space<vmem>>
        %dma_start3A_227 = arith.constant 0 : i32
        %dma_start3A_228 = arith.constant 0 : i32
        %dma_start3A_229 = tpu.memref_slice %arg4[%dma_start3A_227, %dma_start3A_228] : memref<30522x768xf32, #tpu.memory_space<hbm>> -> memref<30522x768xf32, #tpu.memory_space<hbm>>
        %dma_start3A_230 = tpu.memref_slice %arg15[%select_n3A_219] : memref<3x!tpu.dma_semaphore, #tpu.memory_space<semaphore_mem>> -> memref<1x!tpu.dma_semaphore, #tpu.memory_space<semaphore_mem>>
        %dma_start3A_231 = tpu.memref_squeeze %dma_start3A_230 : memref<1x!tpu.dma_semaphore, #tpu.memory_space<semaphore_mem>> -> memref<!tpu.dma_semaphore, #tpu.memory_space<semaphore_mem>>
        tpu.enqueue_indirect_dma source(%dma_start3A_229 : memref<30522x768xf32, #tpu.memory_space<hbm>>) target(%dma_start3A_225 : memref<32x768xf32, #tpu.memory_space<vmem>>) offsets(%dma_start3A_226 : memref<32xi32, #tpu.memory_space<vmem>>) semaphore(%dma_start3A_231 : memref<!tpu.dma_semaphore, #tpu.memory_space<semaphore_mem>>)
      } else {
      }
      %scan3A_201 = arith.constant 0 : i32
      scf.yield %scan3A_201 : i32
    }
    %scan3A_47 = arith.constant 8 : i32
    %dma_wait3A = arith.constant 1 : i32
    %dma_wait3A_48 = arith.constant 1 : i32
    %dma_wait3A_49 = arith.constant 0 : i32
    %dma_wait3A_50 = arith.constant 0 : i32
    %dma_wait3A_51 = tpu.memref_slice %arg11[%dma_wait3A, %dma_wait3A_49, %dma_wait3A_50] : memref<3x32x768xf32, #tpu.memory_space<vmem>> -> memref<1x32x768xf32, #tpu.memory_space<vmem>>
    %dma_wait3A_52 = tpu.memref_squeeze %dma_wait3A_51 : memref<1x32x768xf32, #tpu.memory_space<vmem>> -> memref<32x768xf32, #tpu.memory_space<vmem>>
    %dma_wait3A_53 = arith.constant 0 : i32
    %dma_wait3A_54 = tpu.memref_slice %arg8[%mul3A_2, %dma_wait3A_53] : memref<8192x768xf32, #tpu.memory_space<hbm>> -> memref<32x768xf32, #tpu.memory_space<hbm>>
    %dma_wait3A_55 = tpu.memref_slice %arg17[%dma_wait3A_48] : memref<3x!tpu.dma_semaphore, #tpu.memory_space<semaphore_mem>> -> memref<1x!tpu.dma_semaphore, #tpu.memory_space<semaphore_mem>>
    %dma_wait3A_56 = tpu.memref_squeeze %dma_wait3A_55 : memref<1x!tpu.dma_semaphore, #tpu.memory_space<semaphore_mem>> -> memref<!tpu.dma_semaphore, #tpu.memory_space<semaphore_mem>>
    %dma_wait3A_57 = arith.constant 0 : i32
    %dma_wait3A_58 = tpu.memref_slice %arg8[%mul3A_2, %dma_wait3A_57] : memref<8192x768xf32, #tpu.memory_space<hbm>> -> memref<32x768xf32, #tpu.memory_space<hbm>>
    %dma_wait3A_59 = arith.constant 0 : i32
    %dma_wait3A_60 = arith.constant 0 : i32
    %dma_wait3A_61 = tpu.memref_slice %arg11[%dma_wait3A, %dma_wait3A_59, %dma_wait3A_60] : memref<3x32x768xf32, #tpu.memory_space<vmem>> -> memref<1x32x768xf32, #tpu.memory_space<vmem>>
    %dma_wait3A_62 = tpu.memref_squeeze %dma_wait3A_61 : memref<1x32x768xf32, #tpu.memory_space<vmem>> -> memref<32x768xf32, #tpu.memory_space<vmem>>
    tpu.wait_dma2 semaphore(%dma_wait3A_56 : memref<!tpu.dma_semaphore, #tpu.memory_space<semaphore_mem>>) src(%dma_wait3A_62 : memref<32x768xf32, #tpu.memory_space<vmem>>) dst(%dma_wait3A_58 : memref<32x768xf32, #tpu.memory_space<hbm>>)
    return
  }
}

</mosaic_0001>

<sc_bundles>
// kernel: kernel.3.cloned.1.call-start
scs
__scs_entry_jumppad:
0x0: {  	(pc) =	sbr.rel $0x88, $3  }
0x1: {  	(tag) =	ssettag $0x0;
	lr =	simm.s32 $0x1  }
0x2: {  	[smem:$0x3F9B] =	sst lr;
	_ =	strace $0xD0000000  }
0x3: {  	_ = 	snop  }
0x4: {  	_ = 	snop  }
0x5: {  	_ = 	snop  }
0x6: {  	_ = 	snop  }
0x7: {  	_ = 	snop  }
__scs_overlays_trampoline_lowered:
0x8: {  	[smem:$0x3FAA] =	sst s0  }
0x9: {  	[smem:$0x3FAB] =	sst s1  }
0xa: {  	[smem:$0x3FAC] =	sst s2  }
0xb: {  	[smem:$0x3FAD] =	sst s3  }
0xc: {  	[smem:$0x3FAE] =	sst s4  }
0xd: {  	[smem:$0x3FAF] =	sst s5  }
0xe: {  	[smem:$0x3FB0] =	sst s6  }
0xf: {  	[smem:$0x3FB1] =	sst s7  }
0x10: {  	[smem:$0x3FB2] =	sst s8  }
0x11: {  	[smem:$0x3FB3] =	sst s9;
	s0 =	simm.s32 @!p0 $0x0  }
0x12: {  	s1 =	sld [smem:$0x3F99];
	s0 =	simm.s32 @p0 $0x1  }
0x13: {  	[smem:$0x3FB4] =	sst s0;
	s0 =	simm.s32 @!p1 $0x0  }
0x14: {  	s2 =	sld [smem:$0x3F98];
	s0 =	simm.s32 @p1 $0x1  }
0x15: {  	[smem:$0x3FB5] =	sst s0;
	s0 =	simm.s32 @!p2 $0x0  }
0x16: {  	s3 =	sld [smem:$0x3FDB];
	s0 =	simm.s32 @p2 $0x1  }
0x17: {  	s4 =	simm.s32 $0x1BF5;
	[smem:$0x3FB7] =	sst s0  }
0x18: {  	s0 =	sld [smem:$0x3F9A];
	_ =	swait.ge [sflag:s4], $0x0  }
0x19: {  	s7 =	sld [smem:$0x3F9B]  }
0x1a: {  	s8 =	sadd.s32 $0xFFFFE003, lr  }
0x1b: {  	s9 =	sadd.s32 $0xFFFFFEF7, lr;
	s5 =	simm.s32 $0xFFFFFFFF;
	p2 =	slt.u32 s8, $0xFFFFF086  }
0x1c: {  	p1 =	slt.u32 s9, $0xF7A;
	s5 =	simm.s32 @!p2 $0x0  }
0x1d: {  	s5 =	simm.s32 @p1 $0x1;
	p0 =	seq.s32 s7, s2  }
0x1e: {  	s7 =	smul.u32 @!p0 $0xF7A, s2;
	p2 =	seq.s32 @!p0 s5, $0x0  }
0x1f: {  	s9 =	smul.u32 $0xF7A, s1;
	s8 =	simm.s32 @!p0 $0x1BF5;
	p2 =	por !p2, p0  }
0x20: {  	[sflag:s8] =	ssyncset.s32 @!p0 $0xFFFFF086;
	s6 =	sadd.s32 @!p0 s3, s7;
	s7 =	simm.s32 @!p0 $0x108  }
0x21: {  	s3 =	sadd.s32 s3, s9;
	s6 =	sadd.s32 @!p0 $0x88, s6;
	s7 =	simm.s32 @p2 $0x1082  }
0x22: {  	[simem:s7], [sflag:s8] =	dma.local @!p0 [hbm:s6], $0xF7A  }
0x23: {  	s9 =	sor.u32 $0xD0000000, s2;
	s6 =	simm.s32 $0x108;
	_ =	swait.ge @!p0 [sflag:s8], $0x0  }
0x24: {  	s3 =	sadd.s32 $0x88, s3;
	s6 =	simm.s32 @!p1 $0x1082;
	[sflag:s4] =	ssyncset.s32 $0xFFFFF086  }
0x25: {  	[simem:s6], [sflag:s4] =	dma.local [hbm:s3], $0xF7A  }
0x26: {  	[smem:$0x3F9B] =	sst s1;
	(tag) =	ssettag s2;
	_ =	strace s9  }
0x27: {  	s1 =	sld [smem:$0x3FAB]  }
0x28: {  	s2 =	sld [smem:$0x3FAC]  }
0x29: {  	s4 =	sld [smem:$0x3FAE]  }
0x2a: {  	p0 =	seq.s32 s5, $0x0;
	s5 =	sld [smem:$0x3FAF]  }
0x2b: {  	s6 =	sld [smem:$0x3FB0]  }
0x2c: {  	s7 =	sld [smem:$0x3FB1]  }
0x2d: {  	s3 =	simm.s32 $0x108;
	s8 =	sld [smem:$0x3FB2]  }
0x2e: {  	s3 =	simm.s32 @!p0 $0x1082;
	s9 =	sld [smem:$0x3FB3]  }
0x2f: {  	lr =	sadd.s32 s0, s3;
	s0 =	sld [smem:$0x3FAA]  }
0x30: {  	s3 =	sld [smem:$0x3FAD]  }
0x31: {  	[smem:$0x3FB6] =	sst s10  }
0x32: {  	s10 =	sld [smem:$0x3FB4];
	_ =	sdelay $0x3  }
0x33: {  	p0 =	seq.s32 s10, $0x1;
	s10 =	sld [smem:$0x3FB6];
	_ =	sdelay $0x3  }
0x34: {  	[smem:$0x3FB6] =	sst s10  }
0x35: {  	s10 =	sld [smem:$0x3FB5];
	_ =	sdelay $0x3  }
0x36: {  	p1 =	seq.s32 s10, $0x1;
	s10 =	sld [smem:$0x3FB6];
	_ =	sdelay $0x3  }
0x37: {  	[smem:$0x3FB6] =	sst s10  }
0x38: {  	s10 =	sld [smem:$0x3FB7]  }
0x39: {  	_ = 	snop;
	(pc) =	sbr.ind lr, $3  }
0x3a: {  	_ = 	snop  }
0x3b: {  	_ = 	snop  }
0x3c: {  	p2 =	seq.s32 s10, $0x1;
	s10 =	sld [smem:$0x3FB6]  }
0x3d: {  	_ =	shalt  }
0x3e: {  	_ =	shalt  }
0x3f: {  	_ =	shalt  }
0x40: {  	_ =	shalt  }
0x41: {  	_ =	shalt  }
0x42: {  	_ =	shalt  }
0x43: {  	_ =	shalt  }
0x44: {  	_ =	shalt  }
0x45: {  	_ =	shalt  }
0x46: {  	_ =	shalt  }
0x47: {  	_ =	shalt  }
0x48: {  	_ =	shalt  }
0x49: {  	_ =	shalt  }
0x4a: {  	_ =	shalt  }
0x4b: {  	_ =	shalt  }
0x4c: {  	_ =	shalt  }
0x4d: {  	_ =	shalt  }
0x4e: {  	_ =	shalt  }
0x4f: {  	_ =	shalt  }
0x50: {  	_ =	shalt  }
0x51: {  	_ =	shalt  }
0x52: {  	_ =	shalt  }
0x53: {  	_ =	shalt  }
0x54: {  	_ =	shalt  }
0x55: {  	_ =	shalt  }
0x56: {  	_ =	shalt  }
0x57: {  	_ =	shalt  }
0x58: {  	_ =	shalt  }
0x59: {  	_ =	shalt  }
0x5a: {  	_ =	shalt  }
0x5b: {  	_ =	shalt  }
0x5c: {  	_ =	shalt  }
0x5d: {  	_ =	shalt  }
0x5e: {  	_ =	shalt  }
0x5f: {  	_ =	shalt  }
0x60: {  	_ =	shalt  }
0x61: {  	_ =	shalt  }
0x62: {  	_ =	shalt  }
0x63: {  	_ =	shalt  }
0x64: {  	_ =	shalt  }
0x65: {  	_ =	shalt  }
0x66: {  	_ =	shalt  }
0x67: {  	_ =	shalt  }
0x68: {  	_ =	shalt  }
0x69: {  	_ =	shalt  }
0x6a: {  	_ =	shalt  }
0x6b: {  	_ =	shalt  }
0x6c: {  	_ =	shalt  }
0x6d: {  	_ =	shalt  }
0x6e: {  	_ =	shalt  }
0x6f: {  	_ =	shalt  }
0x70: {  	_ =	shalt  }
0x71: {  	_ =	shalt  }
0x72: {  	_ =	shalt  }
0x73: {  	_ =	shalt  }
0x74: {  	_ =	shalt  }
0x75: {  	_ =	shalt  }
0x76: {  	_ =	shalt  }
0x77: {  	_ =	shalt  }
0x78: {  	_ =	shalt  }
0x79: {  	_ =	shalt  }
0x7a: {  	_ =	shalt  }
0x7b: {  	_ =	shalt  }
0x7c: {  	_ =	shalt  }
0x7d: {  	_ =	shalt  }
0x7e: {  	_ =	shalt  }
0x7f: {  	_ =	shalt  }
0x80: {  	_ =	shalt  }
0x81: {  	_ =	shalt  }
0x82: {  	_ =	shalt  }
0x83: {  	_ =	shalt  }
0x84: {  	_ =	shalt  }
0x85: {  	_ =	shalt  }
0x86: {  	_ =	shalt  }
0x87: {  	_ =	shalt  }
.Lfunc_end0:
.L_simem_size_0:
called_computation_lowered:
.L_overlay_start_0:
0x88: {  	s2 =	sld [smem:$0x3FD9]  }
0x89: {  	s3 =	sld [smem:$0x3FFE];
	_ =	sdelay $0x1  }
0x8a: {  	s1 =	srdreg.scid  }
0x8b: {  	s0 =	sand.u32 $0x1, s1  }
0x8c: {  	s17 =	sshll.u32 s0, $0xA;
	s2 =	sadd.s32 s3, s2  }
0x8d: {  	s2 =	sadd.s32 s2, s17  }
0x8e: {  	[smem:$0x3FC2] =	sst s2  }
0x8f: {  	_ = 	snop  }
0x90: {  	s2 =	sld [smem:$0x3FC7]  }
0x91: {  	s18 =	sld [smem:$0x3FC6]  }
0x92: {  	s4 =	sld [smem:$0x3FC5]  }
0x93: {  	s5 =	sld [smem:$0x3FC4]  }
0x94: {  	s6 =	sld [smem:$0x3FD0];
	(tm) =	ssettm $0x1  }
0x95: {  	s7 =	sld [smem:$0x3FFB];
	_ =	sdelay $0x3  }
0x96: {  	_ =	strace s7  }
0x97: {  	s7 =	sld [smem:$0x3FFC];
	_ =	sdelay $0x3  }
0x98: {  	_ =	strace s7  }
0x99: {  	s7 =	sld [smem:$0x3FFD];
	_ =	sdelay $0x3  }
0x9a: {  	_ =	strace s7  }
0x9b: {  	_ =	strace $0x8FFFFFFF  }
0x9c: {  	s19 =	sld [smem:$0x3FDB];
	_ =	sdelay $0x1  }
0x9d: {  	s8 =	simm.s32 $_scs_section_size  }
0x9e: {  	s9 =	simm.s32 $_size__tile_overlayer_lowered;
	s10 =	simm.s32 $_tile_overlayer_lowered  }
0x9f: {  	s22 =	simm.s32 $0x1BFF;
	s21 =	sshll.u32 s10, $0x1;
	s7 =	sadd.s32 s8, s19  }
0xa0: {  	s11 =	simm.s32 $0x0;
	s20 =	sshll.u32 s9, $0x1;
	s9 =	sadd.s32 s21, s7  }
0xa1: {  	[timem:s11], [sflag:s22] =	dma.local [hbm:s9], s20  }
0xa2: {  	_ =	swait.ge [sflag:s22], s20  }
0xa3: {  	s8 =	ssub.s32 $0x0, s20;
	[sflag:s22] =	ssyncset.done $0x0  }
0xa4: {  	[sflag:s22] =	ssyncadd.s32 s8;
	_ =	sdelay $0x1  }
0xa5: {  	s23 =	simm.s32 $0x1B8B  }
0xa6: {  	_ =	swait.ge [sflag:s23], $0x1  }
0xa7: {  	[sflag:s23] =	ssyncset.done $0x0  }
0xa8: {  	s25 =	simm.s32 $0x1B8E;
	s24 =	sld [smem:$0x3FFE];
	[sflag:s23] =	ssyncadd.s32 $0xFFFFFFFF  }
0xa9: {  	s26 =	simm.s32 $execute0_lowered;
	[smem:$0x3FD2] =	sst s25  }
0xaa: {  	s9 =	sshll.u32 s26, $0x1;
	_ =	strace $0x80000046;
	[dreg:$0x1] =	wrdreg $0xFFFFFFFF  }
0xab: {  	s28 =	simm.s32 $_size_execute0_lowered;
	s7 =	sadd.s32 s7, s9;
	[dreg:$0x0] =	wrdreg $0x0  }
0xac: {  	s9 =	sshll.u32 s28, $0x1;
	[dreg:$0x2] =	wrdreg s7  }
0xad: {  	[dreg:$0x3] =	wrdreg s9  }
0xae: {  	[dreg:$0x4] =	wrdreg $0xC0  }
0xaf: {  	_ =	task [dreg:s11], $0x5FFFF  }
0xb0: {  	[dreg:$0x1] =	wrdreg $0xFFFFFFFF  }
0xb1: {  	[dreg:$0x0] =	wrdreg $0x60  }
0xb2: {  	[dreg:$0x2] =	wrdreg s24  }
0xb3: {  	[dreg:$0x3] =	wrdreg s2  }
0xb4: {  	[dreg:$0x4] =	wrdreg s18  }
0xb5: {  	[dreg:$0x5] =	wrdreg s4  }
0xb6: {  	[dreg:$0x6] =	wrdreg s5  }
0xb7: {  	[dreg:$0x7] =	wrdreg s6  }
0xb8: {  	[dreg:$0x8] =	wrdreg $0x9  }
0xb9: {  	_ =	task.clear_ibuf [dreg:s11], $0x9FFFF;
	_ =	strace $0x90000046  }
0xba: {  	s29 =	simm.s32 $0x9;
	_ =	strace $0x80000048  }
0xbb: {  	_ =	swait.ge [sflag:s29], $0x1  }
0xbc: {  	[sflag:s29] =	ssyncadd.s32 $0xFFFFFFFF  }
0xbd: {  	_ =	strace $0x90000048  }
0xbe: {  	_ =	sfence  }
0xbf: {  	s30 =	sld [smem:$0x0];
	_ =	sdelay $0x2  }
0xc0: {  	s31 =	sshll.u32 s1, $0xD;
	s1 =	sshrl.u32 s1, $0x2  }
0xc1: {  	s3 =	sand.u32 $0x4000, s31;
	s1 =	sadd.s32 s1, s30  }
0xc2: {  	s0 =	sor.u32 s3, s0;
	s1 =	sshll.u32 s1, $0x11  }
0xc3: {  	s0 =	sor.u32 s1, s0  }
0xc4: {  	s0 =	sadd.s32 $0x8F2B, s0  }
0xc5: {  	[sflag:s0] =	ssyncadd.remote.s32 $0x1  }
0xc6: {  	_ =	sfence.sel $0xFFFF  }
0xc7: {  	[dreg:$0x0] =	wrdreg $0xFFFFFFFF;
	(pc) =	sbr.abs _section_cstart, $3  }
0xc8: {  	[dreg:$0x1] =	wrdreg $0xFFFFFFFF  }
0xc9: {  	_ =	task.clear_ibuf [dreg:s11], $0x2FFFF;
	_ =	strace $0x9FFFFFFF  }
0xca: {  	(tm) =	ssettm $0x7FFFFFFF  }
0xcb: {  	_ =	shalt  }
tec
execute0_lowered:
.L_overlay_start_1:
0x0: {  	(tag) =	ssettag $0x1  }
0x1: {  	v0 =	vimm.s32 $0x76543210  }
0x2: {  	v1 =	vimm.s32 $0xBA98FEDC;
	v2 =	vimm.s32 $0xFEDCBA98;
	v3 =	vimm.s32 $0x32107654  }
0x3: {  	v4 =	vimm.s32 $0xDCFE98BA;
	v5 =	vimm.s32 $0x54761032;
	v6 =	vimm.s32 $0xEFCDAB89  }
0x4: {  	v7 =	vimm.s32 $0x67452301;
	v60 =	vlaneseq.u32;
	v1 =	vunpack.c.l.s4.s8 v1  }
0x5: {  	s1 =	rddreg [dreg:$0x0];
	v0 =	vunpack.c.l.s4.s8 v0;
	v3 =	vunpack.c.l.s4.s8 v3;
	v4 =	vunpack.c.l.s4.s8 v4  }
0x6: {  	s0 =	rddreg [dreg:$0x1];
	v5 =	vunpack.c.l.s4.s8 v5;
	v6 =	vunpack.c.l.s4.s8 v6;
	v7 =	vunpack.c.l.s4.s8 v7  }
0x7: {  	s2 =	rddreg [dreg:$0x2];
	v2 =	vunpack.c.l.s4.s8 v2;
	v61 =	vshrl.u32 v60, $0x3;
	v62 =	vand.u32 $0x7, v60  }
0x8: {  	s3 =	srdreg.scid;
	s6 =	rddreg [dreg:$0x5];
	s8 =	simm.s32 $0x0;
	v1 =	vunpack.c.0.s8.s32 v1;
	v4 =	vunpack.c.0.s8.s32 v4;
	v5 =	vunpack.c.0.s8.s32 v5  }
0x9: {  	s4 =	stileid.u32;
	s15 =	simm.s32 $0x9;
	[smem:$0x7FF] =	sst s8;
	v3 =	vunpack.c.0.s8.s32 v3;
	v58 =	vunpack.c.0.s8.s32 v6;
	v59 =	vunpack.c.0.s8.s32 v7  }
0xa: {  	s17 =	simm.s32 $0x17A00;
	s18 =	simm.s32 $0x7;
	v63 =	vor.u32 $0x8, v60;
	_ =	strace $0x80000047;
	[tilespmem:$0x1FF90] =	vst v62;
	v4 =	vcombine.low v5, v4;
	v5 =	vmul.u32 $0x8, v61  }
0xb: {  	s20 =	simm.s32 $0x0;
	s3 =	sand.u32 $0x1, s3;
	s4 =	sshll.u32 s4, $0x9;
	[tilespmem:$0x1FFB0] =	vst v63;
	v2 =	vunpack.c.0.s8.s32 v2;
	v1 =	vcombine.low v3, v1;
	v3 =	vcombine.low v59, v58  }
.Ltmp0:
0xc: {  	s11 =	sadd.s32 $0x100, s0;
	s5 =	sshll.u32 s3, $0x8;
	v0 =	vunpack.c.0.s8.s32 v0;
	[tilespmem:$0x1FFA0] =	vst v5;
	v49 =	vand.u32 $0xF, v4;
	(pc) =	sbr.rel .LBB2_1-.Ltmp0, $4  }
0xd: {  	s12 =	sadd.s32 $0x200, s0;
	s3 =	ssub.s32 $0x2, s3;
	s7 =	sor.u32 s5, s4;
	v2 =	vand.u32 $0xF, v2;
	v52 =	vand.u32 $0xF, v3;
	[tilespmem:$0x1FFC0] =	vst v49  }
0xe: {  	s13 =	sadd.s32 $0x200, s2;
	s31 =	sshrl.u32 s3, $0x1;
	s4 =	sshrl.u32 s7, $0x3;
	v50 =	vcombine.low v2, v0;
	v51 =	vand.u32 $0xF, v1;
	[tilespmem:$0x1FFD0] =	vst v52  }
0xf: {  	s19 =	sadd.s32 $0x100, s2;
	s3 =	ssub.s32 s3, s31;
	s1 =	sadd.s32 s4, s1;
	[tilespmem:$0x1FFE0] =	vst v51  }
0x10: {  	vm0 =	vmmov $0xffff;
	s22 =	smax.u32 s3, $0x1;
	s9 =	sadd.s32 $0x400, s1;
	s10 =	sadd.s32 $0x800, s1;
	[tilespmem:$0x1FFF0] =	vst v50  }
.LBB2_7:
0x11: {  	s20 =	sadd.s32 $0x1, s20  }
0x12: {  	p0 =	sne.s32 s20, s22  }
.Ltmp1:
0x13: {  	_ = 	snop;
	(pc) =	sbr.rel @!p0 .LBB2_8-.Ltmp1, $4  }
0x14: {  	_ = 	snop  }
0x15: {  	_ =	swait.ge [sflag:s18], $0x6000  }
0x16: {  	[sflag:s18] =	ssyncset.done $0x0  }
0x17: {  	[sflag:s18] =	ssyncadd.s32 $0xFFFFA000  }
.LBB2_1:
0x18: {  	s1 =	rddreg [dreg:$0x3];
	s3 =	simm.s32 $0x1E200  }
0x19: {  	[tilespmem:s3], [sflag:$0x9] =	stream.linear.gather [hbm4b:s1+s8], $0x300, $0x38;
	[tilespmem:$0x1E800] =	vst v63  }
0x1a: {  	_ =	swait.ge [sflag:s15], $0x300  }
0x1b: {  	[sflag:s15] =	ssyncset.done $0x0  }
0x1c: {  	[sflag:s15] =	ssyncadd.s32 $0xFFFFFD00  }
0x1d: {  	s21 =	simm.s32 $0x1E500;
	s16 =	rddreg [dreg:$0x4]  }
0x1e: {  	[tilespmem:s21], [sflag:$0x9] =	stream.linear.gather [hbm4b:s16+s8], $0x300, $0x38;
	[tilespmem:$0x1E800] =	vst v63  }
0x1f: {  	_ =	swait.ge [sflag:s15], $0x300  }
0x20: {  	[sflag:s15] =	ssyncset.done $0x0  }
0x21: {  	[sflag:s15] =	ssyncadd.s32 $0xFFFFFD00  }
0x22: {  	[tilespmem:s8], [sflag:$0x9] =	stream.linear.gather [hbm4b:s9+s8], $0x100, $0x38;
	[tilespmem:$0x1E800] =	vst v63  }
0x23: {  	_ =	swait.ge [sflag:s15], $0x100  }
0x24: {  	[sflag:s15] =	ssyncset.done $0x0  }
0x25: {  	s23 =	simm.s32 $0x100;
	[sflag:s15] =	ssyncadd.s32 $0xFFFFFF00  }
0x26: {  	[tilespmem:s23], [sflag:$0x9] =	stream.linear.gather [hbm4b:s10+s8], $0x100, $0x38;
	[tilespmem:$0x1E800] =	vst v63  }
0x27: {  	_ =	swait.ge [sflag:s15], $0x100  }
0x28: {  	[sflag:s15] =	ssyncset.done $0x0  }
0x29: {  	[sflag:s15] =	ssyncadd.s32 $0xFFFFFF00  }
0x2a: {  	v0 =	vld [tilespmem:$0x0];
	_ =	sdelay $0x3  }
0x2b: {  	v2 =	vld [tilespmem:$0x1FF90]  }
0x2c: {  	v1 =	vshrl.u32 v0, $0x3  }
0x2d: {  	v3 =	vld [tilespmem:$0x1FFA0];
	v1 =	vmul.u32 $0x30, v1  }
0x2e: {  	v0 =	vand.u32 $0x7, v0  }
0x2f: {  	v0 =	vor.u32 v0, v1  }
0x30: {  	v1 =	vperm.xlane v0, v2  }
0x31: {  	v4 =	vld [tilespmem:$0x1FFB0]  }
0x32: {  	v1 =	vadd.s32 v3, v1;
	_ =	sdelay $0x3  }
0x33: {  	s24 =	simm.s32 $0x200;
	v0 =	vperm.xlane v0, v4  }
0x34: {  	[tilespmem:s24], [sflag:$0x1] =	stream.indirect_vreg.gather [hbm4b:s0+s8], $0x80, v1, vm0, $0xb8;
	[tilespmem:$0x1E800] =	vst v63  }
0x35: {  	s25 =	simm.s32 $0xA00;
	v0 =	vadd.s32 v3, v0  }
0x36: {  	[tilespmem:s25], [sflag:$0x1] =	stream.indirect_vreg.gather [hbm4b:s11+s8], $0x80, v1, vm0, $0xb8;
	[tilespmem:$0x1E800] =	vst v63  }
0x37: {  	s26 =	simm.s32 $0x1200  }
0x38: {  	[tilespmem:s26], [sflag:$0x1] =	stream.indirect_vreg.gather [hbm4b:s12+s8], $0x80, v1, vm0, $0xb8;
	[tilespmem:$0x1E800] =	vst v63  }
0x39: {  	s28 =	simm.s32 $0x1A00  }
0x3a: {  	[tilespmem:s28], [sflag:$0x1] =	stream.indirect_vreg.gather [hbm4b:s0+s8], $0x80, v0, vm0, $0xb8;
	[tilespmem:$0x1E800] =	vst v63  }
0x3b: {  	s29 =	simm.s32 $0x2200  }
0x3c: {  	[tilespmem:s29], [sflag:$0x1] =	stream.indirect_vreg.gather [hbm4b:s11+s8], $0x80, v0, vm0, $0xb8;
	[tilespmem:$0x1E800] =	vst v63  }
0x3d: {  	s30 =	simm.s32 $0x2A00  }
0x3e: {  	[tilespmem:s30], [sflag:$0x1] =	stream.indirect_vreg.gather [hbm4b:s12+s8], $0x80, v0, vm0, $0xb8;
	[tilespmem:$0x1E800] =	vst v63  }
0x3f: {  	v0 =	vld [tilespmem:$0x10];
	_ =	sdelay $0x4  }
0x40: {  	v59 =	vshrl.u32 v0, $0x3  }
0x41: {  	v1 =	vmul.u32 $0x30, v59  }
0x42: {  	v0 =	vand.u32 $0x7, v0  }
0x43: {  	v0 =	vor.u32 v0, v1  }
0x44: {  	v1 =	vperm.xlane v0, v2;
	_ =	sdelay $0x1  }
0x45: {  	v1 =	vadd.s32 v3, v1;
	_ =	sdelay $0x3  }
0x46: {  	s31 =	simm.s32 $0x3200;
	v0 =	vperm.xlane v0, v4  }
0x47: {  	[tilespmem:s31], [sflag:$0x1] =	stream.indirect_vreg.gather [hbm4b:s0+s8], $0x80, v1, vm0, $0xb8;
	[tilespmem:$0x1E800] =	vst v63  }
0x48: {  	s3 =	simm.s32 $0x3A00;
	v0 =	vadd.s32 v3, v0  }
0x49: {  	[tilespmem:s3], [sflag:$0x1] =	stream.indirect_vreg.gather [hbm4b:s11+s8], $0x80, v1, vm0, $0xb8;
	[tilespmem:$0x1E800] =	vst v63  }
0x4a: {  	s4 =	simm.s32 $0x4200  }
0x4b: {  	[tilespmem:s4], [sflag:$0x1] =	stream.indirect_vreg.gather [hbm4b:s12+s8], $0x80, v1, vm0, $0xb8;
	[tilespmem:$0x1E800] =	vst v63  }
0x4c: {  	s5 =	simm.s32 $0x4A00  }
0x4d: {  	[tilespmem:s5], [sflag:$0x1] =	stream.indirect_vreg.gather [hbm4b:s0+s8], $0x80, v0, vm0, $0xb8;
	[tilespmem:$0x1E800] =	vst v63  }
0x4e: {  	s14 =	simm.s32 $0x5200  }
0x4f: {  	[tilespmem:s14], [sflag:$0x1] =	stream.indirect_vreg.gather [hbm4b:s11+s8], $0x80, v0, vm0, $0xb8;
	[tilespmem:$0x1E800] =	vst v63  }
0x50: {  	s16 =	simm.s32 $0x5A00  }
0x51: {  	[tilespmem:s16], [sflag:$0x1] =	stream.indirect_vreg.gather [hbm4b:s12+s8], $0x80, v0, vm0, $0xb8;
	[tilespmem:$0x1E800] =	vst v63  }
0x52: {  	v0 =	vld [tilespmem:$0x20];
	_ =	sdelay $0x4  }
0x53: {  	v60 =	vshrl.u32 v0, $0x3  }
0x54: {  	v1 =	vmul.u32 $0x30, v60  }
0x55: {  	v0 =	vand.u32 $0x7, v0  }
0x56: {  	v0 =	vor.u32 v0, v1  }
0x57: {  	v1 =	vperm.xlane v0, v2;
	_ =	sdelay $0x1  }
0x58: {  	v1 =	vadd.s32 v3, v1;
	_ =	sdelay $0x3  }
0x59: {  	s21 =	simm.s32 $0x6200;
	v0 =	vperm.xlane v0, v4  }
0x5a: {  	[tilespmem:s21], [sflag:$0x2] =	stream.indirect_vreg.gather [hbm4b:s0+s8], $0x80, v1, vm0, $0xb8;
	[tilespmem:$0x1E800] =	vst v63  }
0x5b: {  	s23 =	simm.s32 $0x6A00;
	v0 =	vadd.s32 v3, v0  }
0x5c: {  	[tilespmem:s23], [sflag:$0x2] =	stream.indirect_vreg.gather [hbm4b:s11+s8], $0x80, v1, vm0, $0xb8;
	[tilespmem:$0x1E800] =	vst v63  }
0x5d: {  	s24 =	simm.s32 $0x7200  }
0x5e: {  	[tilespmem:s24], [sflag:$0x2] =	stream.indirect_vreg.gather [hbm4b:s12+s8], $0x80, v1, vm0, $0xb8;
	[tilespmem:$0x1E800] =	vst v63  }
0x5f: {  	s25 =	simm.s32 $0x7A00  }
0x60: {  	[tilespmem:s25], [sflag:$0x2] =	stream.indirect_vreg.gather [hbm4b:s0+s8], $0x80, v0, vm0, $0xb8;
	[tilespmem:$0x1E800] =	vst v63  }
0x61: {  	s26 =	simm.s32 $0x8200  }
0x62: {  	[tilespmem:s26], [sflag:$0x2] =	stream.indirect_vreg.gather [hbm4b:s11+s8], $0x80, v0, vm0, $0xb8;
	[tilespmem:$0x1E800] =	vst v63  }
0x63: {  	s28 =	simm.s32 $0x8A00  }
0x64: {  	[tilespmem:s28], [sflag:$0x2] =	stream.indirect_vreg.gather [hbm4b:s12+s8], $0x80, v0, vm0, $0xb8;
	[tilespmem:$0x1E800] =	vst v63  }
0x65: {  	v0 =	vld [tilespmem:$0x30];
	_ =	sdelay $0x4  }
0x66: {  	v61 =	vshrl.u32 v0, $0x3  }
0x67: {  	v1 =	vmul.u32 $0x30, v61  }
0x68: {  	v0 =	vand.u32 $0x7, v0  }
0x69: {  	v0 =	vor.u32 v0, v1  }
0x6a: {  	v1 =	vperm.xlane v0, v2;
	_ =	sdelay $0x1  }
0x6b: {  	v1 =	vadd.s32 v3, v1;
	_ =	sdelay $0x3  }
0x6c: {  	s29 =	simm.s32 $0x9200;
	v0 =	vperm.xlane v0, v4  }
0x6d: {  	[tilespmem:s29], [sflag:$0x2] =	stream.indirect_vreg.gather [hbm4b:s0+s8], $0x80, v1, vm0, $0xb8;
	[tilespmem:$0x1E800] =	vst v63  }
0x6e: {  	s30 =	simm.s32 $0x9A00;
	v0 =	vadd.s32 v3, v0  }
0x6f: {  	[tilespmem:s30], [sflag:$0x2] =	stream.indirect_vreg.gather [hbm4b:s11+s8], $0x80, v1, vm0, $0xb8;
	[tilespmem:$0x1E800] =	vst v63  }
0x70: {  	s31 =	simm.s32 $0xA200  }
0x71: {  	[tilespmem:s31], [sflag:$0x2] =	stream.indirect_vreg.gather [hbm4b:s12+s8], $0x80, v1, vm0, $0xb8;
	[tilespmem:$0x1E800] =	vst v63  }
0x72: {  	s3 =	simm.s32 $0xAA00  }
0x73: {  	[tilespmem:s3], [sflag:$0x2] =	stream.indirect_vreg.gather [hbm4b:s0+s8], $0x80, v0, vm0, $0xb8;
	[tilespmem:$0x1E800] =	vst v63  }
0x74: {  	s4 =	simm.s32 $0xB200  }
0x75: {  	[tilespmem:s4], [sflag:$0x2] =	stream.indirect_vreg.gather [hbm4b:s11+s8], $0x80, v0, vm0, $0xb8;
	[tilespmem:$0x1E800] =	vst v63  }
0x76: {  	s5 =	simm.s32 $0xBA00  }
0x77: {  	[tilespmem:s5], [sflag:$0x2] =	stream.indirect_vreg.gather [hbm4b:s12+s8], $0x80, v0, vm0, $0xb8;
	[tilespmem:$0x1E800] =	vst v63  }
0x78: {  	v0 =	vld [tilespmem:$0x100];
	_ =	sdelay $0x4  }
0x79: {  	v62 =	vshrl.u32 v0, $0x3  }
0x7a: {  	v1 =	vmul.u32 $0x30, v62  }
0x7b: {  	v0 =	vand.u32 $0x7, v0  }
0x7c: {  	v0 =	vor.u32 v0, v1  }
0x7d: {  	v1 =	vperm.xlane v0, v2;
	_ =	sdelay $0x1  }
0x7e: {  	v1 =	vadd.s32 v3, v1;
	_ =	sdelay $0x3  }
0x7f: {  	s14 =	simm.s32 $0x12200;
	v0 =	vperm.xlane v0, v4  }
0x80: {  	[tilespmem:s14], [sflag:$0x4] =	stream.indirect_vreg.gather [hbm4b:s2+s8], $0x80, v1, vm0, $0xb8;
	[tilespmem:$0x1E800] =	vst v63  }
0x81: {  	s16 =	simm.s32 $0x12A00;
	v0 =	vadd.s32 v3, v0  }
0x82: {  	[tilespmem:s16], [sflag:$0x4] =	stream.indirect_vreg.gather [hbm4b:s19+s8], $0x80, v1, vm0, $0xb8;
	[tilespmem:$0x1E800] =	vst v63  }
0x83: {  	s21 =	simm.s32 $0x13200  }
0x84: {  	[tilespmem:s21], [sflag:$0x4] =	stream.indirect_vreg.gather [hbm4b:s13+s8], $0x80, v1, vm0, $0xb8;
	[tilespmem:$0x1E800] =	vst v63  }
0x85: {  	s23 =	simm.s32 $0x13A00  }
0x86: {  	[tilespmem:s23], [sflag:$0x4] =	stream.indirect_vreg.gather [hbm4b:s2+s8], $0x80, v0, vm0, $0xb8;
	[tilespmem:$0x1E800] =	vst v63  }
0x87: {  	s24 =	simm.s32 $0x14200  }
0x88: {  	[tilespmem:s24], [sflag:$0x4] =	stream.indirect_vreg.gather [hbm4b:s19+s8], $0x80, v0, vm0, $0xb8;
	[tilespmem:$0x1E800] =	vst v63  }
0x89: {  	s25 =	simm.s32 $0x14A00  }
0x8a: {  	[tilespmem:s25], [sflag:$0x4] =	stream.indirect_vreg.gather [hbm4b:s13+s8], $0x80, v0, vm0, $0xb8;
	[tilespmem:$0x1E800] =	vst v63  }
0x8b: {  	v0 =	vld [tilespmem:$0x110];
	_ =	sdelay $0x4  }
0x8c: {  	v63 =	vshrl.u32 v0, $0x3  }
0x8d: {  	v1 =	vmul.u32 $0x30, v63  }
0x8e: {  	v0 =	vand.u32 $0x7, v0  }
0x8f: {  	v0 =	vor.u32 v0, v1  }
0x90: {  	v1 =	vperm.xlane v0, v2;
	_ =	sdelay $0x1  }
0x91: {  	v1 =	vadd.s32 v3, v1;
	_ =	sdelay $0x3  }
0x92: {  	s26 =	simm.s32 $0x15200;
	v0 =	vperm.xlane v0, v4  }
0x93: {  	[tilespmem:s26], [sflag:$0x4] =	stream.indirect_vreg.gather [hbm4b:s2+s8], $0x80, v1, vm0, $0xb8;
	[tilespmem:$0x1E800] =	vst v63  }
0x94: {  	s28 =	simm.s32 $0x15A00;
	v0 =	vadd.s32 v3, v0  }
0x95: {  	[tilespmem:s28], [sflag:$0x4] =	stream.indirect_vreg.gather [hbm4b:s19+s8], $0x80, v1, vm0, $0xb8;
	[tilespmem:$0x1E800] =	vst v63  }
0x96: {  	s29 =	simm.s32 $0x16200  }
0x97: {  	[tilespmem:s29], [sflag:$0x4] =	stream.indirect_vreg.gather [hbm4b:s13+s8], $0x80, v1, vm0, $0xb8;
	[tilespmem:$0x1E800] =	vst v63  }
0x98: {  	s30 =	simm.s32 $0x16A00  }
0x99: {  	[tilespmem:s30], [sflag:$0x4] =	stream.indirect_vreg.gather [hbm4b:s2+s8], $0x80, v0, vm0, $0xb8;
	[tilespmem:$0x1E800] =	vst v63  }
.Ltmp2:
0x9a: {  	_ = 	snop;
	(pc) =	sbr.rel .LBB2_2-.Ltmp2, $4  }
0x9b: {  	s31 =	simm.s32 $0x17200  }
0x9c: {  	[tilespmem:s31], [sflag:$0x4] =	stream.indirect_vreg.gather [hbm4b:s19+s8], $0x80, v0, vm0, $0xb8;
	[tilespmem:$0x1E800] =	vst v63  }
0x9d: {  	s23 =	simm.s32 $0x0  }
0x9e: {  	[tilespmem:s17], [sflag:$0x4] =	stream.indirect_vreg.gather [hbm4b:s13+s8], $0x80, v0, vm0, $0xb8;
	[tilespmem:$0x1E800] =	vst v63  }
.LBB2_6:
0x9f: {  	p0 =	sne.s32 s23, $0x8  }
.Ltmp3:
0xa0: {  	_ = 	snop;
	(pc) =	sbr.rel @!p0 .LBB2_7-.Ltmp3, $1  }
0xa1: {  	_ =	sdelay $0x3  }
.LBB2_2:
0xa2: {  	s21 =	smov.u32 s23  }
0xa3: {  	s23 =	sadd.s32 $0x1, s23;
	p0 =	seq.s32 s21, $0x7  }
0xa4: {  	s1 =	sshll.u32 @!p0 s23, $0x5  }
0xa5: {  	s1 =	sand.u32 @!p0 $0x3FFFFFE0, s1  }
0xa6: {  	v0 =	vld @!p0 [tilespmem:s1+$0x100];
	_ =	sdelay $0x4  }
0xa7: {  	v1 =	vshrl.u32 @!p0 v0, $0x3  }
0xa8: {  	v1 =	vmul.u32 @!p0 $0x30, v1  }
0xa9: {  	v2 =	vlaneseq.u32 @!p0;
	v0 =	vand.u32 @!p0 $0x7, v0  }
0xaa: {  	v3 =	vshrl.u32 @!p0 v2, $0x3;
	v0 =	vor.u32 @!p0 v0, v1;
	v1 =	vand.u32 @!p0 $0x7, v2  }
0xab: {  	v3 =	vmul.u32 @!p0 $0x8, v3;
	v4 =	vperm.xlane @!p0 v0, v1;
	_ =	sdelay $0x1  }
0xac: {  	s3 =	sand.u32 @!p0 $0x1, s23;
	v4 =	vadd.s32 @!p0 v3, v4  }
0xad: {  	s4 =	smul.u32 @!p0 $0x18000, s3;
	_ =	sdelay $0x1  }
0xae: {  	s4 =	sshrl.u32 @!p0 s4, $0x2;
	v2 =	vor.u32 @!p0 $0x8, v2  }
0xaf: {  	vm1 =	vmmov @!p0 $0xffff;
	s14 =	simm.s32 @!p0 $0x0;
	s3 =	sor.u32 @!p0 $0x4, s3;
	s5 =	sadd.s32 @!p0 $0x12200, s4;
	v0 =	vperm.xlane @!p0 v0, v2  }
0xb0: {  	[tilespmem:s5], [sflag:s3] =	stream.indirect_vreg.gather @!p0 [hbm4b:s2+s14], $0x80, v4, vm1, $0xb8;
	[tilespmem:$0x1E800] =	vst v63  }
0xb1: {  	v0 =	vadd.s32 @!p0 v3, v0;
	s5 =	sadd.s32 @!p0 $0x12A00, s4  }
0xb2: {  	[tilespmem:s5], [sflag:s3] =	stream.indirect_vreg.gather @!p0 [hbm4b:s19+s14], $0x80, v4, vm1, $0xb8;
	[tilespmem:$0x1E800] =	vst v63  }
0xb3: {  	s5 =	sadd.s32 @!p0 $0x13200, s4  }
0xb4: {  	[tilespmem:s5], [sflag:s3] =	stream.indirect_vreg.gather @!p0 [hbm4b:s13+s14], $0x80, v4, vm1, $0xb8;
	[tilespmem:$0x1E800] =	vst v63  }
0xb5: {  	s5 =	sadd.s32 @!p0 $0x13A00, s4  }
0xb6: {  	[tilespmem:s5], [sflag:s3] =	stream.indirect_vreg.gather @!p0 [hbm4b:s2+s14], $0x80, v0, vm1, $0xb8;
	[tilespmem:$0x1E800] =	vst v63  }
0xb7: {  	s5 =	sadd.s32 @!p0 $0x14200, s4  }
0xb8: {  	[tilespmem:s5], [sflag:s3] =	stream.indirect_vreg.gather @!p0 [hbm4b:s19+s14], $0x80, v0, vm1, $0xb8;
	[tilespmem:$0x1E800] =	vst v63  }
0xb9: {  	s5 =	sadd.s32 @!p0 $0x14A00, s4  }
0xba: {  	[tilespmem:s5], [sflag:s3] =	stream.indirect_vreg.gather @!p0 [hbm4b:s13+s14], $0x80, v0, vm1, $0xb8;
	[tilespmem:$0x1E800] =	vst v63  }
0xbb: {  	v0 =	vld @!p0 [tilespmem:s1+$0x110];
	_ =	sdelay $0x4  }
0xbc: {  	v4 =	vshrl.u32 @!p0 v0, $0x3  }
0xbd: {  	v4 =	vmul.u32 @!p0 $0x30, v4  }
0xbe: {  	v0 =	vand.u32 @!p0 $0x7, v0  }
0xbf: {  	v0 =	vor.u32 @!p0 v0, v4  }
0xc0: {  	v1 =	vperm.xlane @!p0 v0, v1;
	_ =	sdelay $0x1  }
0xc1: {  	v1 =	vadd.s32 @!p0 v3, v1;
	_ =	sdelay $0x3  }
0xc2: {  	s1 =	sadd.s32 @!p0 $0x15200, s4;
	v0 =	vperm.xlane @!p0 v0, v2  }
0xc3: {  	[tilespmem:s1], [sflag:s3] =	stream.indirect_vreg.gather @!p0 [hbm4b:s2+s14], $0x80, v1, vm1, $0xb8;
	[tilespmem:$0x1E800] =	vst v63  }
0xc4: {  	v0 =	vadd.s32 @!p0 v3, v0;
	s1 =	sadd.s32 @!p0 $0x15A00, s4  }
0xc5: {  	[tilespmem:s1], [sflag:s3] =	stream.indirect_vreg.gather @!p0 [hbm4b:s19+s14], $0x80, v1, vm1, $0xb8;
	[tilespmem:$0x1E800] =	vst v63  }
0xc6: {  	s1 =	sadd.s32 @!p0 $0x16200, s4  }
0xc7: {  	[tilespmem:s1], [sflag:s3] =	stream.indirect_vreg.gather @!p0 [hbm4b:s13+s14], $0x80, v1, vm1, $0xb8;
	[tilespmem:$0x1E800] =	vst v63  }
0xc8: {  	s26 =	smul.u32 $0xAB, s21;
	s1 =	sadd.s32 @!p0 $0x16A00, s4  }
0xc9: {  	[tilespmem:s1], [sflag:s3] =	stream.indirect_vreg.gather @!p0 [hbm4b:s2+s14], $0x80, v0, vm1, $0xb8;
	[tilespmem:$0x1E800] =	vst v63  }
0xca: {  	s5 =	sshrl.u32 s26, $0x9;
	s1 =	sadd.s32 @!p0 $0x17200, s4  }
0xcb: {  	[tilespmem:s1], [sflag:s3] =	stream.indirect_vreg.gather @!p0 [hbm4b:s19+s14], $0x80, v0, vm1, $0xb8;
	[tilespmem:$0x1E800] =	vst v63  }
0xcc: {  	s1 =	sand.u32 $0x7F, s5  }
0xcd: {  	s4 =	sadd.s32 @!p0 $0x17A00, s4;
	s1 =	smul.u32 $0x3, s1  }
0xce: {  	[tilespmem:s4], [sflag:s3] =	stream.indirect_vreg.gather @!p0 [hbm4b:s13+s14], $0x80, v0, vm1, $0xb8;
	[tilespmem:$0x1E800] =	vst v63  }
0xcf: {  	s26 =	simm.s32 $0x0;
	s1 =	ssub.s32 s21, s1  }
0xd0: {  	s16 =	sand.u32 $0x1, s21;
	s5 =	smul.u32 $0x1800, s26;
	s24 =	sand.u32 $0xFF, s1  }
0xd1: {  	s3 =	smul.u32 $0x18000, s16;
	s1 =	sadd.s32 $0x1, s24  }
0xd2: {  	s25 =	smul.u32 $0x18000, s24;
	_ =	swait.ge [sflag:s1], $0x6000  }
0xd3: {  	s14 =	simm.s32 $0x0;
	s3 =	sshrl.u32 s3, $0x2;
	[sflag:s1] =	ssyncset.done $0x0  }
0xd4: {  	s4 =	sshrl.u32 s25, $0x2;
	[sflag:s1] =	ssyncadd.s32 $0xFFFFA000;
	s1 =	sor.u32 $0x4, s16  }
0xd5: {  	s31 =	sadd.s32 $0x12200, s3;
	s25 =	sor.u32 $0x200, s4;
	_ =	swait.ge [sflag:s1], $0x6000  }
0xd6: {  	s16 =	sand.u32 $0x380, s14;
	s26 =	sadd.s32 s5, s25;
	[sflag:s1] =	ssyncset.done $0x0  }
0xd7: {  	s5 =	sadd.s32 s5, s31;
	s30 =	sadd.s32 s16, s26;
	[sflag:s1] =	ssyncadd.s32 $0xFFFFA000  }
0xd8: {  	s3 =	sadd.s32 s16, s5;
	v0 =	vld [tilespmem:s30+$0x0]  }
0xd9: {  	v1 =	vld [tilespmem:s3+$0x0];
	_ =	sdelay $0x4  }
0xda: {  	v18 =	vadd.f32 v1, v0;
	_ =	sdelay $0x1  }
0xdb: {  	v0 =	vld [tilespmem:s30+$0x10];
	[tilespmem:s30+$0x0] =	vst v18  }
0xdc: {  	v1 =	vld [tilespmem:s3+$0x10];
	_ =	sdelay $0x4  }
0xdd: {  	v41 =	vadd.f32 v1, v0;
	_ =	sdelay $0x1  }
0xde: {  	v0 =	vld [tilespmem:s30+$0x20];
	[tilespmem:s30+$0x10] =	vst v41  }
0xdf: {  	v1 =	vld [tilespmem:s3+$0x20];
	_ =	sdelay $0x4  }
0xe0: {  	v40 =	vadd.f32 v1, v0;
	_ =	sdelay $0x1  }
0xe1: {  	v0 =	vld [tilespmem:s30+$0x30];
	[tilespmem:s30+$0x20] =	vst v40  }
0xe2: {  	v1 =	vld [tilespmem:s3+$0x30];
	_ =	sdelay $0x4  }
0xe3: {  	v19 =	vadd.f32 v1, v0;
	_ =	sdelay $0x1  }
0xe4: {  	v0 =	vld [tilespmem:s30+$0x40];
	[tilespmem:s30+$0x30] =	vst v19  }
0xe5: {  	v1 =	vld [tilespmem:s3+$0x40];
	_ =	sdelay $0x4  }
0xe6: {  	v37 =	vadd.f32 v1, v0;
	_ =	sdelay $0x1  }
0xe7: {  	v0 =	vld [tilespmem:s30+$0x50];
	[tilespmem:s30+$0x40] =	vst v37  }
0xe8: {  	v1 =	vld [tilespmem:s3+$0x50];
	_ =	sdelay $0x4  }
0xe9: {  	v39 =	vadd.f32 v1, v0;
	_ =	sdelay $0x1  }
0xea: {  	v0 =	vld [tilespmem:s30+$0x60];
	[tilespmem:s30+$0x50] =	vst v39  }
0xeb: {  	v1 =	vld [tilespmem:s3+$0x60];
	_ =	sdelay $0x4  }
0xec: {  	v35 =	vadd.f32 v1, v0;
	_ =	sdelay $0x1  }
0xed: {  	v0 =	vld [tilespmem:s30+$0x70];
	[tilespmem:s30+$0x60] =	vst v35  }
0xee: {  	v1 =	vld [tilespmem:s3+$0x70];
	_ =	sdelay $0x4  }
0xef: {  	v23 =	vadd.f32 v1, v0;
	_ =	sdelay $0x1  }
0xf0: {  	v0 =	vld [tilespmem:s30+$0x400];
	[tilespmem:s30+$0x70] =	vst v23  }
0xf1: {  	v1 =	vld [tilespmem:s3+$0x400];
	_ =	sdelay $0x4  }
0xf2: {  	v32 =	vadd.f32 v1, v0;
	_ =	sdelay $0x1  }
0xf3: {  	v0 =	vld [tilespmem:s30+$0x410];
	[tilespmem:s30+$0x400] =	vst v32  }
0xf4: {  	v1 =	vld [tilespmem:s3+$0x410];
	_ =	sdelay $0x4  }
0xf5: {  	v33 =	vadd.f32 v1, v0;
	_ =	sdelay $0x1  }
0xf6: {  	v0 =	vld [tilespmem:s30+$0x420];
	[tilespmem:s30+$0x410] =	vst v33  }
0xf7: {  	v1 =	vld [tilespmem:s3+$0x420];
	_ =	sdelay $0x4  }
0xf8: {  	v30 =	vadd.f32 v1, v0;
	_ =	sdelay $0x1  }
0xf9: {  	v0 =	vld [tilespmem:s30+$0x430];
	[tilespmem:s30+$0x420] =	vst v30  }
0xfa: {  	v1 =	vld [tilespmem:s3+$0x430];
	_ =	sdelay $0x4  }
0xfb: {  	v26 =	vadd.f32 v1, v0;
	_ =	sdelay $0x1  }
0xfc: {  	v0 =	vld [tilespmem:s30+$0x440];
	[tilespmem:s30+$0x430] =	vst v26  }
0xfd: {  	v1 =	vld [tilespmem:s3+$0x440];
	_ =	sdelay $0x4  }
0xfe: {  	v28 =	vadd.f32 v1, v0;
	_ =	sdelay $0x1  }
0xff: {  	v0 =	vld [tilespmem:s30+$0x450];
	[tilespmem:s30+$0x440] =	vst v28  }
0x100: {  	v1 =	vld [tilespmem:s3+$0x450];
	_ =	sdelay $0x4  }
0x101: {  	v29 =	vadd.f32 v1, v0;
	_ =	sdelay $0x1  }
0x102: {  	v0 =	vld [tilespmem:s30+$0x460];
	[tilespmem:s30+$0x450] =	vst v29  }
0x103: {  	v1 =	vld [tilespmem:s3+$0x460];
	_ =	sdelay $0x4  }
0x104: {  	v27 =	vadd.f32 v1, v0;
	_ =	sdelay $0x1  }
0x105: {  	v0 =	vld [tilespmem:s30+$0x470];
	[tilespmem:s30+$0x460] =	vst v27  }
0x106: {  	v1 =	vld [tilespmem:s3+$0x470];
	_ =	sdelay $0x4  }
0x107: {  	v21 =	vadd.f32 v1, v0;
	_ =	sdelay $0x1  }
0x108: {  	v0 =	vld [tilespmem:s30+$0x800];
	[tilespmem:s30+$0x470] =	vst v21  }
0x109: {  	v1 =	vld [tilespmem:s3+$0x800];
	_ =	sdelay $0x4  }
0x10a: {  	v22 =	vadd.f32 v1, v0;
	_ =	sdelay $0x1  }
0x10b: {  	v0 =	vld [tilespmem:s30+$0x810];
	[tilespmem:s30+$0x800] =	vst v22  }
0x10c: {  	v1 =	vld [tilespmem:s3+$0x810];
	_ =	sdelay $0x4  }
0x10d: {  	v25 =	vadd.f32 v1, v0;
	_ =	sdelay $0x1  }
0x10e: {  	v0 =	vld [tilespmem:s30+$0x820];
	[tilespmem:s30+$0x810] =	vst v25  }
0x10f: {  	v1 =	vld [tilespmem:s3+$0x820];
	_ =	sdelay $0x4  }
0x110: {  	v15 =	vadd.f32 v1, v0;
	_ =	sdelay $0x1  }
0x111: {  	v0 =	vld [tilespmem:s30+$0x830];
	[tilespmem:s30+$0x820] =	vst v15  }
0x112: {  	v1 =	vld [tilespmem:s3+$0x830];
	_ =	sdelay $0x4  }
0x113: {  	v11 =	vadd.f32 v1, v0;
	_ =	sdelay $0x1  }
0x114: {  	v0 =	vld [tilespmem:s30+$0x840];
	[tilespmem:s30+$0x830] =	vst v11  }
0x115: {  	v1 =	vld [tilespmem:s3+$0x840];
	_ =	sdelay $0x4  }
0x116: {  	v12 =	vadd.f32 v1, v0;
	_ =	sdelay $0x1  }
0x117: {  	v0 =	vld [tilespmem:s30+$0x850];
	[tilespmem:s30+$0x840] =	vst v12  }
0x118: {  	v1 =	vld [tilespmem:s3+$0x850];
	_ =	sdelay $0x4  }
0x119: {  	v13 =	vadd.f32 v1, v0;
	_ =	sdelay $0x1  }
0x11a: {  	v0 =	vld [tilespmem:s30+$0x860];
	[tilespmem:s30+$0x850] =	vst v13  }
0x11b: {  	v1 =	vld [tilespmem:s3+$0x860];
	_ =	sdelay $0x4  }
0x11c: {  	v10 =	vadd.f32 v1, v0;
	_ =	sdelay $0x1  }
0x11d: {  	v0 =	vld [tilespmem:s30+$0x870];
	[tilespmem:s30+$0x860] =	vst v10  }
0x11e: {  	v1 =	vld [tilespmem:s3+$0x870];
	_ =	sdelay $0x4  }
0x11f: {  	v5 =	vadd.f32 v1, v0;
	_ =	sdelay $0x1  }
0x120: {  	v0 =	vld [tilespmem:s30+$0xC00];
	[tilespmem:s30+$0x870] =	vst v5  }
0x121: {  	v1 =	vld [tilespmem:s3+$0xC00];
	_ =	sdelay $0x4  }
0x122: {  	v6 =	vadd.f32 v1, v0;
	_ =	sdelay $0x1  }
0x123: {  	v0 =	vld [tilespmem:s30+$0xC10];
	[tilespmem:s30+$0xC00] =	vst v6  }
0x124: {  	v1 =	vld [tilespmem:s3+$0xC10];
	_ =	sdelay $0x4  }
0x125: {  	v9 =	vadd.f32 v1, v0;
	_ =	sdelay $0x1  }
0x126: {  	v0 =	vld [tilespmem:s30+$0xC20];
	[tilespmem:s30+$0xC10] =	vst v9  }
0x127: {  	v1 =	vld [tilespmem:s3+$0xC20];
	_ =	sdelay $0x4  }
0x128: {  	v4 =	vadd.f32 v1, v0;
	_ =	sdelay $0x1  }
0x129: {  	v0 =	vld [tilespmem:s30+$0xC30];
	[tilespmem:s30+$0xC20] =	vst v4  }
0x12a: {  	v1 =	vld [tilespmem:s3+$0xC30];
	_ =	sdelay $0x4  }
0x12b: {  	v2 =	vadd.f32 v1, v0;
	_ =	sdelay $0x1  }
0x12c: {  	v0 =	vld [tilespmem:s30+$0xC40];
	[tilespmem:s30+$0xC30] =	vst v2  }
0x12d: {  	v1 =	vld [tilespmem:s3+$0xC40];
	_ =	sdelay $0x4  }
0x12e: {  	v3 =	vadd.f32 v1, v0;
	_ =	sdelay $0x1  }
0x12f: {  	s14 =	simm.s32 $0x0;
	v0 =	vld [tilespmem:s30+$0xC50];
	[tilespmem:s30+$0xC40] =	vst v3  }
0x130: {  	s1 =	smul.u32 $0x1800, s14;
	v1 =	vld [tilespmem:s3+$0xC50]  }
0x131: {  	s16 =	simm.s32 $0x80  }
0x132: {  	s4 =	sand.u32 $0x380, s16;
	s26 =	sadd.s32 s1, s25  }
0x133: {  	s1 =	sadd.s32 s1, s31;
	s26 =	sadd.s32 s4, s26  }
0x134: {  	s1 =	sadd.s32 s4, s1;
	v7 =	vld [tilespmem:s26+$0x0]  }
0x135: {  	v14 =	vadd.f32 v1, v0;
	v0 =	vld [tilespmem:s1+$0x0];
	_ =	sdelay $0x1  }
0x136: {  	v1 =	vld [tilespmem:s30+$0xC60];
	[tilespmem:s30+$0xC50] =	vst v14  }
0x137: {  	v8 =	vld [tilespmem:s3+$0xC60];
	_ =	sdelay $0x1  }
0x138: {  	v0 =	vadd.f32 v0, v7;
	_ =	sdelay $0x1  }
0x139: {  	v7 =	vld [tilespmem:s26+$0x10];
	[tilespmem:s26+$0x0] =	vst v0  }
0x13a: {  	v20 =	vadd.f32 v8, v1;
	v1 =	vld [tilespmem:s1+$0x10];
	_ =	sdelay $0x1  }
0x13b: {  	v8 =	vld [tilespmem:s30+$0xC70];
	[tilespmem:s30+$0xC60] =	vst v20  }
0x13c: {  	v16 =	vld [tilespmem:s3+$0xC70];
	_ =	sdelay $0x1  }
0x13d: {  	v1 =	vadd.f32 v1, v7;
	_ =	sdelay $0x1  }
0x13e: {  	v7 =	vld [tilespmem:s26+$0x20];
	[tilespmem:s26+$0x10] =	vst v1  }
0x13f: {  	v24 =	vadd.f32 v16, v8;
	v16 =	vld [tilespmem:s1+$0x20];
	_ =	sdelay $0x1  }
0x140: {  	v8 =	vld [tilespmem:s30+$0x1000];
	[tilespmem:s30+$0xC70] =	vst v24  }
0x141: {  	v17 =	vld [tilespmem:s3+$0x1000];
	_ =	sdelay $0x1  }
0x142: {  	v7 =	vadd.f32 v16, v7;
	_ =	sdelay $0x1  }
0x143: {  	v16 =	vld [tilespmem:s26+$0x30];
	[tilespmem:s26+$0x20] =	vst v7  }
0x144: {  	v31 =	vadd.f32 v17, v8;
	v8 =	vld [tilespmem:s1+$0x30];
	_ =	sdelay $0x1  }
0x145: {  	v17 =	vld [tilespmem:s30+$0x1010];
	[tilespmem:s30+$0x1000] =	vst v31  }
0x146: {  	v34 =	vld [tilespmem:s3+$0x1010];
	_ =	sdelay $0x1  }
0x147: {  	v8 =	vadd.f32 v8, v16;
	_ =	sdelay $0x1  }
0x148: {  	v16 =	vld [tilespmem:s26+$0x40];
	[tilespmem:s26+$0x30] =	vst v8  }
0x149: {  	v34 =	vadd.f32 v34, v17;
	v36 =	vld [tilespmem:s1+$0x40];
	_ =	sdelay $0x1  }
0x14a: {  	v17 =	vld [tilespmem:s30+$0x1020];
	[tilespmem:s30+$0x1010] =	vst v34  }
0x14b: {  	v38 =	vld [tilespmem:s3+$0x1020];
	_ =	sdelay $0x1  }
0x14c: {  	v16 =	vadd.f32 v36, v16;
	_ =	sdelay $0x1  }
0x14d: {  	v42 =	vld [tilespmem:s26+$0x50];
	[tilespmem:s26+$0x40] =	vst v16  }
0x14e: {  	v36 =	vadd.f32 v38, v17;
	v17 =	vld [tilespmem:s1+$0x50];
	_ =	sdelay $0x1  }
0x14f: {  	v55 =	vld [tilespmem:s30+$0x1030];
	[tilespmem:s30+$0x1020] =	vst v36  }
0x150: {  	v43 =	vld [tilespmem:s3+$0x1030];
	_ =	sdelay $0x1  }
0x151: {  	v17 =	vadd.f32 v17, v42;
	_ =	sdelay $0x1  }
0x152: {  	v56 =	vld [tilespmem:s26+$0x60];
	[tilespmem:s26+$0x50] =	vst v17  }
0x153: {  	v38 =	vadd.f32 v43, v55;
	v44 =	vld [tilespmem:s1+$0x60];
	_ =	sdelay $0x1  }
0x154: {  	v57 =	vld [tilespmem:s30+$0x1040];
	[tilespmem:s30+$0x1030] =	vst v38  }
0x155: {  	v46 =	vadd.f32 $0.0e+00, v18;
	v45 =	vld [tilespmem:s3+$0x1040]  }
0x156: {  	v47 =	vmul.f32 v18, v18;
	v48 =	vmul.f32 v41, v41  }
0x157: {  	v46 =	vadd.f32 v41, v46;
	v18 =	vadd.f32 v44, v56  }
0x158: {  	v58 =	vadd.f32 v48, v47;
	v59 =	vmul.f32 v40, v40  }
0x159: {  	v40 =	vadd.f32 v40, v46;
	v60 =	vld [tilespmem:s26+$0x70];
	[tilespmem:s26+$0x60] =	vst v18  }
0x15a: {  	v62 =	vmul.f32 v19, v19;
	v42 =	vadd.f32 v59, v58;
	v41 =	vadd.f32 v45, v57;
	v63 =	vld [tilespmem:s1+$0x70]  }
0x15b: {  	v19 =	vadd.f32 v19, v40  }
0x15c: {  	v53 =	vmul.f32 v37, v37;
	v61 =	vld [tilespmem:s30+$0x1050];
	v42 =	vadd.f32 v62, v42;
	[tilespmem:s30+$0x1040] =	vst v41  }
0x15d: {  	v19 =	vadd.f32 v37, v19;
	v48 =	vld [tilespmem:s3+$0x1050]  }
0x15e: {  	v55 =	vmul.f32 v39, v39;
	v54 =	vadd.f32 v53, v42  }
0x15f: {  	v39 =	vadd.f32 v39, v19;
	v19 =	vadd.f32 v63, v60  }
0x160: {  	v42 =	vadd.f32 v55, v54;
	v56 =	vmul.f32 v35, v35  }
0x161: {  	v35 =	vadd.f32 v35, v39;
	v57 =	vld [tilespmem:s26+$0x400];
	[tilespmem:s26+$0x70] =	vst v19  }
0x162: {  	v59 =	vadd.f32 v56, v42;
	v60 =	vmul.f32 v23, v23;
	v37 =	vadd.f32 v48, v61;
	v61 =	vld [tilespmem:s1+$0x400]  }
0x163: {  	v23 =	vadd.f32 v23, v35  }
0x164: {  	v58 =	vld [tilespmem:s30+$0x1060];
	v63 =	vmul.f32 v32, v32;
	v40 =	vadd.f32 v60, v59;
	[tilespmem:s30+$0x1050] =	vst v37  }
0x165: {  	v23 =	vadd.f32 v32, v23;
	v62 =	vld [tilespmem:s3+$0x1060]  }
0x166: {  	v47 =	vmul.f32 v33, v33;
	v46 =	vadd.f32 v63, v40  }
0x167: {  	v48 =	vadd.f32 v33, v23;
	v23 =	vadd.f32 v61, v57  }
0x168: {  	v53 =	vmul.f32 v30, v30;
	v32 =	vadd.f32 v47, v46  }
0x169: {  	v54 =	vld [tilespmem:s26+$0x410];
	v30 =	vadd.f32 v30, v48;
	[tilespmem:s26+$0x400] =	vst v23  }
0x16a: {  	v32 =	vadd.f32 v53, v32;
	v57 =	vmul.f32 v26, v26;
	v55 =	vadd.f32 v62, v58;
	v58 =	vld [tilespmem:s1+$0x410]  }
0x16b: {  	v26 =	vadd.f32 v26, v30  }
0x16c: {  	v56 =	vld [tilespmem:s30+$0x1070];
	v59 =	vmul.f32 v28, v28;
	v32 =	vadd.f32 v57, v32;
	[tilespmem:s30+$0x1060] =	vst v55  }
0x16d: {  	v26 =	vadd.f32 v28, v26;
	v30 =	vld [tilespmem:s3+$0x1070]  }
0x16e: {  	v28 =	vadd.f32 v59, v32  }
0x16f: {  	v60 =	vmul.f32 v29, v29;
	v29 =	vadd.f32 v29, v26;
	v26 =	vadd.f32 v58, v54;
	_ =	sdelay $0x1  }
0x170: {  	v61 =	vmul.f32 v27, v27;
	v62 =	vld [tilespmem:s26+$0x420];
	v28 =	vadd.f32 v60, v28;
	[tilespmem:s26+$0x410] =	vst v26  }
0x171: {  	v27 =	vadd.f32 v27, v29;
	v35 =	vadd.f32 v30, v56;
	v63 =	vld [tilespmem:s1+$0x420]  }
0x172: {  	v28 =	vadd.f32 v61, v28;
	v30 =	vmul.f32 v21, v21  }
0x173: {  	v29 =	vld [tilespmem:s30+$0x1400];
	v21 =	vadd.f32 v21, v27;
	[tilespmem:s30+$0x1070] =	vst v35  }
0x174: {  	v27 =	vadd.f32 v30, v28;
	v28 =	vmul.f32 v22, v22;
	v44 =	vld [tilespmem:s3+$0x1400]  }
0x175: {  	v21 =	vadd.f32 v22, v21  }
0x176: {  	v22 =	vadd.f32 v28, v27;
	v28 =	vmul.f32 v25, v25;
	v27 =	vadd.f32 v63, v62  }
0x177: {  	v21 =	vadd.f32 v25, v21  }
0x178: {  	v25 =	vmul.f32 v15, v15;
	v22 =	vadd.f32 v28, v22;
	v28 =	vld [tilespmem:s26+$0x430];
	[tilespmem:s26+$0x420] =	vst v27  }
0x179: {  	v15 =	vadd.f32 v15, v21;
	v45 =	vadd.f32 v44, v29;
	v29 =	vld [tilespmem:s1+$0x430]  }
0x17a: {  	v22 =	vadd.f32 v25, v22;
	v25 =	vmul.f32 v11, v11  }
0x17b: {  	v21 =	vld [tilespmem:s30+$0x1410];
	v11 =	vadd.f32 v11, v15;
	[tilespmem:s30+$0x1400] =	vst v45  }
0x17c: {  	v22 =	vadd.f32 v25, v22;
	v25 =	vmul.f32 v12, v12;
	v15 =	vld [tilespmem:s3+$0x1410]  }
0x17d: {  	v11 =	vadd.f32 v12, v11  }
0x17e: {  	v12 =	vadd.f32 v25, v22;
	v22 =	vmul.f32 v13, v13;
	v28 =	vadd.f32 v29, v28  }
0x17f: {  	v11 =	vadd.f32 v13, v11  }
0x180: {  	v13 =	vmul.f32 v10, v10;
	v12 =	vadd.f32 v22, v12;
	v22 =	vld [tilespmem:s26+$0x440];
	[tilespmem:s26+$0x430] =	vst v28  }
0x181: {  	v10 =	vadd.f32 v10, v11;
	v15 =	vadd.f32 v15, v21;
	v21 =	vld [tilespmem:s1+$0x440]  }
0x182: {  	v12 =	vadd.f32 v13, v12;
	v13 =	vmul.f32 v5, v5  }
0x183: {  	v11 =	vld [tilespmem:s30+$0x1420];
	v5 =	vadd.f32 v5, v10;
	[tilespmem:s30+$0x1410] =	vst v15  }
0x184: {  	v12 =	vadd.f32 v13, v12;
	v13 =	vmul.f32 v6, v6;
	v10 =	vld [tilespmem:s3+$0x1420]  }
0x185: {  	v5 =	vadd.f32 v6, v5  }
0x186: {  	v6 =	vadd.f32 v13, v12;
	v12 =	vmul.f32 v9, v9;
	v29 =	vadd.f32 v21, v22  }
0x187: {  	v5 =	vadd.f32 v9, v5  }
0x188: {  	v9 =	vmul.f32 v4, v4;
	v6 =	vadd.f32 v12, v6;
	v12 =	vld [tilespmem:s26+$0x450];
	[tilespmem:s26+$0x440] =	vst v29  }
0x189: {  	v4 =	vadd.f32 v4, v5;
	v10 =	vadd.f32 v10, v11;
	v11 =	vld [tilespmem:s1+$0x450]  }
0x18a: {  	v6 =	vadd.f32 v9, v6;
	v9 =	vmul.f32 v2, v2  }
0x18b: {  	v5 =	vld [tilespmem:s30+$0x1430];
	v2 =	vadd.f32 v2, v4;
	[tilespmem:s30+$0x1420] =	vst v10  }
0x18c: {  	v6 =	vadd.f32 v9, v6;
	v9 =	vmul.f32 v3, v3;
	v4 =	vld [tilespmem:s3+$0x1430]  }
0x18d: {  	v2 =	vadd.f32 v3, v2  }
0x18e: {  	v3 =	vadd.f32 v9, v6;
	v6 =	vmul.f32 v14, v14;
	v30 =	vadd.f32 v11, v12  }
0x18f: {  	v2 =	vadd.f32 v14, v2  }
0x190: {  	v9 =	vld [tilespmem:s26+$0x460];
	v3 =	vadd.f32 v6, v3;
	v6 =	vmul.f32 v20, v20;
	[tilespmem:s26+$0x450] =	vst v30  }
0x191: {  	v2 =	vadd.f32 v20, v2;
	v4 =	vadd.f32 v4, v5;
	v11 =	vld [tilespmem:s1+$0x460]  }
0x192: {  	v3 =	vadd.f32 v6, v3;
	v6 =	vmul.f32 v24, v24  }
0x193: {  	v5 =	vld [tilespmem:s30+$0x1440];
	v2 =	vadd.f32 v24, v2;
	[tilespmem:s30+$0x1430] =	vst v4  }
0x194: {  	v3 =	vadd.f32 v6, v3;
	v6 =	vmul.f32 v31, v31;
	v12 =	vld [tilespmem:s3+$0x1440]  }
0x195: {  	v2 =	vadd.f32 v31, v2  }
0x196: {  	v3 =	vadd.f32 v6, v3;
	v6 =	vmul.f32 v34, v34;
	v31 =	vadd.f32 v11, v9  }
0x197: {  	v2 =	vadd.f32 v34, v2  }
0x198: {  	v9 =	vld [tilespmem:s26+$0x470];
	v3 =	vadd.f32 v6, v3;
	v6 =	vmul.f32 v36, v36;
	[tilespmem:s26+$0x460] =	vst v31  }
0x199: {  	v2 =	vadd.f32 v36, v2;
	v5 =	vadd.f32 v12, v5;
	v12 =	vld [tilespmem:s1+$0x470]  }
0x19a: {  	v3 =	vadd.f32 v6, v3;
	v6 =	vmul.f32 v38, v38  }
0x19b: {  	v11 =	vld [tilespmem:s30+$0x1450];
	v2 =	vadd.f32 v38, v2;
	[tilespmem:s30+$0x1440] =	vst v5  }
0x19c: {  	v3 =	vadd.f32 v6, v3;
	v6 =	vmul.f32 v41, v41;
	v13 =	vld [tilespmem:s3+$0x1450]  }
0x19d: {  	v2 =	vadd.f32 v41, v2  }
0x19e: {  	v3 =	vadd.f32 v6, v3;
	v6 =	vmul.f32 v37, v37;
	v32 =	vadd.f32 v12, v9  }
0x19f: {  	v2 =	vadd.f32 v37, v2  }
0x1a0: {  	v9 =	vld [tilespmem:s26+$0x800];
	v3 =	vadd.f32 v6, v3;
	v6 =	vmul.f32 v55, v55;
	[tilespmem:s26+$0x470] =	vst v32  }
0x1a1: {  	v2 =	vadd.f32 v55, v2;
	v11 =	vadd.f32 v13, v11;
	v13 =	vld [tilespmem:s1+$0x800]  }
0x1a2: {  	v3 =	vadd.f32 v6, v3;
	v6 =	vmul.f32 v35, v35  }
0x1a3: {  	v12 =	vld [tilespmem:s30+$0x1460];
	v2 =	vadd.f32 v35, v2;
	[tilespmem:s30+$0x1450] =	vst v11  }
0x1a4: {  	v3 =	vadd.f32 v6, v3;
	v6 =	vmul.f32 v45, v45;
	v14 =	vld [tilespmem:s3+$0x1460]  }
0x1a5: {  	v2 =	vadd.f32 v45, v2  }
0x1a6: {  	v3 =	vadd.f32 v6, v3;
	v6 =	vmul.f32 v15, v15;
	v33 =	vadd.f32 v13, v9  }
0x1a7: {  	v2 =	vadd.f32 v15, v2  }
0x1a8: {  	v9 =	vld [tilespmem:s26+$0x810];
	v3 =	vadd.f32 v6, v3;
	v6 =	vmul.f32 v10, v10;
	[tilespmem:s26+$0x800] =	vst v33  }
0x1a9: {  	v2 =	vadd.f32 v10, v2;
	v12 =	vadd.f32 v14, v12;
	v13 =	vld [tilespmem:s1+$0x810]  }
0x1aa: {  	v3 =	vadd.f32 v6, v3;
	v6 =	vmul.f32 v4, v4  }
0x1ab: {  	v10 =	vld [tilespmem:s30+$0x1470];
	v2 =	vadd.f32 v4, v2;
	[tilespmem:s30+$0x1460] =	vst v12  }
0x1ac: {  	v3 =	vadd.f32 v6, v3;
	v6 =	vmul.f32 v5, v5;
	v4 =	vld [tilespmem:s3+$0x1470]  }
0x1ad: {  	v2 =	vadd.f32 v5, v2  }
0x1ae: {  	v5 =	vmul.f32 v11, v11;
	v3 =	vadd.f32 v6, v3;
	v6 =	vadd.f32 v13, v9  }
0x1af: {  	v2 =	vadd.f32 v11, v2  }
0x1b0: {  	v3 =	vadd.f32 v5, v3;
	v5 =	vld [tilespmem:s26+$0x820];
	[tilespmem:s26+$0x810] =	vst v6  }
0x1b1: {  	v9 =	vmul.f32 v12, v12;
	v2 =	vadd.f32 v12, v2;
	v4 =	vadd.f32 v4, v10;
	v10 =	vld [tilespmem:s1+$0x820];
	_ =	sdelay $0x1  }
0x1b2: {  	v3 =	vadd.f32 v9, v3;
	v2 =	vadd.f32 v4, v2;
	v9 =	vmul.f32 v4, v4;
	_ =	sdelay $0x1  }
0x1b3: {  	v3 =	vadd.f32 v9, v3;
	v9 =	vperm.xlane v2, v50  }
0x1b4: {  	v11 =	vadd.f32 v10, v5  }
0x1b5: {  	v2 =	vadd.f32 v9, v2;
	v9 =	vperm.xlane v3, v50  }
0x1b6: {  	v5 =	vld [tilespmem:s26+$0x830];
	[tilespmem:s26+$0x820] =	vst v11  }
0x1b7: {  	v10 =	vperm.xlane v2, v51;
	v3 =	vadd.f32 v9, v3;
	v9 =	vld [tilespmem:s1+$0x830];
	_ =	sdelay $0x1  }
0x1b8: {  	v2 =	vadd.f32 v10, v2;
	v10 =	vperm.xlane v3, v51;
	_ =	sdelay $0x1  }
0x1b9: {  	v12 =	vperm.xlane v2, v49;
	v3 =	vadd.f32 v10, v3  }
0x1ba: {  	v34 =	vadd.f32 v9, v5  }
0x1bb: {  	v2 =	vadd.f32 v12, v2;
	v10 =	vperm.xlane v3, v49  }
0x1bc: {  	v5 =	vld [tilespmem:s26+$0x840];
	[tilespmem:s26+$0x830] =	vst v34  }
0x1bd: {  	v9 =	vperm.xlane v2, v52;
	v3 =	vadd.f32 v10, v3;
	v10 =	vld [tilespmem:s1+$0x840];
	_ =	sdelay $0x1  }
0x1be: {  	v2 =	vadd.f32 v9, v2;
	v12 =	vperm.xlane v3, v52;
	_ =	sdelay $0x1  }
0x1bf: {  	v9 =	vmul.f32 $1.302083370e-03, v2;
	v2 =	vadd.f32 v12, v3  }
0x1c0: {  	v35 =	vadd.f32 v10, v5  }
0x1c1: {  	v2 =	vmul.f32 $1.302083370e-03, v2;
	v3 =	vmul.f32 v9, v9  }
0x1c2: {  	v5 =	vld [tilespmem:s26+$0x850];
	[tilespmem:s26+$0x840] =	vst v35  }
0x1c3: {  	v2 =	vsub.f32 v2, v3;
	v3 =	vld [tilespmem:s1+$0x850];
	_ =	sdelay $0x1  }
0x1c4: {  	v2 =	vadd.f32 $9.999999960e-13, v2;
	_ =	sdelay $0x1  }
0x1c5: {  	v10 =	vshra.s32 v2, $0x1;
	v2 =	vmul.f32 $5.000000000e-01, v2  }
0x1c6: {  	v10 =	vsub.s32 $0x5F3759DF, v10;
	v36 =	vadd.f32 v3, v5  }
0x1c7: {  	v12 =	vmul.f32 v10, v2  }
0x1c8: {  	v3 =	vld [tilespmem:s26+$0x860];
	[tilespmem:s26+$0x850] =	vst v36  }
0x1c9: {  	v5 =	vmul.f32 v10, v12;
	v12 =	vld [tilespmem:s1+$0x860];
	_ =	sdelay $0x1  }
0x1ca: {  	v5 =	vsub.f32 $1.500000000e+00, v5;
	_ =	sdelay $0x1  }
0x1cb: {  	v5 =	vmul.f32 v10, v5  }
0x1cc: {  	v37 =	vadd.f32 v12, v3  }
0x1cd: {  	v3 =	vld [tilespmem:s30+$0x0];
	v2 =	vmul.f32 v5, v2  }
0x1ce: {  	v12 =	vld [tilespmem:s26+$0x870];
	[tilespmem:s26+$0x860] =	vst v37  }
0x1cf: {  	v2 =	vmul.f32 v2, v5;
	v13 =	vld [tilespmem:s1+$0x870];
	_ =	sdelay $0x1  }
0x1d0: {  	[tilespmem:s30+$0x1470] =	vst v4;
	v2 =	vsub.f32 $1.500000000e+00, v2  }
0x1d1: {  	v4 =	vld [tilespmem:$0x1E200]  }
0x1d2: {  	v10 =	vmul.f32 v2, v5;
	v2 =	vsub.f32 v3, v9  }
0x1d3: {  	s5 =	simm.s32 $0x0;
	v3 =	vld [tilespmem:$0x1E500];
	v39 =	vadd.f32 v13, v12  }
0x1d4: {  	s3 =	smul.u32 $0x1800, s5;
	v2 =	vmul.f32 v10, v2  }
0x1d5: {  	s14 =	simm.s32 $0x100;
	v5 =	vld [tilespmem:s26+$0xC00];
	[tilespmem:s26+$0x870] =	vst v39  }
0x1d6: {  	s4 =	sand.u32 $0x380, s14;
	s16 =	sadd.s32 s3, s25;
	s3 =	sadd.s32 s3, s31;
	v2 =	vmul.f32 v2, v4;
	v12 =	vld [tilespmem:s1+$0xC00]  }
0x1d7: {  	s28 =	sadd.s32 s4, s16;
	s4 =	sadd.s32 s4, s3;
	v4 =	vld [tilespmem:s30+$0x10]  }
0x1d8: {  	v13 =	vld [tilespmem:s4+$0x0];
	v2 =	vadd.f32 v2, v3  }
0x1d9: {  	v3 =	vld [tilespmem:s28+$0x0]  }
0x1da: {  	[tilespmem:s30+$0x0] =	vst v2  }
0x1db: {  	v2 =	vld [tilespmem:$0x1E210];
	v25 =	vadd.f32 v12, v5  }
0x1dc: {  	v4 =	vsub.f32 v4, v9;
	v5 =	vld [tilespmem:$0x1E510]  }
0x1dd: {  	v12 =	vld [tilespmem:s26+$0xC10];
	[tilespmem:s26+$0xC00] =	vst v25  }
0x1de: {  	v4 =	vmul.f32 v10, v4;
	v13 =	vadd.f32 v13, v3;
	v14 =	vld [tilespmem:s1+$0xC10]  }
0x1df: {  	v3 =	vld [tilespmem:s30+$0x20]  }
0x1e0: {  	v2 =	vmul.f32 v4, v2;
	v4 =	vld [tilespmem:s28+$0x10];
	[tilespmem:$0x1FE40] =	vst v13  }
0x1e1: {  	[tilespmem:s28+$0x0] =	vst v13  }
0x1e2: {  	v2 =	vadd.f32 v2, v5;
	v5 =	vld [tilespmem:s4+$0x10]  }
0x1e3: {  	v40 =	vadd.f32 v14, v12  }
0x1e4: {  	v12 =	vld [tilespmem:s26+$0xC20];
	[tilespmem:s30+$0x10] =	vst v2  }
0x1e5: {  	v2 =	vld [tilespmem:$0x1E220];
	[tilespmem:s26+$0xC10] =	vst v40  }
0x1e6: {  	v3 =	vsub.f32 v3, v9;
	v14 =	vld [tilespmem:s1+$0xC20]  }
0x1e7: {  	v13 =	vld [tilespmem:$0x1E520];
	v47 =	vadd.f32 v5, v4  }
0x1e8: {  	v3 =	vmul.f32 v10, v3  }
0x1e9: {  	v4 =	vld [tilespmem:s28+$0x20];
	[tilespmem:s28+$0x10] =	vst v47  }
0x1ea: {  	v2 =	vmul.f32 v3, v2;
	v5 =	vld [tilespmem:s4+$0x20]  }
0x1eb: {  	v3 =	vld [tilespmem:s30+$0x30];
	v24 =	vadd.f32 v14, v12  }
0x1ec: {  	v2 =	vadd.f32 v2, v13  }
0x1ed: {  	v12 =	vld [tilespmem:s26+$0xC30];
	[tilespmem:s26+$0xC20] =	vst v24  }
0x1ee: {  	[tilespmem:s30+$0x20] =	vst v2;
	v13 =	vld [tilespmem:s1+$0xC30]  }
0x1ef: {  	v2 =	vld [tilespmem:$0x1E230];
	v48 =	vadd.f32 v5, v4  }
0x1f0: {  	v3 =	vsub.f32 v3, v9;
	v4 =	vld [tilespmem:$0x1E530]  }
0x1f1: {  	v5 =	vld [tilespmem:s28+$0x30];
	[tilespmem:s28+$0x20] =	vst v48  }
0x1f2: {  	v3 =	vmul.f32 v10, v3;
	v14 =	vld [tilespmem:s4+$0x30]  }
0x1f3: {  	v41 =	vadd.f32 v13, v12  }
0x1f4: {  	v12 =	vld [tilespmem:s26+$0xC40];
	v2 =	vmul.f32 v3, v2  }
0x1f5: {  	v3 =	vld [tilespmem:s30+$0x40];
	[tilespmem:s26+$0xC30] =	vst v41  }
0x1f6: {  	v2 =	vadd.f32 v2, v4;
	v4 =	vld [tilespmem:s1+$0xC40]  }
0x1f7: {  	v53 =	vadd.f32 v14, v5  }
0x1f8: {  	v5 =	vld [tilespmem:s28+$0x40];
	[tilespmem:s30+$0x30] =	vst v2  }
0x1f9: {  	v2 =	vld [tilespmem:$0x1E240];
	[tilespmem:s28+$0x30] =	vst v53  }
0x1fa: {  	v3 =	vsub.f32 v3, v9;
	v14 =	vld [tilespmem:s4+$0x40]  }
0x1fb: {  	v13 =	vld [tilespmem:$0x1E540];
	v42 =	vadd.f32 v4, v12  }
0x1fc: {  	v3 =	vmul.f32 v3, v10  }
0x1fd: {  	v4 =	vld [tilespmem:s26+$0xC50];
	[tilespmem:s26+$0xC40] =	vst v42  }
0x1fe: {  	v2 =	vmul.f32 v3, v2;
	v12 =	vld [tilespmem:s1+$0xC50]  }
0x1ff: {  	v3 =	vld [tilespmem:s30+$0x50];
	v54 =	vadd.f32 v14, v5  }
0x200: {  	v2 =	vadd.f32 v2, v13  }
0x201: {  	v5 =	vld [tilespmem:s28+$0x50];
	[tilespmem:s28+$0x40] =	vst v54  }
0x202: {  	[tilespmem:s30+$0x40] =	vst v2;
	v13 =	vld [tilespmem:s4+$0x50]  }
0x203: {  	v2 =	vld [tilespmem:$0x1E250];
	v21 =	vadd.f32 v12, v4  }
0x204: {  	v3 =	vsub.f32 v3, v9;
	v4 =	vld [tilespmem:$0x1E550]  }
0x205: {  	v12 =	vld [tilespmem:s26+$0xC60];
	[tilespmem:s26+$0xC50] =	vst v21  }
0x206: {  	v3 =	vmul.f32 v3, v10;
	v14 =	vld [tilespmem:s1+$0xC60]  }
0x207: {  	v55 =	vadd.f32 v13, v5  }
0x208: {  	v5 =	vld [tilespmem:s28+$0x60];
	v2 =	vmul.f32 v3, v2  }
0x209: {  	v3 =	vld [tilespmem:s30+$0x60];
	[tilespmem:s28+$0x50] =	vst v55  }
0x20a: {  	v2 =	vadd.f32 v2, v4;
	v4 =	vld [tilespmem:s4+$0x60]  }
0x20b: {  	v20 =	vadd.f32 v14, v12  }
0x20c: {  	v12 =	vld [tilespmem:s26+$0xC70];
	[tilespmem:s30+$0x50] =	vst v2  }
0x20d: {  	v2 =	vld [tilespmem:$0x1E260];
	[tilespmem:s26+$0xC60] =	vst v20  }
0x20e: {  	v3 =	vsub.f32 v3, v9;
	v14 =	vld [tilespmem:s1+$0xC70]  }
0x20f: {  	v13 =	vld [tilespmem:$0x1E560];
	v56 =	vadd.f32 v4, v5  }
0x210: {  	v3 =	vmul.f32 v3, v10  }
0x211: {  	v4 =	vld [tilespmem:s28+$0x70];
	[tilespmem:s28+$0x60] =	vst v56  }
0x212: {  	v2 =	vmul.f32 v3, v2;
	v5 =	vld [tilespmem:s4+$0x70]  }
0x213: {  	v3 =	vld [tilespmem:s30+$0x70];
	v43 =	vadd.f32 v14, v12  }
0x214: {  	v2 =	vadd.f32 v2, v13  }
0x215: {  	v12 =	vld [tilespmem:s26+$0x1000];
	[tilespmem:s26+$0xC70] =	vst v43  }
0x216: {  	[tilespmem:s30+$0x60] =	vst v2;
	v13 =	vld [tilespmem:s1+$0x1000]  }
0x217: {  	v2 =	vld [tilespmem:$0x1E270];
	v57 =	vadd.f32 v5, v4  }
0x218: {  	v14 =	vld [tilespmem:s28+$0x400];
	v3 =	vsub.f32 v3, v9  }
0x219: {  	v4 =	vld [tilespmem:$0x1E570];
	[tilespmem:s28+$0x70] =	vst v57  }
0x21a: {  	v3 =	vmul.f32 v3, v10;
	v15 =	vld [tilespmem:s4+$0x400]  }
0x21b: {  	v5 =	vadd.f32 v13, v12  }
0x21c: {  	v12 =	vld [tilespmem:s26+$0x1010];
	v2 =	vmul.f32 v3, v2  }
0x21d: {  	v3 =	vld [tilespmem:s30+$0x400];
	[tilespmem:s26+$0x1000] =	vst v5  }
0x21e: {  	v2 =	vadd.f32 v2, v4;
	v4 =	vld [tilespmem:s1+$0x1010]  }
0x21f: {  	v58 =	vadd.f32 v15, v14  }
0x220: {  	v13 =	vld [tilespmem:s28+$0x410];
	[tilespmem:s30+$0x70] =	vst v2  }
0x221: {  	v2 =	vld [tilespmem:$0x1E280];
	[tilespmem:s28+$0x400] =	vst v58  }
0x222: {  	v3 =	vsub.f32 v3, v9;
	v15 =	vld [tilespmem:s4+$0x410]  }
0x223: {  	v14 =	vld [tilespmem:$0x1E580];
	v4 =	vadd.f32 v4, v12  }
0x224: {  	v3 =	vmul.f32 v3, v10  }
0x225: {  	v12 =	vld [tilespmem:s26+$0x1020];
	[tilespmem:s26+$0x1010] =	vst v4  }
0x226: {  	v2 =	vmul.f32 v3, v2;
	v22 =	vld [tilespmem:s1+$0x1020]  }
0x227: {  	v3 =	vld [tilespmem:s30+$0x410];
	v59 =	vadd.f32 v15, v13  }
0x228: {  	v2 =	vadd.f32 v2, v14  }
0x229: {  	v13 =	vld [tilespmem:s28+$0x420];
	[tilespmem:s28+$0x410] =	vst v59  }
0x22a: {  	[tilespmem:s30+$0x400] =	vst v2;
	v14 =	vld [tilespmem:s4+$0x420]  }
0x22b: {  	v2 =	vld [tilespmem:$0x1E290];
	v44 =	vadd.f32 v22, v12  }
0x22c: {  	v15 =	vld [tilespmem:s26+$0x1030];
	v3 =	vsub.f32 v3, v9  }
0x22d: {  	v12 =	vld [tilespmem:$0x1E590];
	[tilespmem:s26+$0x1020] =	vst v44  }
0x22e: {  	v3 =	vmul.f32 v3, v10;
	v22 =	vld [tilespmem:s1+$0x1030]  }
0x22f: {  	v60 =	vadd.f32 v14, v13  }
0x230: {  	v13 =	vld [tilespmem:s28+$0x430];
	v2 =	vmul.f32 v3, v2  }
0x231: {  	v3 =	vld [tilespmem:s30+$0x420];
	[tilespmem:s28+$0x420] =	vst v60  }
0x232: {  	v2 =	vadd.f32 v2, v12;
	v12 =	vld [tilespmem:s4+$0x430]  }
0x233: {  	v45 =	vadd.f32 v22, v15  }
0x234: {  	v14 =	vld [tilespmem:s26+$0x1040];
	[tilespmem:s30+$0x410] =	vst v2  }
0x235: {  	v2 =	vld [tilespmem:$0x1E2A0];
	[tilespmem:s26+$0x1030] =	vst v45  }
0x236: {  	v3 =	vsub.f32 v3, v9;
	v22 =	vld [tilespmem:s1+$0x1040]  }
0x237: {  	v15 =	vld [tilespmem:$0x1E5A0];
	v61 =	vadd.f32 v12, v13  }
0x238: {  	v3 =	vmul.f32 v3, v10;
	v12 =	vadd.f32 $0.0e+00, v0  }
0x239: {  	v46 =	vmul.f32 v1, v1;
	v0 =	vmul.f32 v0, v0;
	v13 =	vld [tilespmem:s28+$0x440];
	[tilespmem:s28+$0x430] =	vst v61  }
0x23a: {  	v1 =	vadd.f32 v1, v12;
	v2 =	vmul.f32 v3, v2;
	v12 =	vld [tilespmem:s4+$0x440]  }
0x23b: {  	v62 =	vmul.f32 v7, v7;
	v38 =	vadd.f32 v46, v0;
	v3 =	vld [tilespmem:s30+$0x430];
	v0 =	vadd.f32 v22, v14  }
0x23c: {  	v1 =	vadd.f32 v7, v1;
	v2 =	vadd.f32 v2, v15  }
0x23d: {  	v7 =	vld [tilespmem:s26+$0x1050];
	v14 =	vadd.f32 v62, v38;
	v15 =	vmul.f32 v8, v8;
	[tilespmem:s26+$0x1040] =	vst v0  }
0x23e: {  	v1 =	vadd.f32 v8, v1;
	[tilespmem:s30+$0x420] =	vst v2;
	v8 =	vld [tilespmem:s1+$0x1050]  }
0x23f: {  	v14 =	vadd.f32 v15, v14;
	v15 =	vmul.f32 v16, v16;
	v2 =	vld [tilespmem:$0x1E2B0];
	v62 =	vadd.f32 v12, v13  }
0x240: {  	v3 =	vsub.f32 v3, v9;
	v1 =	vadd.f32 v16, v1;
	v12 =	vld [tilespmem:$0x1E5B0]  }
0x241: {  	v13 =	vld [tilespmem:s28+$0x450];
	v14 =	vadd.f32 v15, v14;
	v15 =	vmul.f32 v17, v17;
	[tilespmem:s28+$0x440] =	vst v62  }
0x242: {  	v3 =	vmul.f32 v3, v10;
	v16 =	vadd.f32 v17, v1;
	v17 =	vld [tilespmem:s4+$0x450]  }
0x243: {  	v14 =	vadd.f32 v15, v14;
	v15 =	vmul.f32 v18, v18  }
0x244: {  	v1 =	vadd.f32 v8, v7;
	v2 =	vmul.f32 v3, v2;
	v3 =	vadd.f32 v18, v16  }
0x245: {  	v7 =	vld [tilespmem:s30+$0x440];
	v14 =	vadd.f32 v15, v14;
	v15 =	vmul.f32 v19, v19  }
0x246: {  	v8 =	vld [tilespmem:s26+$0x1060];
	[tilespmem:s26+$0x1050] =	vst v1;
	v2 =	vadd.f32 v2, v12;
	v3 =	vadd.f32 v19, v3  }
0x247: {  	v12 =	vld [tilespmem:s1+$0x1060];
	v14 =	vadd.f32 v15, v14;
	v15 =	vmul.f32 v23, v23;
	v63 =	vadd.f32 v17, v13  }
0x248: {  	v13 =	vld [tilespmem:s28+$0x460];
	[tilespmem:s30+$0x430] =	vst v2;
	v2 =	vadd.f32 v23, v3  }
0x249: {  	v14 =	vadd.f32 v15, v14;
	v15 =	vmul.f32 v26, v26;
	v3 =	vld [tilespmem:$0x1E2C0];
	[tilespmem:s28+$0x450] =	vst v63  }
0x24a: {  	v7 =	vsub.f32 v7, v9;
	v16 =	vadd.f32 v26, v2;
	v18 =	vld [tilespmem:s4+$0x460]  }
0x24b: {  	v17 =	vld [tilespmem:$0x1E5C0];
	v14 =	vadd.f32 v15, v14;
	v15 =	vmul.f32 v27, v27  }
0x24c: {  	v7 =	vmul.f32 v7, v10;
	v2 =	vadd.f32 v12, v8;
	v8 =	vadd.f32 v27, v16  }
0x24d: {  	v16 =	vld [tilespmem:s26+$0x1070];
	v12 =	vadd.f32 v15, v14;
	v14 =	vmul.f32 v28, v28  }
0x24e: {  	[tilespmem:s26+$0x1060] =	vst v2;
	v3 =	vmul.f32 v7, v3;
	v7 =	vadd.f32 v28, v8;
	v8 =	vld [tilespmem:s30+$0x450]  }
0x24f: {  	v19 =	vmul.f32 v29, v29;
	v15 =	vld [tilespmem:s1+$0x1070];
	v14 =	vadd.f32 v14, v12;
	v28 =	vadd.f32 v18, v13  }
0x250: {  	v3 =	vadd.f32 v3, v17;
	v7 =	vadd.f32 v29, v7  }
0x251: {  	v13 =	vld [tilespmem:s28+$0x470];
	v14 =	vadd.f32 v19, v14;
	v17 =	vmul.f32 v30, v30;
	[tilespmem:s28+$0x460] =	vst v28  }
0x252: {  	[tilespmem:s30+$0x440] =	vst v3;
	v7 =	vadd.f32 v30, v7;
	v19 =	vld [tilespmem:s4+$0x470]  }
0x253: {  	v14 =	vadd.f32 v17, v14;
	v17 =	vmul.f32 v31, v31;
	v18 =	vld [tilespmem:$0x1E2D0];
	v8 =	vsub.f32 v8, v9  }
0x254: {  	v3 =	vadd.f32 v15, v16;
	v7 =	vadd.f32 v31, v7  }
0x255: {  	v15 =	vld [tilespmem:$0x1E5D0];
	v14 =	vadd.f32 v17, v14;
	v17 =	vmul.f32 v32, v32  }
0x256: {  	v16 =	vld [tilespmem:s26+$0x1400];
	v8 =	vmul.f32 v8, v10;
	[tilespmem:s26+$0x1070] =	vst v3;
	v7 =	vadd.f32 v32, v7  }
0x257: {  	v22 =	vld [tilespmem:s1+$0x1400];
	v14 =	vadd.f32 v17, v14;
	v17 =	vmul.f32 v33, v33  }
0x258: {  	v30 =	vadd.f32 v19, v13;
	v8 =	vmul.f32 v8, v18;
	v7 =	vadd.f32 v33, v7  }
0x259: {  	v13 =	vld [tilespmem:s30+$0x460];
	v14 =	vadd.f32 v17, v14;
	v17 =	vmul.f32 v6, v6  }
0x25a: {  	v18 =	vld [tilespmem:s28+$0x800];
	[tilespmem:s28+$0x470] =	vst v30;
	v8 =	vadd.f32 v8, v15;
	v7 =	vadd.f32 v6, v7  }
0x25b: {  	v15 =	vld [tilespmem:s4+$0x800];
	v14 =	vadd.f32 v17, v14;
	v17 =	vmul.f32 v11, v11  }
0x25c: {  	v6 =	vadd.f32 v22, v16;
	[tilespmem:s30+$0x450] =	vst v8;
	v7 =	vadd.f32 v11, v7;
	v11 =	vld [tilespmem:s26+$0x1410]  }
0x25d: {  	v16 =	vmul.f32 v34, v34;
	v14 =	vadd.f32 v17, v14;
	v8 =	vld [tilespmem:$0x1E2E0]  }
0x25e: {  	v13 =	vsub.f32 v13, v9;
	[tilespmem:s26+$0x1400] =	vst v6;
	v17 =	vld [tilespmem:$0x1E5E0]  }
0x25f: {  	v7 =	vadd.f32 v34, v7;
	v19 =	vld [tilespmem:s1+$0x1410];
	v14 =	vadd.f32 v16, v14;
	v16 =	vmul.f32 v35, v35  }
0x260: {  	v13 =	vmul.f32 v13, v10;
	v38 =	vadd.f32 v15, v18  }
0x261: {  	v15 =	vld [tilespmem:s28+$0x810];
	v7 =	vadd.f32 v35, v7;
	v14 =	vadd.f32 v16, v14;
	v16 =	vmul.f32 v36, v36  }
0x262: {  	[tilespmem:s28+$0x800] =	vst v38;
	v8 =	vmul.f32 v13, v8;
	v13 =	vld [tilespmem:s30+$0x470]  }
0x263: {  	v7 =	vadd.f32 v36, v7;
	v18 =	vld [tilespmem:s4+$0x810];
	v14 =	vadd.f32 v16, v14;
	v16 =	vmul.f32 v37, v37  }
0x264: {  	v11 =	vadd.f32 v19, v11;
	v8 =	vadd.f32 v8, v17  }
0x265: {  	v7 =	vadd.f32 v37, v7;
	v14 =	vadd.f32 v16, v14;
	v16 =	vmul.f32 v39, v39  }
0x266: {  	v17 =	vld [tilespmem:s26+$0x1420];
	[tilespmem:s30+$0x460] =	vst v8  }
0x267: {  	[tilespmem:s26+$0x1410] =	vst v11;
	v7 =	vadd.f32 v39, v7;
	v14 =	vadd.f32 v16, v14;
	v8 =	vld [tilespmem:$0x1E2F0]  }
0x268: {  	v19 =	vld [tilespmem:s1+$0x1420];
	v16 =	vmul.f32 v25, v25;
	v13 =	vsub.f32 v13, v9;
	v37 =	vadd.f32 v18, v15  }
0x269: {  	v15 =	vld [tilespmem:$0x1E5F0];
	v7 =	vadd.f32 v25, v7  }
0x26a: {  	v18 =	vld [tilespmem:s28+$0x820];
	v14 =	vadd.f32 v16, v14;
	v16 =	vmul.f32 v40, v40;
	v13 =	vmul.f32 v13, v10;
	[tilespmem:s28+$0x810] =	vst v37  }
0x26b: {  	v7 =	vadd.f32 v40, v7;
	v22 =	vld [tilespmem:s4+$0x820]  }
0x26c: {  	v14 =	vadd.f32 v16, v14;
	v8 =	vmul.f32 v13, v8  }
0x26d: {  	v16 =	vmul.f32 v24, v24;
	v13 =	vadd.f32 v19, v17;
	v7 =	vadd.f32 v24, v7;
	v17 =	vld [tilespmem:s30+$0x800]  }
0x26e: {  	v8 =	vadd.f32 v8, v15  }
0x26f: {  	v19 =	vld [tilespmem:s26+$0x1430];
	v14 =	vadd.f32 v16, v14;
	v16 =	vmul.f32 v41, v41;
	[tilespmem:s26+$0x1420] =	vst v13;
	v7 =	vadd.f32 v41, v7  }
0x270: {  	v15 =	vld [tilespmem:s1+$0x1430];
	v12 =	vadd.f32 v22, v18;
	[tilespmem:s30+$0x470] =	vst v8  }
0x271: {  	v14 =	vadd.f32 v16, v14;
	v16 =	vmul.f32 v42, v42;
	v7 =	vadd.f32 v42, v7;
	v8 =	vld [tilespmem:$0x1E300]  }
0x272: {  	v18 =	vld [tilespmem:s28+$0x830];
	v17 =	vsub.f32 v17, v9;
	[tilespmem:$0x1FE50] =	vst v12  }
0x273: {  	v14 =	vadd.f32 v16, v14;
	v16 =	vmul.f32 v21, v21;
	[tilespmem:s28+$0x820] =	vst v12;
	v7 =	vadd.f32 v21, v7;
	v21 =	vld [tilespmem:$0x1E600]  }
0x274: {  	v22 =	vld [tilespmem:s4+$0x830];
	v17 =	vmul.f32 v17, v10  }
0x275: {  	v14 =	vadd.f32 v16, v14;
	v16 =	vmul.f32 v20, v20  }
0x276: {  	v7 =	vadd.f32 v20, v7;
	v8 =	vmul.f32 v17, v8  }
0x277: {  	v15 =	vadd.f32 v15, v19;
	v14 =	vadd.f32 v16, v14;
	v16 =	vmul.f32 v43, v43  }
0x278: {  	v19 =	vld [tilespmem:s26+$0x1440];
	v7 =	vadd.f32 v43, v7;
	v8 =	vadd.f32 v8, v21  }
0x279: {  	[tilespmem:s26+$0x1430] =	vst v15;
	v17 =	vld [tilespmem:s30+$0x810];
	v14 =	vadd.f32 v16, v14;
	v16 =	vmul.f32 v5, v5;
	v12 =	vadd.f32 v22, v18  }
0x27a: {  	v20 =	vld [tilespmem:s1+$0x1440];
	v5 =	vadd.f32 v5, v7;
	[tilespmem:s30+$0x800] =	vst v8  }
0x27b: {  	v7 =	vld [tilespmem:s28+$0x840];
	v14 =	vadd.f32 v16, v14;
	v16 =	vmul.f32 v4, v4;
	[tilespmem:$0x1FE60] =	vst v12  }
0x27c: {  	v4 =	vadd.f32 v4, v5;
	[tilespmem:s28+$0x830] =	vst v12;
	v5 =	vld [tilespmem:$0x1E310]  }
0x27d: {  	v14 =	vadd.f32 v16, v14;
	v16 =	vmul.f32 v44, v44;
	v8 =	vld [tilespmem:s4+$0x840]  }
0x27e: {  	v17 =	vsub.f32 v17, v9;
	v4 =	vadd.f32 v44, v4  }
0x27f: {  	v18 =	vadd.f32 v20, v19;
	v19 =	vld [tilespmem:$0x1E610];
	v14 =	vadd.f32 v16, v14;
	v16 =	vmul.f32 v45, v45  }
0x280: {  	v17 =	vmul.f32 v17, v10;
	v4 =	vadd.f32 v45, v4  }
0x281: {  	v20 =	vld [tilespmem:s26+$0x1450];
	[tilespmem:s26+$0x1440] =	vst v18;
	v14 =	vadd.f32 v16, v14;
	v16 =	vmul.f32 v0, v0  }
0x282: {  	v21 =	vld [tilespmem:s1+$0x1450];
	v0 =	vadd.f32 v0, v4;
	v5 =	vmul.f32 v17, v5;
	v12 =	vadd.f32 v8, v7  }
0x283: {  	v4 =	vld [tilespmem:s30+$0x820]  }
0x284: {  	v7 =	vld [tilespmem:s28+$0x850];
	v0 =	vadd.f32 v1, v0;
	v5 =	vadd.f32 v5, v19;
	[tilespmem:$0x1FE70] =	vst v12  }
0x285: {  	v8 =	vadd.f32 v16, v14;
	v14 =	vmul.f32 v1, v1;
	[tilespmem:s28+$0x840] =	vst v12  }
0x286: {  	v0 =	vadd.f32 v2, v0;
	[tilespmem:s30+$0x810] =	vst v5;
	v1 =	vld [tilespmem:s4+$0x850]  }
0x287: {  	v8 =	vadd.f32 v14, v8;
	v14 =	vmul.f32 v2, v2;
	v5 =	vadd.f32 v21, v20;
	v2 =	vld [tilespmem:$0x1E320]  }
0x288: {  	v16 =	vld [tilespmem:s26+$0x1460];
	v4 =	vsub.f32 v4, v9;
	v0 =	vadd.f32 v3, v0  }
0x289: {  	v8 =	vadd.f32 v14, v8;
	v14 =	vmul.f32 v3, v3;
	v3 =	vld [tilespmem:$0x1E620];
	[tilespmem:s26+$0x1450] =	vst v5  }
0x28a: {  	v4 =	vmul.f32 v4, v10;
	v17 =	vld [tilespmem:s1+$0x1460];
	v0 =	vadd.f32 v6, v0  }
0x28b: {  	v8 =	vadd.f32 v14, v8;
	v14 =	vmul.f32 v6, v6  }
0x28c: {  	v0 =	vadd.f32 v11, v0;
	v32 =	vadd.f32 v1, v7;
	v2 =	vmul.f32 v4, v2  }
0x28d: {  	v6 =	vadd.f32 v14, v8;
	v7 =	vmul.f32 v11, v11;
	v4 =	vld [tilespmem:s30+$0x830]  }
0x28e: {  	v1 =	vld [tilespmem:s28+$0x860];
	v0 =	vadd.f32 v13, v0;
	[tilespmem:s28+$0x850] =	vst v32;
	v2 =	vadd.f32 v2, v3  }
0x28f: {  	v6 =	vadd.f32 v7, v6;
	v7 =	vmul.f32 v13, v13;
	v8 =	vadd.f32 v17, v16;
	v3 =	vld [tilespmem:s4+$0x860]  }
0x290: {  	v11 =	vld [tilespmem:s26+$0x1470];
	v0 =	vadd.f32 v15, v0;
	[tilespmem:s30+$0x820] =	vst v2  }
0x291: {  	v6 =	vadd.f32 v7, v6;
	v7 =	vmul.f32 v15, v15;
	[tilespmem:s26+$0x1460] =	vst v8;
	v2 =	vld [tilespmem:$0x1E330]  }
0x292: {  	v13 =	vld [tilespmem:s1+$0x1470];
	v4 =	vsub.f32 v4, v9;
	v0 =	vadd.f32 v18, v0  }
0x293: {  	v14 =	vld [tilespmem:$0x1E630];
	v6 =	vadd.f32 v7, v6;
	v7 =	vmul.f32 v18, v18  }
0x294: {  	v4 =	vmul.f32 v4, v10;
	v0 =	vadd.f32 v5, v0;
	v12 =	vadd.f32 v3, v1  }
0x295: {  	v6 =	vadd.f32 v7, v6;
	v7 =	vmul.f32 v5, v5  }
0x296: {  	v1 =	vld [tilespmem:s28+$0x870];
	v0 =	vadd.f32 v8, v0;
	v2 =	vmul.f32 v4, v2;
	[tilespmem:$0x1FE80] =	vst v12  }
0x297: {  	s14 =	simm.s32 $0x0;
	v5 =	vmul.f32 v8, v8;
	v3 =	vadd.f32 v7, v6;
	v6 =	vadd.f32 v13, v11;
	[tilespmem:s28+$0x860] =	vst v12;
	v4 =	vld [tilespmem:s30+$0x840]  }
0x298: {  	s1 =	smul.u32 $0x1800, s14;
	v7 =	vld [tilespmem:s4+$0x870];
	v2 =	vadd.f32 v2, v14  }
0x299: {  	s3 =	simm.s32 $0x180;
	v3 =	vadd.f32 v5, v3;
	v0 =	vadd.f32 v6, v0;
	v5 =	vmul.f32 v6, v6  }
0x29a: {  	s5 =	sand.u32 $0x380, s3;
	s16 =	sadd.s32 s1, s25;
	[tilespmem:s30+$0x830] =	vst v2  }
0x29b: {  	s29 =	sadd.s32 s5, s16;
	v3 =	vadd.f32 v5, v3;
	v5 =	vperm.xlane v0, v50;
	v2 =	vld [tilespmem:$0x1E340]  }
0x29c: {  	s1 =	sadd.s32 s1, s31;
	v11 =	vld [tilespmem:s29+$0x0];
	v4 =	vsub.f32 v4, v9  }
0x29d: {  	s1 =	sadd.s32 s5, s1;
	v0 =	vadd.f32 v5, v0;
	v5 =	vperm.xlane v3, v50;
	v34 =	vadd.f32 v7, v1;
	v1 =	vld [tilespmem:$0x1E640]  }
0x29e: {  	v7 =	vld [tilespmem:s1+$0x0];
	v4 =	vmul.f32 v4, v10  }
0x29f: {  	v8 =	vld [tilespmem:s28+$0xC00];
	v13 =	vperm.xlane v0, v51;
	v3 =	vadd.f32 v5, v3;
	[tilespmem:s28+$0x870] =	vst v34  }
0x2a0: {  	v5 =	vld [tilespmem:s4+$0xC00];
	v2 =	vmul.f32 v4, v2  }
0x2a1: {  	v4 =	vld [tilespmem:s30+$0x850];
	v0 =	vadd.f32 v13, v0;
	v13 =	vperm.xlane v3, v51  }
0x2a2: {  	v1 =	vadd.f32 v2, v1  }
0x2a3: {  	v44 =	vmovc v55;
	v55 =	vadd.f32 v7, v11;
	v2 =	vld [tilespmem:s28+$0xC10];
	v7 =	vperm.xlane v0, v49;
	v3 =	vadd.f32 v13, v3  }
0x2a4: {  	v11 =	vld [tilespmem:s29+$0x10];
	[tilespmem:s30+$0x840] =	vst v1  }
0x2a5: {  	[tilespmem:s29+$0x0] =	vst v55;
	v0 =	vadd.f32 v7, v0;
	v36 =	vadd.f32 v5, v8;
	v1 =	vld [tilespmem:$0x1E350];
	v5 =	vperm.xlane v3, v49  }
0x2a6: {  	v7 =	vld [tilespmem:s1+$0x10];
	v4 =	vsub.f32 v4, v9  }
0x2a7: {  	v8 =	vld [tilespmem:$0x1E650];
	v13 =	vperm.xlane v0, v52;
	[tilespmem:s28+$0xC00] =	vst v36;
	v3 =	vadd.f32 v5, v3  }
0x2a8: {  	v4 =	vmul.f32 v4, v10;
	v5 =	vld [tilespmem:s4+$0xC10]  }
0x2a9: {  	v0 =	vadd.f32 v13, v0;
	v13 =	vperm.xlane v3, v52  }
0x2aa: {  	v1 =	vmul.f32 v4, v1  }
0x2ab: {  	v49 =	vadd.f32 v7, v11;
	v4 =	vld [tilespmem:s30+$0x860];
	v7 =	vmul.f32 $1.302083370e-03, v0;
	v0 =	vadd.f32 v13, v3  }
0x2ac: {  	v3 =	vld [tilespmem:s29+$0x20];
	v1 =	vadd.f32 v1, v8  }
0x2ad: {  	v8 =	vld [tilespmem:s28+$0xC20];
	[tilespmem:s29+$0x10] =	vst v49;
	v43 =	vadd.f32 v5, v2;
	v0 =	vmul.f32 $1.302083370e-03, v0;
	v2 =	vmul.f32 v7, v7  }
0x2ae: {  	v5 =	vld [tilespmem:s1+$0x20];
	[tilespmem:s30+$0x850] =	vst v1  }
0x2af: {  	[tilespmem:s28+$0xC10] =	vst v43;
	v1 =	vld [tilespmem:$0x1E360];
	v0 =	vsub.f32 v0, v2  }
0x2b0: {  	v4 =	vsub.f32 v4, v9;
	v2 =	vld [tilespmem:s4+$0xC20]  }
0x2b1: {  	v11 =	vld [tilespmem:$0x1E660];
	v0 =	vadd.f32 $9.999999960e-13, v0  }
0x2b2: {  	v4 =	vmul.f32 v4, v10  }
0x2b3: {  	v13 =	vshra.s32 v0, $0x1;
	v0 =	vmul.f32 $5.000000000e-01, v0  }
0x2b4: {  	v39 =	vmovc v47;
	v47 =	vmovc v58;
	v58 =	vadd.f32 v5, v3;
	v3 =	vld [tilespmem:s29+$0x30];
	v1 =	vmul.f32 v4, v1;
	v4 =	vsub.s32 $0x5F3759DF, v13  }
0x2b5: {  	v52 =	vadd.f32 v2, v8;
	v2 =	vld [tilespmem:s30+$0x870];
	v5 =	vmul.f32 v4, v0  }
0x2b6: {  	[tilespmem:s29+$0x20] =	vst v58;
	v8 =	vld [tilespmem:s28+$0xC30];
	v1 =	vadd.f32 v1, v11  }
0x2b7: {  	v11 =	vld [tilespmem:s1+$0x30];
	[tilespmem:s28+$0xC20] =	vst v52;
	v5 =	vmul.f32 v4, v5  }
0x2b8: {  	v13 =	vld [tilespmem:s4+$0xC30];
	[tilespmem:s30+$0x860] =	vst v1  }
0x2b9: {  	v1 =	vld [tilespmem:$0x1E370];
	v5 =	vsub.f32 $1.500000000e+00, v5  }
0x2ba: {  	v2 =	vsub.f32 v2, v9  }
0x2bb: {  	v14 =	vld [tilespmem:$0x1E670];
	v4 =	vmul.f32 v4, v5  }
0x2bc: {  	v5 =	vld [tilespmem:s28+$0xC40];
	v2 =	vmul.f32 v2, v10  }
0x2bd: {  	v40 =	vmovc v48;
	v48 =	vmov v60;
	v60 =	vadd.f32 v11, v3;
	v3 =	vld [tilespmem:s29+$0x40];
	v0 =	vmul.f32 v4, v0  }
0x2be: {  	v46 =	vmov v57;
	v57 =	vadd.f32 v13, v8;
	v1 =	vmul.f32 v2, v1;
	v2 =	vld [tilespmem:s26+$0x0]  }
0x2bf: {  	v11 =	vld [tilespmem:s30+$0xC00];
	[tilespmem:s29+$0x30] =	vst v60;
	v0 =	vmul.f32 v0, v4  }
0x2c0: {  	v13 =	vld [tilespmem:s1+$0x40];
	[tilespmem:s28+$0xC30] =	vst v57;
	v1 =	vadd.f32 v1, v14  }
0x2c1: {  	[tilespmem:s26+$0x1470] =	vst v6;
	v6 =	vld [tilespmem:s4+$0xC40];
	v0 =	vsub.f32 $1.500000000e+00, v0  }
0x2c2: {  	[tilespmem:s30+$0x870] =	vst v1;
	v1 =	vld [tilespmem:$0x1E200]  }
0x2c3: {  	v8 =	vmul.f32 v0, v4;
	v0 =	vsub.f32 v2, v7;
	v2 =	vld [tilespmem:$0x1E380]  }
0x2c4: {  	v4 =	vld [tilespmem:$0x1E500]  }
0x2c5: {  	v15 =	vld [tilespmem:s28+$0xC50];
	v11 =	vsub.f32 v11, v9;
	v0 =	vmul.f32 v8, v0  }
0x2c6: {  	v41 =	vmov v53;
	v53 =	vmov v63;
	v14 =	vld [tilespmem:$0x1E680];
	v63 =	vadd.f32 v13, v3  }
0x2c7: {  	v11 =	vmul.f32 v11, v10;
	v3 =	vld [tilespmem:s29+$0x50];
	v0 =	vmul.f32 v0, v1  }
0x2c8: {  	v45 =	vmov v59;
	v59 =	vadd.f32 v6, v5;
	[tilespmem:s29+$0x40] =	vst v63;
	v1 =	vld [tilespmem:s26+$0x10]  }
0x2c9: {  	v5 =	vld [tilespmem:s1+$0x50];
	v2 =	vmul.f32 v11, v2;
	v0 =	vadd.f32 v0, v4  }
0x2ca: {  	[tilespmem:s28+$0xC40] =	vst v59;
	v4 =	vld [tilespmem:s30+$0xC10]  }
0x2cb: {  	v6 =	vld [tilespmem:s4+$0xC50];
	v2 =	vadd.f32 v2, v14;
	[tilespmem:s26+$0x0] =	vst v0  }
0x2cc: {  	v0 =	vld [tilespmem:$0x1E210]  }
0x2cd: {  	[tilespmem:s30+$0xC00] =	vst v2;
	v1 =	vsub.f32 v1, v7;
	v11 =	vld [tilespmem:$0x1E510]  }
0x2ce: {  	v2 =	vld [tilespmem:$0x1E390]  }
0x2cf: {  	v14 =	vld [tilespmem:s28+$0xC60];
	v4 =	vsub.f32 v4, v9;
	v1 =	vmul.f32 v8, v1  }
0x2d0: {  	v16 =	vadd.f32 v5, v3;
	v13 =	vld [tilespmem:$0x1E690]  }
0x2d1: {  	v3 =	vld [tilespmem:s29+$0x60];
	v4 =	vmul.f32 v4, v10;
	v0 =	vmul.f32 v1, v0  }
0x2d2: {  	v50 =	vmov v61;
	v61 =	vadd.f32 v6, v15;
	[tilespmem:s29+$0x50] =	vst v16;
	v1 =	vld [tilespmem:s26+$0x20]  }
0x2d3: {  	v5 =	vld [tilespmem:s1+$0x60];
	v2 =	vmul.f32 v4, v2;
	v0 =	vadd.f32 v0, v11  }
0x2d4: {  	[tilespmem:s28+$0xC50] =	vst v61;
	v4 =	vld [tilespmem:s30+$0xC20]  }
0x2d5: {  	v6 =	vld [tilespmem:s4+$0xC60];
	v2 =	vadd.f32 v2, v13;
	[tilespmem:s26+$0x10] =	vst v0  }
0x2d6: {  	v0 =	vld [tilespmem:$0x1E220]  }
0x2d7: {  	[tilespmem:s30+$0xC10] =	vst v2;
	v1 =	vsub.f32 v1, v7;
	v11 =	vld [tilespmem:$0x1E520]  }
0x2d8: {  	v2 =	vld [tilespmem:$0x1E3A0]  }
0x2d9: {  	v15 =	vld [tilespmem:s28+$0xC70];
	v4 =	vsub.f32 v4, v9;
	v1 =	vmul.f32 v8, v1  }
0x2da: {  	v17 =	vadd.f32 v5, v3;
	v13 =	vld [tilespmem:$0x1E6A0]  }
0x2db: {  	v3 =	vld [tilespmem:s29+$0x70];
	v4 =	vmul.f32 v4, v10;
	v0 =	vmul.f32 v1, v0  }
0x2dc: {  	v51 =	vmov v62;
	v62 =	vadd.f32 v6, v14;
	[tilespmem:s29+$0x60] =	vst v17;
	v1 =	vld [tilespmem:s26+$0x30]  }
0x2dd: {  	v5 =	vld [tilespmem:s1+$0x70];
	v2 =	vmul.f32 v4, v2;
	v0 =	vadd.f32 v0, v11  }
0x2de: {  	[tilespmem:s28+$0xC60] =	vst v62;
	v4 =	vld [tilespmem:s30+$0xC30]  }
0x2df: {  	v6 =	vld [tilespmem:s4+$0xC70];
	v2 =	vadd.f32 v2, v13;
	[tilespmem:s26+$0x20] =	vst v0  }
0x2e0: {  	v0 =	vld [tilespmem:$0x1E230]  }
0x2e1: {  	[tilespmem:s30+$0xC20] =	vst v2;
	v1 =	vsub.f32 v1, v7;
	v11 =	vld [tilespmem:$0x1E530]  }
0x2e2: {  	v2 =	vld [tilespmem:$0x1E3B0]  }
0x2e3: {  	v14 =	vld [tilespmem:s28+$0x1000];
	v4 =	vsub.f32 v4, v9;
	v1 =	vmul.f32 v8, v1  }
0x2e4: {  	v18 =	vadd.f32 v5, v3;
	v13 =	vld [tilespmem:$0x1E6B0]  }
0x2e5: {  	v3 =	vld [tilespmem:s29+$0x400];
	v4 =	vmul.f32 v4, v10;
	v1 =	vmul.f32 v1, v0  }
0x2e6: {  	v5 =	vld [tilespmem:s26+$0x40];
	[tilespmem:s29+$0x70] =	vst v18;
	v0 =	vadd.f32 v6, v15  }
0x2e7: {  	v6 =	vld [tilespmem:s1+$0x400];
	v2 =	vmul.f32 v4, v2;
	v1 =	vadd.f32 v1, v11  }
0x2e8: {  	v4 =	vld [tilespmem:s30+$0xC40];
	[tilespmem:s28+$0xC70] =	vst v0  }
0x2e9: {  	v2 =	vadd.f32 v2, v13;
	v11 =	vld [tilespmem:s4+$0x1000];
	[tilespmem:s26+$0x30] =	vst v1  }
0x2ea: {  	v1 =	vld [tilespmem:$0x1E240]  }
0x2eb: {  	[tilespmem:s30+$0xC30] =	vst v2;
	v2 =	vsub.f32 v5, v7;
	v13 =	vld [tilespmem:$0x1E540]  }
0x2ec: {  	v5 =	vld [tilespmem:$0x1E3C0]  }
0x2ed: {  	v31 =	vld [tilespmem:s28+$0x1010];
	v4 =	vsub.f32 v4, v9;
	v2 =	vmul.f32 v2, v8  }
0x2ee: {  	v19 =	vadd.f32 v6, v3;
	v20 =	vld [tilespmem:$0x1E6C0]  }
0x2ef: {  	v15 =	vld [tilespmem:s29+$0x410];
	v4 =	vmul.f32 v4, v10;
	v2 =	vmul.f32 v2, v1  }
0x2f0: {  	v3 =	vld [tilespmem:s26+$0x50];
	[tilespmem:s29+$0x400] =	vst v19;
	v1 =	vadd.f32 v11, v14  }
0x2f1: {  	v23 =	vld [tilespmem:s1+$0x410];
	v4 =	vmul.f32 v4, v5;
	v2 =	vadd.f32 v2, v13  }
0x2f2: {  	v5 =	vld [tilespmem:s30+$0xC50];
	[tilespmem:s28+$0x1000] =	vst v1  }
0x2f3: {  	v4 =	vadd.f32 v4, v20;
	v22 =	vld [tilespmem:s4+$0x1010];
	[tilespmem:s26+$0x40] =	vst v2  }
0x2f4: {  	v26 =	vld [tilespmem:$0x1E250]  }
0x2f5: {  	[tilespmem:s30+$0xC40] =	vst v4;
	v13 =	vld [tilespmem:$0x1E550]  }
0x2f6: {  	v14 =	vld [tilespmem:$0x1E3D0];
	[tilespmem:$0x1FE90] =	vst v40  }
0x2f7: {  	[tilespmem:$0x1FEA0] =	vst v41  }
0x2f8: {  	[tilespmem:$0x1FEB0] =	vst v54  }
0x2f9: {  	v29 =	vmov v56;
	[tilespmem:$0x1FEC0] =	vst v44  }
0x2fa: {  	[tilespmem:$0x1FED0] =	vst v29  }
0x2fb: {  	[tilespmem:$0x1FEE0] =	vst v46  }
0x2fc: {  	[tilespmem:$0x1FEF0] =	vst v47  }
0x2fd: {  	[tilespmem:$0x1FF00] =	vst v45  }
0x2fe: {  	[tilespmem:$0x1FF10] =	vst v48  }
0x2ff: {  	[tilespmem:$0x1FF20] =	vst v50  }
0x300: {  	[tilespmem:$0x1FF30] =	vst v51  }
0x301: {  	[tilespmem:$0x1FF40] =	vst v53  }
0x302: {  	[tilespmem:$0x1FF50] =	vst v28  }
0x303: {  	[tilespmem:$0x1FF60] =	vst v30  }
0x304: {  	[tilespmem:$0x1FF70] =	vst v38  }
0x305: {  	v56 =	vmovc v39;
	v42 =	vmov v54;
	s5 =	simm.s32 $0x4;
	v6 =	vsub.f32 v3, v7;
	v27 =	vsub.f32 v5, v9;
	[tilespmem:$0x1FF80] =	vst v37  }
.LBB2_3:
0x306: {  	_ = 	snop  }
0x307: {  	v54 =	vmovc v28;
	v28 =	vmov v55;
	v55 =	vmov v17;
	v17 =	vld [tilespmem:$0x1E6D0];
	v6 =	vmul.f32 v6, v8  }
0x308: {  	v5 =	vmovc v47;
	v47 =	vmovc v19;
	v4 =	vmov v46;
	v46 =	vmov v18;
	v18 =	vld [tilespmem:s28+$0x1020];
	v19 =	vmul.f32 v27, v10  }
0x309: {  	v20 =	vmov v45;
	v6 =	vmul.f32 v6, v26;
	v45 =	vadd.f32 v23, v15;
	v15 =	vld [tilespmem:s29+$0x420]  }
0x30a: {  	v35 =	vmovc v37;
	v37 =	vmovc v30;
	v30 =	vmov v29;
	v29 =	vadd.f32 v22, v31;
	v22 =	vld [tilespmem:s26+$0x60];
	v14 =	vmul.f32 v19, v14  }
0x30b: {  	v6 =	vadd.f32 v6, v13;
	v13 =	vld [tilespmem:s30+$0xC60];
	[tilespmem:s29+$0x410] =	vst v45  }
0x30c: {  	v14 =	vadd.f32 v14, v17;
	v19 =	vld [tilespmem:s1+$0x420];
	[tilespmem:s28+$0x1010] =	vst v29  }
0x30d: {  	v17 =	vld [tilespmem:s4+$0x1020];
	[tilespmem:s26+$0x50] =	vst v6  }
0x30e: {  	v6 =	vld [tilespmem:$0x1E260];
	[tilespmem:s30+$0xC50] =	vst v14  }
0x30f: {  	v14 =	vsub.f32 v22, v7;
	v22 =	vld [tilespmem:$0x1E3E0]  }
0x310: {  	v23 =	vld [tilespmem:$0x1E560];
	v13 =	vsub.f32 v13, v9  }
0x311: {  	v26 =	vld [tilespmem:$0x1E6E0];
	v14 =	vmul.f32 v14, v8  }
0x312: {  	v27 =	vld [tilespmem:s28+$0x1030];
	v13 =	vmul.f32 v13, v10  }
0x313: {  	v21 =	vmov v48;
	v48 =	vadd.f32 v19, v15;
	v15 =	vld [tilespmem:s29+$0x430];
	v6 =	vmul.f32 v14, v6  }
0x314: {  	v17 =	vadd.f32 v17, v18;
	v14 =	vld [tilespmem:s26+$0x70];
	v13 =	vmul.f32 v13, v22  }
0x315: {  	v18 =	vld [tilespmem:s30+$0xC70];
	[tilespmem:s29+$0x420] =	vst v48;
	v6 =	vadd.f32 v6, v23  }
0x316: {  	v19 =	vld [tilespmem:s1+$0x430];
	[tilespmem:s28+$0x1020] =	vst v17;
	v13 =	vadd.f32 v13, v26  }
0x317: {  	v22 =	vld [tilespmem:s4+$0x1030];
	[tilespmem:s26+$0x60] =	vst v6  }
0x318: {  	v6 =	vld [tilespmem:$0x1E270];
	[tilespmem:s30+$0xC60] =	vst v13  }
0x319: {  	v13 =	vsub.f32 v14, v7;
	v14 =	vld [tilespmem:$0x1E3F0]  }
0x31a: {  	v18 =	vsub.f32 v18, v9;
	v23 =	vld [tilespmem:$0x1E570]  }
0x31b: {  	v26 =	vld [tilespmem:$0x1E6F0];
	v13 =	vmul.f32 v13, v8  }
0x31c: {  	v25 =	vmov v53;
	v31 =	vld [tilespmem:s28+$0x1040];
	v53 =	vmul.f32 v18, v10  }
0x31d: {  	v33 =	vmovc v38;
	v38 =	vmov v50;
	v50 =	vadd.f32 v19, v15;
	v15 =	vld [tilespmem:s29+$0x440];
	v6 =	vmul.f32 v13, v6  }
0x31e: {  	v18 =	vadd.f32 v22, v27;
	v13 =	vld [tilespmem:s26+$0x400];
	v14 =	vmul.f32 v53, v14  }
0x31f: {  	v19 =	vld [tilespmem:s30+$0x1000];
	[tilespmem:s29+$0x430] =	vst v50;
	v6 =	vadd.f32 v6, v23  }
0x320: {  	v22 =	vld [tilespmem:s1+$0x440];
	[tilespmem:s28+$0x1030] =	vst v18;
	v14 =	vadd.f32 v14, v26  }
0x321: {  	v23 =	vld [tilespmem:s4+$0x1040];
	[tilespmem:s26+$0x70] =	vst v6  }
0x322: {  	v6 =	vld [tilespmem:$0x1E280];
	[tilespmem:s30+$0xC70] =	vst v14  }
0x323: {  	v13 =	vsub.f32 v13, v7;
	v14 =	vld [tilespmem:$0x1E400]  }
0x324: {  	v19 =	vsub.f32 v19, v9;
	v26 =	vld [tilespmem:$0x1E580]  }
0x325: {  	v3 =	vmov v44;
	v27 =	vld [tilespmem:$0x1E700];
	v13 =	vmul.f32 v13, v8  }
0x326: {  	v44 =	vmovc v41;
	v12 =	vmovc v40;
	v41 =	vmov v58;
	v40 =	vmov v49;
	v49 =	vld [tilespmem:s28+$0x1050];
	v58 =	vmul.f32 v19, v10  }
0x327: {  	v24 =	vmov v51;
	v51 =	vadd.f32 v22, v15;
	v15 =	vld [tilespmem:s29+$0x450];
	v6 =	vmul.f32 v13, v6  }
0x328: {  	v19 =	vadd.f32 v23, v31;
	v13 =	vld [tilespmem:s26+$0x410];
	v14 =	vmul.f32 v58, v14  }
0x329: {  	v22 =	vld [tilespmem:s30+$0x1010];
	[tilespmem:s29+$0x440] =	vst v51;
	v6 =	vadd.f32 v6, v26  }
0x32a: {  	v23 =	vld [tilespmem:s1+$0x450];
	[tilespmem:s28+$0x1040] =	vst v19;
	v14 =	vadd.f32 v14, v27  }
0x32b: {  	v26 =	vld [tilespmem:s4+$0x1050];
	[tilespmem:s26+$0x400] =	vst v6  }
0x32c: {  	v6 =	vld [tilespmem:$0x1E290];
	[tilespmem:s30+$0x1000] =	vst v14  }
0x32d: {  	v13 =	vsub.f32 v13, v7;
	v14 =	vld [tilespmem:$0x1E410]  }
0x32e: {  	v27 =	vld [tilespmem:$0x1E590]  }
0x32f: {  	v22 =	vsub.f32 v22, v9;
	v13 =	vmul.f32 v13, v8  }
0x330: {  	v11 =	vld [tilespmem:$0x1FE40]  }
0x331: {  	v22 =	vmul.f32 v22, v10;
	v31 =	vld [tilespmem:$0x1E710];
	v53 =	vadd.f32 v23, v15;
	v6 =	vmul.f32 v13, v6  }
0x332: {  	v49 =	vadd.f32 v26, v49;
	v13 =	vld [tilespmem:s26+$0x420]  }
0x333: {  	[tilespmem:s29+$0x450] =	vst v53;
	v14 =	vmul.f32 v22, v14;
	v22 =	vld [tilespmem:s30+$0x1020];
	v6 =	vadd.f32 v6, v27  }
0x334: {  	v23 =	vld [tilespmem:s1+$0x460];
	[tilespmem:s28+$0x1050] =	vst v49  }
0x335: {  	v26 =	vld [tilespmem:s4+$0x1060];
	[tilespmem:s26+$0x410] =	vst v6  }
0x336: {  	v27 =	vld [tilespmem:$0x1E2A0]  }
0x337: {  	v13 =	vsub.f32 v13, v7  }
0x338: {  	v14 =	vadd.f32 v14, v31  }
0x339: {  	v15 =	vld [tilespmem:s29+$0x460];
	v13 =	vmul.f32 v13, v8  }
0x33a: {  	v6 =	vadd.f32 $0.0e+00, v11;
	[tilespmem:s30+$0x1010] =	vst v14;
	v14 =	vmul.f32 v11, v11;
	v11 =	vmov v28;
	v28 =	vld [tilespmem:$0x1FE90]  }
0x33b: {  	v13 =	vmul.f32 v13, v27;
	v27 =	vld [tilespmem:$0x1FEA0];
	_ =	sdelay $0x1  }
0x33c: {  	v31 =	vmul.f32 v39, v56;
	v6 =	vadd.f32 v56, v6  }
0x33d: {  	v2 =	vmov v42;
	v42 =	vmov v60  }
0x33e: {  	v14 =	vadd.f32 v31, v14;
	v31 =	vmul.f32 v12, v28;
	v6 =	vadd.f32 v28, v6;
	v28 =	vmovc v41  }
0x33f: {  	[tilespmem:$0x1FE90] =	vst v28;
	v28 =	vadd.f32 v23, v15;
	v23 =	vmul.f32 v44, v27;
	v44 =	vmovc v16;
	v16 =	vmov v42  }
0x340: {  	[tilespmem:$0x1FEA0] =	vst v16;
	v16 =	vld [tilespmem:$0x1FEB0];
	_ =	sdelay $0x2  }
0x341: {  	v14 =	vadd.f32 v31, v14;
	_ =	sdelay $0x1  }
0x342: {  	v14 =	vadd.f32 v23, v14;
	v2 =	vmul.f32 v2, v16  }
0x343: {  	v6 =	vadd.f32 v27, v6  }
0x344: {  	v2 =	vadd.f32 v2, v14;
	v14 =	vld [tilespmem:$0x1FEC0]  }
0x345: {  	v6 =	vadd.f32 v16, v6;
	v16 =	vmov v44  }
0x346: {  	[tilespmem:$0x1FEC0] =	vst v16;
	v16 =	vld [tilespmem:$0x1FED0]  }
0x347: {  	v60 =	vld [tilespmem:s28+$0x1060]  }
0x348: {  	v58 =	vld [tilespmem:$0x1E420]  }
0x349: {  	[tilespmem:$0x1FE40] =	vst v11;
	v11 =	vld [tilespmem:$0x1E5A0];
	v3 =	vmul.f32 v3, v14;
	v6 =	vadd.f32 v14, v6  }
0x34a: {  	v39 =	vld [tilespmem:s28+$0x1070];
	v22 =	vsub.f32 v22, v9  }
0x34b: {  	v12 =	vld [tilespmem:$0x1E720];
	v2 =	vadd.f32 v3, v2;
	v3 =	vmul.f32 v30, v16;
	v6 =	vadd.f32 v16, v6;
	v16 =	vmovc v55  }
0x34c: {  	v22 =	vmul.f32 v22, v10;
	[tilespmem:$0x1FED0] =	vst v16;
	v16 =	vld [tilespmem:$0x1FEE0]  }
0x34d: {  	v31 =	vadd.f32 v26, v60;
	v26 =	vld [tilespmem:s26+$0x430]  }
0x34e: {  	v22 =	vmul.f32 v22, v58;
	v60 =	vadd.f32 v13, v11;
	v13 =	vld [tilespmem:s30+$0x1030];
	[tilespmem:s29+$0x460] =	vst v28  }
0x34f: {  	v27 =	vld [tilespmem:s1+$0x470];
	[tilespmem:s28+$0x1060] =	vst v31  }
0x350: {  	v12 =	vadd.f32 v22, v12;
	v22 =	vld [tilespmem:s4+$0x1070]  }
0x351: {  	v11 =	vmov v63;
	[tilespmem:s26+$0x420] =	vst v60;
	v4 =	vmul.f32 v4, v16;
	v6 =	vadd.f32 v16, v6;
	v16 =	vld [tilespmem:$0x1FEF0]  }
0x352: {  	v15 =	vld [tilespmem:s29+$0x470];
	[tilespmem:$0x1FEB0] =	vst v11  }
0x353: {  	v11 =	vld [tilespmem:$0x1E2B0];
	[tilespmem:s30+$0x1020] =	vst v12  }
0x354: {  	v14 =	vld [tilespmem:$0x1E430];
	v2 =	vadd.f32 v3, v2  }
0x355: {  	v12 =	vsub.f32 v26, v7;
	v13 =	vsub.f32 v13, v9  }
0x356: {  	v23 =	vld [tilespmem:$0x1E5B0];
	v2 =	vadd.f32 v4, v2;
	v4 =	vmul.f32 v5, v16;
	v6 =	vadd.f32 v16, v6;
	v16 =	vmovc v47  }
0x357: {  	v12 =	vmul.f32 v12, v8;
	v13 =	vmul.f32 v13, v10;
	v30 =	vadd.f32 v27, v15;
	[tilespmem:$0x1FEF0] =	vst v16;
	v16 =	vld [tilespmem:$0x1FF00]  }
0x358: {  	v26 =	vld [tilespmem:$0x1E730];
	v60 =	vadd.f32 v22, v39  }
0x359: {  	v11 =	vmul.f32 v12, v11;
	v12 =	vld [tilespmem:s26+$0x440];
	[tilespmem:s29+$0x470] =	vst v30;
	v13 =	vmul.f32 v13, v14;
	v14 =	vmov v46  }
0x35a: {  	[tilespmem:$0x1FEE0] =	vst v14;
	v14 =	vld [tilespmem:s1+$0x800]  }
0x35b: {  	v5 =	vadd.f32 v11, v23;
	v11 =	vld [tilespmem:s30+$0x1040];
	[tilespmem:s28+$0x1070] =	vst v60  }
0x35c: {  	v2 =	vadd.f32 v4, v2;
	v4 =	vmul.f32 v20, v16;
	v20 =	vld [tilespmem:s4+$0x1400]  }
0x35d: {  	[tilespmem:s26+$0x430] =	vst v5;
	v5 =	vadd.f32 v16, v6;
	v16 =	vld [tilespmem:$0x1FF10];
	_ =	sdelay $0x4  }
0x35e: {  	v2 =	vadd.f32 v4, v2;
	v4 =	vmul.f32 v21, v16;
	v5 =	vadd.f32 v16, v5;
	v16 =	vmovc v48  }
0x35f: {  	[tilespmem:$0x1FF10] =	vst v16;
	v16 =	vld [tilespmem:$0x1FF20];
	_ =	sdelay $0x1  }
0x360: {  	v12 =	vsub.f32 v12, v7;
	v6 =	vld [tilespmem:$0x1E2C0]  }
0x361: {  	v22 =	vadd.f32 v13, v26  }
0x362: {  	v12 =	vmul.f32 v12, v8;
	v15 =	vld [tilespmem:s29+$0x800]  }
0x363: {  	v3 =	vld [tilespmem:s28+$0x1400];
	v13 =	vmov v45;
	[tilespmem:s30+$0x1030] =	vst v22;
	v2 =	vadd.f32 v4, v2;
	v4 =	vmul.f32 v38, v16  }
0x364: {  	[tilespmem:$0x1FF00] =	vst v13;
	v13 =	vld [tilespmem:$0x1E440]  }
0x365: {  	v11 =	vsub.f32 v11, v9;
	v2 =	vadd.f32 v4, v2;
	v4 =	vmul.f32 v12, v6;
	v12 =	vld [tilespmem:$0x1FF30]  }
0x366: {  	v22 =	vld [tilespmem:$0x1E5C0]  }
0x367: {  	v11 =	vmul.f32 v11, v10;
	v5 =	vadd.f32 v16, v5;
	v16 =	vmovc v50;
	v38 =	vadd.f32 v14, v15;
	v15 =	vld [tilespmem:$0x1FF40]  }
0x368: {  	[tilespmem:$0x1FF20] =	vst v16  }
0x369: {  	v23 =	vld [tilespmem:$0x1E740];
	v21 =	vadd.f32 v20, v3;
	v11 =	vmul.f32 v11, v13;
	v13 =	vmov v51;
	[tilespmem:s29+$0x800] =	vst v38  }
0x36a: {  	[tilespmem:$0x1FF30] =	vst v13;
	v6 =	vmul.f32 v24, v12;
	v5 =	vadd.f32 v12, v5  }
0x36b: {  	v13 =	vld [tilespmem:s1+$0x810];
	[tilespmem:s28+$0x1400] =	vst v21;
	v16 =	vadd.f32 v4, v22  }
0x36c: {  	v2 =	vadd.f32 v6, v2;
	v6 =	vmul.f32 v25, v15;
	v5 =	vadd.f32 v15, v5;
	v15 =	vld [tilespmem:s4+$0x1410]  }
0x36d: {  	[tilespmem:s26+$0x440] =	vst v16;
	v16 =	vld [tilespmem:$0x1FF50];
	_ =	sdelay $0x3  }
0x36e: {  	v11 =	vadd.f32 v11, v23;
	v4 =	vmov v53;
	v12 =	vld [tilespmem:s30+$0x1050]  }
0x36f: {  	[tilespmem:$0x1FF40] =	vst v4;
	v4 =	vmul.f32 v54, v16;
	v5 =	vadd.f32 v16, v5;
	v16 =	vmov v28  }
0x370: {  	[tilespmem:$0x1FF50] =	vst v16;
	v16 =	vld [tilespmem:$0x1FF60]  }
0x371: {  	v2 =	vadd.f32 v6, v2;
	v6 =	vld [tilespmem:$0x1E2D0];
	[tilespmem:s30+$0x1040] =	vst v11  }
0x372: {  	v11 =	vld [tilespmem:$0x1E450]  }
0x373: {  	v3 =	vld [tilespmem:s26+$0x450];
	v12 =	vsub.f32 v12, v9  }
0x374: {  	v14 =	vld [tilespmem:s29+$0x810];
	v2 =	vadd.f32 v4, v2;
	v4 =	vmov v30  }
0x375: {  	[tilespmem:$0x1FF60] =	vst v4;
	v4 =	vld [tilespmem:$0x1FF70];
	v24 =	vmul.f32 v37, v16;
	v5 =	vadd.f32 v16, v5;
	v16 =	vmul.f32 v12, v10;
	_ =	sdelay $0x1  }
0x376: {  	v11 =	vmul.f32 v16, v11;
	v16 =	vld [tilespmem:$0x1FF80];
	_ =	sdelay $0x1  }
0x377: {  	v26 =	vld [tilespmem:s28+$0x1410];
	v3 =	vsub.f32 v3, v7  }
0x378: {  	v37 =	vadd.f32 v13, v14;
	v5 =	vadd.f32 v4, v5  }
0x379: {  	v3 =	vmul.f32 v3, v8;
	v20 =	vld [tilespmem:$0x1E5D0];
	v12 =	vmov v38  }
0x37a: {  	v23 =	vld [tilespmem:s28+$0x1420];
	[tilespmem:$0x1FF70] =	vst v12;
	v12 =	vmul.f32 v35, v16;
	v5 =	vadd.f32 v16, v5;
	v16 =	vmov v37  }
0x37b: {  	v3 =	vmul.f32 v3, v6;
	[tilespmem:$0x1FF80] =	vst v16;
	v16 =	vld [tilespmem:$0x1FE50]  }
0x37c: {  	v22 =	vld [tilespmem:$0x1E750];
	v2 =	vadd.f32 v24, v2;
	v14 =	vmul.f32 v33, v4;
	v4 =	vadd.f32 v15, v26  }
0x37d: {  	v13 =	vld [tilespmem:s29+$0x820];
	[tilespmem:s29+$0x810] =	vst v37  }
0x37e: {  	v3 =	vadd.f32 v3, v20;
	v15 =	vld [tilespmem:s1+$0x820];
	v2 =	vadd.f32 v14, v2;
	[tilespmem:s28+$0x1410] =	vst v4  }
0x37f: {  	v20 =	vld [tilespmem:s4+$0x1420]  }
0x380: {  	[tilespmem:s26+$0x450] =	vst v3;
	v2 =	vadd.f32 v12, v2;
	v12 =	vmul.f32 v16, v16;
	v3 =	vadd.f32 v16, v5;
	v16 =	vld [tilespmem:$0x1FE60]  }
0x381: {  	v25 =	vld [tilespmem:$0x1FE70]  }
0x382: {  	v6 =	vld [tilespmem:s26+$0x460];
	v11 =	vadd.f32 v11, v22  }
0x383: {  	v14 =	vld [tilespmem:s30+$0x1060]  }
0x384: {  	v5 =	vld [tilespmem:$0x1E2E0];
	[tilespmem:s30+$0x1050] =	vst v11  }
0x385: {  	v22 =	vld [tilespmem:$0x1E5E0];
	v11 =	vmul.f32 v16, v16;
	v3 =	vadd.f32 v16, v3;
	v16 =	vadd.f32 v15, v13  }
0x386: {  	v24 =	vld [tilespmem:$0x1E760]  }
0x387: {  	v2 =	vadd.f32 v12, v2;
	v12 =	vld [tilespmem:$0x1E460];
	[tilespmem:$0x1FE50] =	vst v16  }
0x388: {  	v6 =	vsub.f32 v6, v7;
	v14 =	vsub.f32 v14, v9;
	[tilespmem:s29+$0x820] =	vst v16;
	v16 =	vld [tilespmem:$0x1FE80]  }
0x389: {  	v2 =	vadd.f32 v11, v2;
	v11 =	vmul.f32 v25, v25  }
0x38a: {  	v6 =	vmul.f32 v6, v8;
	v14 =	vmul.f32 v14, v10;
	v3 =	vadd.f32 v25, v3  }
0x38b: {  	v13 =	vld [tilespmem:s28+$0x1430];
	v25 =	vmul.f32 v32, v32;
	v11 =	vadd.f32 v11, v2  }
0x38c: {  	v15 =	vld [tilespmem:s29+$0x830];
	v5 =	vmul.f32 v6, v5;
	v12 =	vmul.f32 v14, v12;
	v3 =	vadd.f32 v32, v3  }
0x38d: {  	v6 =	vld [tilespmem:s26+$0x470];
	v2 =	vadd.f32 v20, v23;
	v11 =	vadd.f32 v25, v11;
	v14 =	vmul.f32 v16, v16  }
0x38e: {  	v5 =	vadd.f32 v5, v22;
	v20 =	vld [tilespmem:s30+$0x1070];
	v3 =	vadd.f32 v16, v3  }
0x38f: {  	v22 =	vld [tilespmem:s1+$0x830];
	v12 =	vadd.f32 v12, v24;
	[tilespmem:s28+$0x1420] =	vst v2;
	v11 =	vadd.f32 v14, v11;
	v14 =	vmul.f32 v34, v34  }
0x390: {  	v23 =	vld [tilespmem:s4+$0x1430];
	[tilespmem:s26+$0x460] =	vst v5;
	v3 =	vadd.f32 v34, v3  }
0x391: {  	v5 =	vld [tilespmem:$0x1E2F0];
	[tilespmem:s30+$0x1060] =	vst v12;
	v12 =	vmul.f32 v36, v36;
	v11 =	vadd.f32 v14, v11  }
0x392: {  	v6 =	vsub.f32 v6, v7;
	v14 =	vld [tilespmem:$0x1E470];
	v3 =	vadd.f32 v36, v3  }
0x393: {  	v24 =	vld [tilespmem:$0x1E5F0];
	v20 =	vsub.f32 v20, v9;
	v11 =	vadd.f32 v12, v11;
	v12 =	vmul.f32 v43, v43  }
0x394: {  	v6 =	vmul.f32 v6, v8;
	v16 =	vadd.f32 v22, v15;
	v25 =	vld [tilespmem:$0x1E770];
	v3 =	vadd.f32 v43, v3  }
0x395: {  	v15 =	vld [tilespmem:s28+$0x1440];
	v20 =	vmul.f32 v20, v10;
	v11 =	vadd.f32 v12, v11;
	v12 =	vmul.f32 v52, v52  }
0x396: {  	v22 =	vld [tilespmem:s29+$0x840];
	v5 =	vmul.f32 v6, v5;
	v6 =	vadd.f32 v52, v3;
	v3 =	vadd.f32 v23, v13  }
0x397: {  	v13 =	vld [tilespmem:s26+$0x800];
	v14 =	vmul.f32 v20, v14;
	v11 =	vadd.f32 v12, v11;
	v12 =	vmul.f32 v57, v57  }
0x398: {  	[tilespmem:s29+$0x830] =	vst v16;
	v5 =	vadd.f32 v5, v24;
	v20 =	vld [tilespmem:s30+$0x1400];
	v6 =	vadd.f32 v57, v6  }
0x399: {  	v23 =	vld [tilespmem:s1+$0x840];
	[tilespmem:s28+$0x1430] =	vst v3;
	v14 =	vadd.f32 v14, v25;
	v11 =	vadd.f32 v12, v11;
	v12 =	vmul.f32 v59, v59  }
0x39a: {  	v24 =	vld [tilespmem:s4+$0x1440];
	[tilespmem:s26+$0x470] =	vst v5;
	v5 =	vadd.f32 v59, v6  }
0x39b: {  	v6 =	vld [tilespmem:$0x1E300];
	[tilespmem:s30+$0x1070] =	vst v14;
	v11 =	vadd.f32 v12, v11;
	v12 =	vmul.f32 v61, v61  }
0x39c: {  	v13 =	vsub.f32 v13, v7;
	v14 =	vld [tilespmem:$0x1E480];
	v5 =	vadd.f32 v61, v5  }
0x39d: {  	v25 =	vld [tilespmem:$0x1E600];
	v20 =	vsub.f32 v20, v9;
	v11 =	vadd.f32 v12, v11;
	v12 =	vmul.f32 v62, v62  }
0x39e: {  	[tilespmem:$0x1FE60] =	vst v16;
	v26 =	vld [tilespmem:$0x1E780];
	v16 =	vadd.f32 v23, v22;
	v13 =	vmul.f32 v13, v8;
	v5 =	vadd.f32 v62, v5  }
0x39f: {  	v22 =	vld [tilespmem:s28+$0x1450];
	v20 =	vmul.f32 v20, v10;
	v11 =	vadd.f32 v12, v11;
	v12 =	vmul.f32 v0, v0  }
0x3a0: {  	v23 =	vld [tilespmem:s29+$0x850];
	v6 =	vmul.f32 v13, v6;
	v5 =	vadd.f32 v0, v5;
	v0 =	vadd.f32 v24, v15  }
0x3a1: {  	v13 =	vld [tilespmem:s26+$0x810];
	v14 =	vmul.f32 v20, v14;
	v11 =	vadd.f32 v12, v11;
	v12 =	vmul.f32 v1, v1  }
0x3a2: {  	[tilespmem:s29+$0x840] =	vst v16;
	v15 =	vld [tilespmem:s30+$0x1410];
	v6 =	vadd.f32 v6, v25;
	v1 =	vadd.f32 v1, v5  }
0x3a3: {  	v20 =	vld [tilespmem:s1+$0x850];
	[tilespmem:s28+$0x1440] =	vst v0;
	v5 =	vadd.f32 v14, v26;
	v11 =	vadd.f32 v12, v11;
	v12 =	vmul.f32 v29, v29  }
0x3a4: {  	v14 =	vld [tilespmem:s4+$0x1450];
	[tilespmem:s26+$0x800] =	vst v6;
	v1 =	vadd.f32 v29, v1  }
0x3a5: {  	v6 =	vld [tilespmem:$0x1E310];
	[tilespmem:s30+$0x1400] =	vst v5;
	v5 =	vadd.f32 v12, v11;
	v11 =	vmul.f32 v17, v17  }
0x3a6: {  	v12 =	vsub.f32 v13, v7;
	v13 =	vld [tilespmem:$0x1E490];
	v1 =	vadd.f32 v17, v1  }
0x3a7: {  	[tilespmem:$0x1FE70] =	vst v16;
	v15 =	vsub.f32 v15, v9;
	v16 =	vld [tilespmem:$0x1E610];
	v5 =	vadd.f32 v11, v5;
	v11 =	vmul.f32 v18, v18  }
0x3a8: {  	v17 =	vld [tilespmem:$0x1E790];
	v32 =	vadd.f32 v20, v23;
	v12 =	vmul.f32 v12, v8;
	v1 =	vadd.f32 v18, v1  }
0x3a9: {  	v20 =	vld [tilespmem:s29+$0x860];
	v15 =	vmul.f32 v15, v10;
	v5 =	vadd.f32 v11, v5;
	v11 =	vmul.f32 v19, v19  }
0x3aa: {  	v18 =	vld [tilespmem:s28+$0x1460];
	v6 =	vmul.f32 v12, v6;
	v1 =	vadd.f32 v19, v1;
	v12 =	vadd.f32 v14, v22  }
0x3ab: {  	v14 =	vld [tilespmem:s26+$0x820];
	v13 =	vmul.f32 v15, v13;
	v5 =	vadd.f32 v11, v5;
	v11 =	vmul.f32 v49, v49  }
0x3ac: {  	[tilespmem:s29+$0x850] =	vst v32;
	v15 =	vld [tilespmem:s30+$0x1420];
	v6 =	vadd.f32 v6, v16;
	v1 =	vadd.f32 v49, v1  }
0x3ad: {  	v16 =	vld [tilespmem:s1+$0x860];
	[tilespmem:s28+$0x1450] =	vst v12;
	v13 =	vadd.f32 v13, v17;
	v5 =	vadd.f32 v11, v5;
	v11 =	vmul.f32 v31, v31  }
0x3ae: {  	v17 =	vld [tilespmem:s4+$0x1460];
	[tilespmem:s26+$0x810] =	vst v6;
	v1 =	vadd.f32 v31, v1  }
0x3af: {  	v6 =	vld [tilespmem:$0x1E320];
	[tilespmem:s30+$0x1410] =	vst v13;
	v5 =	vadd.f32 v11, v5;
	v11 =	vmul.f32 v60, v60  }
0x3b0: {  	v13 =	vsub.f32 v14, v7;
	v14 =	vld [tilespmem:$0x1E4A0];
	v1 =	vadd.f32 v60, v1  }
0x3b1: {  	v19 =	vld [tilespmem:$0x1E620];
	v15 =	vsub.f32 v15, v9;
	v5 =	vadd.f32 v11, v5;
	v11 =	vmul.f32 v21, v21  }
0x3b2: {  	v22 =	vld [tilespmem:$0x1E7A0];
	v13 =	vmul.f32 v13, v8;
	v23 =	vadd.f32 v16, v20;
	v1 =	vadd.f32 v21, v1  }
0x3b3: {  	v16 =	vld [tilespmem:s28+$0x1470];
	v15 =	vmul.f32 v15, v10;
	v5 =	vadd.f32 v11, v5;
	v11 =	vmul.f32 v4, v4  }
0x3b4: {  	v20 =	vld [tilespmem:s29+$0x870];
	v6 =	vmul.f32 v13, v6;
	v1 =	vadd.f32 v4, v1;
	v4 =	vadd.f32 v17, v18  }
0x3b5: {  	v13 =	vld [tilespmem:s26+$0x830];
	v14 =	vmul.f32 v15, v14;
	v5 =	vadd.f32 v11, v5;
	v11 =	vmul.f32 v2, v2  }
0x3b6: {  	[tilespmem:s29+$0x860] =	vst v23;
	v15 =	vld [tilespmem:s30+$0x1430];
	v6 =	vadd.f32 v6, v19;
	v1 =	vadd.f32 v2, v1  }
0x3b7: {  	v17 =	vld [tilespmem:s1+$0x870];
	[tilespmem:s28+$0x1460] =	vst v4;
	v2 =	vadd.f32 v14, v22;
	v5 =	vadd.f32 v11, v5;
	v11 =	vmul.f32 v3, v3  }
0x3b8: {  	v14 =	vld [tilespmem:s4+$0x1470];
	[tilespmem:s26+$0x820] =	vst v6;
	v1 =	vadd.f32 v3, v1  }
0x3b9: {  	v3 =	vld [tilespmem:$0x1E330];
	[tilespmem:s30+$0x1420] =	vst v2;
	v2 =	vadd.f32 v11, v5;
	v5 =	vmul.f32 v0, v0  }
0x3ba: {  	v6 =	vsub.f32 v13, v7;
	v11 =	vld [tilespmem:$0x1E4B0];
	v0 =	vadd.f32 v0, v1  }
0x3bb: {  	v1 =	vld [tilespmem:$0x1E630];
	v13 =	vsub.f32 v15, v9;
	v2 =	vadd.f32 v5, v2  }
0x3bc: {  	s16 =	sshrl.u32 s5, $0x3;
	v5 =	vmul.f32 v6, v8;
	v6 =	vld [tilespmem:$0x1E7B0];
	v0 =	vadd.f32 v12, v0;
	v12 =	vmul.f32 v12, v12  }
0x3bd: {  	s4 =	smov.u32 s1;
	s1 =	smul.u32 $0x1800, s16;
	v15 =	vld [tilespmem:s29+$0xC00];
	v13 =	vmul.f32 v13, v10  }
0x3be: {  	s3 =	sadd.s32 $0x80, s3;
	v34 =	vadd.f32 v17, v20;
	v3 =	vmul.f32 v5, v3;
	v2 =	vadd.f32 v12, v2;
	v12 =	vld [tilespmem:s26+$0x840]  }
0x3bf: {  	s16 =	sand.u32 $0x380, s3;
	s14 =	sadd.s32 s1, s25;
	s1 =	sadd.s32 s1, s31;
	v5 =	vadd.f32 v4, v0;
	v0 =	vadd.f32 v14, v16;
	v16 =	vld [tilespmem:$0x1FFF0];
	v11 =	vmul.f32 v13, v11  }
0x3c0: {  	s1 =	sadd.s32 s16, s1;
	v4 =	vmul.f32 v4, v4;
	v1 =	vadd.f32 v3, v1;
	v3 =	vld [tilespmem:s30+$0x1440]  }
0x3c1: {  	v13 =	vld [tilespmem:s1+$0x0];
	[tilespmem:s29+$0x870] =	vst v34;
	v6 =	vadd.f32 v11, v6  }
0x3c2: {  	v2 =	vadd.f32 v4, v2;
	v4 =	vadd.f32 v0, v5;
	v5 =	vmul.f32 v0, v0;
	v11 =	vld [tilespmem:s4+$0xC00];
	[tilespmem:s26+$0x830] =	vst v1  }
0x3c3: {  	v1 =	vld [tilespmem:$0x1E340];
	[tilespmem:s30+$0x1430] =	vst v6  }
0x3c4: {  	s14 =	sadd.s32 s16, s14;
	v2 =	vadd.f32 v5, v2;
	v5 =	vperm.xlane v4, v16;
	v6 =	vsub.f32 v12, v7;
	v12 =	vld [tilespmem:$0x1E4C0]  }
0x3c5: {  	v18 =	vld [tilespmem:s14+$0x0];
	v3 =	vsub.f32 v3, v9  }
0x3c6: {  	v4 =	vadd.f32 v5, v4;
	v5 =	vperm.xlane v2, v16;
	v16 =	vld [tilespmem:$0x1E7C0]  }
0x3c7: {  	v19 =	vld [tilespmem:$0x1FFE0];
	v3 =	vmul.f32 v3, v10  }
0x3c8: {  	v17 =	vld [tilespmem:s14+$0x10]  }
0x3c9: {  	v14 =	vld [tilespmem:$0x1E640];
	v3 =	vmul.f32 v3, v12  }
0x3ca: {  	v29 =	vmov v55;
	v55 =	vadd.f32 v13, v18;
	v13 =	vld [tilespmem:s29+$0xC10];
	v6 =	vmul.f32 v6, v8  }
0x3cb: {  	v36 =	vadd.f32 v11, v15;
	v3 =	vadd.f32 v3, v16;
	v16 =	vld [tilespmem:$0x1FFC0]  }
0x3cc: {  	v11 =	vld [tilespmem:s30+$0x1450];
	v18 =	vperm.xlane v4, v19;
	v2 =	vadd.f32 v5, v2;
	v1 =	vmul.f32 v6, v1  }
0x3cd: {  	[tilespmem:s14+$0x0] =	vst v55;
	v5 =	vld [tilespmem:s26+$0x850]  }
0x3ce: {  	v4 =	vadd.f32 v18, v4;
	v6 =	vperm.xlane v2, v19;
	v12 =	vld [tilespmem:s1+$0x10];
	v1 =	vadd.f32 v1, v14  }
0x3cf: {  	[tilespmem:s29+$0xC00] =	vst v36;
	v18 =	vld [tilespmem:$0x1FFD0]  }
0x3d0: {  	v14 =	vld [tilespmem:s4+$0xC10];
	v2 =	vadd.f32 v6, v2;
	[tilespmem:s26+$0x840] =	vst v1;
	v15 =	vperm.xlane v4, v16  }
0x3d1: {  	v1 =	vld [tilespmem:$0x1E350];
	[tilespmem:s30+$0x1440] =	vst v3  }
0x3d2: {  	v5 =	vsub.f32 v5, v7;
	v6 =	vld [tilespmem:$0x1E4D0];
	v3 =	vadd.f32 v15, v4;
	v4 =	vperm.xlane v2, v16  }
0x3d3: {  	v11 =	vsub.f32 v11, v9;
	v15 =	vld [tilespmem:$0x1E650]  }
0x3d4: {  	v16 =	vperm.xlane v3, v18;
	v2 =	vadd.f32 v4, v2;
	v4 =	vmul.f32 v5, v8;
	v5 =	vld [tilespmem:$0x1E7D0]  }
0x3d5: {  	v11 =	vmul.f32 v11, v10;
	v49 =	vadd.f32 v12, v17;
	v12 =	vld [tilespmem:s29+$0xC20]  }
0x3d6: {  	v17 =	vld [tilespmem:s14+$0x20];
	v3 =	vadd.f32 v16, v3;
	v16 =	vperm.xlane v2, v18;
	v1 =	vmul.f32 v4, v1  }
0x3d7: {  	v43 =	vadd.f32 v14, v13;
	v6 =	vmul.f32 v11, v6;
	v4 =	vld [tilespmem:s26+$0x860]  }
0x3d8: {  	v11 =	vld [tilespmem:s30+$0x1460];
	[tilespmem:s14+$0x10] =	vst v49;
	v3 =	vmul.f32 $1.302083370e-03, v3;
	v2 =	vadd.f32 v16, v2;
	v1 =	vadd.f32 v1, v15  }
0x3d9: {  	v13 =	vld [tilespmem:s1+$0x20];
	[tilespmem:s29+$0xC10] =	vst v43;
	v5 =	vadd.f32 v6, v5  }
0x3da: {  	v6 =	vld [tilespmem:s4+$0xC20];
	v2 =	vmul.f32 $1.302083370e-03, v2;
	v14 =	vmul.f32 v3, v3;
	[tilespmem:s26+$0x850] =	vst v1  }
0x3db: {  	v1 =	vld [tilespmem:$0x1E360];
	[tilespmem:s30+$0x1450] =	vst v5  }
0x3dc: {  	v4 =	vsub.f32 v4, v7;
	v2 =	vsub.f32 v2, v14;
	v5 =	vld [tilespmem:$0x1E4E0]  }
0x3dd: {  	v11 =	vsub.f32 v11, v9;
	v14 =	vld [tilespmem:$0x1E660]  }
0x3de: {  	v15 =	vld [tilespmem:$0x1E7E0];
	v4 =	vmul.f32 v4, v8;
	v2 =	vadd.f32 $9.999999960e-13, v2  }
0x3df: {  	v16 =	vld [tilespmem:s14+$0x30];
	v58 =	vadd.f32 v13, v17;
	v11 =	vmul.f32 v11, v10  }
0x3e0: {  	v13 =	vld [tilespmem:s29+$0xC30];
	v17 =	vshra.s32 v2, $0x1;
	v2 =	vmul.f32 $5.000000000e-01, v2;
	v1 =	vmul.f32 v4, v1  }
0x3e1: {  	v52 =	vadd.f32 v6, v12;
	v6 =	vld [tilespmem:s26+$0x870];
	v4 =	vsub.s32 $0x5F3759DF, v17;
	v5 =	vmul.f32 v11, v5  }
0x3e2: {  	[tilespmem:s14+$0x20] =	vst v58;
	v12 =	vld [tilespmem:s30+$0x1470];
	v11 =	vmul.f32 v4, v2;
	v1 =	vadd.f32 v1, v14  }
0x3e3: {  	v14 =	vld [tilespmem:s1+$0x30];
	[tilespmem:s29+$0xC20] =	vst v52;
	v5 =	vadd.f32 v5, v15  }
0x3e4: {  	v15 =	vld [tilespmem:s4+$0xC30];
	v11 =	vmul.f32 v4, v11;
	[tilespmem:s26+$0x860] =	vst v1  }
0x3e5: {  	v1 =	vld [tilespmem:$0x1E370];
	[tilespmem:s30+$0x1460] =	vst v5  }
0x3e6: {  	v6 =	vsub.f32 v6, v7;
	v5 =	vsub.f32 $1.500000000e+00, v11;
	v11 =	vld [tilespmem:$0x1E4F0]  }
0x3e7: {  	v12 =	vsub.f32 v12, v9;
	v9 =	vmov v7;
	v17 =	vld [tilespmem:$0x1E670]  }
0x3e8: {  	v7 =	vmovc v3;
	v60 =	vadd.f32 v14, v16;
	v3 =	vmul.f32 v4, v5;
	v4 =	vmul.f32 v6, v8;
	v5 =	vld [tilespmem:$0x1E7F0]  }
0x3e9: {  	v12 =	vmul.f32 v12, v10;
	v14 =	vld [tilespmem:s14+$0x40];
	v57 =	vadd.f32 v15, v13  }
0x3ea: {  	v6 =	vld [tilespmem:s29+$0xC40];
	[tilespmem:s14+$0x30] =	vst v60;
	v2 =	vmul.f32 v3, v2;
	v1 =	vmul.f32 v4, v1  }
0x3eb: {  	v10 =	vmov v8;
	v4 =	vld [tilespmem:s28+$0x0];
	[tilespmem:s29+$0xC30] =	vst v57;
	v8 =	vmul.f32 v12, v11  }
0x3ec: {  	v11 =	vld [tilespmem:s26+$0xC00];
	v2 =	vmul.f32 v2, v3;
	v1 =	vadd.f32 v1, v17  }
0x3ed: {  	v12 =	vld [tilespmem:s1+$0x40];
	[tilespmem:s28+$0x1470] =	vst v0;
	v0 =	vadd.f32 v8, v5  }
0x3ee: {  	v5 =	vld [tilespmem:s4+$0xC40];
	v2 =	vsub.f32 $1.500000000e+00, v2;
	[tilespmem:s26+$0x870] =	vst v1  }
0x3ef: {  	v1 =	vld [tilespmem:$0x1E200];
	[tilespmem:s30+$0x1470] =	vst v0  }
0x3f0: {  	v0 =	vsub.f32 v4, v7;
	v8 =	vmul.f32 v2, v3;
	v2 =	vld [tilespmem:$0x1E380]  }
0x3f1: {  	v3 =	vld [tilespmem:$0x1E500];
	v4 =	vsub.f32 v11, v9  }
0x3f2: {  	s30 =	smov.u32 s26;
	s26 =	smov.u32 s28;
	s28 =	smov.u32 s29;
	v11 =	vld [tilespmem:$0x1E680];
	v0 =	vmul.f32 v8, v0  }
0x3f3: {  	v56 =	vmov v40;
	v39 =	vmov v40;
	s29 =	smov.u32 s14;
	v13 =	vld [tilespmem:s28+$0xC50];
	v4 =	vmul.f32 v4, v10  }
0x3f4: {  	v40 =	vmovc v41;
	v41 =	vmovc v42;
	v42 =	vmov v63;
	v63 =	vadd.f32 v12, v14;
	v12 =	vld [tilespmem:s29+$0x50];
	v0 =	vmul.f32 v0, v1  }
0x3f5: {  	v59 =	vadd.f32 v5, v6;
	v1 =	vld [tilespmem:s26+$0x10];
	v2 =	vmul.f32 v4, v2  }
0x3f6: {  	[tilespmem:s29+$0x40] =	vst v63;
	v0 =	vadd.f32 v0, v3;
	v3 =	vld [tilespmem:s30+$0xC10]  }
0x3f7: {  	v4 =	vld [tilespmem:s1+$0x50];
	[tilespmem:s28+$0xC40] =	vst v59;
	v2 =	vadd.f32 v2, v11  }
0x3f8: {  	v5 =	vld [tilespmem:s4+$0xC50];
	[tilespmem:s26+$0x0] =	vst v0  }
0x3f9: {  	v0 =	vld [tilespmem:$0x1E210];
	[tilespmem:s30+$0xC00] =	vst v2  }
0x3fa: {  	v1 =	vsub.f32 v1, v7;
	v2 =	vld [tilespmem:$0x1E390]  }
0x3fb: {  	v6 =	vld [tilespmem:$0x1E510];
	v3 =	vsub.f32 v3, v9  }
0x3fc: {  	v11 =	vld [tilespmem:$0x1E690];
	v1 =	vmul.f32 v8, v1  }
0x3fd: {  	v14 =	vld [tilespmem:s28+$0xC60];
	v3 =	vmul.f32 v3, v10  }
0x3fe: {  	v16 =	vadd.f32 v4, v12;
	v4 =	vld [tilespmem:s29+$0x60];
	v0 =	vmul.f32 v1, v0  }
0x3ff: {  	v61 =	vadd.f32 v5, v13;
	v1 =	vld [tilespmem:s26+$0x20];
	v2 =	vmul.f32 v3, v2  }
0x400: {  	[tilespmem:s29+$0x50] =	vst v16;
	v3 =	vld [tilespmem:s30+$0xC20];
	v0 =	vadd.f32 v0, v6  }
0x401: {  	v5 =	vld [tilespmem:s1+$0x60];
	[tilespmem:s28+$0xC50] =	vst v61;
	v2 =	vadd.f32 v2, v11  }
0x402: {  	v6 =	vld [tilespmem:s4+$0xC60];
	[tilespmem:s26+$0x10] =	vst v0  }
0x403: {  	v0 =	vld [tilespmem:$0x1E220];
	[tilespmem:s30+$0xC10] =	vst v2  }
0x404: {  	v1 =	vsub.f32 v1, v7;
	v2 =	vld [tilespmem:$0x1E3A0]  }
0x405: {  	v11 =	vld [tilespmem:$0x1E520];
	v3 =	vsub.f32 v3, v9  }
0x406: {  	v12 =	vld [tilespmem:$0x1E6A0];
	v1 =	vmul.f32 v8, v1  }
0x407: {  	v13 =	vld [tilespmem:s28+$0xC70];
	v3 =	vmul.f32 v3, v10  }
0x408: {  	v17 =	vadd.f32 v5, v4;
	v4 =	vld [tilespmem:s29+$0x70];
	v0 =	vmul.f32 v1, v0  }
0x409: {  	v62 =	vadd.f32 v6, v14;
	v1 =	vld [tilespmem:s26+$0x30];
	v2 =	vmul.f32 v3, v2  }
0x40a: {  	[tilespmem:s29+$0x60] =	vst v17;
	v3 =	vld [tilespmem:s30+$0xC30];
	v0 =	vadd.f32 v0, v11  }
0x40b: {  	v5 =	vld [tilespmem:s1+$0x70];
	[tilespmem:s28+$0xC60] =	vst v62;
	v2 =	vadd.f32 v2, v12  }
0x40c: {  	v6 =	vld [tilespmem:s4+$0xC70];
	[tilespmem:s26+$0x20] =	vst v0  }
0x40d: {  	v0 =	vld [tilespmem:$0x1E230];
	[tilespmem:s30+$0xC20] =	vst v2  }
0x40e: {  	v1 =	vsub.f32 v1, v7;
	v2 =	vld [tilespmem:$0x1E3B0]  }
0x40f: {  	v11 =	vld [tilespmem:$0x1E530];
	v3 =	vsub.f32 v3, v9  }
0x410: {  	v12 =	vld [tilespmem:$0x1E6B0];
	v1 =	vmul.f32 v8, v1  }
0x411: {  	v14 =	vld [tilespmem:s28+$0x1000];
	v3 =	vmul.f32 v3, v10  }
0x412: {  	v18 =	vadd.f32 v5, v4;
	v4 =	vld [tilespmem:s29+$0x400];
	v1 =	vmul.f32 v1, v0  }
0x413: {  	v5 =	vld [tilespmem:s26+$0x40];
	v0 =	vadd.f32 v6, v13;
	v2 =	vmul.f32 v3, v2  }
0x414: {  	[tilespmem:s29+$0x70] =	vst v18;
	v3 =	vld [tilespmem:s30+$0xC40];
	v1 =	vadd.f32 v1, v11  }
0x415: {  	v6 =	vld [tilespmem:s1+$0x400];
	[tilespmem:s28+$0xC70] =	vst v0;
	v2 =	vadd.f32 v2, v12  }
0x416: {  	v11 =	vld [tilespmem:s4+$0x1000];
	[tilespmem:s26+$0x30] =	vst v1  }
0x417: {  	v1 =	vld [tilespmem:$0x1E240];
	[tilespmem:s30+$0xC30] =	vst v2  }
0x418: {  	v2 =	vsub.f32 v5, v7;
	v5 =	vld [tilespmem:$0x1E3C0]  }
0x419: {  	v12 =	vld [tilespmem:$0x1E540];
	v3 =	vsub.f32 v3, v9  }
0x41a: {  	v13 =	vld [tilespmem:$0x1E6C0];
	v2 =	vmul.f32 v2, v8  }
0x41b: {  	v31 =	vld [tilespmem:s28+$0x1010];
	v3 =	vmul.f32 v3, v10  }
0x41c: {  	v15 =	vld [tilespmem:s29+$0x410];
	v19 =	vadd.f32 v6, v4;
	v2 =	vmul.f32 v2, v1  }
0x41d: {  	[tilespmem:$0x1FE80] =	vst v23;
	v4 =	vld [tilespmem:s26+$0x50];
	v1 =	vadd.f32 v11, v14;
	v3 =	vmul.f32 v3, v5  }
0x41e: {  	p0 =	sne.s32 s5, $0x1F;
	[tilespmem:s29+$0x400] =	vst v19;
	v5 =	vld [tilespmem:s30+$0xC50];
	v2 =	vadd.f32 v2, v12  }
.Ltmp4:
0x41f: {  	v23 =	vld [tilespmem:s1+$0x410];
	[tilespmem:s28+$0x1000] =	vst v1;
	v3 =	vadd.f32 v3, v13;
	(pc) =	sbr.rel @p0 .LBB2_3-.Ltmp4, $4  }
0x420: {  	v22 =	vld [tilespmem:s4+$0x1010];
	[tilespmem:s26+$0x40] =	vst v2  }
0x421: {  	v26 =	vld [tilespmem:$0x1E250];
	[tilespmem:s30+$0xC40] =	vst v3  }
0x422: {  	v14 =	vld [tilespmem:$0x1E3D0]  }
0x423: {  	s5 =	sadd.s32 $0x1, s5;
	v6 =	vsub.f32 v4, v7;
	v13 =	vld [tilespmem:$0x1E550];
	v27 =	vsub.f32 v5, v9  }
0x424: {  	_ = 	snop  }
0x425: {  	v2 =	vmul.f32 v6, v8;
	_ =	sdelay $0x1  }
0x426: {  	v2 =	vmul.f32 v2, v26  }
0x427: {  	v3 =	vld [tilespmem:s26+$0x60]  }
0x428: {  	v2 =	vadd.f32 v2, v13;
	_ =	sdelay $0x1  }
0x429: {  	v4 =	vld [tilespmem:$0x1E6D0];
	[tilespmem:s26+$0x50] =	vst v2  }
0x42a: {  	v12 =	vadd.f32 v23, v15;
	v5 =	vmul.f32 v27, v10;
	v2 =	vld [tilespmem:$0x1E260]  }
0x42b: {  	v11 =	vld [tilespmem:s29+$0x420];
	v3 =	vsub.f32 v3, v7  }
0x42c: {  	v5 =	vmul.f32 v5, v14;
	v54 =	vld [tilespmem:$0x1E560];
	[tilespmem:$0x1FE00] =	vst v12  }
0x42d: {  	v3 =	vmul.f32 v3, v8;
	v15 =	vld [tilespmem:s30+$0xC60]  }
0x42e: {  	v4 =	vadd.f32 v5, v4;
	v20 =	vld [tilespmem:s26+$0x70];
	[tilespmem:s29+$0x410] =	vst v12  }
0x42f: {  	v21 =	vld [tilespmem:s1+$0x420];
	v2 =	vmul.f32 v3, v2  }
0x430: {  	v26 =	vmov v28;
	v28 =	vadd.f32 v22, v31;
	v6 =	vld [tilespmem:s28+$0x1020];
	[tilespmem:s30+$0xC50] =	vst v4  }
0x431: {  	v23 =	vld [tilespmem:$0x1E3E0];
	v2 =	vadd.f32 v2, v54  }
0x432: {  	[tilespmem:s28+$0x1010] =	vst v28;
	v33 =	vld [tilespmem:$0x1E6E0];
	v3 =	vsub.f32 v15, v9  }
0x433: {  	v54 =	vld [tilespmem:s4+$0x1020];
	[tilespmem:s26+$0x60] =	vst v2  }
0x434: {  	v5 =	vsub.f32 v20, v7;
	v20 =	vadd.f32 v21, v11;
	v3 =	vmul.f32 v3, v10;
	v31 =	vld [tilespmem:$0x1E270]  }
0x435: {  	v35 =	vld [tilespmem:$0x1E570]  }
0x436: {  	v2 =	vmul.f32 v3, v23;
	v3 =	vld [tilespmem:s29+$0x430];
	[tilespmem:$0x1FE10] =	vst v20  }
0x437: {  	v21 =	vld [tilespmem:s30+$0xC70]  }
0x438: {  	v5 =	vmul.f32 v5, v8;
	v2 =	vadd.f32 v2, v33  }
0x439: {  	v22 =	vld [tilespmem:s26+$0x400];
	[tilespmem:s29+$0x420] =	vst v20  }
0x43a: {  	v23 =	vld [tilespmem:s1+$0x430];
	[tilespmem:s30+$0xC60] =	vst v2;
	v12 =	vmul.f32 v5, v31  }
0x43b: {  	v33 =	vadd.f32 v54, v6;
	v31 =	vld [tilespmem:$0x1E3F0]  }
0x43c: {  	v5 =	vsub.f32 v21, v9;
	v4 =	vadd.f32 v12, v35  }
0x43d: {  	[tilespmem:s28+$0x1020] =	vst v33;
	v24 =	vld [tilespmem:$0x1E6F0]  }
0x43e: {  	v27 =	vld [tilespmem:s4+$0x1030];
	v5 =	vmul.f32 v5, v10;
	[tilespmem:s26+$0x70] =	vst v4  }
0x43f: {  	v54 =	vld [tilespmem:$0x1E280]  }
0x440: {  	v11 =	vsub.f32 v22, v7;
	v12 =	vld [tilespmem:s28+$0x1030];
	v4 =	vmul.f32 v5, v31;
	v31 =	vadd.f32 v23, v3  }
0x441: {  	v25 =	vld [tilespmem:$0x1E580]  }
0x442: {  	v11 =	vmul.f32 v11, v8;
	v5 =	vld [tilespmem:s29+$0x440];
	[tilespmem:$0x1FE20] =	vst v31  }
0x443: {  	v21 =	vld [tilespmem:s26+$0x410]  }
0x444: {  	v4 =	vadd.f32 v4, v24;
	[tilespmem:s29+$0x430] =	vst v31;
	v35 =	vmul.f32 v11, v54;
	v54 =	vld [tilespmem:s30+$0x1000]  }
0x445: {  	v22 =	vld [tilespmem:s1+$0x440]  }
0x446: {  	[tilespmem:s30+$0xC70] =	vst v4;
	v11 =	vld [tilespmem:s28+$0x1040];
	v2 =	vadd.f32 v35, v25  }
0x447: {  	v23 =	vld [tilespmem:$0x1E400];
	v35 =	vadd.f32 v27, v12  }
0x448: {  	v25 =	vld [tilespmem:$0x1E700];
	[tilespmem:s26+$0x400] =	vst v2  }
0x449: {  	[tilespmem:s28+$0x1030] =	vst v35;
	v3 =	vsub.f32 v54, v9;
	v24 =	vld [tilespmem:$0x1E290]  }
0x44a: {  	v6 =	vsub.f32 v21, v7;
	v31 =	vld [tilespmem:s4+$0x1040]  }
0x44b: {  	v27 =	vld [tilespmem:$0x1E590];
	v54 =	vadd.f32 v22, v5;
	v3 =	vmul.f32 v3, v10  }
0x44c: {  	v6 =	vmul.f32 v6, v8  }
0x44d: {  	v2 =	vmul.f32 v3, v23;
	v3 =	vld [tilespmem:s29+$0x450];
	[tilespmem:$0x1FE30] =	vst v54  }
0x44e: {  	v21 =	vmul.f32 v6, v24;
	v22 =	vld [tilespmem:s30+$0x1010]  }
0x44f: {  	v23 =	vld [tilespmem:s26+$0x420];
	v2 =	vadd.f32 v2, v25;
	v25 =	vadd.f32 v31, v11  }
0x450: {  	[tilespmem:s29+$0x440] =	vst v54;
	v12 =	vld [tilespmem:s28+$0x1050];
	v4 =	vadd.f32 v21, v27  }
0x451: {  	v31 =	vld [tilespmem:s1+$0x450];
	[tilespmem:s28+$0x1040] =	vst v25  }
0x452: {  	[tilespmem:s26+$0x410] =	vst v4;
	v27 =	vld [tilespmem:s4+$0x1050]  }
0x453: {  	v24 =	vld [tilespmem:$0x1E2A0]  }
0x454: {  	[tilespmem:s30+$0x1000] =	vst v2;
	v6 =	vsub.f32 v23, v7  }
0x455: {  	v54 =	vld [tilespmem:$0x1E410]  }
0x456: {  	v14 =	vld [tilespmem:$0x1E710];
	v5 =	vsub.f32 v22, v9;
	v6 =	vmul.f32 v6, v8  }
0x457: {  	v15 =	vld [tilespmem:$0x1E5A0];
	v20 =	vadd.f32 v31, v3  }
0x458: {  	v21 =	vld [tilespmem:$0x1FE40];
	v5 =	vmul.f32 v5, v10;
	v31 =	vmul.f32 v6, v24;
	v24 =	vadd.f32 v27, v12  }
0x459: {  	v13 =	vld [tilespmem:s30+$0x1020];
	[tilespmem:s29+$0x450] =	vst v20  }
0x45a: {  	v2 =	vld [tilespmem:s28+$0x1060];
	v54 =	vmul.f32 v5, v54;
	[tilespmem:s28+$0x1050] =	vst v24  }
0x45b: {  	v27 =	vld [tilespmem:$0x1FE90]  }
0x45c: {  	v5 =	vld [tilespmem:s29+$0x460];
	v3 =	vadd.f32 v54, v14  }
0x45d: {  	v22 =	vadd.f32 $0.0e+00, v21;
	v14 =	vld [tilespmem:s26+$0x430];
	v4 =	vadd.f32 v31, v15  }
0x45e: {  	v15 =	vld [tilespmem:s1+$0x460];
	[tilespmem:s30+$0x1010] =	vst v3  }
0x45f: {  	v23 =	vmul.f32 v39, v56;
	v6 =	vadd.f32 v56, v22;
	v22 =	vld [tilespmem:s28+$0x1070];
	[tilespmem:s26+$0x420] =	vst v4  }
0x460: {  	v11 =	vmul.f32 v21, v21;
	v31 =	vmul.f32 v40, v27;
	v40 =	vld [tilespmem:$0x1FEA0]  }
0x461: {  	v12 =	vld [tilespmem:$0x1E420]  }
0x462: {  	v11 =	vadd.f32 v23, v11;
	v39 =	vadd.f32 v27, v6;
	v6 =	vld [tilespmem:s4+$0x1060]  }
0x463: {  	v27 =	vld [tilespmem:$0x1E2B0]  }
0x464: {  	v14 =	vsub.f32 v14, v7;
	v11 =	vadd.f32 v31, v11;
	v31 =	vld [tilespmem:$0x1FEB0]  }
0x465: {  	v54 =	vmul.f32 v41, v40;
	v3 =	vadd.f32 v40, v39;
	v40 =	vld [tilespmem:$0x1E5B0]  }
0x466: {  	v13 =	vsub.f32 v13, v9;
	v14 =	vmul.f32 v14, v8;
	v41 =	vld [tilespmem:$0x1FEC0]  }
0x467: {  	v21 =	vld [tilespmem:$0x1E720];
	v4 =	vadd.f32 v54, v11;
	v54 =	vadd.f32 v15, v5  }
0x468: {  	v23 =	vmul.f32 v14, v27;
	v27 =	vld [tilespmem:$0x1FED0];
	v5 =	vadd.f32 v6, v2  }
0x469: {  	v13 =	vmul.f32 v13, v10;
	v6 =	vld [tilespmem:s29+$0x470];
	[tilespmem:s29+$0x460] =	vst v54  }
0x46a: {  	v39 =	vmul.f32 v42, v31;
	v3 =	vadd.f32 v31, v3;
	v31 =	vld [tilespmem:s30+$0x1030];
	[tilespmem:s28+$0x1060] =	vst v5  }
0x46b: {  	v42 =	vmul.f32 v44, v41;
	v44 =	vmul.f32 v13, v12;
	v11 =	vadd.f32 v23, v40;
	v40 =	vld [tilespmem:$0x1FEE0]  }
0x46c: {  	v4 =	vadd.f32 v39, v4;
	v39 =	vld [tilespmem:s26+$0x440]  }
0x46d: {  	v23 =	vld [tilespmem:s28+$0x1400];
	v2 =	vadd.f32 v44, v21  }
0x46e: {  	v4 =	vadd.f32 v42, v4;
	v42 =	vld [tilespmem:s1+$0x470];
	[tilespmem:s26+$0x430] =	vst v11  }
0x46f: {  	v56 =	vmov v20;
	v3 =	vadd.f32 v41, v3;
	v20 =	vld [tilespmem:$0x1E2C0];
	[tilespmem:s30+$0x1020] =	vst v2  }
0x470: {  	v29 =	vmul.f32 v29, v27;
	v41 =	vmul.f32 v46, v40;
	v46 =	vld [tilespmem:$0x1FEF0]  }
0x471: {  	v3 =	vadd.f32 v27, v3;
	v12 =	vld [tilespmem:$0x1E430]  }
0x472: {  	v4 =	vadd.f32 v29, v4;
	v29 =	vld [tilespmem:$0x1FF00]  }
0x473: {  	v13 =	vsub.f32 v31, v9;
	v44 =	vadd.f32 v40, v3;
	v3 =	vld [tilespmem:s4+$0x1070]  }
0x474: {  	v14 =	vsub.f32 v39, v7;
	v39 =	vld [tilespmem:$0x1E730]  }
0x475: {  	v13 =	vmul.f32 v13, v10;
	v27 =	vmul.f32 v47, v46;
	v47 =	vadd.f32 v42, v6;
	v42 =	vld [tilespmem:$0x1FF10]  }
0x476: {  	v14 =	vmul.f32 v14, v8;
	v4 =	vadd.f32 v41, v4;
	v41 =	vld [tilespmem:$0x1E5C0]  }
0x477: {  	v2 =	vadd.f32 v46, v44;
	v31 =	vmul.f32 v45, v29;
	v45 =	vmul.f32 v13, v12;
	v12 =	vld [tilespmem:s29+$0x800]  }
0x478: {  	v46 =	vmul.f32 v14, v20;
	v20 =	vld [tilespmem:s26+$0x450];
	v4 =	vadd.f32 v27, v4  }
0x479: {  	v40 =	vadd.f32 v29, v2;
	v2 =	vadd.f32 v3, v22;
	v29 =	vld [tilespmem:s30+$0x1040]  }
0x47a: {  	v3 =	vadd.f32 v45, v39;
	v44 =	vmul.f32 v48, v42;
	v48 =	vld [tilespmem:$0x1FF20];
	[tilespmem:s29+$0x470] =	vst v47  }
0x47b: {  	v11 =	vadd.f32 v46, v41;
	v4 =	vadd.f32 v31, v4;
	[tilespmem:s28+$0x1070] =	vst v2;
	v31 =	vld [tilespmem:s1+$0x800]  }
0x47c: {  	v39 =	vld [tilespmem:$0x1FF30];
	[tilespmem:s30+$0x1030] =	vst v3  }
0x47d: {  	v6 =	vadd.f32 v42, v40;
	v42 =	vld [tilespmem:s4+$0x1400];
	[tilespmem:s26+$0x440] =	vst v11  }
0x47e: {  	v45 =	vld [tilespmem:$0x1FF40]  }
0x47f: {  	v4 =	vadd.f32 v44, v4;
	v44 =	vld [tilespmem:$0x1E440];
	v6 =	vadd.f32 v48, v6  }
0x480: {  	v20 =	vsub.f32 v20, v7;
	v27 =	vmul.f32 v50, v48;
	v50 =	vld [tilespmem:$0x1FF50]  }
0x481: {  	v14 =	vsub.f32 v29, v9;
	v48 =	vld [tilespmem:$0x1E2D0];
	v41 =	vadd.f32 v39, v6  }
0x482: {  	v22 =	vld [tilespmem:$0x1E740];
	v40 =	vmul.f32 v51, v39;
	v4 =	vadd.f32 v27, v4  }
0x483: {  	v20 =	vmul.f32 v20, v8;
	v51 =	vmul.f32 v14, v10;
	v39 =	vld [tilespmem:$0x1E5D0];
	v3 =	vadd.f32 v45, v41  }
0x484: {  	v15 =	vadd.f32 v31, v12;
	v46 =	vmul.f32 v53, v45;
	v4 =	vadd.f32 v40, v4;
	v40 =	vld [tilespmem:$0x1FF60]  }
0x485: {  	v12 =	vld [tilespmem:s29+$0x810];
	v53 =	vadd.f32 v50, v3;
	v3 =	vadd.f32 v42, v23;
	v42 =	vmul.f32 v51, v44  }
0x486: {  	v45 =	vmul.f32 v20, v48;
	v48 =	vld [tilespmem:$0x1FF70];
	[tilespmem:s29+$0x800] =	vst v15  }
0x487: {  	v26 =	vmul.f32 v26, v50;
	v4 =	vadd.f32 v46, v4;
	v46 =	vld [tilespmem:s30+$0x1050];
	v6 =	vadd.f32 v42, v22;
	[tilespmem:s28+$0x1400] =	vst v3  }
0x488: {  	v31 =	vld [tilespmem:$0x1FF80]  }
0x489: {  	v51 =	vld [tilespmem:s26+$0x460];
	v13 =	vadd.f32 v45, v39;
	v4 =	vadd.f32 v26, v4;
	v41 =	vmul.f32 v30, v40;
	[tilespmem:s30+$0x1040] =	vst v6  }
0x48a: {  	v44 =	vadd.f32 v40, v53;
	v40 =	vld [tilespmem:$0x1FE50]  }
0x48b: {  	v26 =	vld [tilespmem:s28+$0x1410];
	v50 =	vmul.f32 v38, v48;
	v4 =	vadd.f32 v41, v4;
	[tilespmem:s26+$0x450] =	vst v13  }
0x48c: {  	v42 =	vsub.f32 v46, v9;
	v46 =	vld [tilespmem:$0x1FE60]  }
0x48d: {  	v53 =	vld [tilespmem:s1+$0x810];
	v4 =	vadd.f32 v50, v4;
	v37 =	vmul.f32 v37, v31  }
0x48e: {  	v38 =	vld [tilespmem:s4+$0x1410]  }
0x48f: {  	v4 =	vadd.f32 v37, v4;
	v41 =	vmul.f32 v40, v40;
	_ =	sdelay $0x1  }
0x490: {  	v11 =	vadd.f32 v48, v44;
	v44 =	vld [tilespmem:$0x1E2E0];
	v48 =	vmul.f32 v46, v46;
	v4 =	vadd.f32 v41, v4  }
0x491: {  	v22 =	vsub.f32 v51, v7;
	v51 =	vld [tilespmem:$0x1FE70];
	v20 =	vadd.f32 v53, v12  }
0x492: {  	v39 =	vld [tilespmem:$0x1E450];
	v21 =	vadd.f32 v48, v4;
	v4 =	vadd.f32 v38, v26  }
0x493: {  	v45 =	vld [tilespmem:$0x1E750];
	v22 =	vmul.f32 v22, v8;
	v11 =	vadd.f32 v31, v11;
	[tilespmem:s29+$0x810] =	vst v20  }
0x494: {  	v50 =	vld [tilespmem:$0x1E5E0];
	[tilespmem:s28+$0x1410] =	vst v4  }
0x495: {  	v13 =	vmul.f32 v42, v10;
	v11 =	vadd.f32 v40, v11;
	v22 =	vmul.f32 v22, v44;
	v44 =	vld [tilespmem:$0x1FE80]  }
0x496: {  	v53 =	vmul.f32 v51, v51  }
0x497: {  	v37 =	vmul.f32 v13, v39;
	v39 =	vld [tilespmem:s30+$0x1060];
	v11 =	vadd.f32 v46, v11  }
0x498: {  	v40 =	vmul.f32 v32, v32;
	v42 =	vld [tilespmem:s1+$0x820];
	v21 =	vadd.f32 v53, v21  }
0x499: {  	v6 =	vadd.f32 v37, v45;
	v41 =	vld [tilespmem:s26+$0x470];
	v11 =	vadd.f32 v51, v11  }
0x49a: {  	v12 =	vadd.f32 v22, v50;
	v38 =	vld [tilespmem:s29+$0x820];
	v21 =	vadd.f32 v40, v21;
	v45 =	vmul.f32 v44, v44  }
0x49b: {  	v11 =	vadd.f32 v32, v11  }
0x49c: {  	v14 =	vld [tilespmem:s28+$0x1420];
	v50 =	vmul.f32 v34, v34;
	[tilespmem:s26+$0x460] =	vst v12;
	v21 =	vadd.f32 v45, v21  }
0x49d: {  	v51 =	vsub.f32 v39, v9;
	v53 =	vld [tilespmem:$0x1E2F0];
	v11 =	vadd.f32 v44, v11  }
0x49e: {  	v37 =	vmul.f32 v36, v36;
	v46 =	vld [tilespmem:s4+$0x1420];
	v27 =	vsub.f32 v41, v7;
	v22 =	vadd.f32 v50, v21  }
0x49f: {  	[tilespmem:s30+$0x1050] =	vst v6;
	v11 =	vadd.f32 v34, v11;
	v21 =	vadd.f32 v42, v38;
	v38 =	vld [tilespmem:$0x1E5F0]  }
0x4a0: {  	v39 =	vmul.f32 v43, v43;
	v48 =	vld [tilespmem:$0x1E460];
	v27 =	vmul.f32 v27, v8;
	v22 =	vadd.f32 v37, v22  }
0x4a1: {  	v26 =	vld [tilespmem:s28+$0x1430];
	v11 =	vadd.f32 v36, v11  }
0x4a2: {  	v23 =	vmul.f32 v27, v53;
	v34 =	vld [tilespmem:$0x1E760];
	v42 =	vmul.f32 v52, v52;
	v22 =	vadd.f32 v39, v22  }
0x4a3: {  	v12 =	vmul.f32 v51, v10;
	v6 =	vadd.f32 v46, v14;
	v11 =	vadd.f32 v43, v11;
	v43 =	vld [tilespmem:s26+$0x800]  }
0x4a4: {  	v41 =	vld [tilespmem:s30+$0x1070];
	v45 =	vmul.f32 v57, v57;
	v13 =	vadd.f32 v23, v38;
	v22 =	vadd.f32 v42, v22  }
0x4a5: {  	v40 =	vld [tilespmem:s29+$0x830];
	v12 =	vmul.f32 v12, v48;
	[tilespmem:s28+$0x1420] =	vst v6;
	v11 =	vadd.f32 v52, v11  }
0x4a6: {  	v48 =	vmul.f32 v59, v59;
	v46 =	vld [tilespmem:s4+$0x1430];
	[tilespmem:s26+$0x470] =	vst v13;
	v22 =	vadd.f32 v45, v22  }
0x4a7: {  	[tilespmem:s29+$0x820] =	vst v21;
	v12 =	vadd.f32 v12, v34;
	v11 =	vadd.f32 v57, v11;
	v13 =	vld [tilespmem:$0x1E300]  }
0x4a8: {  	v51 =	vmul.f32 v61, v61;
	v44 =	vld [tilespmem:s1+$0x830];
	v27 =	vsub.f32 v43, v7;
	v22 =	vadd.f32 v48, v22  }
0x4a9: {  	[tilespmem:s30+$0x1060] =	vst v12;
	v11 =	vadd.f32 v59, v11;
	v52 =	vld [tilespmem:$0x1E600]  }
0x4aa: {  	v12 =	vld [tilespmem:$0x1E470];
	v57 =	vmul.f32 v62, v62;
	v27 =	vmul.f32 v27, v8;
	v22 =	vadd.f32 v51, v22  }
0x4ab: {  	v29 =	vsub.f32 v41, v9;
	v53 =	vld [tilespmem:s28+$0x1440];
	v11 =	vadd.f32 v61, v11  }
0x4ac: {  	v50 =	vld [tilespmem:$0x1E770];
	v61 =	vmul.f32 v0, v0;
	v13 =	vmul.f32 v27, v13;
	v31 =	vadd.f32 v57, v22  }
0x4ad: {  	v29 =	vmul.f32 v29, v10;
	v39 =	vld [tilespmem:s26+$0x810];
	v23 =	vadd.f32 v46, v26;
	v11 =	vadd.f32 v62, v11  }
0x4ae: {  	v42 =	vmul.f32 v1, v1;
	v59 =	vld [tilespmem:s30+$0x1400];
	v13 =	vadd.f32 v13, v52;
	v41 =	vadd.f32 v61, v31  }
0x4af: {  	v37 =	vld [tilespmem:s29+$0x840];
	[tilespmem:s28+$0x1430] =	vst v23;
	v12 =	vmul.f32 v29, v12;
	v22 =	vadd.f32 v44, v40;
	v62 =	vadd.f32 v0, v11  }
0x4b0: {  	v40 =	vld [tilespmem:s4+$0x1440];
	v44 =	vmul.f32 v28, v28;
	[tilespmem:s26+$0x800] =	vst v13;
	v27 =	vadd.f32 v42, v41  }
0x4b1: {  	v12 =	vadd.f32 v12, v50;
	[tilespmem:s29+$0x830] =	vst v22;
	v0 =	vadd.f32 v1, v62;
	v13 =	vld [tilespmem:$0x1E310]  }
0x4b2: {  	v48 =	vmul.f32 v33, v33;
	v11 =	vsub.f32 v39, v7;
	v43 =	vld [tilespmem:s1+$0x840];
	v27 =	vadd.f32 v44, v27  }
0x4b3: {  	v45 =	vsub.f32 v59, v9;
	v0 =	vadd.f32 v28, v0;
	v50 =	vld [tilespmem:$0x1E610]  }
0x4b4: {  	v34 =	vld [tilespmem:s26+$0x820];
	v52 =	vmul.f32 v35, v35;
	v11 =	vmul.f32 v11, v8;
	v27 =	vadd.f32 v48, v27  }
0x4b5: {  	v51 =	vld [tilespmem:s28+$0x1450];
	[tilespmem:s30+$0x1070] =	vst v12;
	v14 =	vadd.f32 v40, v53;
	v0 =	vadd.f32 v33, v0  }
0x4b6: {  	v46 =	vld [tilespmem:$0x1E480];
	v61 =	vmul.f32 v25, v25;
	v11 =	vmul.f32 v11, v13;
	v27 =	vadd.f32 v52, v27  }
0x4b7: {  	v53 =	vld [tilespmem:$0x1E780];
	[tilespmem:s28+$0x1440] =	vst v14;
	v57 =	vadd.f32 v35, v0;
	v0 =	vadd.f32 v43, v37  }
0x4b8: {  	v59 =	vld [tilespmem:s4+$0x1450];
	v37 =	vmul.f32 v24, v24;
	v11 =	vadd.f32 v11, v50;
	v36 =	vadd.f32 v61, v27  }
0x4b9: {  	v12 =	vmul.f32 v45, v10;
	v35 =	vld [tilespmem:s29+$0x850];
	v32 =	vadd.f32 v25, v57;
	[tilespmem:s29+$0x840] =	vst v0  }
0x4ba: {  	v40 =	vmul.f32 v5, v5;
	v39 =	vld [tilespmem:s1+$0x850];
	[tilespmem:s26+$0x810] =	vst v11;
	v26 =	vadd.f32 v37, v36  }
0x4bb: {  	v62 =	vmul.f32 v12, v46;
	v12 =	vadd.f32 v24, v32;
	v41 =	vld [tilespmem:$0x1E320]  }
0x4bc: {  	v38 =	vld [tilespmem:s30+$0x1410];
	v43 =	vmul.f32 v2, v2;
	v13 =	vsub.f32 v34, v7;
	v26 =	vadd.f32 v40, v26  }
0x4bd: {  	v46 =	vmul.f32 v3, v3;
	v5 =	vadd.f32 v5, v12;
	v44 =	vld [tilespmem:$0x1E620]  }
0x4be: {  	v42 =	vld [tilespmem:s28+$0x1460];
	v1 =	vadd.f32 v62, v53;
	v13 =	vmul.f32 v13, v8;
	v26 =	vadd.f32 v43, v26  }
0x4bf: {  	v52 =	vmul.f32 v4, v4;
	v57 =	vld [tilespmem:s26+$0x830];
	v11 =	vadd.f32 v59, v51;
	v2 =	vadd.f32 v2, v5  }
0x4c0: {  	v50 =	vld [tilespmem:s29+$0x860];
	[tilespmem:s30+$0x1400] =	vst v1;
	v1 =	vadd.f32 v39, v35;
	v12 =	vmul.f32 v13, v41;
	v51 =	vadd.f32 v46, v26  }
0x4c1: {  	v48 =	vld [tilespmem:$0x1E490];
	[tilespmem:s28+$0x1450] =	vst v11;
	v2 =	vadd.f32 v3, v2  }
0x4c2: {  	v61 =	vmul.f32 v6, v6;
	v45 =	vld [tilespmem:s4+$0x1460];
	[tilespmem:s29+$0x850] =	vst v1;
	v5 =	vadd.f32 v12, v44;
	v24 =	vadd.f32 v52, v51  }
0x4c3: {  	v53 =	vsub.f32 v38, v9;
	v62 =	vld [tilespmem:s1+$0x860]  }
0x4c4: {  	v59 =	vld [tilespmem:$0x1E790];
	v35 =	vmul.f32 v23, v23;
	v2 =	vadd.f32 v4, v2;
	[tilespmem:s26+$0x820] =	vst v5;
	v34 =	vadd.f32 v61, v24  }
0x4c5: {  	v36 =	vmul.f32 v53, v10;
	v4 =	vsub.f32 v57, v7;
	v37 =	vld [tilespmem:$0x1E330]  }
0x4c6: {  	v33 =	vld [tilespmem:s28+$0x1470];
	v39 =	vmul.f32 v14, v14;
	v2 =	vadd.f32 v6, v2;
	v6 =	vadd.f32 v35, v34  }
0x4c7: {  	v32 =	vadd.f32 v45, v42;
	v4 =	vmul.f32 v4, v8;
	v40 =	vld [tilespmem:$0x1E630]  }
0x4c8: {  	v42 =	vld [tilespmem:s30+$0x1420];
	v5 =	vmul.f32 v36, v48;
	v24 =	vadd.f32 v39, v6;
	v6 =	vadd.f32 v62, v50  }
0x4c9: {  	v44 =	vld [tilespmem:s29+$0x870];
	[tilespmem:s28+$0x1460] =	vst v32  }
0x4ca: {  	v38 =	vld [tilespmem:s4+$0x1470];
	v43 =	vadd.f32 v5, v59;
	v4 =	vmul.f32 v4, v37;
	[tilespmem:s29+$0x860] =	vst v6  }
0x4cb: {  	v2 =	vadd.f32 v23, v2;
	v52 =	vld [tilespmem:s1+$0x870]  }
0x4cc: {  	v46 =	vld [tilespmem:s26+$0x840];
	[tilespmem:s30+$0x1410] =	vst v43;
	v4 =	vadd.f32 v4, v40  }
0x4cd: {  	v2 =	vadd.f32 v14, v2;
	v59 =	vld [tilespmem:$0x1E4A0]  }
0x4ce: {  	v41 =	vmul.f32 v11, v11;
	v61 =	vsub.f32 v42, v9;
	v28 =	vld [tilespmem:$0x1E7A0];
	[tilespmem:s26+$0x830] =	vst v4  }
0x4cf: {  	v2 =	vadd.f32 v11, v2;
	v23 =	vadd.f32 v38, v33;
	v4 =	vld [tilespmem:$0x1E340]  }
0x4d0: {  	v51 =	vmul.f32 v32, v32;
	v45 =	vadd.f32 v41, v24;
	v50 =	vld [tilespmem:$0x1FFF0];
	v13 =	vadd.f32 v52, v44  }
0x4d1: {  	v12 =	vsub.f32 v46, v7;
	v29 =	vmul.f32 v61, v10;
	v2 =	vadd.f32 v32, v2;
	v32 =	vld [tilespmem:s29+$0xC00]  }
0x4d2: {  	v57 =	vmul.f32 v23, v23;
	v53 =	vadd.f32 v51, v45;
	v30 =	vld [tilespmem:$0x1E640];
	[tilespmem:s29+$0x870] =	vst v13  }
0x4d3: {  	v12 =	vmul.f32 v12, v8;
	v2 =	vadd.f32 v23, v2;
	v14 =	vmul.f32 v29, v59;
	v51 =	vld [tilespmem:$0x1FFE0]  }
0x4d4: {  	v3 =	vadd.f32 v57, v53;
	v34 =	vld [tilespmem:s1+$0xC00]  }
0x4d5: {  	v35 =	vadd.f32 v14, v28;
	v62 =	vperm.xlane v2, v50;
	v4 =	vmul.f32 v12, v4  }
0x4d6: {  	v36 =	vld [tilespmem:s26+$0x850]  }
0x4d7: {  	v38 =	vld [tilespmem:s30+$0x1430];
	v31 =	vperm.xlane v3, v50;
	[tilespmem:s30+$0x1420] =	vst v35;
	v2 =	vadd.f32 v62, v2;
	v4 =	vadd.f32 v4, v30  }
0x4d8: {  	v52 =	vld [tilespmem:$0x1FFC0]  }
0x4d9: {  	v41 =	vld [tilespmem:s29+$0xC10];
	v3 =	vadd.f32 v31, v3;
	[tilespmem:s26+$0x840] =	vst v4;
	v33 =	vperm.xlane v2, v51;
	v14 =	vadd.f32 v34, v32  }
0x4da: {  	v4 =	vld [tilespmem:$0x1E350]  }
0x4db: {  	v42 =	vsub.f32 v36, v7;
	v37 =	vperm.xlane v3, v51;
	v43 =	vld [tilespmem:$0x1E650];
	v2 =	vadd.f32 v33, v2;
	[tilespmem:s29+$0xC00] =	vst v14  }
0x4dc: {  	v53 =	vld [tilespmem:$0x1FFD0]  }
0x4dd: {  	v11 =	vmul.f32 v42, v8;
	v3 =	vadd.f32 v37, v3;
	v46 =	vld [tilespmem:s1+$0xC10];
	v39 =	vperm.xlane v2, v52;
	_ =	sdelay $0x1  }
0x4de: {  	v40 =	vperm.xlane v3, v52;
	v4 =	vmul.f32 v11, v4;
	v2 =	vadd.f32 v39, v2  }
0x4df: {  	v59 =	vld [tilespmem:s26+$0x860]  }
0x4e0: {  	v12 =	vld [tilespmem:$0x1E4B0];
	v3 =	vadd.f32 v40, v3;
	v4 =	vadd.f32 v4, v43;
	v44 =	vperm.xlane v2, v53  }
0x4e1: {  	v45 =	vsub.f32 v38, v9;
	v57 =	vld [tilespmem:$0x1E7B0];
	v25 =	vadd.f32 v46, v41  }
0x4e2: {  	v32 =	vld [tilespmem:s29+$0xC20];
	v48 =	vperm.xlane v3, v53;
	[tilespmem:s26+$0x850] =	vst v4;
	v2 =	vadd.f32 v44, v2  }
0x4e3: {  	v5 =	vmul.f32 v45, v10;
	[tilespmem:s29+$0xC10] =	vst v25;
	v4 =	vld [tilespmem:$0x1E360]  }
0x4e4: {  	v61 =	vadd.f32 v48, v3;
	v33 =	vld [tilespmem:s1+$0xC20];
	v11 =	vmul.f32 $1.302083370e-03, v2  }
0x4e5: {  	v30 =	vld [tilespmem:s30+$0x1440];
	v34 =	vsub.f32 v59, v7;
	v62 =	vmul.f32 v5, v12  }
0x4e6: {  	v35 =	vld [tilespmem:$0x1E660];
	v2 =	vmul.f32 $1.302083370e-03, v61;
	v31 =	vmul.f32 v11, v11  }
0x4e7: {  	v26 =	vmul.f32 v34, v8;
	v39 =	vld [tilespmem:s26+$0x870]  }
0x4e8: {  	v41 =	vld [tilespmem:s29+$0xC30];
	v3 =	vadd.f32 v62, v57;
	v2 =	vsub.f32 v2, v31  }
0x4e9: {  	v48 =	vld [tilespmem:s30+$0x1450];
	v4 =	vmul.f32 v26, v4;
	v26 =	vadd.f32 v33, v32  }
0x4ea: {  	v62 =	vld [tilespmem:s28+$0x0];
	[tilespmem:s30+$0x1430] =	vst v3;
	v2 =	vadd.f32 $9.999999960e-13, v2  }
0x4eb: {  	v36 =	vld [tilespmem:$0x1E4C0];
	v3 =	vadd.f32 v4, v35;
	[tilespmem:s29+$0xC20] =	vst v26  }
0x4ec: {  	v5 =	vsub.f32 v30, v9;
	v44 =	vld [tilespmem:s1+$0xC30];
	v37 =	vshra.s32 v2, $0x1;
	v2 =	vmul.f32 $5.000000000e-01, v2  }
0x4ed: {  	v38 =	vld [tilespmem:$0x1E7C0];
	[tilespmem:s26+$0x860] =	vst v3;
	v28 =	vsub.s32 $0x5F3759DF, v37  }
0x4ee: {  	v5 =	vmul.f32 v5, v10;
	v46 =	vld [tilespmem:$0x1E370];
	v40 =	vmul.f32 v28, v2  }
0x4ef: {  	v12 =	vsub.f32 v39, v7;
	v61 =	vld [tilespmem:s29+$0xC40]  }
0x4f0: {  	v42 =	vmul.f32 v5, v36;
	v57 =	vld [tilespmem:$0x1E670];
	v43 =	vmul.f32 v28, v40  }
0x4f1: {  	v12 =	vmul.f32 v12, v8;
	v35 =	vld [tilespmem:s29+$0xC60];
	v27 =	vadd.f32 v44, v41  }
0x4f2: {  	v36 =	vld [tilespmem:s26+$0xC00];
	v45 =	vadd.f32 v42, v38;
	v5 =	vsub.f32 $1.500000000e+00, v43  }
0x4f3: {  	v38 =	vsub.f32 v48, v9;
	v48 =	vld [tilespmem:s29+$0xC50];
	v4 =	vmul.f32 v12, v46;
	[tilespmem:s29+$0xC30] =	vst v27  }
0x4f4: {  	[tilespmem:s30+$0x1440] =	vst v45;
	v39 =	vld [tilespmem:s1+$0xC40];
	v5 =	vmul.f32 v28, v5  }
0x4f5: {  	v59 =	vld [tilespmem:$0x1E4D0];
	v3 =	vadd.f32 v4, v57  }
0x4f6: {  	[tilespmem:s28+$0x1470] =	vst v23;
	v37 =	vld [tilespmem:$0x1E7D0];
	v2 =	vmul.f32 v5, v2  }
0x4f7: {  	v40 =	vld [tilespmem:$0x1E200];
	[tilespmem:s26+$0x870] =	vst v3  }
0x4f8: {  	v42 =	vld [tilespmem:$0x1E380];
	v2 =	vmul.f32 v2, v5  }
0x4f9: {  	v44 =	vsub.f32 v36, v7;
	v46 =	vld [tilespmem:s30+$0x1460];
	v4 =	vmul.f32 v38, v10;
	v28 =	vadd.f32 v39, v61  }
0x4fa: {  	v45 =	vld [tilespmem:$0x1E680];
	v2 =	vsub.f32 $1.500000000e+00, v2  }
0x4fb: {  	v43 =	vld [tilespmem:$0x1E500];
	v29 =	vmul.f32 v44, v8;
	v4 =	vmul.f32 v4, v59;
	[tilespmem:s29+$0xC40] =	vst v28  }
0x4fc: {  	v41 =	vsub.f32 v62, v11;
	v62 =	vld [tilespmem:s1+$0xC50];
	v12 =	vmul.f32 v2, v5  }
0x4fd: {  	v57 =	vld [tilespmem:s28+$0x10];
	v4 =	vadd.f32 v4, v37;
	v5 =	vmul.f32 v29, v42  }
0x4fe: {  	v59 =	vld [tilespmem:s26+$0xC10];
	v2 =	vmul.f32 v12, v41  }
0x4ff: {  	v39 =	vld [tilespmem:s28+$0x20];
	[tilespmem:s30+$0x1450] =	vst v4;
	v5 =	vadd.f32 v5, v45  }
0x500: {  	v61 =	vld [tilespmem:$0x1E4E0];
	v2 =	vmul.f32 v2, v40  }
0x501: {  	v41 =	vld [tilespmem:s26+$0xC20];
	[tilespmem:s26+$0xC00] =	vst v5;
	v29 =	vadd.f32 v62, v48  }
0x502: {  	v5 =	vld [tilespmem:$0x1E390];
	v2 =	vadd.f32 v2, v43  }
0x503: {  	v37 =	vld [tilespmem:$0x1E690];
	[tilespmem:s29+$0xC50] =	vst v29  }
0x504: {  	v4 =	vsub.f32 v59, v7;
	v43 =	vld [tilespmem:s1+$0xC60];
	[tilespmem:s28+$0x0] =	vst v2  }
0x505: {  	v2 =	vld [tilespmem:$0x1E210]  }
0x506: {  	v3 =	vsub.f32 v57, v11;
	v4 =	vmul.f32 v4, v8;
	v42 =	vld [tilespmem:s30+$0x1470]  }
0x507: {  	v33 =	vsub.f32 v46, v9;
	v36 =	vld [tilespmem:$0x1E510]  }
0x508: {  	v38 =	vld [tilespmem:$0x1E7E0];
	v3 =	vmul.f32 v12, v3;
	v24 =	vsub.f32 v41, v7;
	v4 =	vmul.f32 v4, v5  }
0x509: {  	v40 =	vmul.f32 v33, v10;
	v62 =	vld [tilespmem:s29+$0xC70];
	v30 =	vadd.f32 v43, v35  }
0x50a: {  	v59 =	vmul.f32 v24, v8;
	v24 =	vld [tilespmem:s28+$0x40];
	v4 =	vadd.f32 v4, v37;
	v2 =	vmul.f32 v3, v2  }
0x50b: {  	v5 =	vmul.f32 v40, v61;
	v40 =	vsub.f32 v42, v9;
	v9 =	vld [tilespmem:s28+$0x30];
	[tilespmem:s29+$0xC60] =	vst v30  }
0x50c: {  	[tilespmem:s26+$0xC10] =	vst v4;
	v41 =	vld [tilespmem:s1+$0xC70];
	v2 =	vadd.f32 v2, v36  }
0x50d: {  	v44 =	vadd.f32 v5, v38;
	v45 =	vld [tilespmem:$0x1E3A0]  }
0x50e: {  	v48 =	vld [tilespmem:$0x1E6A0];
	[tilespmem:s28+$0x10] =	vst v2  }
0x50f: {  	[tilespmem:s30+$0x1460] =	vst v44;
	v2 =	vld [tilespmem:$0x1E220]  }
0x510: {  	v3 =	vsub.f32 v39, v11;
	v57 =	vld [tilespmem:$0x1E4F0]  }
0x511: {  	v46 =	vld [tilespmem:$0x1E520];
	v32 =	vadd.f32 v41, v62  }
0x512: {  	v43 =	vld [tilespmem:s29+$0x1000];
	v3 =	vmul.f32 v12, v3;
	v39 =	vmul.f32 v59, v45  }
0x513: {  	v61 =	vld [tilespmem:$0x1E7F0];
	[tilespmem:s29+$0xC70] =	vst v32  }
0x514: {  	v5 =	vmul.f32 v40, v10;
	v44 =	vld [tilespmem:s1+$0x1000];
	v2 =	vmul.f32 v3, v2;
	v3 =	vadd.f32 v39, v48  }
0x515: {  	v4 =	vld [tilespmem:s26+$0xC30]  }
0x516: {  	v42 =	vmul.f32 v5, v57;
	v45 =	vld [tilespmem:s29+$0x1010];
	v2 =	vadd.f32 v2, v46;
	[tilespmem:s26+$0xC20] =	vst v3  }
0x517: {  	v5 =	vld [tilespmem:$0x1E3B0]  }
0x518: {  	v3 =	vld [tilespmem:$0x1E6B0];
	[tilespmem:s28+$0x20] =	vst v2;
	v2 =	vadd.f32 v42, v61  }
0x519: {  	v34 =	vadd.f32 v44, v43;
	v10 =	vld [tilespmem:$0x1E230]  }
0x51a: {  	v23 =	vld [tilespmem:$0x1E530];
	[tilespmem:s30+$0x1470] =	vst v2  }
0x51b: {  	v2 =	vld [tilespmem:s26+$0xC40];
	[tilespmem:s29+$0x1000] =	vst v34  }
0x51c: {  	v46 =	vld [tilespmem:s1+$0x1010];
	_ =	sdelay $0x4  }
0x51d: {  	v35 =	vadd.f32 v46, v45;
	_ =	sdelay $0x1  }
0x51e: {  	v48 =	vld [tilespmem:s29+$0x1020];
	[tilespmem:s29+$0x1010] =	vst v35  }
0x51f: {  	v57 =	vld [tilespmem:s1+$0x1020];
	_ =	sdelay $0x4  }
0x520: {  	v36 =	vadd.f32 v57, v48;
	_ =	sdelay $0x1  }
0x521: {  	v59 =	vld [tilespmem:s29+$0x1030];
	[tilespmem:s29+$0x1020] =	vst v36  }
0x522: {  	v61 =	vld [tilespmem:s1+$0x1030];
	_ =	sdelay $0x4  }
0x523: {  	v33 =	vadd.f32 v61, v59;
	_ =	sdelay $0x1  }
0x524: {  	v62 =	vld [tilespmem:s29+$0x1040];
	[tilespmem:s29+$0x1030] =	vst v33  }
0x525: {  	v44 =	vld [tilespmem:s1+$0x1040];
	_ =	sdelay $0x2  }
0x526: {  	v45 =	vadd.f32 $0.0e+00, v55;
	_ =	sdelay $0x1  }
0x527: {  	v38 =	vadd.f32 v49, v45;
	v31 =	vadd.f32 v44, v62  }
0x528: {  	v46 =	vmul.f32 v55, v55  }
0x529: {  	v55 =	vmul.f32 v58, v58;
	v48 =	vmul.f32 v49, v49;
	v57 =	vadd.f32 v58, v38;
	v58 =	vld [tilespmem:s29+$0x1050];
	[tilespmem:s29+$0x1040] =	vst v31  }
0x52a: {  	v61 =	vld [tilespmem:s1+$0x1050]  }
0x52b: {  	v39 =	vadd.f32 v48, v46  }
0x52c: {  	v37 =	vadd.f32 v60, v57  }
0x52d: {  	v39 =	vadd.f32 v55, v39;
	v59 =	vmul.f32 v60, v60  }
0x52e: {  	v37 =	vadd.f32 v63, v37  }
0x52f: {  	v39 =	vadd.f32 v59, v39;
	v62 =	vmul.f32 v63, v63;
	v38 =	vadd.f32 v61, v58  }
0x530: {  	v44 =	vadd.f32 v16, v37  }
0x531: {  	v48 =	vld [tilespmem:s29+$0x1060];
	v63 =	vmul.f32 v16, v16;
	v39 =	vadd.f32 v62, v39;
	[tilespmem:s29+$0x1050] =	vst v38  }
0x532: {  	v16 =	vadd.f32 v17, v44;
	v55 =	vld [tilespmem:s1+$0x1060]  }
0x533: {  	v46 =	vmul.f32 v17, v17;
	v45 =	vadd.f32 v63, v39  }
0x534: {  	v16 =	vadd.f32 v18, v16;
	v59 =	vld [tilespmem:$0x1FE00]  }
0x535: {  	v49 =	vmul.f32 v18, v18;
	v37 =	vadd.f32 v46, v45  }
0x536: {  	v16 =	vadd.f32 v19, v16;
	v61 =	vld [tilespmem:$0x1FE10]  }
0x537: {  	v57 =	vmul.f32 v19, v19;
	v37 =	vadd.f32 v49, v37;
	v17 =	vadd.f32 v55, v48  }
0x538: {  	v44 =	vld [tilespmem:$0x1FE20]  }
0x539: {  	v58 =	vadd.f32 v57, v37;
	v60 =	vmul.f32 v59, v59;
	v16 =	vadd.f32 v59, v16;
	[tilespmem:s29+$0x1060] =	vst v17  }
0x53a: {  	v48 =	vld [tilespmem:$0x1FE30]  }
0x53b: {  	v62 =	vmul.f32 v61, v61;
	v19 =	vadd.f32 v60, v58;
	v16 =	vadd.f32 v61, v16  }
0x53c: {  	v63 =	vld [tilespmem:s29+$0x1070]  }
0x53d: {  	v45 =	vmul.f32 v44, v44;
	v46 =	vld [tilespmem:s1+$0x1070];
	v19 =	vadd.f32 v62, v19;
	v16 =	vadd.f32 v44, v16;
	_ =	sdelay $0x1  }
0x53e: {  	v19 =	vadd.f32 v45, v19;
	v49 =	vmul.f32 v48, v48;
	v16 =	vadd.f32 v48, v16;
	_ =	sdelay $0x1  }
0x53f: {  	v55 =	vmul.f32 v56, v56;
	v19 =	vadd.f32 v49, v19;
	v16 =	vadd.f32 v56, v16  }
0x540: {  	v18 =	vadd.f32 v46, v63  }
0x541: {  	v57 =	vmul.f32 v54, v54;
	v19 =	vadd.f32 v55, v19;
	v16 =	vadd.f32 v54, v16  }
0x542: {  	v58 =	vld [tilespmem:s29+$0x1400];
	[tilespmem:s29+$0x1070] =	vst v18  }
0x543: {  	v59 =	vmul.f32 v47, v47;
	v60 =	vld [tilespmem:s1+$0x1400];
	v19 =	vadd.f32 v57, v19;
	v16 =	vadd.f32 v47, v16;
	_ =	sdelay $0x1  }
0x544: {  	v61 =	vmul.f32 v15, v15;
	v19 =	vadd.f32 v59, v19;
	v15 =	vadd.f32 v15, v16;
	_ =	sdelay $0x1  }
0x545: {  	v63 =	vmul.f32 v20, v20;
	v62 =	vadd.f32 v61, v19;
	v15 =	vadd.f32 v20, v15  }
0x546: {  	v20 =	vadd.f32 v60, v58  }
0x547: {  	v37 =	vmul.f32 v21, v21;
	v16 =	vadd.f32 v63, v62;
	v15 =	vadd.f32 v21, v15  }
0x548: {  	v41 =	vld [tilespmem:s29+$0x1410];
	[tilespmem:s29+$0x1400] =	vst v20  }
0x549: {  	v42 =	vmul.f32 v22, v22;
	v43 =	vld [tilespmem:s1+$0x1410];
	v16 =	vadd.f32 v37, v16;
	v15 =	vadd.f32 v22, v15;
	_ =	sdelay $0x1  }
0x54a: {  	v44 =	vmul.f32 v0, v0;
	v16 =	vadd.f32 v42, v16;
	v0 =	vadd.f32 v0, v15;
	_ =	sdelay $0x1  }
0x54b: {  	v46 =	vmul.f32 v1, v1;
	v45 =	vadd.f32 v44, v16;
	v0 =	vadd.f32 v1, v0  }
0x54c: {  	v49 =	vadd.f32 v43, v41  }
0x54d: {  	v48 =	vmul.f32 v6, v6;
	v47 =	vadd.f32 v46, v45;
	v0 =	vadd.f32 v6, v0  }
0x54e: {  	v54 =	vld [tilespmem:s29+$0x1420];
	[tilespmem:s29+$0x1410] =	vst v49  }
0x54f: {  	v55 =	vmul.f32 v13, v13;
	v56 =	vld [tilespmem:s1+$0x1420];
	v1 =	vadd.f32 v48, v47;
	v0 =	vadd.f32 v13, v0;
	_ =	sdelay $0x1  }
0x550: {  	v57 =	vmul.f32 v14, v14;
	v1 =	vadd.f32 v55, v1;
	v0 =	vadd.f32 v14, v0;
	_ =	sdelay $0x1  }
0x551: {  	v58 =	vmul.f32 v25, v25;
	v1 =	vadd.f32 v57, v1;
	v0 =	vadd.f32 v25, v0  }
0x552: {  	v6 =	vadd.f32 v56, v54  }
0x553: {  	v59 =	vmul.f32 v26, v26;
	v1 =	vadd.f32 v58, v1;
	v0 =	vadd.f32 v26, v0  }
0x554: {  	v60 =	vld [tilespmem:s29+$0x1430];
	[tilespmem:s29+$0x1420] =	vst v6  }
0x555: {  	v61 =	vmul.f32 v27, v27;
	v62 =	vld [tilespmem:s1+$0x1430];
	v1 =	vadd.f32 v59, v1;
	v0 =	vadd.f32 v27, v0;
	_ =	sdelay $0x1  }
0x556: {  	v63 =	vmul.f32 v28, v28;
	v1 =	vadd.f32 v61, v1;
	v0 =	vadd.f32 v28, v0;
	_ =	sdelay $0x1  }
0x557: {  	v19 =	vmul.f32 v29, v29;
	v1 =	vadd.f32 v63, v1;
	v0 =	vadd.f32 v29, v0  }
0x558: {  	v13 =	vadd.f32 v62, v60  }
0x559: {  	v21 =	vmul.f32 v30, v30;
	v1 =	vadd.f32 v19, v1;
	v0 =	vadd.f32 v30, v0  }
0x55a: {  	v22 =	vld [tilespmem:s29+$0x1440];
	[tilespmem:s29+$0x1430] =	vst v13  }
0x55b: {  	v25 =	vmul.f32 v32, v32;
	v26 =	vld [tilespmem:s1+$0x1440];
	v1 =	vadd.f32 v21, v1;
	v0 =	vadd.f32 v32, v0;
	_ =	sdelay $0x1  }
0x55c: {  	v27 =	vmul.f32 v34, v34;
	v1 =	vadd.f32 v25, v1;
	v0 =	vadd.f32 v34, v0;
	_ =	sdelay $0x1  }
0x55d: {  	v28 =	vmul.f32 v35, v35;
	v1 =	vadd.f32 v27, v1;
	v0 =	vadd.f32 v35, v0  }
0x55e: {  	v15 =	vadd.f32 v26, v22  }
0x55f: {  	v29 =	vmul.f32 v36, v36;
	v1 =	vadd.f32 v28, v1;
	v0 =	vadd.f32 v36, v0  }
0x560: {  	v30 =	vld [tilespmem:s29+$0x1450];
	[tilespmem:s29+$0x1440] =	vst v15  }
0x561: {  	v32 =	vmul.f32 v33, v33;
	v1 =	vadd.f32 v29, v1;
	v0 =	vadd.f32 v33, v0;
	v33 =	vld [tilespmem:s1+$0x1450];
	_ =	sdelay $0x1  }
0x562: {  	v34 =	vmul.f32 v31, v31;
	v1 =	vadd.f32 v32, v1;
	v0 =	vadd.f32 v31, v0;
	_ =	sdelay $0x1  }
0x563: {  	v35 =	vmul.f32 v38, v38;
	v1 =	vadd.f32 v34, v1;
	v0 =	vadd.f32 v38, v0  }
0x564: {  	v19 =	vadd.f32 v33, v30  }
0x565: {  	v36 =	vmul.f32 v17, v17;
	v1 =	vadd.f32 v35, v1;
	v0 =	vadd.f32 v17, v0  }
0x566: {  	v37 =	vld [tilespmem:s29+$0x1460];
	[tilespmem:s29+$0x1450] =	vst v19  }
0x567: {  	v38 =	vmul.f32 v18, v18;
	v1 =	vadd.f32 v36, v1;
	v0 =	vadd.f32 v18, v0;
	v39 =	vld [tilespmem:s1+$0x1460];
	_ =	sdelay $0x1  }
0x568: {  	v40 =	vmul.f32 v20, v20;
	v1 =	vadd.f32 v38, v1;
	v0 =	vadd.f32 v20, v0;
	_ =	sdelay $0x1  }
0x569: {  	v41 =	vmul.f32 v49, v49;
	v1 =	vadd.f32 v40, v1;
	v0 =	vadd.f32 v49, v0  }
0x56a: {  	v43 =	vadd.f32 v39, v37  }
0x56b: {  	v42 =	vmul.f32 v6, v6;
	v1 =	vadd.f32 v41, v1;
	v0 =	vadd.f32 v6, v0  }
0x56c: {  	v44 =	vld [tilespmem:s29+$0x1470];
	[tilespmem:s29+$0x1460] =	vst v43  }
0x56d: {  	v45 =	vmul.f32 v13, v13;
	v1 =	vadd.f32 v42, v1;
	v0 =	vadd.f32 v13, v0;
	v46 =	vld [tilespmem:s1+$0x1470];
	_ =	sdelay $0x1  }
0x56e: {  	v47 =	vmul.f32 v15, v15;
	v1 =	vadd.f32 v45, v1;
	v0 =	vadd.f32 v15, v0;
	_ =	sdelay $0x1  }
0x56f: {  	v48 =	vmul.f32 v19, v19;
	v1 =	vadd.f32 v47, v1;
	v0 =	vadd.f32 v19, v0  }
0x570: {  	v6 =	vadd.f32 v46, v44  }
0x571: {  	v49 =	vmul.f32 v43, v43;
	v1 =	vadd.f32 v48, v1;
	v0 =	vadd.f32 v43, v0;
	_ =	sdelay $0x1  }
0x572: {  	v13 =	vmul.f32 v6, v6;
	v1 =	vadd.f32 v49, v1;
	v0 =	vadd.f32 v6, v0;
	_ =	sdelay $0x1  }
0x573: {  	v1 =	vadd.f32 v13, v1;
	v54 =	vperm.xlane v0, v50;
	_ =	sdelay $0x1  }
0x574: {  	v0 =	vadd.f32 v54, v0;
	v55 =	vperm.xlane v1, v50;
	_ =	sdelay $0x1  }
0x575: {  	v56 =	vperm.xlane v0, v51;
	v1 =	vadd.f32 v55, v1;
	_ =	sdelay $0x1  }
0x576: {  	v0 =	vadd.f32 v56, v0;
	v13 =	vperm.xlane v1, v51;
	_ =	sdelay $0x1  }
0x577: {  	v14 =	vperm.xlane v0, v52;
	v1 =	vadd.f32 v13, v1;
	_ =	sdelay $0x1  }
0x578: {  	v0 =	vadd.f32 v14, v0;
	v13 =	vperm.xlane v1, v52;
	_ =	sdelay $0x1  }
0x579: {  	v14 =	vperm.xlane v0, v53;
	v1 =	vadd.f32 v13, v1;
	_ =	sdelay $0x1  }
0x57a: {  	v0 =	vadd.f32 v14, v0;
	v13 =	vperm.xlane v1, v53;
	_ =	sdelay $0x1  }
0x57b: {  	v0 =	vmul.f32 $1.302083370e-03, v0;
	v1 =	vadd.f32 v13, v1;
	_ =	sdelay $0x1  }
0x57c: {  	v1 =	vmul.f32 $1.302083370e-03, v1;
	v57 =	vmul.f32 v0, v0;
	_ =	sdelay $0x1  }
0x57d: {  	v1 =	vsub.f32 v1, v57;
	_ =	sdelay $0x1  }
0x57e: {  	v1 =	vadd.f32 $9.999999960e-13, v1;
	_ =	sdelay $0x1  }
0x57f: {  	v58 =	vshra.s32 v1, $0x1;
	v1 =	vmul.f32 $5.000000000e-01, v1  }
0x580: {  	v13 =	vsub.s32 $0x5F3759DF, v58  }
0x581: {  	v59 =	vmul.f32 v13, v1;
	_ =	sdelay $0x1  }
0x582: {  	v14 =	vmul.f32 v13, v59;
	_ =	sdelay $0x1  }
0x583: {  	v14 =	vsub.f32 $1.500000000e+00, v14;
	_ =	sdelay $0x1  }
0x584: {  	v13 =	vmul.f32 v13, v14;
	_ =	sdelay $0x1  }
0x585: {  	v1 =	vmul.f32 v13, v1  }
0x586: {  	v60 =	vld [tilespmem:s29+$0x0]  }
0x587: {  	v1 =	vmul.f32 v1, v13;
	_ =	sdelay $0x1  }
0x588: {  	[tilespmem:s29+$0x1470] =	vst v6;
	v1 =	vsub.f32 $1.500000000e+00, v1  }
0x589: {  	v6 =	vld [tilespmem:$0x1E200]  }
0x58a: {  	v61 =	vsub.f32 v60, v0;
	v1 =	vmul.f32 v1, v13  }
0x58b: {  	v62 =	vld [tilespmem:$0x1E500]  }
0x58c: {  	v13 =	vmul.f32 v1, v61;
	_ =	sdelay $0x1  }
0x58d: {  	v6 =	vmul.f32 v13, v6  }
0x58e: {  	v63 =	vld [tilespmem:s29+$0x10]  }
0x58f: {  	v6 =	vadd.f32 v6, v62;
	_ =	sdelay $0x1  }
0x590: {  	[tilespmem:s29+$0x0] =	vst v6  }
0x591: {  	v6 =	vld [tilespmem:$0x1E210]  }
0x592: {  	v13 =	vsub.f32 v63, v0  }
0x593: {  	v16 =	vld [tilespmem:$0x1E510]  }
0x594: {  	v13 =	vmul.f32 v1, v13;
	_ =	sdelay $0x1  }
0x595: {  	v6 =	vmul.f32 v13, v6  }
0x596: {  	v17 =	vld [tilespmem:s29+$0x20]  }
0x597: {  	v6 =	vadd.f32 v6, v16;
	_ =	sdelay $0x1  }
0x598: {  	[tilespmem:s29+$0x10] =	vst v6  }
0x599: {  	v6 =	vld [tilespmem:$0x1E220]  }
0x59a: {  	v13 =	vsub.f32 v17, v0  }
0x59b: {  	v18 =	vld [tilespmem:$0x1E520]  }
0x59c: {  	v13 =	vmul.f32 v1, v13;
	_ =	sdelay $0x1  }
0x59d: {  	v6 =	vmul.f32 v13, v6  }
0x59e: {  	v19 =	vld [tilespmem:s29+$0x30]  }
0x59f: {  	v6 =	vadd.f32 v6, v18;
	_ =	sdelay $0x1  }
0x5a0: {  	[tilespmem:s29+$0x20] =	vst v6  }
0x5a1: {  	v20 =	vsub.f32 v9, v11;
	v21 =	vld [tilespmem:$0x1E230]  }
0x5a2: {  	v13 =	vsub.f32 v19, v0  }
0x5a3: {  	v6 =	vmul.f32 v12, v20;
	v22 =	vld [tilespmem:$0x1E530]  }
0x5a4: {  	v13 =	vmul.f32 v1, v13  }
0x5a5: {  	v6 =	vmul.f32 v6, v10  }
0x5a6: {  	v9 =	vmul.f32 v13, v21  }
0x5a7: {  	v6 =	vadd.f32 v6, v23;
	v23 =	vld [tilespmem:s29+$0x40]  }
0x5a8: {  	v9 =	vadd.f32 v9, v22  }
0x5a9: {  	[tilespmem:s28+$0x30] =	vst v6  }
0x5aa: {  	v6 =	vld [tilespmem:$0x1E240];
	[tilespmem:s29+$0x30] =	vst v9  }
0x5ab: {  	v24 =	vsub.f32 v24, v11;
	v25 =	vld [tilespmem:$0x1E240]  }
0x5ac: {  	v26 =	vld [tilespmem:$0x1E540];
	v10 =	vsub.f32 v23, v0  }
0x5ad: {  	v9 =	vmul.f32 v24, v12;
	v27 =	vld [tilespmem:$0x1E540]  }
0x5ae: {  	v10 =	vmul.f32 v10, v1  }
0x5af: {  	v6 =	vmul.f32 v9, v6  }
0x5b0: {  	v28 =	vld [tilespmem:s28+$0x50];
	v10 =	vmul.f32 v10, v25  }
0x5b1: {  	v29 =	vld [tilespmem:s29+$0x50];
	v6 =	vadd.f32 v6, v26  }
0x5b2: {  	v10 =	vadd.f32 v10, v27  }
0x5b3: {  	[tilespmem:s28+$0x40] =	vst v6  }
0x5b4: {  	v6 =	vld [tilespmem:$0x1E250];
	[tilespmem:s29+$0x40] =	vst v10  }
0x5b5: {  	v9 =	vsub.f32 v28, v11;
	v10 =	vld [tilespmem:$0x1E250]  }
0x5b6: {  	v13 =	vsub.f32 v29, v0;
	v30 =	vld [tilespmem:$0x1E550]  }
0x5b7: {  	v9 =	vmul.f32 v9, v12;
	v31 =	vld [tilespmem:$0x1E550]  }
0x5b8: {  	v13 =	vmul.f32 v13, v1  }
0x5b9: {  	v6 =	vmul.f32 v9, v6  }
0x5ba: {  	v32 =	vld [tilespmem:s28+$0x60];
	v10 =	vmul.f32 v13, v10  }
0x5bb: {  	v33 =	vld [tilespmem:s29+$0x60];
	v6 =	vadd.f32 v6, v30  }
0x5bc: {  	v10 =	vadd.f32 v10, v31  }
0x5bd: {  	[tilespmem:s28+$0x50] =	vst v6  }
0x5be: {  	v6 =	vld [tilespmem:$0x1E260];
	[tilespmem:s29+$0x50] =	vst v10  }
0x5bf: {  	v9 =	vsub.f32 v32, v11;
	v10 =	vld [tilespmem:$0x1E260]  }
0x5c0: {  	v13 =	vsub.f32 v33, v0;
	v34 =	vld [tilespmem:$0x1E560]  }
0x5c1: {  	v9 =	vmul.f32 v9, v12;
	v35 =	vld [tilespmem:$0x1E560]  }
0x5c2: {  	v13 =	vmul.f32 v13, v1  }
0x5c3: {  	v6 =	vmul.f32 v9, v6  }
0x5c4: {  	v36 =	vld [tilespmem:s28+$0x70];
	v10 =	vmul.f32 v13, v10  }
0x5c5: {  	v37 =	vld [tilespmem:s29+$0x70];
	v6 =	vadd.f32 v6, v34  }
0x5c6: {  	v10 =	vadd.f32 v10, v35  }
0x5c7: {  	[tilespmem:s28+$0x60] =	vst v6  }
0x5c8: {  	v6 =	vld [tilespmem:$0x1E270];
	[tilespmem:s29+$0x60] =	vst v10  }
0x5c9: {  	v9 =	vsub.f32 v36, v11;
	v10 =	vld [tilespmem:$0x1E270]  }
0x5ca: {  	v13 =	vsub.f32 v37, v0;
	v38 =	vld [tilespmem:$0x1E570]  }
0x5cb: {  	v9 =	vmul.f32 v9, v12;
	v39 =	vld [tilespmem:$0x1E570]  }
0x5cc: {  	v13 =	vmul.f32 v13, v1  }
0x5cd: {  	v6 =	vmul.f32 v9, v6  }
0x5ce: {  	v40 =	vld [tilespmem:s28+$0x400];
	v10 =	vmul.f32 v13, v10  }
0x5cf: {  	v41 =	vld [tilespmem:s29+$0x400];
	v6 =	vadd.f32 v6, v38  }
0x5d0: {  	v10 =	vadd.f32 v10, v39  }
0x5d1: {  	[tilespmem:s28+$0x70] =	vst v6  }
0x5d2: {  	v6 =	vld [tilespmem:$0x1E280];
	[tilespmem:s29+$0x70] =	vst v10  }
0x5d3: {  	v9 =	vsub.f32 v40, v11;
	v10 =	vld [tilespmem:$0x1E280]  }
0x5d4: {  	v13 =	vsub.f32 v41, v0;
	v42 =	vld [tilespmem:$0x1E580]  }
0x5d5: {  	v9 =	vmul.f32 v9, v12;
	v43 =	vld [tilespmem:$0x1E580]  }
0x5d6: {  	v13 =	vmul.f32 v13, v1  }
0x5d7: {  	v6 =	vmul.f32 v9, v6  }
0x5d8: {  	v44 =	vld [tilespmem:s28+$0x410];
	v10 =	vmul.f32 v13, v10  }
0x5d9: {  	v45 =	vld [tilespmem:s29+$0x410];
	v6 =	vadd.f32 v6, v42  }
0x5da: {  	v10 =	vadd.f32 v10, v43  }
0x5db: {  	[tilespmem:s28+$0x400] =	vst v6  }
0x5dc: {  	v6 =	vld [tilespmem:$0x1E290];
	[tilespmem:s29+$0x400] =	vst v10  }
0x5dd: {  	v9 =	vsub.f32 v44, v11;
	v10 =	vld [tilespmem:$0x1E290]  }
0x5de: {  	v13 =	vsub.f32 v45, v0;
	v46 =	vld [tilespmem:$0x1E590]  }
0x5df: {  	v9 =	vmul.f32 v9, v12;
	v47 =	vld [tilespmem:$0x1E590]  }
0x5e0: {  	v13 =	vmul.f32 v13, v1  }
0x5e1: {  	v6 =	vmul.f32 v9, v6  }
0x5e2: {  	v48 =	vld [tilespmem:s28+$0x420];
	v10 =	vmul.f32 v13, v10  }
0x5e3: {  	v49 =	vld [tilespmem:s29+$0x420];
	v6 =	vadd.f32 v6, v46  }
0x5e4: {  	v10 =	vadd.f32 v10, v47  }
0x5e5: {  	[tilespmem:s28+$0x410] =	vst v6  }
0x5e6: {  	v6 =	vld [tilespmem:$0x1E2A0];
	[tilespmem:s29+$0x410] =	vst v10  }
0x5e7: {  	v9 =	vsub.f32 v48, v11;
	v10 =	vld [tilespmem:$0x1E2A0]  }
0x5e8: {  	v13 =	vsub.f32 v49, v0;
	v54 =	vld [tilespmem:$0x1E5A0]  }
0x5e9: {  	v9 =	vmul.f32 v9, v12;
	v55 =	vld [tilespmem:$0x1E5A0]  }
0x5ea: {  	v13 =	vmul.f32 v13, v1  }
0x5eb: {  	v6 =	vmul.f32 v9, v6  }
0x5ec: {  	v56 =	vld [tilespmem:s28+$0x430];
	v10 =	vmul.f32 v13, v10  }
0x5ed: {  	v57 =	vld [tilespmem:s29+$0x430];
	v6 =	vadd.f32 v6, v54  }
0x5ee: {  	v10 =	vadd.f32 v10, v55  }
0x5ef: {  	[tilespmem:s28+$0x420] =	vst v6  }
0x5f0: {  	v6 =	vld [tilespmem:$0x1E2B0];
	[tilespmem:s29+$0x420] =	vst v10  }
0x5f1: {  	v9 =	vsub.f32 v56, v11;
	v10 =	vld [tilespmem:$0x1E2B0]  }
0x5f2: {  	v13 =	vsub.f32 v57, v0;
	v58 =	vld [tilespmem:$0x1E5B0]  }
0x5f3: {  	v9 =	vmul.f32 v9, v12;
	v59 =	vld [tilespmem:$0x1E5B0]  }
0x5f4: {  	v13 =	vmul.f32 v13, v1  }
0x5f5: {  	v6 =	vmul.f32 v9, v6  }
0x5f6: {  	v60 =	vld [tilespmem:s28+$0x440];
	v10 =	vmul.f32 v13, v10  }
0x5f7: {  	v61 =	vld [tilespmem:s29+$0x440];
	v6 =	vadd.f32 v6, v58  }
0x5f8: {  	v10 =	vadd.f32 v10, v59  }
0x5f9: {  	[tilespmem:s28+$0x430] =	vst v6  }
0x5fa: {  	v6 =	vld [tilespmem:$0x1E2C0];
	[tilespmem:s29+$0x430] =	vst v10  }
0x5fb: {  	v9 =	vsub.f32 v60, v11;
	v10 =	vld [tilespmem:$0x1E2C0]  }
0x5fc: {  	v13 =	vsub.f32 v61, v0;
	v62 =	vld [tilespmem:$0x1E5C0]  }
0x5fd: {  	v9 =	vmul.f32 v9, v12;
	v63 =	vld [tilespmem:$0x1E5C0]  }
0x5fe: {  	v13 =	vmul.f32 v13, v1  }
0x5ff: {  	v6 =	vmul.f32 v9, v6  }
0x600: {  	v16 =	vld [tilespmem:s28+$0x450];
	v10 =	vmul.f32 v13, v10  }
0x601: {  	v17 =	vld [tilespmem:s29+$0x450];
	v6 =	vadd.f32 v6, v62  }
0x602: {  	v10 =	vadd.f32 v10, v63  }
0x603: {  	[tilespmem:s28+$0x440] =	vst v6  }
0x604: {  	v6 =	vld [tilespmem:$0x1E2D0];
	[tilespmem:s29+$0x440] =	vst v10  }
0x605: {  	v9 =	vsub.f32 v16, v11;
	v10 =	vld [tilespmem:$0x1E2D0]  }
0x606: {  	v13 =	vsub.f32 v17, v0;
	v18 =	vld [tilespmem:$0x1E5D0]  }
0x607: {  	v9 =	vmul.f32 v9, v12;
	v19 =	vld [tilespmem:$0x1E5D0]  }
0x608: {  	v13 =	vmul.f32 v13, v1  }
0x609: {  	v6 =	vmul.f32 v9, v6  }
0x60a: {  	v20 =	vld [tilespmem:s28+$0x460];
	v10 =	vmul.f32 v13, v10  }
0x60b: {  	v21 =	vld [tilespmem:s29+$0x460];
	v6 =	vadd.f32 v6, v18  }
0x60c: {  	v10 =	vadd.f32 v10, v19  }
0x60d: {  	[tilespmem:s28+$0x450] =	vst v6  }
0x60e: {  	v6 =	vld [tilespmem:$0x1E2E0];
	[tilespmem:s29+$0x450] =	vst v10  }
0x60f: {  	v9 =	vsub.f32 v20, v11;
	v10 =	vld [tilespmem:$0x1E2E0]  }
0x610: {  	v13 =	vsub.f32 v21, v0;
	v22 =	vld [tilespmem:$0x1E5E0]  }
0x611: {  	v9 =	vmul.f32 v9, v12;
	v23 =	vld [tilespmem:$0x1E5E0]  }
0x612: {  	v13 =	vmul.f32 v13, v1  }
0x613: {  	v6 =	vmul.f32 v9, v6  }
0x614: {  	v24 =	vld [tilespmem:s28+$0x470];
	v10 =	vmul.f32 v13, v10  }
0x615: {  	v25 =	vld [tilespmem:s29+$0x470];
	v6 =	vadd.f32 v6, v22  }
0x616: {  	v10 =	vadd.f32 v10, v23  }
0x617: {  	[tilespmem:s28+$0x460] =	vst v6  }
0x618: {  	v6 =	vld [tilespmem:$0x1E2F0];
	[tilespmem:s29+$0x460] =	vst v10  }
0x619: {  	v9 =	vsub.f32 v24, v11;
	v10 =	vld [tilespmem:$0x1E2F0]  }
0x61a: {  	v13 =	vsub.f32 v25, v0;
	v26 =	vld [tilespmem:$0x1E5F0]  }
0x61b: {  	v9 =	vmul.f32 v9, v12;
	v27 =	vld [tilespmem:$0x1E5F0]  }
0x61c: {  	v13 =	vmul.f32 v13, v1  }
0x61d: {  	v6 =	vmul.f32 v9, v6  }
0x61e: {  	v28 =	vld [tilespmem:s28+$0x800];
	v10 =	vmul.f32 v13, v10  }
0x61f: {  	v29 =	vld [tilespmem:s29+$0x800];
	v6 =	vadd.f32 v6, v26  }
0x620: {  	v10 =	vadd.f32 v10, v27  }
0x621: {  	[tilespmem:s28+$0x470] =	vst v6  }
0x622: {  	v6 =	vld [tilespmem:$0x1E300];
	[tilespmem:s29+$0x470] =	vst v10  }
0x623: {  	v9 =	vsub.f32 v28, v11;
	v10 =	vld [tilespmem:$0x1E300]  }
0x624: {  	v13 =	vsub.f32 v29, v0;
	v30 =	vld [tilespmem:$0x1E600]  }
0x625: {  	v9 =	vmul.f32 v9, v12;
	v31 =	vld [tilespmem:$0x1E600]  }
0x626: {  	v13 =	vmul.f32 v13, v1  }
0x627: {  	v6 =	vmul.f32 v9, v6  }
0x628: {  	v32 =	vld [tilespmem:s28+$0x810];
	v10 =	vmul.f32 v13, v10  }
0x629: {  	v33 =	vld [tilespmem:s29+$0x810];
	v6 =	vadd.f32 v6, v30  }
0x62a: {  	v10 =	vadd.f32 v10, v31  }
0x62b: {  	[tilespmem:s28+$0x800] =	vst v6  }
0x62c: {  	v6 =	vld [tilespmem:$0x1E310];
	[tilespmem:s29+$0x800] =	vst v10  }
0x62d: {  	v9 =	vsub.f32 v32, v11;
	v10 =	vld [tilespmem:$0x1E310]  }
0x62e: {  	v13 =	vsub.f32 v33, v0;
	v34 =	vld [tilespmem:$0x1E610]  }
0x62f: {  	v9 =	vmul.f32 v9, v12;
	v35 =	vld [tilespmem:$0x1E610]  }
0x630: {  	v13 =	vmul.f32 v13, v1  }
0x631: {  	v6 =	vmul.f32 v9, v6  }
0x632: {  	v36 =	vld [tilespmem:s28+$0x820];
	v10 =	vmul.f32 v13, v10  }
0x633: {  	v37 =	vld [tilespmem:s29+$0x820];
	v6 =	vadd.f32 v6, v34  }
0x634: {  	v10 =	vadd.f32 v10, v35  }
0x635: {  	[tilespmem:s28+$0x810] =	vst v6  }
0x636: {  	v6 =	vld [tilespmem:$0x1E320];
	[tilespmem:s29+$0x810] =	vst v10  }
0x637: {  	v9 =	vsub.f32 v36, v11;
	v10 =	vld [tilespmem:$0x1E320]  }
0x638: {  	v13 =	vsub.f32 v37, v0;
	v38 =	vld [tilespmem:$0x1E620]  }
0x639: {  	v9 =	vmul.f32 v9, v12;
	v39 =	vld [tilespmem:$0x1E620]  }
0x63a: {  	v13 =	vmul.f32 v13, v1  }
0x63b: {  	v6 =	vmul.f32 v9, v6  }
0x63c: {  	v40 =	vld [tilespmem:s28+$0x830];
	v10 =	vmul.f32 v13, v10  }
0x63d: {  	v41 =	vld [tilespmem:s29+$0x830];
	v6 =	vadd.f32 v6, v38  }
0x63e: {  	v10 =	vadd.f32 v10, v39  }
0x63f: {  	[tilespmem:s28+$0x820] =	vst v6  }
0x640: {  	v6 =	vld [tilespmem:$0x1E330];
	[tilespmem:s29+$0x820] =	vst v10  }
0x641: {  	v9 =	vsub.f32 v40, v11;
	v10 =	vld [tilespmem:$0x1E330]  }
0x642: {  	v13 =	vsub.f32 v41, v0;
	v42 =	vld [tilespmem:$0x1E630]  }
0x643: {  	v9 =	vmul.f32 v9, v12;
	v43 =	vld [tilespmem:$0x1E630]  }
0x644: {  	v13 =	vmul.f32 v13, v1  }
0x645: {  	v6 =	vmul.f32 v9, v6  }
0x646: {  	v44 =	vld [tilespmem:s28+$0x840];
	v10 =	vmul.f32 v13, v10  }
0x647: {  	v45 =	vld [tilespmem:s29+$0x840];
	v6 =	vadd.f32 v6, v42  }
0x648: {  	v10 =	vadd.f32 v10, v43  }
0x649: {  	[tilespmem:s28+$0x830] =	vst v6  }
0x64a: {  	v6 =	vld [tilespmem:$0x1E340];
	[tilespmem:s29+$0x830] =	vst v10  }
0x64b: {  	v9 =	vsub.f32 v44, v11;
	v10 =	vld [tilespmem:$0x1E340]  }
0x64c: {  	v13 =	vsub.f32 v45, v0;
	v46 =	vld [tilespmem:$0x1E640]  }
0x64d: {  	v9 =	vmul.f32 v9, v12;
	v47 =	vld [tilespmem:$0x1E640]  }
0x64e: {  	v13 =	vmul.f32 v13, v1  }
0x64f: {  	v6 =	vmul.f32 v9, v6  }
0x650: {  	v48 =	vld [tilespmem:s28+$0x850];
	v10 =	vmul.f32 v13, v10  }
0x651: {  	v49 =	vld [tilespmem:s29+$0x850];
	v6 =	vadd.f32 v6, v46  }
0x652: {  	v10 =	vadd.f32 v10, v47  }
0x653: {  	[tilespmem:s28+$0x840] =	vst v6  }
0x654: {  	v6 =	vld [tilespmem:$0x1E350];
	[tilespmem:s29+$0x840] =	vst v10  }
0x655: {  	v9 =	vsub.f32 v48, v11;
	v10 =	vld [tilespmem:$0x1E350]  }
0x656: {  	v13 =	vsub.f32 v49, v0;
	v54 =	vld [tilespmem:$0x1E650]  }
0x657: {  	v9 =	vmul.f32 v9, v12;
	v55 =	vld [tilespmem:$0x1E650]  }
0x658: {  	v13 =	vmul.f32 v13, v1  }
0x659: {  	v6 =	vmul.f32 v9, v6  }
0x65a: {  	v56 =	vld [tilespmem:s28+$0x860];
	v10 =	vmul.f32 v13, v10  }
0x65b: {  	v57 =	vld [tilespmem:s29+$0x860];
	v6 =	vadd.f32 v6, v54  }
0x65c: {  	v10 =	vadd.f32 v10, v55  }
0x65d: {  	[tilespmem:s28+$0x850] =	vst v6  }
0x65e: {  	v6 =	vld [tilespmem:$0x1E360];
	[tilespmem:s29+$0x850] =	vst v10  }
0x65f: {  	v9 =	vsub.f32 v56, v11;
	v10 =	vld [tilespmem:$0x1E360]  }
0x660: {  	v13 =	vsub.f32 v57, v0;
	v58 =	vld [tilespmem:$0x1E660]  }
0x661: {  	v9 =	vmul.f32 v9, v12;
	v59 =	vld [tilespmem:$0x1E660]  }
0x662: {  	v13 =	vmul.f32 v13, v1  }
0x663: {  	v6 =	vmul.f32 v9, v6  }
0x664: {  	v60 =	vld [tilespmem:s28+$0x870];
	v10 =	vmul.f32 v13, v10  }
0x665: {  	v61 =	vld [tilespmem:s29+$0x870];
	v6 =	vadd.f32 v6, v58  }
0x666: {  	v10 =	vadd.f32 v10, v59  }
0x667: {  	[tilespmem:s28+$0x860] =	vst v6  }
0x668: {  	v6 =	vld [tilespmem:$0x1E370];
	[tilespmem:s29+$0x860] =	vst v10  }
0x669: {  	v9 =	vsub.f32 v60, v11;
	v10 =	vld [tilespmem:$0x1E370]  }
0x66a: {  	v13 =	vsub.f32 v61, v0;
	v62 =	vld [tilespmem:$0x1E670]  }
0x66b: {  	v9 =	vmul.f32 v9, v12;
	v63 =	vld [tilespmem:$0x1E670]  }
0x66c: {  	v13 =	vmul.f32 v13, v1  }
0x66d: {  	v6 =	vmul.f32 v9, v6  }
0x66e: {  	v17 =	vld [tilespmem:s28+$0xC00];
	v10 =	vmul.f32 v13, v10  }
0x66f: {  	v18 =	vld [tilespmem:s29+$0xC00];
	v6 =	vadd.f32 v6, v62  }
0x670: {  	v10 =	vadd.f32 v10, v63  }
0x671: {  	[tilespmem:s28+$0x870] =	vst v6  }
0x672: {  	v6 =	vld [tilespmem:$0x1E380];
	[tilespmem:s29+$0x870] =	vst v10  }
0x673: {  	v9 =	vsub.f32 v17, v11;
	v10 =	vld [tilespmem:$0x1E380]  }
0x674: {  	v13 =	vsub.f32 v18, v0;
	v19 =	vld [tilespmem:$0x1E680]  }
0x675: {  	v9 =	vmul.f32 v9, v12;
	v20 =	vld [tilespmem:$0x1E680]  }
0x676: {  	v13 =	vmul.f32 v13, v1  }
0x677: {  	v6 =	vmul.f32 v9, v6  }
0x678: {  	v21 =	vld [tilespmem:s28+$0xC10];
	v10 =	vmul.f32 v13, v10  }
0x679: {  	v22 =	vld [tilespmem:s29+$0xC10];
	v6 =	vadd.f32 v6, v19  }
0x67a: {  	v10 =	vadd.f32 v10, v20  }
0x67b: {  	[tilespmem:s28+$0xC00] =	vst v6  }
0x67c: {  	v6 =	vld [tilespmem:$0x1E390];
	[tilespmem:s29+$0xC00] =	vst v10  }
0x67d: {  	v9 =	vsub.f32 v21, v11;
	v10 =	vld [tilespmem:$0x1E390]  }
0x67e: {  	v13 =	vsub.f32 v22, v0;
	v23 =	vld [tilespmem:$0x1E690]  }
0x67f: {  	v9 =	vmul.f32 v9, v12;
	v24 =	vld [tilespmem:$0x1E690]  }
0x680: {  	v13 =	vmul.f32 v13, v1  }
0x681: {  	v6 =	vmul.f32 v9, v6  }
0x682: {  	v25 =	vld [tilespmem:s28+$0xC20];
	v10 =	vmul.f32 v13, v10  }
0x683: {  	v26 =	vld [tilespmem:s29+$0xC20];
	v6 =	vadd.f32 v6, v23  }
0x684: {  	v10 =	vadd.f32 v10, v24  }
0x685: {  	[tilespmem:s28+$0xC10] =	vst v6  }
0x686: {  	v6 =	vld [tilespmem:$0x1E3A0];
	[tilespmem:s29+$0xC10] =	vst v10  }
0x687: {  	v9 =	vsub.f32 v25, v11;
	v10 =	vld [tilespmem:$0x1E3A0]  }
0x688: {  	v13 =	vsub.f32 v26, v0;
	v27 =	vld [tilespmem:$0x1E6A0]  }
0x689: {  	v9 =	vmul.f32 v9, v12;
	v28 =	vld [tilespmem:$0x1E6A0]  }
0x68a: {  	v13 =	vmul.f32 v13, v1  }
0x68b: {  	v6 =	vmul.f32 v9, v6  }
0x68c: {  	v30 =	vld [tilespmem:s28+$0xC30];
	v29 =	vmul.f32 v13, v10  }
0x68d: {  	v31 =	vld [tilespmem:s29+$0xC30];
	v6 =	vadd.f32 v6, v27  }
0x68e: {  	v9 =	vadd.f32 v29, v28  }
0x68f: {  	v4 =	vsub.f32 v4, v7;
	[tilespmem:s28+$0xC20] =	vst v6  }
0x690: {  	v6 =	vld [tilespmem:$0x1E3B0];
	[tilespmem:s29+$0xC20] =	vst v9  }
0x691: {  	v4 =	vmul.f32 v4, v8;
	v32 =	vsub.f32 v30, v11;
	v33 =	vld [tilespmem:$0x1E3B0]  }
0x692: {  	v13 =	vsub.f32 v31, v0;
	v34 =	vld [tilespmem:$0x1E6B0]  }
0x693: {  	v4 =	vmul.f32 v4, v5;
	v35 =	vmul.f32 v32, v12;
	v36 =	vld [tilespmem:$0x1E6B0]  }
0x694: {  	v13 =	vmul.f32 v13, v1  }
0x695: {  	v3 =	vadd.f32 v4, v3;
	v37 =	vmul.f32 v35, v6  }
0x696: {  	v38 =	vld [tilespmem:s28+$0xC40];
	v39 =	vmul.f32 v13, v33  }
0x697: {  	[tilespmem:s26+$0xC30] =	vst v3;
	v41 =	vld [tilespmem:s29+$0xC40];
	v40 =	vadd.f32 v37, v34  }
0x698: {  	v42 =	vld [tilespmem:$0x1E3C0];
	v6 =	vadd.f32 v39, v36  }
0x699: {  	v2 =	vsub.f32 v2, v7;
	v43 =	vld [tilespmem:$0x1E6C0];
	[tilespmem:s28+$0xC30] =	vst v40  }
0x69a: {  	v3 =	vld [tilespmem:$0x1E3C0];
	[tilespmem:s29+$0xC30] =	vst v6  }
0x69b: {  	v2 =	vmul.f32 v2, v8;
	v5 =	vsub.f32 v38, v11;
	v6 =	vld [tilespmem:$0x1E3C0]  }
0x69c: {  	v4 =	vsub.f32 v41, v0;
	v44 =	vld [tilespmem:$0x1E6C0]  }
0x69d: {  	v5 =	vmul.f32 v5, v12;
	v2 =	vmul.f32 v2, v42;
	v45 =	vld [tilespmem:$0x1E6C0]  }
0x69e: {  	v4 =	vmul.f32 v4, v1;
	v46 =	vld [tilespmem:s26+$0xC50]  }
0x69f: {  	v2 =	vadd.f32 v2, v43;
	v3 =	vmul.f32 v5, v3  }
0x6a0: {  	v47 =	vld [tilespmem:s28+$0xC50];
	v4 =	vmul.f32 v4, v6  }
0x6a1: {  	[tilespmem:s26+$0xC40] =	vst v2;
	v49 =	vld [tilespmem:s29+$0xC50];
	v48 =	vadd.f32 v3, v44  }
0x6a2: {  	v54 =	vld [tilespmem:$0x1E3D0];
	v4 =	vadd.f32 v4, v45  }
0x6a3: {  	v56 =	vld [tilespmem:$0x1E6D0];
	v55 =	vsub.f32 v46, v7;
	[tilespmem:s28+$0xC40] =	vst v48  }
0x6a4: {  	v2 =	vld [tilespmem:$0x1E3D0];
	[tilespmem:s29+$0xC40] =	vst v4  }
0x6a5: {  	v57 =	vmul.f32 v55, v8;
	v5 =	vsub.f32 v47, v11;
	v58 =	vld [tilespmem:$0x1E3D0]  }
0x6a6: {  	v3 =	vsub.f32 v49, v0;
	v59 =	vld [tilespmem:$0x1E6D0]  }
0x6a7: {  	v5 =	vmul.f32 v5, v12;
	v4 =	vmul.f32 v57, v54;
	v60 =	vld [tilespmem:$0x1E6D0]  }
0x6a8: {  	v61 =	vld [tilespmem:s26+$0xC60];
	v3 =	vmul.f32 v3, v1  }
0x6a9: {  	v4 =	vadd.f32 v4, v56;
	v2 =	vmul.f32 v5, v2  }
0x6aa: {  	v62 =	vld [tilespmem:s28+$0xC60];
	v3 =	vmul.f32 v3, v58  }
0x6ab: {  	v63 =	vld [tilespmem:s29+$0xC60];
	[tilespmem:s26+$0xC50] =	vst v4;
	v2 =	vadd.f32 v2, v59  }
0x6ac: {  	v16 =	vld [tilespmem:$0x1E3E0];
	v3 =	vadd.f32 v3, v60  }
0x6ad: {  	v17 =	vsub.f32 v61, v7;
	v18 =	vld [tilespmem:$0x1E6E0];
	[tilespmem:s28+$0xC50] =	vst v2  }
0x6ae: {  	v2 =	vld [tilespmem:$0x1E3E0];
	[tilespmem:s29+$0xC50] =	vst v3  }
0x6af: {  	v19 =	vmul.f32 v17, v8;
	v5 =	vsub.f32 v62, v11;
	v20 =	vld [tilespmem:$0x1E3E0]  }
0x6b0: {  	v4 =	vsub.f32 v63, v0;
	v21 =	vld [tilespmem:$0x1E6E0]  }
0x6b1: {  	v5 =	vmul.f32 v5, v12;
	v3 =	vmul.f32 v19, v16;
	v22 =	vld [tilespmem:$0x1E6E0]  }
0x6b2: {  	v23 =	vld [tilespmem:s26+$0xC70];
	v4 =	vmul.f32 v4, v1  }
0x6b3: {  	v3 =	vadd.f32 v3, v18;
	v2 =	vmul.f32 v5, v2  }
0x6b4: {  	v24 =	vld [tilespmem:s28+$0xC70];
	v4 =	vmul.f32 v4, v20  }
0x6b5: {  	v25 =	vld [tilespmem:s29+$0xC70];
	[tilespmem:s26+$0xC60] =	vst v3;
	v2 =	vadd.f32 v2, v21  }
0x6b6: {  	v26 =	vld [tilespmem:$0x1E3F0];
	v4 =	vadd.f32 v4, v22  }
0x6b7: {  	v27 =	vsub.f32 v23, v7;
	v28 =	vld [tilespmem:$0x1E6F0];
	[tilespmem:s28+$0xC60] =	vst v2  }
0x6b8: {  	v2 =	vld [tilespmem:$0x1E3F0];
	[tilespmem:s29+$0xC60] =	vst v4  }
0x6b9: {  	v29 =	vmul.f32 v27, v8;
	v5 =	vsub.f32 v24, v11;
	v30 =	vld [tilespmem:$0x1E3F0]  }
0x6ba: {  	v3 =	vsub.f32 v25, v0;
	v31 =	vld [tilespmem:$0x1E6F0]  }
0x6bb: {  	v5 =	vmul.f32 v5, v12;
	v4 =	vmul.f32 v29, v26;
	v32 =	vld [tilespmem:$0x1E6F0]  }
0x6bc: {  	v33 =	vld [tilespmem:s26+$0x1000];
	v3 =	vmul.f32 v3, v1  }
0x6bd: {  	v4 =	vadd.f32 v4, v28;
	v2 =	vmul.f32 v5, v2  }
0x6be: {  	v34 =	vld [tilespmem:s28+$0x1000];
	v3 =	vmul.f32 v3, v30  }
0x6bf: {  	v35 =	vld [tilespmem:s29+$0x1000];
	[tilespmem:s26+$0xC70] =	vst v4;
	v2 =	vadd.f32 v2, v31  }
0x6c0: {  	v36 =	vld [tilespmem:$0x1E400];
	v3 =	vadd.f32 v3, v32  }
0x6c1: {  	v37 =	vsub.f32 v33, v7;
	v38 =	vld [tilespmem:$0x1E700];
	[tilespmem:s28+$0xC70] =	vst v2  }
0x6c2: {  	v2 =	vld [tilespmem:$0x1E400];
	[tilespmem:s29+$0xC70] =	vst v3  }
0x6c3: {  	v39 =	vmul.f32 v37, v8;
	v5 =	vsub.f32 v34, v11;
	v40 =	vld [tilespmem:$0x1E400]  }
0x6c4: {  	v4 =	vsub.f32 v35, v0;
	v41 =	vld [tilespmem:$0x1E700]  }
0x6c5: {  	v5 =	vmul.f32 v5, v12;
	v3 =	vmul.f32 v39, v36;
	v42 =	vld [tilespmem:$0x1E700]  }
0x6c6: {  	v43 =	vld [tilespmem:s26+$0x1010];
	v4 =	vmul.f32 v4, v1  }
0x6c7: {  	v3 =	vadd.f32 v3, v38;
	v2 =	vmul.f32 v5, v2  }
0x6c8: {  	v44 =	vld [tilespmem:s28+$0x1010];
	v4 =	vmul.f32 v4, v40  }
0x6c9: {  	v45 =	vld [tilespmem:s29+$0x1010];
	[tilespmem:s26+$0x1000] =	vst v3;
	v2 =	vadd.f32 v2, v41  }
0x6ca: {  	v46 =	vld [tilespmem:$0x1E410];
	v4 =	vadd.f32 v4, v42  }
0x6cb: {  	v47 =	vsub.f32 v43, v7;
	v48 =	vld [tilespmem:$0x1E710];
	[tilespmem:s28+$0x1000] =	vst v2  }
0x6cc: {  	v2 =	vld [tilespmem:$0x1E410];
	[tilespmem:s29+$0x1000] =	vst v4  }
0x6cd: {  	v49 =	vmul.f32 v47, v8;
	v5 =	vsub.f32 v44, v11;
	v54 =	vld [tilespmem:$0x1E410]  }
0x6ce: {  	v3 =	vsub.f32 v45, v0;
	v55 =	vld [tilespmem:$0x1E710]  }
0x6cf: {  	v5 =	vmul.f32 v5, v12;
	v4 =	vmul.f32 v49, v46;
	v56 =	vld [tilespmem:$0x1E710]  }
0x6d0: {  	v57 =	vld [tilespmem:s26+$0x1020];
	v3 =	vmul.f32 v3, v1  }
0x6d1: {  	v4 =	vadd.f32 v4, v48;
	v2 =	vmul.f32 v5, v2  }
0x6d2: {  	v58 =	vld [tilespmem:s28+$0x1020];
	v3 =	vmul.f32 v3, v54  }
0x6d3: {  	v59 =	vld [tilespmem:s29+$0x1020];
	[tilespmem:s26+$0x1010] =	vst v4;
	v2 =	vadd.f32 v2, v55  }
0x6d4: {  	v60 =	vld [tilespmem:$0x1E420];
	v3 =	vadd.f32 v3, v56  }
0x6d5: {  	v61 =	vsub.f32 v57, v7;
	v62 =	vld [tilespmem:$0x1E720];
	[tilespmem:s28+$0x1010] =	vst v2  }
0x6d6: {  	v2 =	vld [tilespmem:$0x1E420];
	[tilespmem:s29+$0x1010] =	vst v3  }
0x6d7: {  	v63 =	vmul.f32 v61, v8;
	v5 =	vsub.f32 v58, v11;
	v16 =	vld [tilespmem:$0x1E420]  }
0x6d8: {  	v4 =	vsub.f32 v59, v0;
	v17 =	vld [tilespmem:$0x1E720]  }
0x6d9: {  	v5 =	vmul.f32 v5, v12;
	v3 =	vmul.f32 v63, v60;
	v18 =	vld [tilespmem:$0x1E720]  }
0x6da: {  	v19 =	vld [tilespmem:s26+$0x1030];
	v4 =	vmul.f32 v4, v1  }
0x6db: {  	v3 =	vadd.f32 v3, v62;
	v2 =	vmul.f32 v5, v2  }
0x6dc: {  	v20 =	vld [tilespmem:s28+$0x1030];
	v4 =	vmul.f32 v4, v16  }
0x6dd: {  	v21 =	vld [tilespmem:s29+$0x1030];
	[tilespmem:s26+$0x1020] =	vst v3;
	v2 =	vadd.f32 v2, v17  }
0x6de: {  	v22 =	vld [tilespmem:$0x1E430];
	v4 =	vadd.f32 v4, v18  }
0x6df: {  	v23 =	vsub.f32 v19, v7;
	v24 =	vld [tilespmem:$0x1E730];
	[tilespmem:s28+$0x1020] =	vst v2  }
0x6e0: {  	v2 =	vld [tilespmem:$0x1E430];
	[tilespmem:s29+$0x1020] =	vst v4  }
0x6e1: {  	v25 =	vmul.f32 v23, v8;
	v5 =	vsub.f32 v20, v11;
	v26 =	vld [tilespmem:$0x1E430]  }
0x6e2: {  	v3 =	vsub.f32 v21, v0;
	v27 =	vld [tilespmem:$0x1E730]  }
0x6e3: {  	v5 =	vmul.f32 v5, v12;
	v4 =	vmul.f32 v25, v22;
	v28 =	vld [tilespmem:$0x1E730]  }
0x6e4: {  	v29 =	vld [tilespmem:s26+$0x1040];
	v3 =	vmul.f32 v3, v1  }
0x6e5: {  	v4 =	vadd.f32 v4, v24;
	v2 =	vmul.f32 v5, v2  }
0x6e6: {  	v30 =	vld [tilespmem:s28+$0x1040];
	v3 =	vmul.f32 v3, v26  }
0x6e7: {  	v31 =	vld [tilespmem:s29+$0x1040];
	[tilespmem:s26+$0x1030] =	vst v4;
	v2 =	vadd.f32 v2, v27  }
0x6e8: {  	v32 =	vld [tilespmem:$0x1E440];
	v3 =	vadd.f32 v3, v28  }
0x6e9: {  	v33 =	vsub.f32 v29, v7;
	v34 =	vld [tilespmem:$0x1E740];
	[tilespmem:s28+$0x1030] =	vst v2  }
0x6ea: {  	v2 =	vld [tilespmem:$0x1E440];
	[tilespmem:s29+$0x1030] =	vst v3  }
0x6eb: {  	v35 =	vmul.f32 v33, v8;
	v5 =	vsub.f32 v30, v11;
	v36 =	vld [tilespmem:$0x1E440]  }
0x6ec: {  	v4 =	vsub.f32 v31, v0;
	v37 =	vld [tilespmem:$0x1E740]  }
0x6ed: {  	v5 =	vmul.f32 v5, v12;
	v3 =	vmul.f32 v35, v32;
	v38 =	vld [tilespmem:$0x1E740]  }
0x6ee: {  	v39 =	vld [tilespmem:s26+$0x1050];
	v4 =	vmul.f32 v4, v1  }
0x6ef: {  	v3 =	vadd.f32 v3, v34;
	v2 =	vmul.f32 v5, v2  }
0x6f0: {  	v40 =	vld [tilespmem:s28+$0x1050];
	v4 =	vmul.f32 v4, v36  }
0x6f1: {  	v41 =	vld [tilespmem:s29+$0x1050];
	[tilespmem:s26+$0x1040] =	vst v3;
	v2 =	vadd.f32 v2, v37  }
0x6f2: {  	v42 =	vld [tilespmem:$0x1E450];
	v4 =	vadd.f32 v4, v38  }
0x6f3: {  	v43 =	vsub.f32 v39, v7;
	v44 =	vld [tilespmem:$0x1E750];
	[tilespmem:s28+$0x1040] =	vst v2  }
0x6f4: {  	v2 =	vld [tilespmem:$0x1E450];
	[tilespmem:s29+$0x1040] =	vst v4  }
0x6f5: {  	v45 =	vmul.f32 v43, v8;
	v5 =	vsub.f32 v40, v11;
	v46 =	vld [tilespmem:$0x1E450]  }
0x6f6: {  	v3 =	vsub.f32 v41, v0;
	v47 =	vld [tilespmem:$0x1E750]  }
0x6f7: {  	v5 =	vmul.f32 v5, v12;
	v4 =	vmul.f32 v45, v42;
	v48 =	vld [tilespmem:$0x1E750]  }
0x6f8: {  	v49 =	vld [tilespmem:s26+$0x1060];
	v3 =	vmul.f32 v3, v1  }
0x6f9: {  	v4 =	vadd.f32 v4, v44;
	v2 =	vmul.f32 v5, v2  }
0x6fa: {  	v54 =	vld [tilespmem:s28+$0x1060];
	v3 =	vmul.f32 v3, v46  }
0x6fb: {  	v55 =	vld [tilespmem:s29+$0x1060];
	[tilespmem:s26+$0x1050] =	vst v4;
	v2 =	vadd.f32 v2, v47  }
0x6fc: {  	v56 =	vld [tilespmem:$0x1E460];
	v3 =	vadd.f32 v3, v48  }
0x6fd: {  	v57 =	vsub.f32 v49, v7;
	v58 =	vld [tilespmem:$0x1E760];
	[tilespmem:s28+$0x1050] =	vst v2  }
0x6fe: {  	v2 =	vld [tilespmem:$0x1E460];
	[tilespmem:s29+$0x1050] =	vst v3  }
0x6ff: {  	v59 =	vmul.f32 v57, v8;
	v5 =	vsub.f32 v54, v11;
	v60 =	vld [tilespmem:$0x1E460]  }
0x700: {  	v4 =	vsub.f32 v55, v0;
	v61 =	vld [tilespmem:$0x1E760]  }
0x701: {  	v5 =	vmul.f32 v5, v12;
	v3 =	vmul.f32 v59, v56;
	v62 =	vld [tilespmem:$0x1E760]  }
0x702: {  	v63 =	vld [tilespmem:s26+$0x1070];
	v4 =	vmul.f32 v4, v1  }
0x703: {  	v3 =	vadd.f32 v3, v58;
	v2 =	vmul.f32 v5, v2  }
0x704: {  	v15 =	vld [tilespmem:s28+$0x1070];
	v4 =	vmul.f32 v4, v60  }
0x705: {  	v16 =	vld [tilespmem:s29+$0x1070];
	[tilespmem:s26+$0x1060] =	vst v3;
	v2 =	vadd.f32 v2, v61  }
0x706: {  	v17 =	vld [tilespmem:$0x1E470];
	v4 =	vadd.f32 v4, v62  }
0x707: {  	v18 =	vsub.f32 v63, v7;
	v19 =	vld [tilespmem:$0x1E770];
	[tilespmem:s28+$0x1060] =	vst v2  }
0x708: {  	v2 =	vld [tilespmem:$0x1E470];
	[tilespmem:s29+$0x1060] =	vst v4  }
0x709: {  	v20 =	vmul.f32 v18, v8;
	v5 =	vsub.f32 v15, v11;
	v21 =	vld [tilespmem:$0x1E470]  }
0x70a: {  	v3 =	vsub.f32 v16, v0;
	v22 =	vld [tilespmem:$0x1E770]  }
0x70b: {  	v5 =	vmul.f32 v5, v12;
	v4 =	vmul.f32 v20, v17;
	v23 =	vld [tilespmem:$0x1E770]  }
0x70c: {  	v24 =	vld [tilespmem:s26+$0x1400];
	v3 =	vmul.f32 v3, v1  }
0x70d: {  	v4 =	vadd.f32 v4, v19;
	v2 =	vmul.f32 v5, v2  }
0x70e: {  	v25 =	vld [tilespmem:s28+$0x1400];
	v3 =	vmul.f32 v3, v21  }
0x70f: {  	v26 =	vld [tilespmem:s29+$0x1400];
	[tilespmem:s26+$0x1070] =	vst v4;
	v2 =	vadd.f32 v2, v22  }
0x710: {  	v27 =	vld [tilespmem:$0x1E480];
	v3 =	vadd.f32 v3, v23  }
0x711: {  	v28 =	vsub.f32 v24, v7;
	v29 =	vld [tilespmem:$0x1E780];
	[tilespmem:s28+$0x1070] =	vst v2  }
0x712: {  	v2 =	vld [tilespmem:$0x1E480];
	[tilespmem:s29+$0x1070] =	vst v3  }
0x713: {  	v30 =	vmul.f32 v28, v8;
	v5 =	vsub.f32 v25, v11;
	v31 =	vld [tilespmem:$0x1E480]  }
0x714: {  	v4 =	vsub.f32 v26, v0;
	v32 =	vld [tilespmem:$0x1E780]  }
0x715: {  	v5 =	vmul.f32 v5, v12;
	v3 =	vmul.f32 v30, v27;
	v33 =	vld [tilespmem:$0x1E780]  }
0x716: {  	v34 =	vld [tilespmem:s26+$0x1410];
	v4 =	vmul.f32 v4, v1  }
0x717: {  	v3 =	vadd.f32 v3, v29;
	v2 =	vmul.f32 v5, v2  }
0x718: {  	v35 =	vld [tilespmem:s28+$0x1410];
	v4 =	vmul.f32 v4, v31  }
0x719: {  	v36 =	vld [tilespmem:s29+$0x1410];
	[tilespmem:s26+$0x1400] =	vst v3;
	v2 =	vadd.f32 v2, v32  }
0x71a: {  	v37 =	vld [tilespmem:$0x1E490];
	v4 =	vadd.f32 v4, v33  }
0x71b: {  	v38 =	vsub.f32 v34, v7;
	v39 =	vld [tilespmem:$0x1E790];
	[tilespmem:s28+$0x1400] =	vst v2  }
0x71c: {  	v2 =	vld [tilespmem:$0x1E490];
	[tilespmem:s29+$0x1400] =	vst v4  }
0x71d: {  	v40 =	vmul.f32 v38, v8;
	v5 =	vsub.f32 v35, v11;
	v41 =	vld [tilespmem:$0x1E490]  }
0x71e: {  	v3 =	vsub.f32 v36, v0;
	v42 =	vld [tilespmem:$0x1E790]  }
0x71f: {  	v5 =	vmul.f32 v5, v12;
	v4 =	vmul.f32 v40, v37;
	v43 =	vld [tilespmem:$0x1E790]  }
0x720: {  	v44 =	vld [tilespmem:s26+$0x1420];
	v3 =	vmul.f32 v3, v1  }
0x721: {  	v4 =	vadd.f32 v4, v39;
	v2 =	vmul.f32 v5, v2  }
0x722: {  	v45 =	vld [tilespmem:s28+$0x1420];
	v3 =	vmul.f32 v3, v41  }
0x723: {  	v46 =	vld [tilespmem:s29+$0x1420];
	[tilespmem:s26+$0x1410] =	vst v4;
	v2 =	vadd.f32 v2, v42  }
0x724: {  	v47 =	vld [tilespmem:$0x1E4A0];
	v3 =	vadd.f32 v3, v43  }
0x725: {  	v48 =	vsub.f32 v44, v7;
	v49 =	vld [tilespmem:$0x1E7A0];
	[tilespmem:s28+$0x1410] =	vst v2  }
0x726: {  	v2 =	vld [tilespmem:$0x1E4A0];
	[tilespmem:s29+$0x1410] =	vst v3  }
0x727: {  	v54 =	vmul.f32 v48, v8;
	v5 =	vsub.f32 v45, v11;
	v55 =	vld [tilespmem:$0x1E4A0]  }
0x728: {  	v4 =	vsub.f32 v46, v0;
	v56 =	vld [tilespmem:$0x1E7A0]  }
0x729: {  	v5 =	vmul.f32 v5, v12;
	v3 =	vmul.f32 v54, v47;
	v57 =	vld [tilespmem:$0x1E7A0]  }
0x72a: {  	v58 =	vld [tilespmem:s26+$0x1430];
	v4 =	vmul.f32 v4, v1  }
0x72b: {  	v3 =	vadd.f32 v3, v49;
	v2 =	vmul.f32 v5, v2  }
0x72c: {  	v59 =	vld [tilespmem:s28+$0x1430];
	v4 =	vmul.f32 v4, v55  }
0x72d: {  	v60 =	vld [tilespmem:s29+$0x1430];
	[tilespmem:s26+$0x1420] =	vst v3;
	v2 =	vadd.f32 v2, v56  }
0x72e: {  	v61 =	vld [tilespmem:$0x1E4B0];
	v4 =	vadd.f32 v4, v57  }
0x72f: {  	v62 =	vsub.f32 v58, v7;
	v63 =	vld [tilespmem:$0x1E7B0];
	[tilespmem:s28+$0x1420] =	vst v2  }
0x730: {  	v2 =	vld [tilespmem:$0x1E4B0];
	[tilespmem:s29+$0x1420] =	vst v4  }
0x731: {  	v16 =	vmul.f32 v62, v8;
	v5 =	vsub.f32 v59, v11;
	v17 =	vld [tilespmem:$0x1E4B0]  }
0x732: {  	v3 =	vsub.f32 v60, v0;
	v18 =	vld [tilespmem:$0x1E7B0]  }
0x733: {  	v5 =	vmul.f32 v5, v12;
	v4 =	vmul.f32 v16, v61;
	v19 =	vld [tilespmem:$0x1E7B0]  }
0x734: {  	v20 =	vld [tilespmem:s26+$0x1440];
	v3 =	vmul.f32 v3, v1  }
0x735: {  	v4 =	vadd.f32 v4, v63;
	v2 =	vmul.f32 v5, v2  }
0x736: {  	v21 =	vld [tilespmem:s28+$0x1440];
	v3 =	vmul.f32 v3, v17  }
0x737: {  	v22 =	vld [tilespmem:s29+$0x1440];
	[tilespmem:s26+$0x1430] =	vst v4;
	v2 =	vadd.f32 v2, v18  }
0x738: {  	v23 =	vld [tilespmem:$0x1E4C0];
	v3 =	vadd.f32 v3, v19  }
0x739: {  	v24 =	vsub.f32 v20, v7;
	v25 =	vld [tilespmem:$0x1E7C0];
	[tilespmem:s28+$0x1430] =	vst v2  }
0x73a: {  	v2 =	vld [tilespmem:$0x1E4C0];
	[tilespmem:s29+$0x1430] =	vst v3  }
0x73b: {  	v26 =	vmul.f32 v24, v8;
	v5 =	vsub.f32 v21, v11;
	v27 =	vld [tilespmem:$0x1E4C0]  }
0x73c: {  	v4 =	vsub.f32 v22, v0;
	v28 =	vld [tilespmem:$0x1E7C0]  }
0x73d: {  	v5 =	vmul.f32 v5, v12;
	v3 =	vmul.f32 v26, v23;
	v29 =	vld [tilespmem:$0x1E7C0]  }
0x73e: {  	v30 =	vld [tilespmem:s26+$0x1450];
	v4 =	vmul.f32 v4, v1  }
0x73f: {  	v3 =	vadd.f32 v3, v25;
	v2 =	vmul.f32 v5, v2  }
0x740: {  	v31 =	vld [tilespmem:s28+$0x1450];
	v4 =	vmul.f32 v4, v27  }
0x741: {  	v32 =	vld [tilespmem:s29+$0x1450];
	[tilespmem:s26+$0x1440] =	vst v3;
	v2 =	vadd.f32 v2, v28  }
0x742: {  	v33 =	vld [tilespmem:$0x1E4D0];
	v4 =	vadd.f32 v4, v29  }
0x743: {  	v34 =	vsub.f32 v30, v7;
	v35 =	vld [tilespmem:$0x1E7D0];
	[tilespmem:s28+$0x1440] =	vst v2  }
0x744: {  	v2 =	vld [tilespmem:$0x1E4D0];
	[tilespmem:s29+$0x1440] =	vst v4  }
0x745: {  	v36 =	vmul.f32 v34, v8;
	v5 =	vsub.f32 v31, v11;
	v37 =	vld [tilespmem:$0x1E4D0]  }
0x746: {  	v3 =	vsub.f32 v32, v0;
	v38 =	vld [tilespmem:$0x1E7D0]  }
0x747: {  	v5 =	vmul.f32 v5, v12;
	v4 =	vmul.f32 v36, v33;
	v39 =	vld [tilespmem:$0x1E7D0]  }
0x748: {  	v40 =	vld [tilespmem:s26+$0x1460];
	v3 =	vmul.f32 v3, v1  }
0x749: {  	v4 =	vadd.f32 v4, v35;
	v2 =	vmul.f32 v5, v2  }
0x74a: {  	v41 =	vld [tilespmem:s28+$0x1460];
	v3 =	vmul.f32 v3, v37  }
0x74b: {  	v42 =	vld [tilespmem:s29+$0x1460];
	[tilespmem:s26+$0x1450] =	vst v4;
	v2 =	vadd.f32 v2, v38  }
0x74c: {  	v43 =	vld [tilespmem:$0x1E4E0];
	v3 =	vadd.f32 v3, v39  }
0x74d: {  	v44 =	vsub.f32 v40, v7;
	v45 =	vld [tilespmem:$0x1E7E0];
	[tilespmem:s28+$0x1450] =	vst v2  }
0x74e: {  	v2 =	vld [tilespmem:$0x1E4E0];
	[tilespmem:s29+$0x1450] =	vst v3  }
0x74f: {  	v46 =	vmul.f32 v44, v8;
	v5 =	vsub.f32 v41, v11;
	v47 =	vld [tilespmem:$0x1E4E0]  }
0x750: {  	v4 =	vsub.f32 v42, v0;
	v48 =	vld [tilespmem:$0x1E7E0]  }
0x751: {  	v5 =	vmul.f32 v5, v12;
	v3 =	vmul.f32 v46, v43;
	v49 =	vld [tilespmem:$0x1E7E0]  }
0x752: {  	v4 =	vmul.f32 v4, v1  }
0x753: {  	v54 =	vld [tilespmem:s26+$0x1470];
	v3 =	vadd.f32 v3, v45;
	v2 =	vmul.f32 v5, v2  }
0x754: {  	v55 =	vld [tilespmem:s28+$0x1470];
	v4 =	vmul.f32 v4, v47  }
0x755: {  	v56 =	vld [tilespmem:s29+$0x1470];
	[tilespmem:s26+$0x1460] =	vst v3;
	v2 =	vadd.f32 v2, v48  }
0x756: {  	v57 =	vld [tilespmem:$0x1E4F0];
	v4 =	vadd.f32 v4, v49  }
0x757: {  	v58 =	vld [tilespmem:$0x1E7F0];
	[tilespmem:s28+$0x1460] =	vst v2  }
0x758: {  	v5 =	vsub.f32 v54, v7;
	v59 =	vld [tilespmem:$0x1E4F0];
	[tilespmem:s29+$0x1460] =	vst v4  }
0x759: {  	v6 =	vsub.f32 v55, v11;
	v60 =	vld [tilespmem:$0x1E4F0]  }
0x75a: {  	v0 =	vsub.f32 v56, v0;
	v5 =	vmul.f32 v5, v8;
	v61 =	vld [tilespmem:$0x1E7F0]  }
0x75b: {  	v6 =	vmul.f32 v6, v12;
	v62 =	vld [tilespmem:$0x1E7F0]  }
0x75c: {  	v0 =	vmul.f32 v0, v1;
	v5 =	vmul.f32 v5, v57  }
0x75d: {  	s31 =	sshll.u32 s21, $0x5;
	p0 =	seq.s32 s21, $0x0;
	v63 =	vmul.f32 v6, v59  }
0x75e: {  	s3 =	sadd.s32 @!p0 $0xFFFFFFFF, s21;
	s1 =	sadd.s32 s7, s31;
	v2 =	vadd.f32 v5, v58;
	v0 =	vmul.f32 v0, v60  }
0x75f: {  	s4 =	smulhi.u32 @!p0 $0xAAAAAAAB, s3;
	s1 =	sshrl.u32 s1, $0x3;
	v1 =	vadd.f32 v63, v61  }
0x760: {  	s1 =	smul.u32 $0x300, s1;
	[tilespmem:s26+$0x1470] =	vst v2;
	v0 =	vadd.f32 v0, v62  }
0x761: {  	s5 =	sadd.s32 $0x6, s24;
	p1 =	sgt.u32 @!p0 s21, $0x5;
	s4 =	sshrl.u32 @!p0 s4, $0x1;
	[tilespmem:s28+$0x1470] =	vst v1  }
0x762: {  	p1 =	por p0, !p1;
	s4 =	smul.u32 @!p0 $0x3, s4;
	s1 =	sadd.s32 s6, s1;
	[tilespmem:s29+$0x1470] =	vst v0  }
0x763: {  	[hbm4b:s1+s8] =	stream.linear.scatter [tilespmem:s25], [sflag:s5], $0x6000, $0x38;
	[tilespmem:$0x1E800] =	vst v63  }
.Ltmp5:
0x764: {  	s1 =	ssub.s32 @!p0 s3, s4;
	(pc) =	sbr.rel @!p1 .LBB2_6-.Ltmp5, $4  }
0x765: {  	s1 =	sadd.s32 @!p0 $0x6, s1  }
0x766: {  	_ =	swait.ge @!p0 [sflag:s1], $0x6000  }
0x767: {  	[sflag:s1] =	ssyncset.done @!p0 $0x0  }
0x768: {  	v49 =	vmov v52;
	v52 =	vmov v53;
	[sflag:s1] =	ssyncadd.s32 @!p0 $0xFFFFA000  }
0x769: {  	s1 =	sadd.s32 $0x2, s21  }
0x76a: {  	s3 =	sshll.u32 s1, $0x5  }
0x76b: {  	s3 =	sand.u32 $0x3FFFFFE0, s3  }
0x76c: {  	v0 =	vld [tilespmem:s3+$0x0];
	_ =	sdelay $0x3  }
0x76d: {  	v2 =	vld [tilespmem:$0x1FF90];
	s4 =	smul.u32 $0xAB, s1  }
0x76e: {  	v1 =	vshrl.u32 v0, $0x3  }
0x76f: {  	v3 =	vld [tilespmem:$0x1FFA0];
	s4 =	sshrl.u32 s4, $0x9;
	v1 =	vmul.u32 $0x30, v1  }
0x770: {  	s4 =	sand.u32 $0x7F, s4;
	v0 =	vand.u32 $0x7, v0  }
0x771: {  	s4 =	smul.u32 $0x3, s4;
	v0 =	vor.u32 v0, v1  }
0x772: {  	v1 =	vperm.xlane v0, v2  }
0x773: {  	v4 =	vld [tilespmem:$0x1FFB0];
	s1 =	ssub.s32 s1, s4  }
0x774: {  	s1 =	sand.u32 $0xFF, s1;
	v1 =	vadd.s32 v3, v1  }
0x775: {  	s30 =	smul.u32 $0x18000, s1;
	_ =	sdelay $0x1  }
0x776: {  	s4 =	sshrl.u32 s30, $0x2  }
0x777: {  	s1 =	sadd.s32 $0x1, s1;
	s5 =	sor.u32 $0x200, s4;
	v0 =	vperm.xlane v0, v4  }
0x778: {  	[tilespmem:s5], [sflag:s1] =	stream.indirect_vreg.gather [hbm4b:s0+s8], $0x80, v1, vm0, $0xb8;
	[tilespmem:$0x1E800] =	vst v63  }
0x779: {  	s31 =	sor.u32 $0xA00, s4;
	v0 =	vadd.s32 v3, v0  }
0x77a: {  	[tilespmem:s31], [sflag:s1] =	stream.indirect_vreg.gather [hbm4b:s11+s8], $0x80, v1, vm0, $0xb8;
	[tilespmem:$0x1E800] =	vst v63  }
0x77b: {  	s14 =	sor.u32 $0x1200, s4  }
0x77c: {  	[tilespmem:s14], [sflag:s1] =	stream.indirect_vreg.gather [hbm4b:s12+s8], $0x80, v1, vm0, $0xb8;
	[tilespmem:$0x1E800] =	vst v63  }
0x77d: {  	s16 =	sor.u32 $0x1A00, s4  }
0x77e: {  	[tilespmem:s16], [sflag:s1] =	stream.indirect_vreg.gather [hbm4b:s0+s8], $0x80, v0, vm0, $0xb8;
	[tilespmem:$0x1E800] =	vst v63  }
0x77f: {  	s21 =	sadd.s32 $0x2200, s4  }
0x780: {  	[tilespmem:s21], [sflag:s1] =	stream.indirect_vreg.gather [hbm4b:s11+s8], $0x80, v0, vm0, $0xb8;
	[tilespmem:$0x1E800] =	vst v63  }
0x781: {  	s24 =	sadd.s32 $0x2A00, s4  }
0x782: {  	[tilespmem:s24], [sflag:s1] =	stream.indirect_vreg.gather [hbm4b:s12+s8], $0x80, v0, vm0, $0xb8;
	[tilespmem:$0x1E800] =	vst v63  }
0x783: {  	v0 =	vld [tilespmem:s3+$0x10];
	_ =	sdelay $0x4  }
0x784: {  	v63 =	vshrl.u32 v0, $0x3  }
0x785: {  	v1 =	vmul.u32 $0x30, v63  }
0x786: {  	v0 =	vand.u32 $0x7, v0  }
0x787: {  	v0 =	vor.u32 v0, v1  }
0x788: {  	v1 =	vperm.xlane v0, v2;
	_ =	sdelay $0x1  }
0x789: {  	v1 =	vadd.s32 v3, v1;
	_ =	sdelay $0x3  }
0x78a: {  	s25 =	sadd.s32 $0x3200, s4;
	v0 =	vperm.xlane v0, v4  }
0x78b: {  	[tilespmem:s25], [sflag:s1] =	stream.indirect_vreg.gather [hbm4b:s0+s8], $0x80, v1, vm0, $0xb8;
	[tilespmem:$0x1E800] =	vst v63  }
0x78c: {  	s26 =	sadd.s32 $0x3A00, s4;
	v0 =	vadd.s32 v3, v0  }
0x78d: {  	[tilespmem:s26], [sflag:s1] =	stream.indirect_vreg.gather [hbm4b:s11+s8], $0x80, v1, vm0, $0xb8;
	[tilespmem:$0x1E800] =	vst v63  }
0x78e: {  	s28 =	sadd.s32 $0x4200, s4  }
0x78f: {  	[tilespmem:s28], [sflag:s1] =	stream.indirect_vreg.gather [hbm4b:s12+s8], $0x80, v1, vm0, $0xb8;
	[tilespmem:$0x1E800] =	vst v63  }
0x790: {  	s29 =	sadd.s32 $0x4A00, s4  }
0x791: {  	[tilespmem:s29], [sflag:s1] =	stream.indirect_vreg.gather [hbm4b:s0+s8], $0x80, v0, vm0, $0xb8;
	[tilespmem:$0x1E800] =	vst v63  }
.Ltmp6:
0x792: {  	_ = 	snop;
	(pc) =	sbr.rel .LBB2_6-.Ltmp6, $4  }
0x793: {  	s30 =	sadd.s32 $0x5200, s4  }
0x794: {  	[tilespmem:s30], [sflag:s1] =	stream.indirect_vreg.gather [hbm4b:s11+s8], $0x80, v0, vm0, $0xb8;
	[tilespmem:$0x1E800] =	vst v63  }
0x795: {  	s31 =	sadd.s32 $0x5A00, s4  }
0x796: {  	[tilespmem:s31], [sflag:s1] =	stream.indirect_vreg.gather [hbm4b:s12+s8], $0x80, v0, vm0, $0xb8;
	[tilespmem:$0x1E800] =	vst v63  }
.LBB2_8:
0x797: {  	_ =	sfence.sel $0x180000  }
0x798: {  	[bflag:$0x0] =	sbarrier.arrive $0xFFFF  }
0x799: {  	_ =	strace $0x90000047  }
0x79a: {  	s0 =	stileid.u32;
	[bflag:$0x2] =	sbarrier.arrive $0xFFFF  }
0x79b: {  	p0 =	sne.s32 s0, $0x0;
	s0 =	rddreg [dreg:$0x6]  }
0x79c: {  	s0 =	sadd.s32 @!p0 $0x100000, s0  }
0x79d: {  	[sflag:s0] =	ssyncadd.tile.s32 @!p0 $0x1;
	_ =	shalt  }
.Lfunc_end2:
_tile_overlayer_lowered:
.L_overlay_start_2:
0x79e: {  	(tag) =	ssettag $0x2  }
0x79f: {  	s0 =	rddreg [dreg:$0x0];
	s2 =	stileid.u32  }
0x7a0: {  	s1 =	rddreg [dreg:$0x1];
	p0 =	sne.s32 s2, $0x0  }
0x7a1: {  	s3 =	rddreg [dreg:$0x2];
	[bflag:$0x3] =	sbarrier.arrive $0xFFFF;
	s2 =	simm.s32 @!p0 $0x1C09  }
0x7a2: {  	[timem:s3], [sflag:s2] =	dma.local @!p0 [hbm:s0], s1  }
0x7a3: {  	s0 =	simm.s32 @!p0 $0x9  }
0x7a4: {  	_ =	swait.ge @!p0 [sflag:s0], s1  }
0x7a5: {  	s1 =	ssub.s32 @!p0 $0x0, s1;
	[sflag:s0] =	ssyncset.done @!p0 $0x0  }
0x7a6: {  	[sflag:s0] =	ssyncadd.s32 @!p0 s1  }
0x7a7: {  	[bflag:$0x3] =	sbarrier.arrive $0xFFFF  }
0x7a8: {  	_ =	shalt  }

</sc_bundles>
